<compile_context>
chip_gen: v7x
topology: tpu7x:2x2x1
jax: 0.10.2.dev20260603
libtpu: 0.0.44.dev20260713+nightly
codegen_flags: <defaults>
</compile_context>

<pallas_src>
import functools

import jax
import jax.numpy as jnp
from jax import lax
from jax.experimental import pallas as pl
from jax.experimental.pallas import tpu as pltpu
from jax.experimental.pallas import tpu_sc as plsc

G = 64
NSC = 2
NSUB = 16
EK = 80


def _make_sc_agg(N, E, half, edge_split=False):
    nworkers = NSC * NSUB if edge_split else NSUB
    epw = E // nworkers
    rows = (N // NSUB) // 8 * 8
    tail = N - NSUB * rows
    n_chunks = epw // EK
    mesh = plsc.VectorSubcoreMesh(core_axis_name="c", subcore_axis_name="s")

    NG = 4
    NI = 8
    scratch = (
        [pltpu.VMEM((EK,), jnp.int32) for _ in range(NI)]
        + [pltpu.VMEM((EK,), jnp.int32) for _ in range(NI)]
        + [pltpu.VMEM((EK, half), jnp.float32) for _ in range(NG)]
        + [pltpu.VMEM_SHARED((N, half), jnp.float32)]
        + [pltpu.SemaphoreType.DMA for _ in range(2 * NI + NG + 2)]
    )

    @functools.partial(
        pl.kernel,
        out_type=jax.ShapeDtypeStruct((2 * N, half), jnp.float32),
        mesh=mesh,
        scratch_types=scratch,
    )
    def sc_agg(table, srcs2, dst, zeros, out, *sc_args):
        src_v = sc_args[:NI]
        dst_v = sc_args[NI:2 * NI]
        rows_bufs = sc_args[2 * NI:2 * NI + NG]
        acc = sc_args[2 * NI + NG]
        sems = sc_args[2 * NI + NG + 1:]
        sems_s = sems[:NI]
        sems_d = sems[NI:2 * NI]
        sems_g = sems[2 * NI:2 * NI + NG]
        sems_sc = sems[2 * NI + NG:]

        c = lax.axis_index("c")
        s = lax.axis_index("s")
        if edge_split:
            sbase = (c * NSUB + s) * epw
            dbase = sbase
        else:
            sbase = c * E + s * epw
            dbase = s * epw

        def src_ref(i):
            return srcs2.at[pl.ds(sbase + i * EK, EK)]

        def dst_ref(i):
            return dst.at[pl.ds(dbase + i * EK, EK)]

        def issue_idx(j, slot):
            pltpu.async_copy(src_ref(j), src_v[slot], sems_s[slot])
            pltpu.async_copy(dst_ref(j), dst_v[slot], sems_d[slot])

        def issue_gather(j, slot, gb):
            pltpu.make_async_copy(src_ref(j), src_v[slot],
                                  sems_s[slot]).wait()
            pltpu.async_copy(table.at[src_v[slot]], rows_bufs[gb],
                             sems_g[gb])

        for j in range(6):
            issue_idx(j, j)
        pltpu.sync_copy(zeros.at[pl.ds(s * rows, rows)],
                        acc.at[pl.ds(s * rows, rows)])

        @pl.when(s == NSUB - 1)
        def _zero_tail():
            pltpu.sync_copy(zeros.at[pl.ds(NSUB * rows, tail)],
                            acc.at[pl.ds(NSUB * rows, tail)])

        issue_gather(0, 0, 0)
        issue_gather(1, 1, 1)
        issue_gather(2, 2, 2)
        plsc.subcore_barrier()

        def step(i, b, static_i=None):
            gb = b % NG
            pltpu.make_async_copy(table.at[src_v[b % NI]], rows_bufs[gb],
                                  sems_g[gb]).wait()

            def guarded(cond, fn):
                if static_i is None:
                    pl.when(cond)(fn)
                elif cond:
                    fn()

            def wait_prev_scatter():
                pltpu.make_async_copy(
                    rows_bufs[(b - 1) % NG], acc.at[dst_v[(b - 1) % NI]],
                    sems_sc[(b - 1) % 2]).wait()
            if static_i is None and b == 0:
                guarded(i >= 1, wait_prev_scatter)
            elif static_i is None or static_i >= 1:
                wait_prev_scatter()

            guarded(i + 6 < n_chunks,
                    lambda: issue_idx(i + 6, (b + 6) % NI))
            guarded(i + 3 < n_chunks,
                    lambda: issue_gather(i + 3, (b + 3) % NI, (b + 3) % NG))

            pltpu.make_async_copy(dst_ref(i), dst_v[b % NI],
                                  sems_d[b % NI]).wait()
            pltpu.async_copy(rows_bufs[gb], acc.at[dst_v[b % NI]],
                             sems_sc[b % 2], add=True)

        GRP = NI

        def group(g, carry):
            for b in range(GRP):
                step(g * GRP + b, b)
            return carry

        n_groups = n_chunks // GRP
        lax.fori_loop(0, n_groups, group, 0)
        for i in range(n_groups * GRP, n_chunks):
            step(i, i % GRP, static_i=i)
        pltpu.make_async_copy(
            rows_bufs[(n_chunks - 1) % NG],
            acc.at[dst_v[(n_chunks - 1) % NI]],
            sems_sc[(n_chunks - 1) % 2]).wait()
        plsc.subcore_barrier()
        pltpu.sync_copy(acc.at[pl.ds(s * rows, rows)],
                        out.at[pl.ds(c * N + s * rows, rows)])

        @pl.when(s == NSUB - 1)
        def _write_tail():
            pltpu.sync_copy(acc.at[pl.ds(NSUB * rows, tail)],
                            out.at[pl.ds(c * N + NSUB * rows, tail)])

    return sc_agg


def _dot3(a, b):
    ah = a.astype(jnp.bfloat16)
    al = (a - ah.astype(jnp.float32)).astype(jnp.bfloat16)
    bh = b.astype(jnp.bfloat16)
    bl = (b - bh.astype(jnp.float32)).astype(jnp.bfloat16)
    f = jnp.float32
    return (jnp.dot(ah, bh, preferred_element_type=f)
            + (jnp.dot(al, bh, preferred_element_type=f)
               + jnp.dot(ah, bl, preferred_element_type=f)))


def _dotsel(oh, m):
    ohb = oh.astype(jnp.bfloat16)
    mh = m.astype(jnp.bfloat16)
    ml = (m - mh.astype(jnp.float32)).astype(jnp.bfloat16)
    f = jnp.float32
    return (jnp.dot(ohb, mh, preferred_element_type=f)
            + jnp.dot(ohb, ml, preferred_element_type=f))


def _layer_body(h_ref, agg_ref, batch_ref, w1, b1, w2, b2, gw, gb, gm,
                out_ref, hmlp, ssum, ssq, scnt, *, R, H, final,
                agg_partial=False, head=None, psum=None, NB=None):
    p = pl.program_id(0)
    i = pl.program_id(1)

    @pl.when(jnp.logical_and(p == 0, i == 0))
    def _init():
        ssum[...] = jnp.zeros_like(ssum)
        ssq[...] = jnp.zeros_like(ssq)
        scnt[...] = jnp.zeros_like(scnt)
        if final:
            psum[...] = jnp.zeros_like(psum)

    b = batch_ref[0, 0, :]
    onehot = (b[:, None] == lax.broadcasted_iota(jnp.int32, (R, G), 1)
              ).astype(jnp.float32)

    @pl.when(p == 0)
    def _phase0():
        if agg_partial:
            hin = h_ref[...] + agg_ref[0] + agg_ref[1]
        else:
            hin = jnp.concatenate(
                [h_ref[0] + agg_ref[0], h_ref[1] + agg_ref[1]], axis=1)
        t = jnp.maximum(_dot3(hin, w1[...]) + b1[...], 0.0)
        t = _dot3(t, w2[...]) + b2[...]
        hmlp[pl.ds(i * R, R), :] = t
        dn = (((0,), (0,)), ((), ()))
        ssum[...] += lax.dot_general(onehot, t, dn,
                                     preferred_element_type=jnp.float32,
                precision=lax.Precision.DEFAULT)
        ssq[...] += lax.dot_general(onehot, t * t, dn,
                                    preferred_element_type=jnp.float32,
                precision=lax.Precision.DEFAULT)
        scnt[...] += jnp.broadcast_to(jnp.sum(onehot, axis=0)[:, None], (G, H))

    @pl.when(p == 1)
    def _phase1():
        cnt = jnp.maximum(scnt[...], 1.0)
        mean = ssum[...] / cnt
        m2 = ssq[...] / cnt
        gmv = gm[...]
        var = m2 - mean * mean * gmv * (2.0 - gmv)
        rstd = lax.rsqrt(var + 1e-5)
        mn = _dotsel(onehot, mean * gmv)
        rs = _dotsel(onehot, gw[...] * rstd)
        y = (hmlp[pl.ds(i * R, R), :] - mn) * rs + gb[...]
        y = jnp.maximum(y, 0.0)
        if not final:
            out_ref[...] = jnp.stack([y[:, :128], y[:, 128:]], axis=0)
        else:
            dn = (((0,), (0,)), ((), ()))
            psum[...] += lax.dot_general(onehot, y, dn,
                                         preferred_element_type=jnp.float32,
                precision=lax.Precision.DEFAULT)

            @pl.when(i == NB - 1)
            def _head():
                wm1, bm1, wm2, bm2 = head
                pooled = psum[...] / cnt
                z = jnp.maximum(
                    jnp.dot(pooled, wm1[...],
                            preferred_element_type=jnp.float32,
                precision=lax.Precision.HIGHEST) + bm1[...],
                    0.0)
                z = jnp.dot(z, wm2[...],
                            preferred_element_type=jnp.float32,
                precision=lax.Precision.HIGHEST) + bm2[...]
                out_ref[...] = z


def _make_tc_layer(N, fin, H, R, final, C=None, agg_partial=False):
    NB = N // R
    half = fin // 2
    agg_w = fin if agg_partial else half
    grid = (2, NB)

    def wspec(shape):
        return pl.BlockSpec(shape, lambda p, i: (0,) * len(shape))

    p0blk = lambda p, i: (0, jnp.where(p == 0, i, 0), 0)
    if agg_partial:
        h_spec = pl.BlockSpec((R, fin), lambda p, i: (jnp.where(p == 0, i, 0),
                                                      0))
    else:
        h_spec = pl.BlockSpec((2, R, half), p0blk)
    in_specs = [
        h_spec,
        pl.BlockSpec((2, R, agg_w), p0blk),
        pl.BlockSpec((1, 1, R), lambda p, i: (i, 0, 0)),
        wspec((fin, H)), wspec((1, H)), wspec((H, H)), wspec((1, H)),
        wspec((1, H)), wspec((1, H)), wspec((1, H)),
    ]
    scratch = [
        pltpu.VMEM((N, H), jnp.float32),
        pltpu.VMEM((G, H), jnp.float32),
        pltpu.VMEM((G, H), jnp.float32),
        pltpu.VMEM((G, H), jnp.float32),
    ]
    if final:
        in_specs += [wspec((H, H)), wspec((1, H)), wspec((H, C)),
                     wspec((1, C))]
        out_spec = pl.BlockSpec((G, C), lambda p, i: (0, 0))
        out_shape = jax.ShapeDtypeStruct((G, C), jnp.float32)
        scratch.append(pltpu.VMEM((G, H), jnp.float32))

        def body(h, a, bt, w1, b1, w2, b2, gw, gb, gm, wm1, bm1, wm2, bm2,
                 out_ref, hmlp, ssum, ssq, scnt, psum):
            _layer_body(h, a, bt, w1, b1, w2, b2, gw, gb, gm, out_ref,
                        hmlp, ssum, ssq, scnt, R=R, H=H, final=True,
                        agg_partial=agg_partial,
                        head=(wm1, bm1, wm2, bm2), psum=psum, NB=NB)
    else:
        out_spec = pl.BlockSpec((2, R, 128),
                                lambda p, i: (0, jnp.where(p == 0, 0, i), 0))
        out_shape = jax.ShapeDtypeStruct((2, N, 128), jnp.float32)

        def body(h, a, bt, w1, b1, w2, b2, gw, gb, gm,
                 out_ref, hmlp, ssum, ssq, scnt):
            _layer_body(h, a, bt, w1, b1, w2, b2, gw, gb, gm, out_ref,
                        hmlp, ssum, ssq, scnt, R=R, H=H, final=False,
                        agg_partial=agg_partial)

    return pl.pallas_call(
        body,
        grid=grid,
        in_specs=in_specs,
        out_specs=out_spec,
        out_shape=out_shape,
        scratch_shapes=scratch,
        compiler_params=pltpu.CompilerParams(
            dimension_semantics=("arbitrary", "arbitrary")),
    )


def kernel(x, edge_index, batch, W1_0, b1_0, W2_0, b2_0, gw_0, gb_0, gm_0,
           W1_1, b1_1, W2_1, b2_1, gw_1, gb_1, gm_1,
           W1_2, b1_2, W2_2, b2_2, gw_2, gb_2, gm_2, Wm1, bm1, Wm2, bm2):
    N, F_IN = x.shape
    E = edge_index.shape[1]
    H = W2_0.shape[0]
    C = Wm2.shape[1]
    R = 2000
    NB = N // R

    src = edge_index[0]
    dst = edge_index[1]
    srcs2 = jnp.concatenate([src, src + N])
    batch3 = batch.reshape(NB, 1, R)

    def row(v):
        return v.reshape(1, -1)

    sc0 = _make_sc_agg(N, E, F_IN, edge_split=True)
    sc128 = _make_sc_agg(N, E, H // 2)
    z128 = jnp.zeros((N, H // 2), jnp.float32)

    tc0 = _make_tc_layer(N, F_IN, H, R, final=False, agg_partial=True)
    tc1 = _make_tc_layer(N, H, H, R, final=False)
    tc2 = _make_tc_layer(N, H, H, R, final=True, C=C)

    agg0 = sc0(x, src, dst, jnp.zeros((N, F_IN), jnp.float32))
    h1 = tc0(x, agg0.reshape(2, N, F_IN), batch3,
             W1_0, row(b1_0), W2_0, row(b2_0), row(gw_0), row(gb_0),
             row(gm_0))
    agg1 = sc128(h1.reshape(2 * N, H // 2), srcs2, dst, z128)
    h2 = tc1(h1, agg1.reshape(2, N, H // 2), batch3,
             W1_1, row(b1_1), W2_1, row(b2_1), row(gw_1), row(gb_1),
             row(gm_1))
    agg2 = sc128(h2.reshape(2 * N, H // 2), srcs2, dst, z128)
    out = tc2(h2, agg2.reshape(2, N, H // 2), batch3,
              W1_2, row(b1_2), W2_2, row(b2_2), row(gw_2), row(gb_2),
              row(gm_2), Wm1, row(bm1), Wm2, row(bm2))
    return out

# --- scband reference (transcript-rebuilt; emitter-appended) ---
"""Pipeline reference for scband-gin-27848567947532 (READ-ONLY COPY).

The authoritative reference and input builder live on the scoring server;
editing this copy changes nothing except your own understanding.
"""

import jax, jax.numpy as jnp
import numpy as np

N = 10000
E = 320000
F_IN = 128
H = 256
C = 40
G = 64

def _segment_mean(data, seg, num):
    s = jax.ops.segment_sum(data, seg, num_segments=num)
    cnt = jax.ops.segment_sum(jnp.ones((data.shape[0], 1), data.dtype), seg, num_segments=num)
    return s / jnp.maximum(cnt, 1.0)

def _graph_norm(x, batch, weight, bias, mean_scale):
    mean = _segment_mean(x, batch, G)
    out = x - mean[batch] * mean_scale
    var = _segment_mean(out * out, batch, G)
    std = jnp.sqrt(var + 1e-5)[batch]
    return weight * out / std + bias

def setup_inputs(seed: int = 0):
    key = jax.random.key(seed)
    ks = jax.random.split(key, 32)
    inp = {}
    inp['x'] = jax.random.normal(ks[0], (N, F_IN), dtype=jnp.float32)
    inp['edge_index'] = jax.random.randint(ks[1], (2, E), 0, N, dtype=jnp.int32)
    inp['batch'] = jnp.sort(jax.random.randint(ks[2], (N,), 0, G, dtype=jnp.int32))
    dims = [F_IN, H, H]
    k = 3
    for i in range(3):
        d_in = dims[i]
        inp['W1_%d' % i] = jax.random.normal(ks[k], (d_in, H), dtype=jnp.float32) / np.sqrt(d_in); k += 1
        inp['b1_%d' % i] = jnp.zeros((H,), dtype=jnp.float32)
        inp['W2_%d' % i] = jax.random.normal(ks[k], (H, H), dtype=jnp.float32) / np.sqrt(H); k += 1
        inp['b2_%d' % i] = jnp.zeros((H,), dtype=jnp.float32)
        inp['gw_%d' % i] = jnp.ones((H,), dtype=jnp.float32)
        inp['gb_%d' % i] = jnp.zeros((H,), dtype=jnp.float32)
        inp['gm_%d' % i] = jnp.ones((H,), dtype=jnp.float32)
    inp['Wm1'] = jax.random.normal(ks[k], (H, H), dtype=jnp.float32) / np.sqrt(H); k += 1
    inp['bm1'] = jnp.zeros((H,), dtype=jnp.float32)
    inp['Wm2'] = jax.random.normal(ks[k], (H, C), dtype=jnp.float32) / np.sqrt(H); k += 1
    inp['bm2'] = jnp.zeros((C,), dtype=jnp.float32)
    return inp

def reference(x, edge_index, batch, W1_0, b1_0, W2_0, b2_0, gw_0, gb_0, gm_0, W1_1, b1_1, W2_1, b2_1, gw_1, gb_1, gm_1, W1_2, b1_2, W2_2, b2_2, gw_2, gb_2, gm_2, Wm1, bm1, Wm2, bm2):
    src = edge_index[0]
    dst = edge_index[1]
    layers = [(W1_0, b1_0, W2_0, b2_0, gw_0, gb_0, gm_0),
              (W1_1, b1_1, W2_1, b2_1, gw_1, gb_1, gm_1),
              (W1_2, b1_2, W2_2, b2_2, gw_2, gb_2, gm_2)]
    h = x
    for (W1, b1, W2, b2, gw, gb, gm) in layers:
        agg = jnp.zeros_like(h).at[dst].add(h[src])
        h = h + agg
        h = jnp.maximum(h @ W1 + b1, 0.0) @ W2 + b2
        h = _graph_norm(h, batch, gw, gb, gm)
        h = jnp.maximum(h, 0.0)
    pooled = _segment_mean(h, batch, G)
    out = jnp.maximum(pooled @ Wm1 + bm1, 0.0) @ Wm2 + bm2
    return out

if __name__ == "__main__":
    import jax
    _d = setup_inputs()
    print(jax.jit(kernel)(*tuple(_d.values())))

</pallas_src>

<mosaic_0001>
#map = affine_map<(d0, d1) -> (0, 0)>
#map1 = affine_map<(d0, d1) -> (0)>
module attributes {stable_mosaic.version = 14 : i64} {
  func.func @sc_agg(%arg0: i32, %arg1: i32, %arg2: memref<10000x128xf32, #tpu.memory_space<hbm>>, %arg3: memref<320000xi32, #tpu.memory_space<hbm>>, %arg4: memref<320000xi32, #tpu.memory_space<hbm>>, %arg5: memref<10000x128xf32, #tpu.memory_space<hbm>>, %arg6: memref<20000x128xf32, #tpu.memory_space<hbm>>, %arg7: memref<80xi32, #tpu.memory_space<vmem>>, %arg8: memref<80xi32, #tpu.memory_space<vmem>>, %arg9: memref<80xi32, #tpu.memory_space<vmem>>, %arg10: memref<80xi32, #tpu.memory_space<vmem>>, %arg11: memref<80xi32, #tpu.memory_space<vmem>>, %arg12: memref<80xi32, #tpu.memory_space<vmem>>, %arg13: memref<80xi32, #tpu.memory_space<vmem>>, %arg14: memref<80xi32, #tpu.memory_space<vmem>>, %arg15: memref<80xi32, #tpu.memory_space<vmem>>, %arg16: memref<80xi32, #tpu.memory_space<vmem>>, %arg17: memref<80xi32, #tpu.memory_space<vmem>>, %arg18: memref<80xi32, #tpu.memory_space<vmem>>, %arg19: memref<80xi32, #tpu.memory_space<vmem>>, %arg20: memref<80xi32, #tpu.memory_space<vmem>>, %arg21: memref<80xi32, #tpu.memory_space<vmem>>, %arg22: memref<80xi32, #tpu.memory_space<vmem>>, %arg23: memref<80x128xf32, #tpu.memory_space<vmem>>, %arg24: memref<80x128xf32, #tpu.memory_space<vmem>>, %arg25: memref<80x128xf32, #tpu.memory_space<vmem>>, %arg26: memref<80x128xf32, #tpu.memory_space<vmem>>, %arg27: memref<10000x128xf32, #tpu.memory_space<vmem_shared>>, %arg28: memref<!tpu.dma_semaphore, #tpu.memory_space<semaphore_mem>>, %arg29: memref<!tpu.dma_semaphore, #tpu.memory_space<semaphore_mem>>, %arg30: memref<!tpu.dma_semaphore, #tpu.memory_space<semaphore_mem>>, %arg31: memref<!tpu.dma_semaphore, #tpu.memory_space<semaphore_mem>>, %arg32: memref<!tpu.dma_semaphore, #tpu.memory_space<semaphore_mem>>, %arg33: memref<!tpu.dma_semaphore, #tpu.memory_space<semaphore_mem>>, %arg34: memref<!tpu.dma_semaphore, #tpu.memory_space<semaphore_mem>>, %arg35: memref<!tpu.dma_semaphore, #tpu.memory_space<semaphore_mem>>, %arg36: memref<!tpu.dma_semaphore, #tpu.memory_space<semaphore_mem>>, %arg37: memref<!tpu.dma_semaphore, #tpu.memory_space<semaphore_mem>>, %arg38: memref<!tpu.dma_semaphore, #tpu.memory_space<semaphore_mem>>, %arg39: memref<!tpu.dma_semaphore, #tpu.memory_space<semaphore_mem>>, %arg40: memref<!tpu.dma_semaphore, #tpu.memory_space<semaphore_mem>>, %arg41: memref<!tpu.dma_semaphore, #tpu.memory_space<semaphore_mem>>, %arg42: memref<!tpu.dma_semaphore, #tpu.memory_space<semaphore_mem>>, %arg43: memref<!tpu.dma_semaphore, #tpu.memory_space<semaphore_mem>>, %arg44: memref<!tpu.dma_semaphore, #tpu.memory_space<semaphore_mem>>, %arg45: memref<!tpu.dma_semaphore, #tpu.memory_space<semaphore_mem>>, %arg46: memref<!tpu.dma_semaphore, #tpu.memory_space<semaphore_mem>>, %arg47: memref<!tpu.dma_semaphore, #tpu.memory_space<semaphore_mem>>, %arg48: memref<!tpu.dma_semaphore, #tpu.memory_space<semaphore_mem>>, %arg49: memref<!tpu.dma_semaphore, #tpu.memory_space<semaphore_mem>>) attributes {dimension_semantics = [#tpu.dimension_semantics<core_parallel>, #tpu.dimension_semantics<subcore_parallel>], iteration_bounds = array<i64: 2, 16>, scalar_prefetch = 0 : i64, scratch_operands = 43 : i64, tpu.core_type = #tpu.core_type<sc_vector_subcore>, window_params = [{transform_indices = #map}, {transform_indices = #map1}, {transform_indices = #map1}, {transform_indices = #map}, {transform_indices = #map}]} {
    %mul3A = arith.constant 16 : i32
    %mul3A_0 = arith.muli %arg0, %mul3A : i32
    %add3A = arith.addi %mul3A_0, %arg1 : i32
    %mul3A_1 = arith.constant 10000 : i32
    %mul3A_2 = arith.muli %add3A, %mul3A_1 : i32
    %add3A_3 = arith.constant 0 : i32
    %add3A_4 = arith.addi %mul3A_2, %add3A_3 : i32
    %dma_start3A = tpu.memref_slice %arg3[%add3A_4] : memref<320000xi32, #tpu.memory_space<hbm>> -> memref<80xi32, #tpu.memory_space<hbm>>
    %dma_start3A_5 = tpu.memref_slice %arg3[%add3A_4] : memref<320000xi32, #tpu.memory_space<hbm>> -> memref<80xi32, #tpu.memory_space<hbm>>
    tpu.enqueue_dma source(%dma_start3A_5 : memref<80xi32, #tpu.memory_space<hbm>>) target(%arg7 : memref<80xi32, #tpu.memory_space<vmem>>) target_semaphore(%arg28 : memref<!tpu.dma_semaphore, #tpu.memory_space<semaphore_mem>>)
    %add3A_6 = arith.constant 0 : i32
    %add3A_7 = arith.addi %mul3A_2, %add3A_6 : i32
    %dma_start3A_8 = tpu.memref_slice %arg4[%add3A_7] : memref<320000xi32, #tpu.memory_space<hbm>> -> memref<80xi32, #tpu.memory_space<hbm>>
    %dma_start3A_9 = tpu.memref_slice %arg4[%add3A_7] : memref<320000xi32, #tpu.memory_space<hbm>> -> memref<80xi32, #tpu.memory_space<hbm>>
    tpu.enqueue_dma source(%dma_start3A_9 : memref<80xi32, #tpu.memory_space<hbm>>) target(%arg15 : memref<80xi32, #tpu.memory_space<vmem>>) target_semaphore(%arg36 : memref<!tpu.dma_semaphore, #tpu.memory_space<semaphore_mem>>)
    %add3A_10 = arith.constant 80 : i32
    %add3A_11 = arith.addi %mul3A_2, %add3A_10 : i32
    %dma_start3A_12 = tpu.memref_slice %arg3[%add3A_11] : memref<320000xi32, #tpu.memory_space<hbm>> -> memref<80xi32, #tpu.memory_space<hbm>>
    %dma_start3A_13 = tpu.memref_slice %arg3[%add3A_11] : memref<320000xi32, #tpu.memory_space<hbm>> -> memref<80xi32, #tpu.memory_space<hbm>>
    tpu.enqueue_dma source(%dma_start3A_13 : memref<80xi32, #tpu.memory_space<hbm>>) target(%arg8 : memref<80xi32, #tpu.memory_space<vmem>>) target_semaphore(%arg29 : memref<!tpu.dma_semaphore, #tpu.memory_space<semaphore_mem>>)
    %add3A_14 = arith.constant 80 : i32
    %add3A_15 = arith.addi %mul3A_2, %add3A_14 : i32
    %dma_start3A_16 = tpu.memref_slice %arg4[%add3A_15] : memref<320000xi32, #tpu.memory_space<hbm>> -> memref<80xi32, #tpu.memory_space<hbm>>
    %dma_start3A_17 = tpu.memref_slice %arg4[%add3A_15] : memref<320000xi32, #tpu.memory_space<hbm>> -> memref<80xi32, #tpu.memory_space<hbm>>
    tpu.enqueue_dma source(%dma_start3A_17 : memref<80xi32, #tpu.memory_space<hbm>>) target(%arg16 : memref<80xi32, #tpu.memory_space<vmem>>) target_semaphore(%arg37 : memref<!tpu.dma_semaphore, #tpu.memory_space<semaphore_mem>>)
    %add3A_18 = arith.constant 160 : i32
    %add3A_19 = arith.addi %mul3A_2, %add3A_18 : i32
    %dma_start3A_20 = tpu.memref_slice %arg3[%add3A_19] : memref<320000xi32, #tpu.memory_space<hbm>> -> memref<80xi32, #tpu.memory_space<hbm>>
    %dma_start3A_21 = tpu.memref_slice %arg3[%add3A_19] : memref<320000xi32, #tpu.memory_space<hbm>> -> memref<80xi32, #tpu.memory_space<hbm>>
    tpu.enqueue_dma source(%dma_start3A_21 : memref<80xi32, #tpu.memory_space<hbm>>) target(%arg9 : memref<80xi32, #tpu.memory_space<vmem>>) target_semaphore(%arg30 : memref<!tpu.dma_semaphore, #tpu.memory_space<semaphore_mem>>)
    %add3A_22 = arith.constant 160 : i32
    %add3A_23 = arith.addi %mul3A_2, %add3A_22 : i32
    %dma_start3A_24 = tpu.memref_slice %arg4[%add3A_23] : memref<320000xi32, #tpu.memory_space<hbm>> -> memref<80xi32, #tpu.memory_space<hbm>>
    %dma_start3A_25 = tpu.memref_slice %arg4[%add3A_23] : memref<320000xi32, #tpu.memory_space<hbm>> -> memref<80xi32, #tpu.memory_space<hbm>>
    tpu.enqueue_dma source(%dma_start3A_25 : memref<80xi32, #tpu.memory_space<hbm>>) target(%arg17 : memref<80xi32, #tpu.memory_space<vmem>>) target_semaphore(%arg38 : memref<!tpu.dma_semaphore, #tpu.memory_space<semaphore_mem>>)
    %add3A_26 = arith.constant 240 : i32
    %add3A_27 = arith.addi %mul3A_2, %add3A_26 : i32
    %dma_start3A_28 = tpu.memref_slice %arg3[%add3A_27] : memref<320000xi32, #tpu.memory_space<hbm>> -> memref<80xi32, #tpu.memory_space<hbm>>
    %dma_start3A_29 = tpu.memref_slice %arg3[%add3A_27] : memref<320000xi32, #tpu.memory_space<hbm>> -> memref<80xi32, #tpu.memory_space<hbm>>
    tpu.enqueue_dma source(%dma_start3A_29 : memref<80xi32, #tpu.memory_space<hbm>>) target(%arg10 : memref<80xi32, #tpu.memory_space<vmem>>) target_semaphore(%arg31 : memref<!tpu.dma_semaphore, #tpu.memory_space<semaphore_mem>>)
    %add3A_30 = arith.constant 240 : i32
    %add3A_31 = arith.addi %mul3A_2, %add3A_30 : i32
    %dma_start3A_32 = tpu.memref_slice %arg4[%add3A_31] : memref<320000xi32, #tpu.memory_space<hbm>> -> memref<80xi32, #tpu.memory_space<hbm>>
    %dma_start3A_33 = tpu.memref_slice %arg4[%add3A_31] : memref<320000xi32, #tpu.memory_space<hbm>> -> memref<80xi32, #tpu.memory_space<hbm>>
    tpu.enqueue_dma source(%dma_start3A_33 : memref<80xi32, #tpu.memory_space<hbm>>) target(%arg18 : memref<80xi32, #tpu.memory_space<vmem>>) target_semaphore(%arg39 : memref<!tpu.dma_semaphore, #tpu.memory_space<semaphore_mem>>)
    %add3A_34 = arith.constant 320 : i32
    %add3A_35 = arith.addi %mul3A_2, %add3A_34 : i32
    %dma_start3A_36 = tpu.memref_slice %arg3[%add3A_35] : memref<320000xi32, #tpu.memory_space<hbm>> -> memref<80xi32, #tpu.memory_space<hbm>>
    %dma_start3A_37 = tpu.memref_slice %arg3[%add3A_35] : memref<320000xi32, #tpu.memory_space<hbm>> -> memref<80xi32, #tpu.memory_space<hbm>>
    tpu.enqueue_dma source(%dma_start3A_37 : memref<80xi32, #tpu.memory_space<hbm>>) target(%arg11 : memref<80xi32, #tpu.memory_space<vmem>>) target_semaphore(%arg32 : memref<!tpu.dma_semaphore, #tpu.memory_space<semaphore_mem>>)
    %add3A_38 = arith.constant 320 : i32
    %add3A_39 = arith.addi %mul3A_2, %add3A_38 : i32
    %dma_start3A_40 = tpu.memref_slice %arg4[%add3A_39] : memref<320000xi32, #tpu.memory_space<hbm>> -> memref<80xi32, #tpu.memory_space<hbm>>
    %dma_start3A_41 = tpu.memref_slice %arg4[%add3A_39] : memref<320000xi32, #tpu.memory_space<hbm>> -> memref<80xi32, #tpu.memory_space<hbm>>
    tpu.enqueue_dma source(%dma_start3A_41 : memref<80xi32, #tpu.memory_space<hbm>>) target(%arg19 : memref<80xi32, #tpu.memory_space<vmem>>) target_semaphore(%arg40 : memref<!tpu.dma_semaphore, #tpu.memory_space<semaphore_mem>>)
    %add3A_42 = arith.constant 400 : i32
    %add3A_43 = arith.addi %mul3A_2, %add3A_42 : i32
    %dma_start3A_44 = tpu.memref_slice %arg3[%add3A_43] : memref<320000xi32, #tpu.memory_space<hbm>> -> memref<80xi32, #tpu.memory_space<hbm>>
    %dma_start3A_45 = tpu.memref_slice %arg3[%add3A_43] : memref<320000xi32, #tpu.memory_space<hbm>> -> memref<80xi32, #tpu.memory_space<hbm>>
    tpu.enqueue_dma source(%dma_start3A_45 : memref<80xi32, #tpu.memory_space<hbm>>) target(%arg12 : memref<80xi32, #tpu.memory_space<vmem>>) target_semaphore(%arg33 : memref<!tpu.dma_semaphore, #tpu.memory_space<semaphore_mem>>)
    %add3A_46 = arith.constant 400 : i32
    %add3A_47 = arith.addi %mul3A_2, %add3A_46 : i32
    %dma_start3A_48 = tpu.memref_slice %arg4[%add3A_47] : memref<320000xi32, #tpu.memory_space<hbm>> -> memref<80xi32, #tpu.memory_space<hbm>>
    %dma_start3A_49 = tpu.memref_slice %arg4[%add3A_47] : memref<320000xi32, #tpu.memory_space<hbm>> -> memref<80xi32, #tpu.memory_space<hbm>>
    tpu.enqueue_dma source(%dma_start3A_49 : memref<80xi32, #tpu.memory_space<hbm>>) target(%arg20 : memref<80xi32, #tpu.memory_space<vmem>>) target_semaphore(%arg41 : memref<!tpu.dma_semaphore, #tpu.memory_space<semaphore_mem>>)
    %mul3A_50 = arith.constant 624 : i32
    %mul3A_51 = arith.muli %arg1, %mul3A_50 : i32
    %mul3A_52 = arith.constant 624 : i32
    %mul3A_53 = arith.muli %arg1, %mul3A_52 : i32
    "tpu.region"() ({
      %run_scoped3A = tpu.sem_alloc : memref<!tpu.dma_semaphore, #tpu.memory_space<semaphore_mem>>
      %dma_start3A_176 = arith.constant 0 : i32
      %dma_start3A_177 = tpu.memref_slice %arg27[%mul3A_53, %dma_start3A_176] : memref<10000x128xf32, #tpu.memory_space<vmem_shared>> -> memref<624x128xf32, #tpu.memory_space<vmem_shared>>
      %dma_start3A_178 = arith.constant 0 : i32
      %dma_start3A_179 = tpu.memref_slice %arg5[%mul3A_51, %dma_start3A_178] : memref<10000x128xf32, #tpu.memory_space<hbm>> -> memref<624x128xf32, #tpu.memory_space<hbm>>
      tpu.enqueue_dma source(%dma_start3A_179 : memref<624x128xf32, #tpu.memory_space<hbm>>) target(%dma_start3A_177 : memref<624x128xf32, #tpu.memory_space<vmem_shared>>) target_semaphore(%run_scoped3A : memref<!tpu.dma_semaphore, #tpu.memory_space<semaphore_mem>>)
      %dma_wait3A_180 = arith.constant 0 : i32
      %dma_wait3A_181 = tpu.memref_slice %arg27[%mul3A_53, %dma_wait3A_180] : memref<10000x128xf32, #tpu.memory_space<vmem_shared>> -> memref<624x128xf32, #tpu.memory_space<vmem_shared>>
      %dma_wait3A_182 = arith.constant 0 : i32
      %dma_wait3A_183 = tpu.memref_slice %arg5[%mul3A_51, %dma_wait3A_182] : memref<10000x128xf32, #tpu.memory_space<hbm>> -> memref<624x128xf32, #tpu.memory_space<hbm>>
      tpu.wait_dma2 semaphore(%run_scoped3A : memref<!tpu.dma_semaphore, #tpu.memory_space<semaphore_mem>>) src(%dma_wait3A_183 : memref<624x128xf32, #tpu.memory_space<hbm>>) dst(%dma_wait3A_181 : memref<624x128xf32, #tpu.memory_space<vmem_shared>>)
      tpu.yield
    }) : () -> ()
    %eq3A = arith.constant 15 : i32
    %eq3A_54 = arith.cmpi eq, %arg1, %eq3A : i32
    %convert_element_type3A = arith.extui %eq3A_54 : i1 to i32
    %cond3A = arith.constant 0 : i32
    %cond3A_55 = arith.cmpi ne, %convert_element_type3A, %cond3A : i32
    scf.if %cond3A_55 {
      "tpu.region"() ({
        %run_scoped3A = tpu.sem_alloc : memref<!tpu.dma_semaphore, #tpu.memory_space<semaphore_mem>>
        %dma_start3A_176 = arith.constant 9984 : i32
        %dma_start3A_177 = arith.constant 0 : i32
        %dma_start3A_178 = tpu.memref_slice %arg27[%dma_start3A_176, %dma_start3A_177] : memref<10000x128xf32, #tpu.memory_space<vmem_shared>> -> memref<16x128xf32, #tpu.memory_space<vmem_shared>>
        %dma_start3A_179 = arith.constant 9984 : i32
        %dma_start3A_180 = arith.constant 0 : i32
        %dma_start3A_181 = tpu.memref_slice %arg5[%dma_start3A_179, %dma_start3A_180] : memref<10000x128xf32, #tpu.memory_space<hbm>> -> memref<16x128xf32, #tpu.memory_space<hbm>>
        tpu.enqueue_dma source(%dma_start3A_181 : memref<16x128xf32, #tpu.memory_space<hbm>>) target(%dma_start3A_178 : memref<16x128xf32, #tpu.memory_space<vmem_shared>>) target_semaphore(%run_scoped3A : memref<!tpu.dma_semaphore, #tpu.memory_space<semaphore_mem>>)
        %dma_wait3A_182 = arith.constant 9984 : i32
        %dma_wait3A_183 = arith.constant 0 : i32
        %dma_wait3A_184 = tpu.memref_slice %arg27[%dma_wait3A_182, %dma_wait3A_183] : memref<10000x128xf32, #tpu.memory_space<vmem_shared>> -> memref<16x128xf32, #tpu.memory_space<vmem_shared>>
        %dma_wait3A_185 = arith.constant 9984 : i32
        %dma_wait3A_186 = arith.constant 0 : i32
        %dma_wait3A_187 = tpu.memref_slice %arg5[%dma_wait3A_185, %dma_wait3A_186] : memref<10000x128xf32, #tpu.memory_space<hbm>> -> memref<16x128xf32, #tpu.memory_space<hbm>>
        tpu.wait_dma2 semaphore(%run_scoped3A : memref<!tpu.dma_semaphore, #tpu.memory_space<semaphore_mem>>) src(%dma_wait3A_187 : memref<16x128xf32, #tpu.memory_space<hbm>>) dst(%dma_wait3A_184 : memref<16x128xf32, #tpu.memory_space<vmem_shared>>)
        tpu.yield
      }) : () -> ()
    } else {
    }
    %add3A_56 = arith.constant 0 : i32
    %add3A_57 = arith.addi %mul3A_2, %add3A_56 : i32
    %dma_wait3A = tpu.memref_slice %arg3[%add3A_57] : memref<320000xi32, #tpu.memory_space<hbm>> -> memref<80xi32, #tpu.memory_space<hbm>>
    %dma_wait3A_58 = tpu.memref_slice %arg3[%add3A_57] : memref<320000xi32, #tpu.memory_space<hbm>> -> memref<80xi32, #tpu.memory_space<hbm>>
    tpu.wait_dma2 semaphore(%arg28 : memref<!tpu.dma_semaphore, #tpu.memory_space<semaphore_mem>>) src(%dma_wait3A_58 : memref<80xi32, #tpu.memory_space<hbm>>) dst(%arg7 : memref<80xi32, #tpu.memory_space<vmem>>)
    %dma_start3A_59 = arith.constant 0 : i32
    %dma_start3A_60 = arith.constant 0 : i32
    %dma_start3A_61 = tpu.memref_slice %arg2[%dma_start3A_59, %dma_start3A_60] : memref<10000x128xf32, #tpu.memory_space<hbm>> -> memref<10000x128xf32, #tpu.memory_space<hbm>>
    tpu.enqueue_indirect_dma source(%dma_start3A_61 : memref<10000x128xf32, #tpu.memory_space<hbm>>) target(%arg23 : memref<80x128xf32, #tpu.memory_space<vmem>>) offsets(%arg7 : memref<80xi32, #tpu.memory_space<vmem>>) semaphore(%arg44 : memref<!tpu.dma_semaphore, #tpu.memory_space<semaphore_mem>>)
    %add3A_62 = arith.constant 80 : i32
    %add3A_63 = arith.addi %mul3A_2, %add3A_62 : i32
    %dma_wait3A_64 = tpu.memref_slice %arg3[%add3A_63] : memref<320000xi32, #tpu.memory_space<hbm>> -> memref<80xi32, #tpu.memory_space<hbm>>
    %dma_wait3A_65 = tpu.memref_slice %arg3[%add3A_63] : memref<320000xi32, #tpu.memory_space<hbm>> -> memref<80xi32, #tpu.memory_space<hbm>>
    tpu.wait_dma2 semaphore(%arg29 : memref<!tpu.dma_semaphore, #tpu.memory_space<semaphore_mem>>) src(%dma_wait3A_65 : memref<80xi32, #tpu.memory_space<hbm>>) dst(%arg8 : memref<80xi32, #tpu.memory_space<vmem>>)
    %dma_start3A_66 = arith.constant 0 : i32
    %dma_start3A_67 = arith.constant 0 : i32
    %dma_start3A_68 = tpu.memref_slice %arg2[%dma_start3A_66, %dma_start3A_67] : memref<10000x128xf32, #tpu.memory_space<hbm>> -> memref<10000x128xf32, #tpu.memory_space<hbm>>
    tpu.enqueue_indirect_dma source(%dma_start3A_68 : memref<10000x128xf32, #tpu.memory_space<hbm>>) target(%arg24 : memref<80x128xf32, #tpu.memory_space<vmem>>) offsets(%arg8 : memref<80xi32, #tpu.memory_space<vmem>>) semaphore(%arg45 : memref<!tpu.dma_semaphore, #tpu.memory_space<semaphore_mem>>)
    %add3A_69 = arith.constant 160 : i32
    %add3A_70 = arith.addi %mul3A_2, %add3A_69 : i32
    %dma_wait3A_71 = tpu.memref_slice %arg3[%add3A_70] : memref<320000xi32, #tpu.memory_space<hbm>> -> memref<80xi32, #tpu.memory_space<hbm>>
    %dma_wait3A_72 = tpu.memref_slice %arg3[%add3A_70] : memref<320000xi32, #tpu.memory_space<hbm>> -> memref<80xi32, #tpu.memory_space<hbm>>
    tpu.wait_dma2 semaphore(%arg30 : memref<!tpu.dma_semaphore, #tpu.memory_space<semaphore_mem>>) src(%dma_wait3A_72 : memref<80xi32, #tpu.memory_space<hbm>>) dst(%arg9 : memref<80xi32, #tpu.memory_space<vmem>>)
    %dma_start3A_73 = arith.constant 0 : i32
    %dma_start3A_74 = arith.constant 0 : i32
    %dma_start3A_75 = tpu.memref_slice %arg2[%dma_start3A_73, %dma_start3A_74] : memref<10000x128xf32, #tpu.memory_space<hbm>> -> memref<10000x128xf32, #tpu.memory_space<hbm>>
    tpu.enqueue_indirect_dma source(%dma_start3A_75 : memref<10000x128xf32, #tpu.memory_space<hbm>>) target(%arg25 : memref<80x128xf32, #tpu.memory_space<vmem>>) offsets(%arg9 : memref<80xi32, #tpu.memory_space<vmem>>) semaphore(%arg46 : memref<!tpu.dma_semaphore, #tpu.memory_space<semaphore_mem>>)
    %barrier3A = arith.constant 0 : index
    tpu.barrier barrier_id(%barrier3A)
    %scan3A = arith.constant 0 : i32
    %scan3A_76 = arith.constant 0 : i32
    %scan3A_77 = arith.constant 15 : i32
    %scan3A_78 = arith.addi %scan3A_76, %scan3A_77 : i32
    %scan3A_79 = arith.constant 1 : i32
    scf.for %scan3A_176 = %scan3A_76 to %scan3A_78 step %scan3A_79  : i32 {
      %mul3A_177 = arith.constant 8 : i32
      %mul3A_178 = arith.muli %scan3A_176, %mul3A_177 : i32
      %add3A_179 = arith.constant 0 : i32
      %add3A_180 = arith.addi %mul3A_178, %add3A_179 : i32
      %dma_wait3A_181 = arith.constant 0 : i32
      %dma_wait3A_182 = arith.constant 0 : i32
      %dma_wait3A_183 = tpu.memref_slice %arg2[%dma_wait3A_181, %dma_wait3A_182] : memref<10000x128xf32, #tpu.memory_space<hbm>> -> memref<10000x128xf32, #tpu.memory_space<hbm>>
      tpu.wait_indirect_dma semaphore(%arg44 : memref<!tpu.dma_semaphore, #tpu.memory_space<semaphore_mem>>) src(%dma_wait3A_183 : memref<10000x128xf32, #tpu.memory_space<hbm>>) dst(%arg23 : memref<80x128xf32, #tpu.memory_space<vmem>>)
      %ge3A = arith.constant 1 : i32
      %ge3A_184 = arith.cmpi sge, %add3A_180, %ge3A : i32
      %convert_element_type3A_185 = arith.extui %ge3A_184 : i1 to i32
      %cond3A_186 = arith.constant 0 : i32
      %cond3A_187 = arith.cmpi ne, %convert_element_type3A_185, %cond3A_186 : i32
      scf.if %cond3A_187 {
        %dma_wait3A_433 = arith.constant 0 : i32
        %dma_wait3A_434 = arith.constant 0 : i32
        %dma_wait3A_435 = tpu.memref_slice %arg27[%dma_wait3A_433, %dma_wait3A_434] : memref<10000x128xf32, #tpu.memory_space<vmem_shared>> -> memref<10000x128xf32, #tpu.memory_space<vmem_shared>>
        tpu.wait_indirect_dma semaphore(%arg49 : memref<!tpu.dma_semaphore, #tpu.memory_space<semaphore_mem>>) src(%arg26 : memref<80x128xf32, #tpu.memory_space<vmem>>) dst(%dma_wait3A_435 : memref<10000x128xf32, #tpu.memory_space<vmem_shared>>)
      } else {
      }
      %add3A_188 = arith.constant 6 : i32
      %add3A_189 = arith.addi %add3A_180, %add3A_188 : i32
      %lt3A = arith.constant 125 : i32
      %lt3A_190 = arith.cmpi slt, %add3A_189, %lt3A : i32
      %convert_element_type3A_191 = arith.extui %lt3A_190 : i1 to i32
      %cond3A_192 = arith.constant 0 : i32
      %cond3A_193 = arith.cmpi ne, %convert_element_type3A_191, %cond3A_192 : i32
      scf.if %cond3A_193 {
        %add3A_433 = arith.constant 6 : i32
        %add3A_434 = arith.addi %add3A_180, %add3A_433 : i32
        %mul3A_435 = arith.constant 80 : i32
        %mul3A_436 = arith.muli %add3A_434, %mul3A_435 : i32
        %add3A_437 = arith.addi %mul3A_2, %mul3A_436 : i32
        %dma_start3A_438 = tpu.memref_slice %arg3[%add3A_437] : memref<320000xi32, #tpu.memory_space<hbm>> -> memref<80xi32, #tpu.memory_space<hbm>>
        %dma_start3A_439 = tpu.memref_slice %arg3[%add3A_437] : memref<320000xi32, #tpu.memory_space<hbm>> -> memref<80xi32, #tpu.memory_space<hbm>>
        tpu.enqueue_dma source(%dma_start3A_439 : memref<80xi32, #tpu.memory_space<hbm>>) target(%arg13 : memref<80xi32, #tpu.memory_space<vmem>>) target_semaphore(%arg34 : memref<!tpu.dma_semaphore, #tpu.memory_space<semaphore_mem>>)
        %mul3A_440 = arith.constant 80 : i32
        %mul3A_441 = arith.muli %add3A_434, %mul3A_440 : i32
        %add3A_442 = arith.addi %mul3A_2, %mul3A_441 : i32
        %dma_start3A_443 = tpu.memref_slice %arg4[%add3A_442] : memref<320000xi32, #tpu.memory_space<hbm>> -> memref<80xi32, #tpu.memory_space<hbm>>
        %dma_start3A_444 = tpu.memref_slice %arg4[%add3A_442] : memref<320000xi32, #tpu.memory_space<hbm>> -> memref<80xi32, #tpu.memory_space<hbm>>
        tpu.enqueue_dma source(%dma_start3A_444 : memref<80xi32, #tpu.memory_space<hbm>>) target(%arg21 : memref<80xi32, #tpu.memory_space<vmem>>) target_semaphore(%arg42 : memref<!tpu.dma_semaphore, #tpu.memory_space<semaphore_mem>>)
      } else {
      }
      %add3A_194 = arith.constant 3 : i32
      %add3A_195 = arith.addi %add3A_180, %add3A_194 : i32
      %lt3A_196 = arith.constant 125 : i32
      %lt3A_197 = arith.cmpi slt, %add3A_195, %lt3A_196 : i32
      %convert_element_type3A_198 = arith.extui %lt3A_197 : i1 to i32
      %cond3A_199 = arith.constant 0 : i32
      %cond3A_200 = arith.cmpi ne, %convert_element_type3A_198, %cond3A_199 : i32
      scf.if %cond3A_200 {
        %add3A_433 = arith.constant 3 : i32
        %add3A_434 = arith.addi %add3A_180, %add3A_433 : i32
        %mul3A_435 = arith.constant 80 : i32
        %mul3A_436 = arith.muli %add3A_434, %mul3A_435 : i32
        %add3A_437 = arith.addi %mul3A_2, %mul3A_436 : i32
        %dma_wait3A_438 = tpu.memref_slice %arg3[%add3A_437] : memref<320000xi32, #tpu.memory_space<hbm>> -> memref<80xi32, #tpu.memory_space<hbm>>
        %dma_wait3A_439 = tpu.memref_slice %arg3[%add3A_437] : memref<320000xi32, #tpu.memory_space<hbm>> -> memref<80xi32, #tpu.memory_space<hbm>>
        tpu.wait_dma2 semaphore(%arg31 : memref<!tpu.dma_semaphore, #tpu.memory_space<semaphore_mem>>) src(%dma_wait3A_439 : memref<80xi32, #tpu.memory_space<hbm>>) dst(%arg10 : memref<80xi32, #tpu.memory_space<vmem>>)
        %dma_start3A_440 = arith.constant 0 : i32
        %dma_start3A_441 = arith.constant 0 : i32
        %dma_start3A_442 = tpu.memref_slice %arg2[%dma_start3A_440, %dma_start3A_441] : memref<10000x128xf32, #tpu.memory_space<hbm>> -> memref<10000x128xf32, #tpu.memory_space<hbm>>
        tpu.enqueue_indirect_dma source(%dma_start3A_442 : memref<10000x128xf32, #tpu.memory_space<hbm>>) target(%arg26 : memref<80x128xf32, #tpu.memory_space<vmem>>) offsets(%arg10 : memref<80xi32, #tpu.memory_space<vmem>>) semaphore(%arg47 : memref<!tpu.dma_semaphore, #tpu.memory_space<semaphore_mem>>)
      } else {
      }
      %mul3A_201 = arith.constant 80 : i32
      %mul3A_202 = arith.muli %add3A_180, %mul3A_201 : i32
      %add3A_203 = arith.addi %mul3A_2, %mul3A_202 : i32
      %dma_wait3A_204 = tpu.memref_slice %arg4[%add3A_203] : memref<320000xi32, #tpu.memory_space<hbm>> -> memref<80xi32, #tpu.memory_space<hbm>>
      %dma_wait3A_205 = tpu.memref_slice %arg4[%add3A_203] : memref<320000xi32, #tpu.memory_space<hbm>> -> memref<80xi32, #tpu.memory_space<hbm>>
      tpu.wait_dma2 semaphore(%arg36 : memref<!tpu.dma_semaphore, #tpu.memory_space<semaphore_mem>>) src(%dma_wait3A_205 : memref<80xi32, #tpu.memory_space<hbm>>) dst(%arg15 : memref<80xi32, #tpu.memory_space<vmem>>)
      %dma_start3A_206 = arith.constant 0 : i32
      %dma_start3A_207 = arith.constant 0 : i32
      %dma_start3A_208 = tpu.memref_slice %arg27[%dma_start3A_206, %dma_start3A_207] : memref<10000x128xf32, #tpu.memory_space<vmem_shared>> -> memref<10000x128xf32, #tpu.memory_space<vmem_shared>>
      tpu.enqueue_indirect_dma source(%arg23 : memref<80x128xf32, #tpu.memory_space<vmem>>) target(%dma_start3A_208 : memref<10000x128xf32, #tpu.memory_space<vmem_shared>>) offsets(%arg15 : memref<80xi32, #tpu.memory_space<vmem>>) semaphore(%arg48 : memref<!tpu.dma_semaphore, #tpu.memory_space<semaphore_mem>>) {add = true}
      %mul3A_209 = arith.constant 8 : i32
      %mul3A_210 = arith.muli %scan3A_176, %mul3A_209 : i32
      %add3A_211 = arith.constant 1 : i32
      %add3A_212 = arith.addi %mul3A_210, %add3A_211 : i32
      %dma_wait3A_213 = arith.constant 0 : i32
      %dma_wait3A_214 = arith.constant 0 : i32
      %dma_wait3A_215 = tpu.memref_slice %arg2[%dma_wait3A_213, %dma_wait3A_214] : memref<10000x128xf32, #tpu.memory_space<hbm>> -> memref<10000x128xf32, #tpu.memory_space<hbm>>
      tpu.wait_indirect_dma semaphore(%arg45 : memref<!tpu.dma_semaphore, #tpu.memory_space<semaphore_mem>>) src(%dma_wait3A_215 : memref<10000x128xf32, #tpu.memory_space<hbm>>) dst(%arg24 : memref<80x128xf32, #tpu.memory_space<vmem>>)
      %dma_wait3A_216 = arith.constant 0 : i32
      %dma_wait3A_217 = arith.constant 0 : i32
      %dma_wait3A_218 = tpu.memref_slice %arg27[%dma_wait3A_216, %dma_wait3A_217] : memref<10000x128xf32, #tpu.memory_space<vmem_shared>> -> memref<10000x128xf32, #tpu.memory_space<vmem_shared>>
      tpu.wait_indirect_dma semaphore(%arg48 : memref<!tpu.dma_semaphore, #tpu.memory_space<semaphore_mem>>) src(%arg23 : memref<80x128xf32, #tpu.memory_space<vmem>>) dst(%dma_wait3A_218 : memref<10000x128xf32, #tpu.memory_space<vmem_shared>>)
      %add3A_219 = arith.constant 6 : i32
      %add3A_220 = arith.addi %add3A_212, %add3A_219 : i32
      %lt3A_221 = arith.constant 125 : i32
      %lt3A_222 = arith.cmpi slt, %add3A_220, %lt3A_221 : i32
      %convert_element_type3A_223 = arith.extui %lt3A_222 : i1 to i32
      %cond3A_224 = arith.constant 0 : i32
      %cond3A_225 = arith.cmpi ne, %convert_element_type3A_223, %cond3A_224 : i32
      scf.if %cond3A_225 {
        %add3A_433 = arith.constant 6 : i32
        %add3A_434 = arith.addi %add3A_212, %add3A_433 : i32
        %mul3A_435 = arith.constant 80 : i32
        %mul3A_436 = arith.muli %add3A_434, %mul3A_435 : i32
        %add3A_437 = arith.addi %mul3A_2, %mul3A_436 : i32
        %dma_start3A_438 = tpu.memref_slice %arg3[%add3A_437] : memref<320000xi32, #tpu.memory_space<hbm>> -> memref<80xi32, #tpu.memory_space<hbm>>
        %dma_start3A_439 = tpu.memref_slice %arg3[%add3A_437] : memref<320000xi32, #tpu.memory_space<hbm>> -> memref<80xi32, #tpu.memory_space<hbm>>
        tpu.enqueue_dma source(%dma_start3A_439 : memref<80xi32, #tpu.memory_space<hbm>>) target(%arg14 : memref<80xi32, #tpu.memory_space<vmem>>) target_semaphore(%arg35 : memref<!tpu.dma_semaphore, #tpu.memory_space<semaphore_mem>>)
        %mul3A_440 = arith.constant 80 : i32
        %mul3A_441 = arith.muli %add3A_434, %mul3A_440 : i32
        %add3A_442 = arith.addi %mul3A_2, %mul3A_441 : i32
        %dma_start3A_443 = tpu.memref_slice %arg4[%add3A_442] : memref<320000xi32, #tpu.memory_space<hbm>> -> memref<80xi32, #tpu.memory_space<hbm>>
        %dma_start3A_444 = tpu.memref_slice %arg4[%add3A_442] : memref<320000xi32, #tpu.memory_space<hbm>> -> memref<80xi32, #tpu.memory_space<hbm>>
        tpu.enqueue_dma source(%dma_start3A_444 : memref<80xi32, #tpu.memory_space<hbm>>) target(%arg22 : memref<80xi32, #tpu.memory_space<vmem>>) target_semaphore(%arg43 : memref<!tpu.dma_semaphore, #tpu.memory_space<semaphore_mem>>)
      } else {
      }
      %add3A_226 = arith.constant 3 : i32
      %add3A_227 = arith.addi %add3A_212, %add3A_226 : i32
      %lt3A_228 = arith.constant 125 : i32
      %lt3A_229 = arith.cmpi slt, %add3A_227, %lt3A_228 : i32
      %convert_element_type3A_230 = arith.extui %lt3A_229 : i1 to i32
      %cond3A_231 = arith.constant 0 : i32
      %cond3A_232 = arith.cmpi ne, %convert_element_type3A_230, %cond3A_231 : i32
      scf.if %cond3A_232 {
        %add3A_433 = arith.constant 3 : i32
        %add3A_434 = arith.addi %add3A_212, %add3A_433 : i32
        %mul3A_435 = arith.constant 80 : i32
        %mul3A_436 = arith.muli %add3A_434, %mul3A_435 : i32
        %add3A_437 = arith.addi %mul3A_2, %mul3A_436 : i32
        %dma_wait3A_438 = tpu.memref_slice %arg3[%add3A_437] : memref<320000xi32, #tpu.memory_space<hbm>> -> memref<80xi32, #tpu.memory_space<hbm>>
        %dma_wait3A_439 = tpu.memref_slice %arg3[%add3A_437] : memref<320000xi32, #tpu.memory_space<hbm>> -> memref<80xi32, #tpu.memory_space<hbm>>
        tpu.wait_dma2 semaphore(%arg32 : memref<!tpu.dma_semaphore, #tpu.memory_space<semaphore_mem>>) src(%dma_wait3A_439 : memref<80xi32, #tpu.memory_space<hbm>>) dst(%arg11 : memref<80xi32, #tpu.memory_space<vmem>>)
        %dma_start3A_440 = arith.constant 0 : i32
        %dma_start3A_441 = arith.constant 0 : i32
        %dma_start3A_442 = tpu.memref_slice %arg2[%dma_start3A_440, %dma_start3A_441] : memref<10000x128xf32, #tpu.memory_space<hbm>> -> memref<10000x128xf32, #tpu.memory_space<hbm>>
        tpu.enqueue_indirect_dma source(%dma_start3A_442 : memref<10000x128xf32, #tpu.memory_space<hbm>>) target(%arg23 : memref<80x128xf32, #tpu.memory_space<vmem>>) offsets(%arg11 : memref<80xi32, #tpu.memory_space<vmem>>) semaphore(%arg44 : memref<!tpu.dma_semaphore, #tpu.memory_space<semaphore_mem>>)
      } else {
      }
      %mul3A_233 = arith.constant 80 : i32
      %mul3A_234 = arith.muli %add3A_212, %mul3A_233 : i32
      %add3A_235 = arith.addi %mul3A_2, %mul3A_234 : i32
      %dma_wait3A_236 = tpu.memref_slice %arg4[%add3A_235] : memref<320000xi32, #tpu.memory_space<hbm>> -> memref<80xi32, #tpu.memory_space<hbm>>
      %dma_wait3A_237 = tpu.memref_slice %arg4[%add3A_235] : memref<320000xi32, #tpu.memory_space<hbm>> -> memref<80xi32, #tpu.memory_space<hbm>>
      tpu.wait_dma2 semaphore(%arg37 : memref<!tpu.dma_semaphore, #tpu.memory_space<semaphore_mem>>) src(%dma_wait3A_237 : memref<80xi32, #tpu.memory_space<hbm>>) dst(%arg16 : memref<80xi32, #tpu.memory_space<vmem>>)
      %dma_start3A_238 = arith.constant 0 : i32
      %dma_start3A_239 = arith.constant 0 : i32
      %dma_start3A_240 = tpu.memref_slice %arg27[%dma_start3A_238, %dma_start3A_239] : memref<10000x128xf32, #tpu.memory_space<vmem_shared>> -> memref<10000x128xf32, #tpu.memory_space<vmem_shared>>
      tpu.enqueue_indirect_dma source(%arg24 : memref<80x128xf32, #tpu.memory_space<vmem>>) target(%dma_start3A_240 : memref<10000x128xf32, #tpu.memory_space<vmem_shared>>) offsets(%arg16 : memref<80xi32, #tpu.memory_space<vmem>>) semaphore(%arg49 : memref<!tpu.dma_semaphore, #tpu.memory_space<semaphore_mem>>) {add = true}
      %mul3A_241 = arith.constant 8 : i32
      %mul3A_242 = arith.muli %scan3A_176, %mul3A_241 : i32
      %add3A_243 = arith.constant 2 : i32
      %add3A_244 = arith.addi %mul3A_242, %add3A_243 : i32
      %dma_wait3A_245 = arith.constant 0 : i32
      %dma_wait3A_246 = arith.constant 0 : i32
      %dma_wait3A_247 = tpu.memref_slice %arg2[%dma_wait3A_245, %dma_wait3A_246] : memref<10000x128xf32, #tpu.memory_space<hbm>> -> memref<10000x128xf32, #tpu.memory_space<hbm>>
      tpu.wait_indirect_dma semaphore(%arg46 : memref<!tpu.dma_semaphore, #tpu.memory_space<semaphore_mem>>) src(%dma_wait3A_247 : memref<10000x128xf32, #tpu.memory_space<hbm>>) dst(%arg25 : memref<80x128xf32, #tpu.memory_space<vmem>>)
      %dma_wait3A_248 = arith.constant 0 : i32
      %dma_wait3A_249 = arith.constant 0 : i32
      %dma_wait3A_250 = tpu.memref_slice %arg27[%dma_wait3A_248, %dma_wait3A_249] : memref<10000x128xf32, #tpu.memory_space<vmem_shared>> -> memref<10000x128xf32, #tpu.memory_space<vmem_shared>>
      tpu.wait_indirect_dma semaphore(%arg49 : memref<!tpu.dma_semaphore, #tpu.memory_space<semaphore_mem>>) src(%arg24 : memref<80x128xf32, #tpu.memory_space<vmem>>) dst(%dma_wait3A_250 : memref<10000x128xf32, #tpu.memory_space<vmem_shared>>)
      %add3A_251 = arith.constant 6 : i32
      %add3A_252 = arith.addi %add3A_244, %add3A_251 : i32
      %lt3A_253 = arith.constant 125 : i32
      %lt3A_254 = arith.cmpi slt, %add3A_252, %lt3A_253 : i32
      %convert_element_type3A_255 = arith.extui %lt3A_254 : i1 to i32
      %cond3A_256 = arith.constant 0 : i32
      %cond3A_257 = arith.cmpi ne, %convert_element_type3A_255, %cond3A_256 : i32
      scf.if %cond3A_257 {
        %add3A_433 = arith.constant 6 : i32
        %add3A_434 = arith.addi %add3A_244, %add3A_433 : i32
        %mul3A_435 = arith.constant 80 : i32
        %mul3A_436 = arith.muli %add3A_434, %mul3A_435 : i32
        %add3A_437 = arith.addi %mul3A_2, %mul3A_436 : i32
        %dma_start3A_438 = tpu.memref_slice %arg3[%add3A_437] : memref<320000xi32, #tpu.memory_space<hbm>> -> memref<80xi32, #tpu.memory_space<hbm>>
        %dma_start3A_439 = tpu.memref_slice %arg3[%add3A_437] : memref<320000xi32, #tpu.memory_space<hbm>> -> memref<80xi32, #tpu.memory_space<hbm>>
        tpu.enqueue_dma source(%dma_start3A_439 : memref<80xi32, #tpu.memory_space<hbm>>) target(%arg7 : memref<80xi32, #tpu.memory_space<vmem>>) target_semaphore(%arg28 : memref<!tpu.dma_semaphore, #tpu.memory_space<semaphore_mem>>)
        %mul3A_440 = arith.constant 80 : i32
        %mul3A_441 = arith.muli %add3A_434, %mul3A_440 : i32
        %add3A_442 = arith.addi %mul3A_2, %mul3A_441 : i32
        %dma_start3A_443 = tpu.memref_slice %arg4[%add3A_442] : memref<320000xi32, #tpu.memory_space<hbm>> -> memref<80xi32, #tpu.memory_space<hbm>>
        %dma_start3A_444 = tpu.memref_slice %arg4[%add3A_442] : memref<320000xi32, #tpu.memory_space<hbm>> -> memref<80xi32, #tpu.memory_space<hbm>>
        tpu.enqueue_dma source(%dma_start3A_444 : memref<80xi32, #tpu.memory_space<hbm>>) target(%arg15 : memref<80xi32, #tpu.memory_space<vmem>>) target_semaphore(%arg36 : memref<!tpu.dma_semaphore, #tpu.memory_space<semaphore_mem>>)
      } else {
      }
      %add3A_258 = arith.constant 3 : i32
      %add3A_259 = arith.addi %add3A_244, %add3A_258 : i32
      %lt3A_260 = arith.constant 125 : i32
      %lt3A_261 = arith.cmpi slt, %add3A_259, %lt3A_260 : i32
      %convert_element_type3A_262 = arith.extui %lt3A_261 : i1 to i32
      %cond3A_263 = arith.constant 0 : i32
      %cond3A_264 = arith.cmpi ne, %convert_element_type3A_262, %cond3A_263 : i32
      scf.if %cond3A_264 {
        %add3A_433 = arith.constant 3 : i32
        %add3A_434 = arith.addi %add3A_244, %add3A_433 : i32
        %mul3A_435 = arith.constant 80 : i32
        %mul3A_436 = arith.muli %add3A_434, %mul3A_435 : i32
        %add3A_437 = arith.addi %mul3A_2, %mul3A_436 : i32
        %dma_wait3A_438 = tpu.memref_slice %arg3[%add3A_437] : memref<320000xi32, #tpu.memory_space<hbm>> -> memref<80xi32, #tpu.memory_space<hbm>>
        %dma_wait3A_439 = tpu.memref_slice %arg3[%add3A_437] : memref<320000xi32, #tpu.memory_space<hbm>> -> memref<80xi32, #tpu.memory_space<hbm>>
        tpu.wait_dma2 semaphore(%arg33 : memref<!tpu.dma_semaphore, #tpu.memory_space<semaphore_mem>>) src(%dma_wait3A_439 : memref<80xi32, #tpu.memory_space<hbm>>) dst(%arg12 : memref<80xi32, #tpu.memory_space<vmem>>)
        %dma_start3A_440 = arith.constant 0 : i32
        %dma_start3A_441 = arith.constant 0 : i32
        %dma_start3A_442 = tpu.memref_slice %arg2[%dma_start3A_440, %dma_start3A_441] : memref<10000x128xf32, #tpu.memory_space<hbm>> -> memref<10000x128xf32, #tpu.memory_space<hbm>>
        tpu.enqueue_indirect_dma source(%dma_start3A_442 : memref<10000x128xf32, #tpu.memory_space<hbm>>) target(%arg24 : memref<80x128xf32, #tpu.memory_space<vmem>>) offsets(%arg12 : memref<80xi32, #tpu.memory_space<vmem>>) semaphore(%arg45 : memref<!tpu.dma_semaphore, #tpu.memory_space<semaphore_mem>>)
      } else {
      }
      %mul3A_265 = arith.constant 80 : i32
      %mul3A_266 = arith.muli %add3A_244, %mul3A_265 : i32
      %add3A_267 = arith.addi %mul3A_2, %mul3A_266 : i32
      %dma_wait3A_268 = tpu.memref_slice %arg4[%add3A_267] : memref<320000xi32, #tpu.memory_space<hbm>> -> memref<80xi32, #tpu.memory_space<hbm>>
      %dma_wait3A_269 = tpu.memref_slice %arg4[%add3A_267] : memref<320000xi32, #tpu.memory_space<hbm>> -> memref<80xi32, #tpu.memory_space<hbm>>
      tpu.wait_dma2 semaphore(%arg38 : memref<!tpu.dma_semaphore, #tpu.memory_space<semaphore_mem>>) src(%dma_wait3A_269 : memref<80xi32, #tpu.memory_space<hbm>>) dst(%arg17 : memref<80xi32, #tpu.memory_space<vmem>>)
      %dma_start3A_270 = arith.constant 0 : i32
      %dma_start3A_271 = arith.constant 0 : i32
      %dma_start3A_272 = tpu.memref_slice %arg27[%dma_start3A_270, %dma_start3A_271] : memref<10000x128xf32, #tpu.memory_space<vmem_shared>> -> memref<10000x128xf32, #tpu.memory_space<vmem_shared>>
      tpu.enqueue_indirect_dma source(%arg25 : memref<80x128xf32, #tpu.memory_space<vmem>>) target(%dma_start3A_272 : memref<10000x128xf32, #tpu.memory_space<vmem_shared>>) offsets(%arg17 : memref<80xi32, #tpu.memory_space<vmem>>) semaphore(%arg48 : memref<!tpu.dma_semaphore, #tpu.memory_space<semaphore_mem>>) {add = true}
      %mul3A_273 = arith.constant 8 : i32
      %mul3A_274 = arith.muli %scan3A_176, %mul3A_273 : i32
      %add3A_275 = arith.constant 3 : i32
      %add3A_276 = arith.addi %mul3A_274, %add3A_275 : i32
      %dma_wait3A_277 = arith.constant 0 : i32
      %dma_wait3A_278 = arith.constant 0 : i32
      %dma_wait3A_279 = tpu.memref_slice %arg2[%dma_wait3A_277, %dma_wait3A_278] : memref<10000x128xf32, #tpu.memory_space<hbm>> -> memref<10000x128xf32, #tpu.memory_space<hbm>>
      tpu.wait_indirect_dma semaphore(%arg47 : memref<!tpu.dma_semaphore, #tpu.memory_space<semaphore_mem>>) src(%dma_wait3A_279 : memref<10000x128xf32, #tpu.memory_space<hbm>>) dst(%arg26 : memref<80x128xf32, #tpu.memory_space<vmem>>)
      %dma_wait3A_280 = arith.constant 0 : i32
      %dma_wait3A_281 = arith.constant 0 : i32
      %dma_wait3A_282 = tpu.memref_slice %arg27[%dma_wait3A_280, %dma_wait3A_281] : memref<10000x128xf32, #tpu.memory_space<vmem_shared>> -> memref<10000x128xf32, #tpu.memory_space<vmem_shared>>
      tpu.wait_indirect_dma semaphore(%arg48 : memref<!tpu.dma_semaphore, #tpu.memory_space<semaphore_mem>>) src(%arg25 : memref<80x128xf32, #tpu.memory_space<vmem>>) dst(%dma_wait3A_282 : memref<10000x128xf32, #tpu.memory_space<vmem_shared>>)
      %add3A_283 = arith.constant 6 : i32
      %add3A_284 = arith.addi %add3A_276, %add3A_283 : i32
      %lt3A_285 = arith.constant 125 : i32
      %lt3A_286 = arith.cmpi slt, %add3A_284, %lt3A_285 : i32
      %convert_element_type3A_287 = arith.extui %lt3A_286 : i1 to i32
      %cond3A_288 = arith.constant 0 : i32
      %cond3A_289 = arith.cmpi ne, %convert_element_type3A_287, %cond3A_288 : i32
      scf.if %cond3A_289 {
        %add3A_433 = arith.constant 6 : i32
        %add3A_434 = arith.addi %add3A_276, %add3A_433 : i32
        %mul3A_435 = arith.constant 80 : i32
        %mul3A_436 = arith.muli %add3A_434, %mul3A_435 : i32
        %add3A_437 = arith.addi %mul3A_2, %mul3A_436 : i32
        %dma_start3A_438 = tpu.memref_slice %arg3[%add3A_437] : memref<320000xi32, #tpu.memory_space<hbm>> -> memref<80xi32, #tpu.memory_space<hbm>>
        %dma_start3A_439 = tpu.memref_slice %arg3[%add3A_437] : memref<320000xi32, #tpu.memory_space<hbm>> -> memref<80xi32, #tpu.memory_space<hbm>>
        tpu.enqueue_dma source(%dma_start3A_439 : memref<80xi32, #tpu.memory_space<hbm>>) target(%arg8 : memref<80xi32, #tpu.memory_space<vmem>>) target_semaphore(%arg29 : memref<!tpu.dma_semaphore, #tpu.memory_space<semaphore_mem>>)
        %mul3A_440 = arith.constant 80 : i32
        %mul3A_441 = arith.muli %add3A_434, %mul3A_440 : i32
        %add3A_442 = arith.addi %mul3A_2, %mul3A_441 : i32
        %dma_start3A_443 = tpu.memref_slice %arg4[%add3A_442] : memref<320000xi32, #tpu.memory_space<hbm>> -> memref<80xi32, #tpu.memory_space<hbm>>
        %dma_start3A_444 = tpu.memref_slice %arg4[%add3A_442] : memref<320000xi32, #tpu.memory_space<hbm>> -> memref<80xi32, #tpu.memory_space<hbm>>
        tpu.enqueue_dma source(%dma_start3A_444 : memref<80xi32, #tpu.memory_space<hbm>>) target(%arg16 : memref<80xi32, #tpu.memory_space<vmem>>) target_semaphore(%arg37 : memref<!tpu.dma_semaphore, #tpu.memory_space<semaphore_mem>>)
      } else {
      }
      %add3A_290 = arith.constant 3 : i32
      %add3A_291 = arith.addi %add3A_276, %add3A_290 : i32
      %lt3A_292 = arith.constant 125 : i32
      %lt3A_293 = arith.cmpi slt, %add3A_291, %lt3A_292 : i32
      %convert_element_type3A_294 = arith.extui %lt3A_293 : i1 to i32
      %cond3A_295 = arith.constant 0 : i32
      %cond3A_296 = arith.cmpi ne, %convert_element_type3A_294, %cond3A_295 : i32
      scf.if %cond3A_296 {
        %add3A_433 = arith.constant 3 : i32
        %add3A_434 = arith.addi %add3A_276, %add3A_433 : i32
        %mul3A_435 = arith.constant 80 : i32
        %mul3A_436 = arith.muli %add3A_434, %mul3A_435 : i32
        %add3A_437 = arith.addi %mul3A_2, %mul3A_436 : i32
        %dma_wait3A_438 = tpu.memref_slice %arg3[%add3A_437] : memref<320000xi32, #tpu.memory_space<hbm>> -> memref<80xi32, #tpu.memory_space<hbm>>
        %dma_wait3A_439 = tpu.memref_slice %arg3[%add3A_437] : memref<320000xi32, #tpu.memory_space<hbm>> -> memref<80xi32, #tpu.memory_space<hbm>>
        tpu.wait_dma2 semaphore(%arg34 : memref<!tpu.dma_semaphore, #tpu.memory_space<semaphore_mem>>) src(%dma_wait3A_439 : memref<80xi32, #tpu.memory_space<hbm>>) dst(%arg13 : memref<80xi32, #tpu.memory_space<vmem>>)
        %dma_start3A_440 = arith.constant 0 : i32
        %dma_start3A_441 = arith.constant 0 : i32
        %dma_start3A_442 = tpu.memref_slice %arg2[%dma_start3A_440, %dma_start3A_441] : memref<10000x128xf32, #tpu.memory_space<hbm>> -> memref<10000x128xf32, #tpu.memory_space<hbm>>
        tpu.enqueue_indirect_dma source(%dma_start3A_442 : memref<10000x128xf32, #tpu.memory_space<hbm>>) target(%arg25 : memref<80x128xf32, #tpu.memory_space<vmem>>) offsets(%arg13 : memref<80xi32, #tpu.memory_space<vmem>>) semaphore(%arg46 : memref<!tpu.dma_semaphore, #tpu.memory_space<semaphore_mem>>)
      } else {
      }
      %mul3A_297 = arith.constant 80 : i32
      %mul3A_298 = arith.muli %add3A_276, %mul3A_297 : i32
      %add3A_299 = arith.addi %mul3A_2, %mul3A_298 : i32
      %dma_wait3A_300 = tpu.memref_slice %arg4[%add3A_299] : memref<320000xi32, #tpu.memory_space<hbm>> -> memref<80xi32, #tpu.memory_space<hbm>>
      %dma_wait3A_301 = tpu.memref_slice %arg4[%add3A_299] : memref<320000xi32, #tpu.memory_space<hbm>> -> memref<80xi32, #tpu.memory_space<hbm>>
      tpu.wait_dma2 semaphore(%arg39 : memref<!tpu.dma_semaphore, #tpu.memory_space<semaphore_mem>>) src(%dma_wait3A_301 : memref<80xi32, #tpu.memory_space<hbm>>) dst(%arg18 : memref<80xi32, #tpu.memory_space<vmem>>)
      %dma_start3A_302 = arith.constant 0 : i32
      %dma_start3A_303 = arith.constant 0 : i32
      %dma_start3A_304 = tpu.memref_slice %arg27[%dma_start3A_302, %dma_start3A_303] : memref<10000x128xf32, #tpu.memory_space<vmem_shared>> -> memref<10000x128xf32, #tpu.memory_space<vmem_shared>>
      tpu.enqueue_indirect_dma source(%arg26 : memref<80x128xf32, #tpu.memory_space<vmem>>) target(%dma_start3A_304 : memref<10000x128xf32, #tpu.memory_space<vmem_shared>>) offsets(%arg18 : memref<80xi32, #tpu.memory_space<vmem>>) semaphore(%arg49 : memref<!tpu.dma_semaphore, #tpu.memory_space<semaphore_mem>>) {add = true}
      %mul3A_305 = arith.constant 8 : i32
      %mul3A_306 = arith.muli %scan3A_176, %mul3A_305 : i32
      %add3A_307 = arith.constant 4 : i32
      %add3A_308 = arith.addi %mul3A_306, %add3A_307 : i32
      %dma_wait3A_309 = arith.constant 0 : i32
      %dma_wait3A_310 = arith.constant 0 : i32
      %dma_wait3A_311 = tpu.memref_slice %arg2[%dma_wait3A_309, %dma_wait3A_310] : memref<10000x128xf32, #tpu.memory_space<hbm>> -> memref<10000x128xf32, #tpu.memory_space<hbm>>
      tpu.wait_indirect_dma semaphore(%arg44 : memref<!tpu.dma_semaphore, #tpu.memory_space<semaphore_mem>>) src(%dma_wait3A_311 : memref<10000x128xf32, #tpu.memory_space<hbm>>) dst(%arg23 : memref<80x128xf32, #tpu.memory_space<vmem>>)
      %dma_wait3A_312 = arith.constant 0 : i32
      %dma_wait3A_313 = arith.constant 0 : i32
      %dma_wait3A_314 = tpu.memref_slice %arg27[%dma_wait3A_312, %dma_wait3A_313] : memref<10000x128xf32, #tpu.memory_space<vmem_shared>> -> memref<10000x128xf32, #tpu.memory_space<vmem_shared>>
      tpu.wait_indirect_dma semaphore(%arg49 : memref<!tpu.dma_semaphore, #tpu.memory_space<semaphore_mem>>) src(%arg26 : memref<80x128xf32, #tpu.memory_space<vmem>>) dst(%dma_wait3A_314 : memref<10000x128xf32, #tpu.memory_space<vmem_shared>>)
      %add3A_315 = arith.constant 6 : i32
      %add3A_316 = arith.addi %add3A_308, %add3A_315 : i32
      %lt3A_317 = arith.constant 125 : i32
      %lt3A_318 = arith.cmpi slt, %add3A_316, %lt3A_317 : i32
      %convert_element_type3A_319 = arith.extui %lt3A_318 : i1 to i32
      %cond3A_320 = arith.constant 0 : i32
      %cond3A_321 = arith.cmpi ne, %convert_element_type3A_319, %cond3A_320 : i32
      scf.if %cond3A_321 {
        %add3A_433 = arith.constant 6 : i32
        %add3A_434 = arith.addi %add3A_308, %add3A_433 : i32
        %mul3A_435 = arith.constant 80 : i32
        %mul3A_436 = arith.muli %add3A_434, %mul3A_435 : i32
        %add3A_437 = arith.addi %mul3A_2, %mul3A_436 : i32
        %dma_start3A_438 = tpu.memref_slice %arg3[%add3A_437] : memref<320000xi32, #tpu.memory_space<hbm>> -> memref<80xi32, #tpu.memory_space<hbm>>
        %dma_start3A_439 = tpu.memref_slice %arg3[%add3A_437] : memref<320000xi32, #tpu.memory_space<hbm>> -> memref<80xi32, #tpu.memory_space<hbm>>
        tpu.enqueue_dma source(%dma_start3A_439 : memref<80xi32, #tpu.memory_space<hbm>>) target(%arg9 : memref<80xi32, #tpu.memory_space<vmem>>) target_semaphore(%arg30 : memref<!tpu.dma_semaphore, #tpu.memory_space<semaphore_mem>>)
        %mul3A_440 = arith.constant 80 : i32
        %mul3A_441 = arith.muli %add3A_434, %mul3A_440 : i32
        %add3A_442 = arith.addi %mul3A_2, %mul3A_441 : i32
        %dma_start3A_443 = tpu.memref_slice %arg4[%add3A_442] : memref<320000xi32, #tpu.memory_space<hbm>> -> memref<80xi32, #tpu.memory_space<hbm>>
        %dma_start3A_444 = tpu.memref_slice %arg4[%add3A_442] : memref<320000xi32, #tpu.memory_space<hbm>> -> memref<80xi32, #tpu.memory_space<hbm>>
        tpu.enqueue_dma source(%dma_start3A_444 : memref<80xi32, #tpu.memory_space<hbm>>) target(%arg17 : memref<80xi32, #tpu.memory_space<vmem>>) target_semaphore(%arg38 : memref<!tpu.dma_semaphore, #tpu.memory_space<semaphore_mem>>)
      } else {
      }
      %add3A_322 = arith.constant 3 : i32
      %add3A_323 = arith.addi %add3A_308, %add3A_322 : i32
      %lt3A_324 = arith.constant 125 : i32
      %lt3A_325 = arith.cmpi slt, %add3A_323, %lt3A_324 : i32
      %convert_element_type3A_326 = arith.extui %lt3A_325 : i1 to i32
      %cond3A_327 = arith.constant 0 : i32
      %cond3A_328 = arith.cmpi ne, %convert_element_type3A_326, %cond3A_327 : i32
      scf.if %cond3A_328 {
        %add3A_433 = arith.constant 3 : i32
        %add3A_434 = arith.addi %add3A_308, %add3A_433 : i32
        %mul3A_435 = arith.constant 80 : i32
        %mul3A_436 = arith.muli %add3A_434, %mul3A_435 : i32
        %add3A_437 = arith.addi %mul3A_2, %mul3A_436 : i32
        %dma_wait3A_438 = tpu.memref_slice %arg3[%add3A_437] : memref<320000xi32, #tpu.memory_space<hbm>> -> memref<80xi32, #tpu.memory_space<hbm>>
        %dma_wait3A_439 = tpu.memref_slice %arg3[%add3A_437] : memref<320000xi32, #tpu.memory_space<hbm>> -> memref<80xi32, #tpu.memory_space<hbm>>
        tpu.wait_dma2 semaphore(%arg35 : memref<!tpu.dma_semaphore, #tpu.memory_space<semaphore_mem>>) src(%dma_wait3A_439 : memref<80xi32, #tpu.memory_space<hbm>>) dst(%arg14 : memref<80xi32, #tpu.memory_space<vmem>>)
        %dma_start3A_440 = arith.constant 0 : i32
        %dma_start3A_441 = arith.constant 0 : i32
        %dma_start3A_442 = tpu.memref_slice %arg2[%dma_start3A_440, %dma_start3A_441] : memref<10000x128xf32, #tpu.memory_space<hbm>> -> memref<10000x128xf32, #tpu.memory_space<hbm>>
        tpu.enqueue_indirect_dma source(%dma_start3A_442 : memref<10000x128xf32, #tpu.memory_space<hbm>>) target(%arg26 : memref<80x128xf32, #tpu.memory_space<vmem>>) offsets(%arg14 : memref<80xi32, #tpu.memory_space<vmem>>) semaphore(%arg47 : memref<!tpu.dma_semaphore, #tpu.memory_space<semaphore_mem>>)
      } else {
      }
      %mul3A_329 = arith.constant 80 : i32
      %mul3A_330 = arith.muli %add3A_308, %mul3A_329 : i32
      %add3A_331 = arith.addi %mul3A_2, %mul3A_330 : i32
      %dma_wait3A_332 = tpu.memref_slice %arg4[%add3A_331] : memref<320000xi32, #tpu.memory_space<hbm>> -> memref<80xi32, #tpu.memory_space<hbm>>
      %dma_wait3A_333 = tpu.memref_slice %arg4[%add3A_331] : memref<320000xi32, #tpu.memory_space<hbm>> -> memref<80xi32, #tpu.memory_space<hbm>>
      tpu.wait_dma2 semaphore(%arg40 : memref<!tpu.dma_semaphore, #tpu.memory_space<semaphore_mem>>) src(%dma_wait3A_333 : memref<80xi32, #tpu.memory_space<hbm>>) dst(%arg19 : memref<80xi32, #tpu.memory_space<vmem>>)
      %dma_start3A_334 = arith.constant 0 : i32
      %dma_start3A_335 = arith.constant 0 : i32
      %dma_start3A_336 = tpu.memref_slice %arg27[%dma_start3A_334, %dma_start3A_335] : memref<10000x128xf32, #tpu.memory_space<vmem_shared>> -> memref<10000x128xf32, #tpu.memory_space<vmem_shared>>
      tpu.enqueue_indirect_dma source(%arg23 : memref<80x128xf32, #tpu.memory_space<vmem>>) target(%dma_start3A_336 : memref<10000x128xf32, #tpu.memory_space<vmem_shared>>) offsets(%arg19 : memref<80xi32, #tpu.memory_space<vmem>>) semaphore(%arg48 : memref<!tpu.dma_semaphore, #tpu.memory_space<semaphore_mem>>) {add = true}
      %mul3A_337 = arith.constant 8 : i32
      %mul3A_338 = arith.muli %scan3A_176, %mul3A_337 : i32
      %add3A_339 = arith.constant 5 : i32
      %add3A_340 = arith.addi %mul3A_338, %add3A_339 : i32
      %dma_wait3A_341 = arith.constant 0 : i32
      %dma_wait3A_342 = arith.constant 0 : i32
      %dma_wait3A_343 = tpu.memref_slice %arg2[%dma_wait3A_341, %dma_wait3A_342] : memref<10000x128xf32, #tpu.memory_space<hbm>> -> memref<10000x128xf32, #tpu.memory_space<hbm>>
      tpu.wait_indirect_dma semaphore(%arg45 : memref<!tpu.dma_semaphore, #tpu.memory_space<semaphore_mem>>) src(%dma_wait3A_343 : memref<10000x128xf32, #tpu.memory_space<hbm>>) dst(%arg24 : memref<80x128xf32, #tpu.memory_space<vmem>>)
      %dma_wait3A_344 = arith.constant 0 : i32
      %dma_wait3A_345 = arith.constant 0 : i32
      %dma_wait3A_346 = tpu.memref_slice %arg27[%dma_wait3A_344, %dma_wait3A_345] : memref<10000x128xf32, #tpu.memory_space<vmem_shared>> -> memref<10000x128xf32, #tpu.memory_space<vmem_shared>>
      tpu.wait_indirect_dma semaphore(%arg48 : memref<!tpu.dma_semaphore, #tpu.memory_space<semaphore_mem>>) src(%arg23 : memref<80x128xf32, #tpu.memory_space<vmem>>) dst(%dma_wait3A_346 : memref<10000x128xf32, #tpu.memory_space<vmem_shared>>)
      %add3A_347 = arith.constant 6 : i32
      %add3A_348 = arith.addi %add3A_340, %add3A_347 : i32
      %lt3A_349 = arith.constant 125 : i32
      %lt3A_350 = arith.cmpi slt, %add3A_348, %lt3A_349 : i32
      %convert_element_type3A_351 = arith.extui %lt3A_350 : i1 to i32
      %cond3A_352 = arith.constant 0 : i32
      %cond3A_353 = arith.cmpi ne, %convert_element_type3A_351, %cond3A_352 : i32
      scf.if %cond3A_353 {
        %add3A_433 = arith.constant 6 : i32
        %add3A_434 = arith.addi %add3A_340, %add3A_433 : i32
        %mul3A_435 = arith.constant 80 : i32
        %mul3A_436 = arith.muli %add3A_434, %mul3A_435 : i32
        %add3A_437 = arith.addi %mul3A_2, %mul3A_436 : i32
        %dma_start3A_438 = tpu.memref_slice %arg3[%add3A_437] : memref<320000xi32, #tpu.memory_space<hbm>> -> memref<80xi32, #tpu.memory_space<hbm>>
        %dma_start3A_439 = tpu.memref_slice %arg3[%add3A_437] : memref<320000xi32, #tpu.memory_space<hbm>> -> memref<80xi32, #tpu.memory_space<hbm>>
        tpu.enqueue_dma source(%dma_start3A_439 : memref<80xi32, #tpu.memory_space<hbm>>) target(%arg10 : memref<80xi32, #tpu.memory_space<vmem>>) target_semaphore(%arg31 : memref<!tpu.dma_semaphore, #tpu.memory_space<semaphore_mem>>)
        %mul3A_440 = arith.constant 80 : i32
        %mul3A_441 = arith.muli %add3A_434, %mul3A_440 : i32
        %add3A_442 = arith.addi %mul3A_2, %mul3A_441 : i32
        %dma_start3A_443 = tpu.memref_slice %arg4[%add3A_442] : memref<320000xi32, #tpu.memory_space<hbm>> -> memref<80xi32, #tpu.memory_space<hbm>>
        %dma_start3A_444 = tpu.memref_slice %arg4[%add3A_442] : memref<320000xi32, #tpu.memory_space<hbm>> -> memref<80xi32, #tpu.memory_space<hbm>>
        tpu.enqueue_dma source(%dma_start3A_444 : memref<80xi32, #tpu.memory_space<hbm>>) target(%arg18 : memref<80xi32, #tpu.memory_space<vmem>>) target_semaphore(%arg39 : memref<!tpu.dma_semaphore, #tpu.memory_space<semaphore_mem>>)
      } else {
      }
      %add3A_354 = arith.constant 3 : i32
      %add3A_355 = arith.addi %add3A_340, %add3A_354 : i32
      %lt3A_356 = arith.constant 125 : i32
      %lt3A_357 = arith.cmpi slt, %add3A_355, %lt3A_356 : i32
      %convert_element_type3A_358 = arith.extui %lt3A_357 : i1 to i32
      %cond3A_359 = arith.constant 0 : i32
      %cond3A_360 = arith.cmpi ne, %convert_element_type3A_358, %cond3A_359 : i32
      scf.if %cond3A_360 {
        %add3A_433 = arith.constant 3 : i32
        %add3A_434 = arith.addi %add3A_340, %add3A_433 : i32
        %mul3A_435 = arith.constant 80 : i32
        %mul3A_436 = arith.muli %add3A_434, %mul3A_435 : i32
        %add3A_437 = arith.addi %mul3A_2, %mul3A_436 : i32
        %dma_wait3A_438 = tpu.memref_slice %arg3[%add3A_437] : memref<320000xi32, #tpu.memory_space<hbm>> -> memref<80xi32, #tpu.memory_space<hbm>>
        %dma_wait3A_439 = tpu.memref_slice %arg3[%add3A_437] : memref<320000xi32, #tpu.memory_space<hbm>> -> memref<80xi32, #tpu.memory_space<hbm>>
        tpu.wait_dma2 semaphore(%arg28 : memref<!tpu.dma_semaphore, #tpu.memory_space<semaphore_mem>>) src(%dma_wait3A_439 : memref<80xi32, #tpu.memory_space<hbm>>) dst(%arg7 : memref<80xi32, #tpu.memory_space<vmem>>)
        %dma_start3A_440 = arith.constant 0 : i32
        %dma_start3A_441 = arith.constant 0 : i32
        %dma_start3A_442 = tpu.memref_slice %arg2[%dma_start3A_440, %dma_start3A_441] : memref<10000x128xf32, #tpu.memory_space<hbm>> -> memref<10000x128xf32, #tpu.memory_space<hbm>>
        tpu.enqueue_indirect_dma source(%dma_start3A_442 : memref<10000x128xf32, #tpu.memory_space<hbm>>) target(%arg23 : memref<80x128xf32, #tpu.memory_space<vmem>>) offsets(%arg7 : memref<80xi32, #tpu.memory_space<vmem>>) semaphore(%arg44 : memref<!tpu.dma_semaphore, #tpu.memory_space<semaphore_mem>>)
      } else {
      }
      %mul3A_361 = arith.constant 80 : i32
      %mul3A_362 = arith.muli %add3A_340, %mul3A_361 : i32
      %add3A_363 = arith.addi %mul3A_2, %mul3A_362 : i32
      %dma_wait3A_364 = tpu.memref_slice %arg4[%add3A_363] : memref<320000xi32, #tpu.memory_space<hbm>> -> memref<80xi32, #tpu.memory_space<hbm>>
      %dma_wait3A_365 = tpu.memref_slice %arg4[%add3A_363] : memref<320000xi32, #tpu.memory_space<hbm>> -> memref<80xi32, #tpu.memory_space<hbm>>
      tpu.wait_dma2 semaphore(%arg41 : memref<!tpu.dma_semaphore, #tpu.memory_space<semaphore_mem>>) src(%dma_wait3A_365 : memref<80xi32, #tpu.memory_space<hbm>>) dst(%arg20 : memref<80xi32, #tpu.memory_space<vmem>>)
      %dma_start3A_366 = arith.constant 0 : i32
      %dma_start3A_367 = arith.constant 0 : i32
      %dma_start3A_368 = tpu.memref_slice %arg27[%dma_start3A_366, %dma_start3A_367] : memref<10000x128xf32, #tpu.memory_space<vmem_shared>> -> memref<10000x128xf32, #tpu.memory_space<vmem_shared>>
      tpu.enqueue_indirect_dma source(%arg24 : memref<80x128xf32, #tpu.memory_space<vmem>>) target(%dma_start3A_368 : memref<10000x128xf32, #tpu.memory_space<vmem_shared>>) offsets(%arg20 : memref<80xi32, #tpu.memory_space<vmem>>) semaphore(%arg49 : memref<!tpu.dma_semaphore, #tpu.memory_space<semaphore_mem>>) {add = true}
      %mul3A_369 = arith.constant 8 : i32
      %mul3A_370 = arith.muli %scan3A_176, %mul3A_369 : i32
      %add3A_371 = arith.constant 6 : i32
      %add3A_372 = arith.addi %mul3A_370, %add3A_371 : i32
      %dma_wait3A_373 = arith.constant 0 : i32
      %dma_wait3A_374 = arith.constant 0 : i32
      %dma_wait3A_375 = tpu.memref_slice %arg2[%dma_wait3A_373, %dma_wait3A_374] : memref<10000x128xf32, #tpu.memory_space<hbm>> -> memref<10000x128xf32, #tpu.memory_space<hbm>>
      tpu.wait_indirect_dma semaphore(%arg46 : memref<!tpu.dma_semaphore, #tpu.memory_space<semaphore_mem>>) src(%dma_wait3A_375 : memref<10000x128xf32, #tpu.memory_space<hbm>>) dst(%arg25 : memref<80x128xf32, #tpu.memory_space<vmem>>)
      %dma_wait3A_376 = arith.constant 0 : i32
      %dma_wait3A_377 = arith.constant 0 : i32
      %dma_wait3A_378 = tpu.memref_slice %arg27[%dma_wait3A_376, %dma_wait3A_377] : memref<10000x128xf32, #tpu.memory_space<vmem_shared>> -> memref<10000x128xf32, #tpu.memory_space<vmem_shared>>
      tpu.wait_indirect_dma semaphore(%arg49 : memref<!tpu.dma_semaphore, #tpu.memory_space<semaphore_mem>>) src(%arg24 : memref<80x128xf32, #tpu.memory_space<vmem>>) dst(%dma_wait3A_378 : memref<10000x128xf32, #tpu.memory_space<vmem_shared>>)
      %add3A_379 = arith.constant 6 : i32
      %add3A_380 = arith.addi %add3A_372, %add3A_379 : i32
      %lt3A_381 = arith.constant 125 : i32
      %lt3A_382 = arith.cmpi slt, %add3A_380, %lt3A_381 : i32
      %convert_element_type3A_383 = arith.extui %lt3A_382 : i1 to i32
      %cond3A_384 = arith.constant 0 : i32
      %cond3A_385 = arith.cmpi ne, %convert_element_type3A_383, %cond3A_384 : i32
      scf.if %cond3A_385 {
        %add3A_433 = arith.constant 6 : i32
        %add3A_434 = arith.addi %add3A_372, %add3A_433 : i32
        %mul3A_435 = arith.constant 80 : i32
        %mul3A_436 = arith.muli %add3A_434, %mul3A_435 : i32
        %add3A_437 = arith.addi %mul3A_2, %mul3A_436 : i32
        %dma_start3A_438 = tpu.memref_slice %arg3[%add3A_437] : memref<320000xi32, #tpu.memory_space<hbm>> -> memref<80xi32, #tpu.memory_space<hbm>>
        %dma_start3A_439 = tpu.memref_slice %arg3[%add3A_437] : memref<320000xi32, #tpu.memory_space<hbm>> -> memref<80xi32, #tpu.memory_space<hbm>>
        tpu.enqueue_dma source(%dma_start3A_439 : memref<80xi32, #tpu.memory_space<hbm>>) target(%arg11 : memref<80xi32, #tpu.memory_space<vmem>>) target_semaphore(%arg32 : memref<!tpu.dma_semaphore, #tpu.memory_space<semaphore_mem>>)
        %mul3A_440 = arith.constant 80 : i32
        %mul3A_441 = arith.muli %add3A_434, %mul3A_440 : i32
        %add3A_442 = arith.addi %mul3A_2, %mul3A_441 : i32
        %dma_start3A_443 = tpu.memref_slice %arg4[%add3A_442] : memref<320000xi32, #tpu.memory_space<hbm>> -> memref<80xi32, #tpu.memory_space<hbm>>
        %dma_start3A_444 = tpu.memref_slice %arg4[%add3A_442] : memref<320000xi32, #tpu.memory_space<hbm>> -> memref<80xi32, #tpu.memory_space<hbm>>
        tpu.enqueue_dma source(%dma_start3A_444 : memref<80xi32, #tpu.memory_space<hbm>>) target(%arg19 : memref<80xi32, #tpu.memory_space<vmem>>) target_semaphore(%arg40 : memref<!tpu.dma_semaphore, #tpu.memory_space<semaphore_mem>>)
      } else {
      }
      %add3A_386 = arith.constant 3 : i32
      %add3A_387 = arith.addi %add3A_372, %add3A_386 : i32
      %lt3A_388 = arith.constant 125 : i32
      %lt3A_389 = arith.cmpi slt, %add3A_387, %lt3A_388 : i32
      %convert_element_type3A_390 = arith.extui %lt3A_389 : i1 to i32
      %cond3A_391 = arith.constant 0 : i32
      %cond3A_392 = arith.cmpi ne, %convert_element_type3A_390, %cond3A_391 : i32
      scf.if %cond3A_392 {
        %add3A_433 = arith.constant 3 : i32
        %add3A_434 = arith.addi %add3A_372, %add3A_433 : i32
        %mul3A_435 = arith.constant 80 : i32
        %mul3A_436 = arith.muli %add3A_434, %mul3A_435 : i32
        %add3A_437 = arith.addi %mul3A_2, %mul3A_436 : i32
        %dma_wait3A_438 = tpu.memref_slice %arg3[%add3A_437] : memref<320000xi32, #tpu.memory_space<hbm>> -> memref<80xi32, #tpu.memory_space<hbm>>
        %dma_wait3A_439 = tpu.memref_slice %arg3[%add3A_437] : memref<320000xi32, #tpu.memory_space<hbm>> -> memref<80xi32, #tpu.memory_space<hbm>>
        tpu.wait_dma2 semaphore(%arg29 : memref<!tpu.dma_semaphore, #tpu.memory_space<semaphore_mem>>) src(%dma_wait3A_439 : memref<80xi32, #tpu.memory_space<hbm>>) dst(%arg8 : memref<80xi32, #tpu.memory_space<vmem>>)
        %dma_start3A_440 = arith.constant 0 : i32
        %dma_start3A_441 = arith.constant 0 : i32
        %dma_start3A_442 = tpu.memref_slice %arg2[%dma_start3A_440, %dma_start3A_441] : memref<10000x128xf32, #tpu.memory_space<hbm>> -> memref<10000x128xf32, #tpu.memory_space<hbm>>
        tpu.enqueue_indirect_dma source(%dma_start3A_442 : memref<10000x128xf32, #tpu.memory_space<hbm>>) target(%arg24 : memref<80x128xf32, #tpu.memory_space<vmem>>) offsets(%arg8 : memref<80xi32, #tpu.memory_space<vmem>>) semaphore(%arg45 : memref<!tpu.dma_semaphore, #tpu.memory_space<semaphore_mem>>)
      } else {
      }
      %mul3A_393 = arith.constant 80 : i32
      %mul3A_394 = arith.muli %add3A_372, %mul3A_393 : i32
      %add3A_395 = arith.addi %mul3A_2, %mul3A_394 : i32
      %dma_wait3A_396 = tpu.memref_slice %arg4[%add3A_395] : memref<320000xi32, #tpu.memory_space<hbm>> -> memref<80xi32, #tpu.memory_space<hbm>>
      %dma_wait3A_397 = tpu.memref_slice %arg4[%add3A_395] : memref<320000xi32, #tpu.memory_space<hbm>> -> memref<80xi32, #tpu.memory_space<hbm>>
      tpu.wait_dma2 semaphore(%arg42 : memref<!tpu.dma_semaphore, #tpu.memory_space<semaphore_mem>>) src(%dma_wait3A_397 : memref<80xi32, #tpu.memory_space<hbm>>) dst(%arg21 : memref<80xi32, #tpu.memory_space<vmem>>)
      %dma_start3A_398 = arith.constant 0 : i32
      %dma_start3A_399 = arith.constant 0 : i32
      %dma_start3A_400 = tpu.memref_slice %arg27[%dma_start3A_398, %dma_start3A_399] : memref<10000x128xf32, #tpu.memory_space<vmem_shared>> -> memref<10000x128xf32, #tpu.memory_space<vmem_shared>>
      tpu.enqueue_indirect_dma source(%arg25 : memref<80x128xf32, #tpu.memory_space<vmem>>) target(%dma_start3A_400 : memref<10000x128xf32, #tpu.memory_space<vmem_shared>>) offsets(%arg21 : memref<80xi32, #tpu.memory_space<vmem>>) semaphore(%arg48 : memref<!tpu.dma_semaphore, #tpu.memory_space<semaphore_mem>>) {add = true}
      %mul3A_401 = arith.constant 8 : i32
      %mul3A_402 = arith.muli %scan3A_176, %mul3A_401 : i32
      %add3A_403 = arith.constant 7 : i32
      %add3A_404 = arith.addi %mul3A_402, %add3A_403 : i32
      %dma_wait3A_405 = arith.constant 0 : i32
      %dma_wait3A_406 = arith.constant 0 : i32
      %dma_wait3A_407 = tpu.memref_slice %arg2[%dma_wait3A_405, %dma_wait3A_406] : memref<10000x128xf32, #tpu.memory_space<hbm>> -> memref<10000x128xf32, #tpu.memory_space<hbm>>
      tpu.wait_indirect_dma semaphore(%arg47 : memref<!tpu.dma_semaphore, #tpu.memory_space<semaphore_mem>>) src(%dma_wait3A_407 : memref<10000x128xf32, #tpu.memory_space<hbm>>) dst(%arg26 : memref<80x128xf32, #tpu.memory_space<vmem>>)
      %dma_wait3A_408 = arith.constant 0 : i32
      %dma_wait3A_409 = arith.constant 0 : i32
      %dma_wait3A_410 = tpu.memref_slice %arg27[%dma_wait3A_408, %dma_wait3A_409] : memref<10000x128xf32, #tpu.memory_space<vmem_shared>> -> memref<10000x128xf32, #tpu.memory_space<vmem_shared>>
      tpu.wait_indirect_dma semaphore(%arg48 : memref<!tpu.dma_semaphore, #tpu.memory_space<semaphore_mem>>) src(%arg25 : memref<80x128xf32, #tpu.memory_space<vmem>>) dst(%dma_wait3A_410 : memref<10000x128xf32, #tpu.memory_space<vmem_shared>>)
      %add3A_411 = arith.constant 6 : i32
      %add3A_412 = arith.addi %add3A_404, %add3A_411 : i32
      %lt3A_413 = arith.constant 125 : i32
      %lt3A_414 = arith.cmpi slt, %add3A_412, %lt3A_413 : i32
      %convert_element_type3A_415 = arith.extui %lt3A_414 : i1 to i32
      %cond3A_416 = arith.constant 0 : i32
      %cond3A_417 = arith.cmpi ne, %convert_element_type3A_415, %cond3A_416 : i32
      scf.if %cond3A_417 {
        %add3A_433 = arith.constant 6 : i32
        %add3A_434 = arith.addi %add3A_404, %add3A_433 : i32
        %mul3A_435 = arith.constant 80 : i32
        %mul3A_436 = arith.muli %add3A_434, %mul3A_435 : i32
        %add3A_437 = arith.addi %mul3A_2, %mul3A_436 : i32
        %dma_start3A_438 = tpu.memref_slice %arg3[%add3A_437] : memref<320000xi32, #tpu.memory_space<hbm>> -> memref<80xi32, #tpu.memory_space<hbm>>
        %dma_start3A_439 = tpu.memref_slice %arg3[%add3A_437] : memref<320000xi32, #tpu.memory_space<hbm>> -> memref<80xi32, #tpu.memory_space<hbm>>
        tpu.enqueue_dma source(%dma_start3A_439 : memref<80xi32, #tpu.memory_space<hbm>>) target(%arg12 : memref<80xi32, #tpu.memory_space<vmem>>) target_semaphore(%arg33 : memref<!tpu.dma_semaphore, #tpu.memory_space<semaphore_mem>>)
        %mul3A_440 = arith.constant 80 : i32
        %mul3A_441 = arith.muli %add3A_434, %mul3A_440 : i32
        %add3A_442 = arith.addi %mul3A_2, %mul3A_441 : i32
        %dma_start3A_443 = tpu.memref_slice %arg4[%add3A_442] : memref<320000xi32, #tpu.memory_space<hbm>> -> memref<80xi32, #tpu.memory_space<hbm>>
        %dma_start3A_444 = tpu.memref_slice %arg4[%add3A_442] : memref<320000xi32, #tpu.memory_space<hbm>> -> memref<80xi32, #tpu.memory_space<hbm>>
        tpu.enqueue_dma source(%dma_start3A_444 : memref<80xi32, #tpu.memory_space<hbm>>) target(%arg20 : memref<80xi32, #tpu.memory_space<vmem>>) target_semaphore(%arg41 : memref<!tpu.dma_semaphore, #tpu.memory_space<semaphore_mem>>)
      } else {
      }
      %add3A_418 = arith.constant 3 : i32
      %add3A_419 = arith.addi %add3A_404, %add3A_418 : i32
      %lt3A_420 = arith.constant 125 : i32
      %lt3A_421 = arith.cmpi slt, %add3A_419, %lt3A_420 : i32
      %convert_element_type3A_422 = arith.extui %lt3A_421 : i1 to i32
      %cond3A_423 = arith.constant 0 : i32
      %cond3A_424 = arith.cmpi ne, %convert_element_type3A_422, %cond3A_423 : i32
      scf.if %cond3A_424 {
        %add3A_433 = arith.constant 3 : i32
        %add3A_434 = arith.addi %add3A_404, %add3A_433 : i32
        %mul3A_435 = arith.constant 80 : i32
        %mul3A_436 = arith.muli %add3A_434, %mul3A_435 : i32
        %add3A_437 = arith.addi %mul3A_2, %mul3A_436 : i32
        %dma_wait3A_438 = tpu.memref_slice %arg3[%add3A_437] : memref<320000xi32, #tpu.memory_space<hbm>> -> memref<80xi32, #tpu.memory_space<hbm>>
        %dma_wait3A_439 = tpu.memref_slice %arg3[%add3A_437] : memref<320000xi32, #tpu.memory_space<hbm>> -> memref<80xi32, #tpu.memory_space<hbm>>
        tpu.wait_dma2 semaphore(%arg30 : memref<!tpu.dma_semaphore, #tpu.memory_space<semaphore_mem>>) src(%dma_wait3A_439 : memref<80xi32, #tpu.memory_space<hbm>>) dst(%arg9 : memref<80xi32, #tpu.memory_space<vmem>>)
        %dma_start3A_440 = arith.constant 0 : i32
        %dma_start3A_441 = arith.constant 0 : i32
        %dma_start3A_442 = tpu.memref_slice %arg2[%dma_start3A_440, %dma_start3A_441] : memref<10000x128xf32, #tpu.memory_space<hbm>> -> memref<10000x128xf32, #tpu.memory_space<hbm>>
        tpu.enqueue_indirect_dma source(%dma_start3A_442 : memref<10000x128xf32, #tpu.memory_space<hbm>>) target(%arg25 : memref<80x128xf32, #tpu.memory_space<vmem>>) offsets(%arg9 : memref<80xi32, #tpu.memory_space<vmem>>) semaphore(%arg46 : memref<!tpu.dma_semaphore, #tpu.memory_space<semaphore_mem>>)
      } else {
      }
      %mul3A_425 = arith.constant 80 : i32
      %mul3A_426 = arith.muli %add3A_404, %mul3A_425 : i32
      %add3A_427 = arith.addi %mul3A_2, %mul3A_426 : i32
      %dma_wait3A_428 = tpu.memref_slice %arg4[%add3A_427] : memref<320000xi32, #tpu.memory_space<hbm>> -> memref<80xi32, #tpu.memory_space<hbm>>
      %dma_wait3A_429 = tpu.memref_slice %arg4[%add3A_427] : memref<320000xi32, #tpu.memory_space<hbm>> -> memref<80xi32, #tpu.memory_space<hbm>>
      tpu.wait_dma2 semaphore(%arg43 : memref<!tpu.dma_semaphore, #tpu.memory_space<semaphore_mem>>) src(%dma_wait3A_429 : memref<80xi32, #tpu.memory_space<hbm>>) dst(%arg22 : memref<80xi32, #tpu.memory_space<vmem>>)
      %dma_start3A_430 = arith.constant 0 : i32
      %dma_start3A_431 = arith.constant 0 : i32
      %dma_start3A_432 = tpu.memref_slice %arg27[%dma_start3A_430, %dma_start3A_431] : memref<10000x128xf32, #tpu.memory_space<vmem_shared>> -> memref<10000x128xf32, #tpu.memory_space<vmem_shared>>
      tpu.enqueue_indirect_dma source(%arg26 : memref<80x128xf32, #tpu.memory_space<vmem>>) target(%dma_start3A_432 : memref<10000x128xf32, #tpu.memory_space<vmem_shared>>) offsets(%arg22 : memref<80xi32, #tpu.memory_space<vmem>>) semaphore(%arg49 : memref<!tpu.dma_semaphore, #tpu.memory_space<semaphore_mem>>) {add = true}
    }
    %scan3A_80 = arith.constant 15 : i32
    %dma_wait3A_81 = arith.constant 0 : i32
    %dma_wait3A_82 = arith.constant 0 : i32
    %dma_wait3A_83 = tpu.memref_slice %arg2[%dma_wait3A_81, %dma_wait3A_82] : memref<10000x128xf32, #tpu.memory_space<hbm>> -> memref<10000x128xf32, #tpu.memory_space<hbm>>
    tpu.wait_indirect_dma semaphore(%arg44 : memref<!tpu.dma_semaphore, #tpu.memory_space<semaphore_mem>>) src(%dma_wait3A_83 : memref<10000x128xf32, #tpu.memory_space<hbm>>) dst(%arg23 : memref<80x128xf32, #tpu.memory_space<vmem>>)
    %dma_wait3A_84 = arith.constant 0 : i32
    %dma_wait3A_85 = arith.constant 0 : i32
    %dma_wait3A_86 = tpu.memref_slice %arg27[%dma_wait3A_84, %dma_wait3A_85] : memref<10000x128xf32, #tpu.memory_space<vmem_shared>> -> memref<10000x128xf32, #tpu.memory_space<vmem_shared>>
    tpu.wait_indirect_dma semaphore(%arg49 : memref<!tpu.dma_semaphore, #tpu.memory_space<semaphore_mem>>) src(%arg26 : memref<80x128xf32, #tpu.memory_space<vmem>>) dst(%dma_wait3A_86 : memref<10000x128xf32, #tpu.memory_space<vmem_shared>>)
    %add3A_87 = arith.constant 9840 : i32
    %add3A_88 = arith.addi %mul3A_2, %add3A_87 : i32
    %dma_wait3A_89 = tpu.memref_slice %arg3[%add3A_88] : memref<320000xi32, #tpu.memory_space<hbm>> -> memref<80xi32, #tpu.memory_space<hbm>>
    %dma_wait3A_90 = tpu.memref_slice %arg3[%add3A_88] : memref<320000xi32, #tpu.memory_space<hbm>> -> memref<80xi32, #tpu.memory_space<hbm>>
    tpu.wait_dma2 semaphore(%arg31 : memref<!tpu.dma_semaphore, #tpu.memory_space<semaphore_mem>>) src(%dma_wait3A_90 : memref<80xi32, #tpu.memory_space<hbm>>) dst(%arg10 : memref<80xi32, #tpu.memory_space<vmem>>)
    %dma_start3A_91 = arith.constant 0 : i32
    %dma_start3A_92 = arith.constant 0 : i32
    %dma_start3A_93 = tpu.memref_slice %arg2[%dma_start3A_91, %dma_start3A_92] : memref<10000x128xf32, #tpu.memory_space<hbm>> -> memref<10000x128xf32, #tpu.memory_space<hbm>>
    tpu.enqueue_indirect_dma source(%dma_start3A_93 : memref<10000x128xf32, #tpu.memory_space<hbm>>) target(%arg26 : memref<80x128xf32, #tpu.memory_space<vmem>>) offsets(%arg10 : memref<80xi32, #tpu.memory_space<vmem>>) semaphore(%arg47 : memref<!tpu.dma_semaphore, #tpu.memory_space<semaphore_mem>>)
    %add3A_94 = arith.constant 9600 : i32
    %add3A_95 = arith.addi %mul3A_2, %add3A_94 : i32
    %dma_wait3A_96 = tpu.memref_slice %arg4[%add3A_95] : memref<320000xi32, #tpu.memory_space<hbm>> -> memref<80xi32, #tpu.memory_space<hbm>>
    %dma_wait3A_97 = tpu.memref_slice %arg4[%add3A_95] : memref<320000xi32, #tpu.memory_space<hbm>> -> memref<80xi32, #tpu.memory_space<hbm>>
    tpu.wait_dma2 semaphore(%arg36 : memref<!tpu.dma_semaphore, #tpu.memory_space<semaphore_mem>>) src(%dma_wait3A_97 : memref<80xi32, #tpu.memory_space<hbm>>) dst(%arg15 : memref<80xi32, #tpu.memory_space<vmem>>)
    %dma_start3A_98 = arith.constant 0 : i32
    %dma_start3A_99 = arith.constant 0 : i32
    %dma_start3A_100 = tpu.memref_slice %arg27[%dma_start3A_98, %dma_start3A_99] : memref<10000x128xf32, #tpu.memory_space<vmem_shared>> -> memref<10000x128xf32, #tpu.memory_space<vmem_shared>>
    tpu.enqueue_indirect_dma source(%arg23 : memref<80x128xf32, #tpu.memory_space<vmem>>) target(%dma_start3A_100 : memref<10000x128xf32, #tpu.memory_space<vmem_shared>>) offsets(%arg15 : memref<80xi32, #tpu.memory_space<vmem>>) semaphore(%arg48 : memref<!tpu.dma_semaphore, #tpu.memory_space<semaphore_mem>>) {add = true}
    %dma_wait3A_101 = arith.constant 0 : i32
    %dma_wait3A_102 = arith.constant 0 : i32
    %dma_wait3A_103 = tpu.memref_slice %arg2[%dma_wait3A_101, %dma_wait3A_102] : memref<10000x128xf32, #tpu.memory_space<hbm>> -> memref<10000x128xf32, #tpu.memory_space<hbm>>
    tpu.wait_indirect_dma semaphore(%arg45 : memref<!tpu.dma_semaphore, #tpu.memory_space<semaphore_mem>>) src(%dma_wait3A_103 : memref<10000x128xf32, #tpu.memory_space<hbm>>) dst(%arg24 : memref<80x128xf32, #tpu.memory_space<vmem>>)
    %dma_wait3A_104 = arith.constant 0 : i32
    %dma_wait3A_105 = arith.constant 0 : i32
    %dma_wait3A_106 = tpu.memref_slice %arg27[%dma_wait3A_104, %dma_wait3A_105] : memref<10000x128xf32, #tpu.memory_space<vmem_shared>> -> memref<10000x128xf32, #tpu.memory_space<vmem_shared>>
    tpu.wait_indirect_dma semaphore(%arg48 : memref<!tpu.dma_semaphore, #tpu.memory_space<semaphore_mem>>) src(%arg23 : memref<80x128xf32, #tpu.memory_space<vmem>>) dst(%dma_wait3A_106 : memref<10000x128xf32, #tpu.memory_space<vmem_shared>>)
    %add3A_107 = arith.constant 9920 : i32
    %add3A_108 = arith.addi %mul3A_2, %add3A_107 : i32
    %dma_wait3A_109 = tpu.memref_slice %arg3[%add3A_108] : memref<320000xi32, #tpu.memory_space<hbm>> -> memref<80xi32, #tpu.memory_space<hbm>>
    %dma_wait3A_110 = tpu.memref_slice %arg3[%add3A_108] : memref<320000xi32, #tpu.memory_space<hbm>> -> memref<80xi32, #tpu.memory_space<hbm>>
    tpu.wait_dma2 semaphore(%arg32 : memref<!tpu.dma_semaphore, #tpu.memory_space<semaphore_mem>>) src(%dma_wait3A_110 : memref<80xi32, #tpu.memory_space<hbm>>) dst(%arg11 : memref<80xi32, #tpu.memory_space<vmem>>)
    %dma_start3A_111 = arith.constant 0 : i32
    %dma_start3A_112 = arith.constant 0 : i32
    %dma_start3A_113 = tpu.memref_slice %arg2[%dma_start3A_111, %dma_start3A_112] : memref<10000x128xf32, #tpu.memory_space<hbm>> -> memref<10000x128xf32, #tpu.memory_space<hbm>>
    tpu.enqueue_indirect_dma source(%dma_start3A_113 : memref<10000x128xf32, #tpu.memory_space<hbm>>) target(%arg23 : memref<80x128xf32, #tpu.memory_space<vmem>>) offsets(%arg11 : memref<80xi32, #tpu.memory_space<vmem>>) semaphore(%arg44 : memref<!tpu.dma_semaphore, #tpu.memory_space<semaphore_mem>>)
    %add3A_114 = arith.constant 9680 : i32
    %add3A_115 = arith.addi %mul3A_2, %add3A_114 : i32
    %dma_wait3A_116 = tpu.memref_slice %arg4[%add3A_115] : memref<320000xi32, #tpu.memory_space<hbm>> -> memref<80xi32, #tpu.memory_space<hbm>>
    %dma_wait3A_117 = tpu.memref_slice %arg4[%add3A_115] : memref<320000xi32, #tpu.memory_space<hbm>> -> memref<80xi32, #tpu.memory_space<hbm>>
    tpu.wait_dma2 semaphore(%arg37 : memref<!tpu.dma_semaphore, #tpu.memory_space<semaphore_mem>>) src(%dma_wait3A_117 : memref<80xi32, #tpu.memory_space<hbm>>) dst(%arg16 : memref<80xi32, #tpu.memory_space<vmem>>)
    %dma_start3A_118 = arith.constant 0 : i32
    %dma_start3A_119 = arith.constant 0 : i32
    %dma_start3A_120 = tpu.memref_slice %arg27[%dma_start3A_118, %dma_start3A_119] : memref<10000x128xf32, #tpu.memory_space<vmem_shared>> -> memref<10000x128xf32, #tpu.memory_space<vmem_shared>>
    tpu.enqueue_indirect_dma source(%arg24 : memref<80x128xf32, #tpu.memory_space<vmem>>) target(%dma_start3A_120 : memref<10000x128xf32, #tpu.memory_space<vmem_shared>>) offsets(%arg16 : memref<80xi32, #tpu.memory_space<vmem>>) semaphore(%arg49 : memref<!tpu.dma_semaphore, #tpu.memory_space<semaphore_mem>>) {add = true}
    %dma_wait3A_121 = arith.constant 0 : i32
    %dma_wait3A_122 = arith.constant 0 : i32
    %dma_wait3A_123 = tpu.memref_slice %arg2[%dma_wait3A_121, %dma_wait3A_122] : memref<10000x128xf32, #tpu.memory_space<hbm>> -> memref<10000x128xf32, #tpu.memory_space<hbm>>
    tpu.wait_indirect_dma semaphore(%arg46 : memref<!tpu.dma_semaphore, #tpu.memory_space<semaphore_mem>>) src(%dma_wait3A_123 : memref<10000x128xf32, #tpu.memory_space<hbm>>) dst(%arg25 : memref<80x128xf32, #tpu.memory_space<vmem>>)
    %dma_wait3A_124 = arith.constant 0 : i32
    %dma_wait3A_125 = arith.constant 0 : i32
    %dma_wait3A_126 = tpu.memref_slice %arg27[%dma_wait3A_124, %dma_wait3A_125] : memref<10000x128xf32, #tpu.memory_space<vmem_shared>> -> memref<10000x128xf32, #tpu.memory_space<vmem_shared>>
    tpu.wait_indirect_dma semaphore(%arg49 : memref<!tpu.dma_semaphore, #tpu.memory_space<semaphore_mem>>) src(%arg24 : memref<80x128xf32, #tpu.memory_space<vmem>>) dst(%dma_wait3A_126 : memref<10000x128xf32, #tpu.memory_space<vmem_shared>>)
    %add3A_127 = arith.constant 9760 : i32
    %add3A_128 = arith.addi %mul3A_2, %add3A_127 : i32
    %dma_wait3A_129 = tpu.memref_slice %arg4[%add3A_128] : memref<320000xi32, #tpu.memory_space<hbm>> -> memref<80xi32, #tpu.memory_space<hbm>>
    %dma_wait3A_130 = tpu.memref_slice %arg4[%add3A_128] : memref<320000xi32, #tpu.memory_space<hbm>> -> memref<80xi32, #tpu.memory_space<hbm>>
    tpu.wait_dma2 semaphore(%arg38 : memref<!tpu.dma_semaphore, #tpu.memory_space<semaphore_mem>>) src(%dma_wait3A_130 : memref<80xi32, #tpu.memory_space<hbm>>) dst(%arg17 : memref<80xi32, #tpu.memory_space<vmem>>)
    %dma_start3A_131 = arith.constant 0 : i32
    %dma_start3A_132 = arith.constant 0 : i32
    %dma_start3A_133 = tpu.memref_slice %arg27[%dma_start3A_131, %dma_start3A_132] : memref<10000x128xf32, #tpu.memory_space<vmem_shared>> -> memref<10000x128xf32, #tpu.memory_space<vmem_shared>>
    tpu.enqueue_indirect_dma source(%arg25 : memref<80x128xf32, #tpu.memory_space<vmem>>) target(%dma_start3A_133 : memref<10000x128xf32, #tpu.memory_space<vmem_shared>>) offsets(%arg17 : memref<80xi32, #tpu.memory_space<vmem>>) semaphore(%arg48 : memref<!tpu.dma_semaphore, #tpu.memory_space<semaphore_mem>>) {add = true}
    %dma_wait3A_134 = arith.constant 0 : i32
    %dma_wait3A_135 = arith.constant 0 : i32
    %dma_wait3A_136 = tpu.memref_slice %arg2[%dma_wait3A_134, %dma_wait3A_135] : memref<10000x128xf32, #tpu.memory_space<hbm>> -> memref<10000x128xf32, #tpu.memory_space<hbm>>
    tpu.wait_indirect_dma semaphore(%arg47 : memref<!tpu.dma_semaphore, #tpu.memory_space<semaphore_mem>>) src(%dma_wait3A_136 : memref<10000x128xf32, #tpu.memory_space<hbm>>) dst(%arg26 : memref<80x128xf32, #tpu.memory_space<vmem>>)
    %dma_wait3A_137 = arith.constant 0 : i32
    %dma_wait3A_138 = arith.constant 0 : i32
    %dma_wait3A_139 = tpu.memref_slice %arg27[%dma_wait3A_137, %dma_wait3A_138] : memref<10000x128xf32, #tpu.memory_space<vmem_shared>> -> memref<10000x128xf32, #tpu.memory_space<vmem_shared>>
    tpu.wait_indirect_dma semaphore(%arg48 : memref<!tpu.dma_semaphore, #tpu.memory_space<semaphore_mem>>) src(%arg25 : memref<80x128xf32, #tpu.memory_space<vmem>>) dst(%dma_wait3A_139 : memref<10000x128xf32, #tpu.memory_space<vmem_shared>>)
    %add3A_140 = arith.constant 9840 : i32
    %add3A_141 = arith.addi %mul3A_2, %add3A_140 : i32
    %dma_wait3A_142 = tpu.memref_slice %arg4[%add3A_141] : memref<320000xi32, #tpu.memory_space<hbm>> -> memref<80xi32, #tpu.memory_space<hbm>>
    %dma_wait3A_143 = tpu.memref_slice %arg4[%add3A_141] : memref<320000xi32, #tpu.memory_space<hbm>> -> memref<80xi32, #tpu.memory_space<hbm>>
    tpu.wait_dma2 semaphore(%arg39 : memref<!tpu.dma_semaphore, #tpu.memory_space<semaphore_mem>>) src(%dma_wait3A_143 : memref<80xi32, #tpu.memory_space<hbm>>) dst(%arg18 : memref<80xi32, #tpu.memory_space<vmem>>)
    %dma_start3A_144 = arith.constant 0 : i32
    %dma_start3A_145 = arith.constant 0 : i32
    %dma_start3A_146 = tpu.memref_slice %arg27[%dma_start3A_144, %dma_start3A_145] : memref<10000x128xf32, #tpu.memory_space<vmem_shared>> -> memref<10000x128xf32, #tpu.memory_space<vmem_shared>>
    tpu.enqueue_indirect_dma source(%arg26 : memref<80x128xf32, #tpu.memory_space<vmem>>) target(%dma_start3A_146 : memref<10000x128xf32, #tpu.memory_space<vmem_shared>>) offsets(%arg18 : memref<80xi32, #tpu.memory_space<vmem>>) semaphore(%arg49 : memref<!tpu.dma_semaphore, #tpu.memory_space<semaphore_mem>>) {add = true}
    %dma_wait3A_147 = arith.constant 0 : i32
    %dma_wait3A_148 = arith.constant 0 : i32
    %dma_wait3A_149 = tpu.memref_slice %arg2[%dma_wait3A_147, %dma_wait3A_148] : memref<10000x128xf32, #tpu.memory_space<hbm>> -> memref<10000x128xf32, #tpu.memory_space<hbm>>
    tpu.wait_indirect_dma semaphore(%arg44 : memref<!tpu.dma_semaphore, #tpu.memory_space<semaphore_mem>>) src(%dma_wait3A_149 : memref<10000x128xf32, #tpu.memory_space<hbm>>) dst(%arg23 : memref<80x128xf32, #tpu.memory_space<vmem>>)
    %dma_wait3A_150 = arith.constant 0 : i32
    %dma_wait3A_151 = arith.constant 0 : i32
    %dma_wait3A_152 = tpu.memref_slice %arg27[%dma_wait3A_150, %dma_wait3A_151] : memref<10000x128xf32, #tpu.memory_space<vmem_shared>> -> memref<10000x128xf32, #tpu.memory_space<vmem_shared>>
    tpu.wait_indirect_dma semaphore(%arg49 : memref<!tpu.dma_semaphore, #tpu.memory_space<semaphore_mem>>) src(%arg26 : memref<80x128xf32, #tpu.memory_space<vmem>>) dst(%dma_wait3A_152 : memref<10000x128xf32, #tpu.memory_space<vmem_shared>>)
    %add3A_153 = arith.constant 9920 : i32
    %add3A_154 = arith.addi %mul3A_2, %add3A_153 : i32
    %dma_wait3A_155 = tpu.memref_slice %arg4[%add3A_154] : memref<320000xi32, #tpu.memory_space<hbm>> -> memref<80xi32, #tpu.memory_space<hbm>>
    %dma_wait3A_156 = tpu.memref_slice %arg4[%add3A_154] : memref<320000xi32, #tpu.memory_space<hbm>> -> memref<80xi32, #tpu.memory_space<hbm>>
    tpu.wait_dma2 semaphore(%arg40 : memref<!tpu.dma_semaphore, #tpu.memory_space<semaphore_mem>>) src(%dma_wait3A_156 : memref<80xi32, #tpu.memory_space<hbm>>) dst(%arg19 : memref<80xi32, #tpu.memory_space<vmem>>)
    %dma_start3A_157 = arith.constant 0 : i32
    %dma_start3A_158 = arith.constant 0 : i32
    %dma_start3A_159 = tpu.memref_slice %arg27[%dma_start3A_157, %dma_start3A_158] : memref<10000x128xf32, #tpu.memory_space<vmem_shared>> -> memref<10000x128xf32, #tpu.memory_space<vmem_shared>>
    tpu.enqueue_indirect_dma source(%arg23 : memref<80x128xf32, #tpu.memory_space<vmem>>) target(%dma_start3A_159 : memref<10000x128xf32, #tpu.memory_space<vmem_shared>>) offsets(%arg19 : memref<80xi32, #tpu.memory_space<vmem>>) semaphore(%arg48 : memref<!tpu.dma_semaphore, #tpu.memory_space<semaphore_mem>>) {add = true}
    %dma_wait3A_160 = arith.constant 0 : i32
    %dma_wait3A_161 = arith.constant 0 : i32
    %dma_wait3A_162 = tpu.memref_slice %arg27[%dma_wait3A_160, %dma_wait3A_161] : memref<10000x128xf32, #tpu.memory_space<vmem_shared>> -> memref<10000x128xf32, #tpu.memory_space<vmem_shared>>
    tpu.wait_indirect_dma semaphore(%arg48 : memref<!tpu.dma_semaphore, #tpu.memory_space<semaphore_mem>>) src(%arg23 : memref<80x128xf32, #tpu.memory_space<vmem>>) dst(%dma_wait3A_162 : memref<10000x128xf32, #tpu.memory_space<vmem_shared>>)
    %barrier3A_163 = arith.constant 0 : index
    tpu.barrier barrier_id(%barrier3A_163)
    %mul3A_164 = arith.constant 624 : i32
    %mul3A_165 = arith.muli %arg1, %mul3A_164 : i32
    %mul3A_166 = arith.constant 10000 : i32
    %mul3A_167 = arith.muli %arg0, %mul3A_166 : i32
    %mul3A_168 = arith.constant 624 : i32
    %mul3A_169 = arith.muli %arg1, %mul3A_168 : i32
    %add3A_170 = arith.addi %mul3A_167, %mul3A_169 : i32
    "tpu.region"() ({
      %run_scoped3A = tpu.sem_alloc : memref<!tpu.dma_semaphore, #tpu.memory_space<semaphore_mem>>
      %dma_start3A_176 = arith.constant 0 : i32
      %dma_start3A_177 = tpu.memref_slice %arg6[%add3A_170, %dma_start3A_176] : memref<20000x128xf32, #tpu.memory_space<hbm>> -> memref<624x128xf32, #tpu.memory_space<hbm>>
      %dma_start3A_178 = arith.constant 0 : i32
      %dma_start3A_179 = tpu.memref_slice %arg27[%mul3A_165, %dma_start3A_178] : memref<10000x128xf32, #tpu.memory_space<vmem_shared>> -> memref<624x128xf32, #tpu.memory_space<vmem_shared>>
      tpu.enqueue_dma source(%dma_start3A_179 : memref<624x128xf32, #tpu.memory_space<vmem_shared>>) target(%dma_start3A_177 : memref<624x128xf32, #tpu.memory_space<hbm>>) target_semaphore(%run_scoped3A : memref<!tpu.dma_semaphore, #tpu.memory_space<semaphore_mem>>)
      %dma_wait3A_180 = arith.constant 0 : i32
      %dma_wait3A_181 = tpu.memref_slice %arg6[%add3A_170, %dma_wait3A_180] : memref<20000x128xf32, #tpu.memory_space<hbm>> -> memref<624x128xf32, #tpu.memory_space<hbm>>
      %dma_wait3A_182 = arith.constant 0 : i32
      %dma_wait3A_183 = tpu.memref_slice %arg27[%mul3A_165, %dma_wait3A_182] : memref<10000x128xf32, #tpu.memory_space<vmem_shared>> -> memref<624x128xf32, #tpu.memory_space<vmem_shared>>
      tpu.wait_dma2 semaphore(%run_scoped3A : memref<!tpu.dma_semaphore, #tpu.memory_space<semaphore_mem>>) src(%dma_wait3A_183 : memref<624x128xf32, #tpu.memory_space<vmem_shared>>) dst(%dma_wait3A_181 : memref<624x128xf32, #tpu.memory_space<hbm>>)
      tpu.yield
    }) : () -> ()
    %eq3A_171 = arith.constant 15 : i32
    %eq3A_172 = arith.cmpi eq, %arg1, %eq3A_171 : i32
    %convert_element_type3A_173 = arith.extui %eq3A_172 : i1 to i32
    %cond3A_174 = arith.constant 0 : i32
    %cond3A_175 = arith.cmpi ne, %convert_element_type3A_173, %cond3A_174 : i32
    scf.if %cond3A_175 {
      %mul3A_176 = arith.constant 10000 : i32
      %mul3A_177 = arith.muli %arg0, %mul3A_176 : i32
      %add3A_178 = arith.constant 9984 : i32
      %add3A_179 = arith.addi %mul3A_177, %add3A_178 : i32
      "tpu.region"() ({
        %run_scoped3A = tpu.sem_alloc : memref<!tpu.dma_semaphore, #tpu.memory_space<semaphore_mem>>
        %dma_start3A_180 = arith.constant 0 : i32
        %dma_start3A_181 = tpu.memref_slice %arg6[%add3A_179, %dma_start3A_180] : memref<20000x128xf32, #tpu.memory_space<hbm>> -> memref<16x128xf32, #tpu.memory_space<hbm>>
        %dma_start3A_182 = arith.constant 9984 : i32
        %dma_start3A_183 = arith.constant 0 : i32
        %dma_start3A_184 = tpu.memref_slice %arg27[%dma_start3A_182, %dma_start3A_183] : memref<10000x128xf32, #tpu.memory_space<vmem_shared>> -> memref<16x128xf32, #tpu.memory_space<vmem_shared>>
        tpu.enqueue_dma source(%dma_start3A_184 : memref<16x128xf32, #tpu.memory_space<vmem_shared>>) target(%dma_start3A_181 : memref<16x128xf32, #tpu.memory_space<hbm>>) target_semaphore(%run_scoped3A : memref<!tpu.dma_semaphore, #tpu.memory_space<semaphore_mem>>)
        %dma_wait3A_185 = arith.constant 0 : i32
        %dma_wait3A_186 = tpu.memref_slice %arg6[%add3A_179, %dma_wait3A_185] : memref<20000x128xf32, #tpu.memory_space<hbm>> -> memref<16x128xf32, #tpu.memory_space<hbm>>
        %dma_wait3A_187 = arith.constant 9984 : i32
        %dma_wait3A_188 = arith.constant 0 : i32
        %dma_wait3A_189 = tpu.memref_slice %arg27[%dma_wait3A_187, %dma_wait3A_188] : memref<10000x128xf32, #tpu.memory_space<vmem_shared>> -> memref<16x128xf32, #tpu.memory_space<vmem_shared>>
        tpu.wait_dma2 semaphore(%run_scoped3A : memref<!tpu.dma_semaphore, #tpu.memory_space<semaphore_mem>>) src(%dma_wait3A_189 : memref<16x128xf32, #tpu.memory_space<vmem_shared>>) dst(%dma_wait3A_186 : memref<16x128xf32, #tpu.memory_space<hbm>>)
        tpu.yield
      }) : () -> ()
    } else {
    }
    return
  }
}

#map = affine_map<(d0, d1) -> (0, 0)>
#map1 = affine_map<(d0, d1) -> (0)>
module attributes {stable_mosaic.version = 14 : i64} {
  func.func @sc_agg(%arg0: i32, %arg1: i32, %arg2: memref<20000x128xf32, #tpu.memory_space<hbm>>, %arg3: memref<640000xi32, #tpu.memory_space<hbm>>, %arg4: memref<320000xi32, #tpu.memory_space<hbm>>, %arg5: memref<10000x128xf32, #tpu.memory_space<hbm>>, %arg6: memref<20000x128xf32, #tpu.memory_space<hbm>>, %arg7: memref<80xi32, #tpu.memory_space<vmem>>, %arg8: memref<80xi32, #tpu.memory_space<vmem>>, %arg9: memref<80xi32, #tpu.memory_space<vmem>>, %arg10: memref<80xi32, #tpu.memory_space<vmem>>, %arg11: memref<80xi32, #tpu.memory_space<vmem>>, %arg12: memref<80xi32, #tpu.memory_space<vmem>>, %arg13: memref<80xi32, #tpu.memory_space<vmem>>, %arg14: memref<80xi32, #tpu.memory_space<vmem>>, %arg15: memref<80xi32, #tpu.memory_space<vmem>>, %arg16: memref<80xi32, #tpu.memory_space<vmem>>, %arg17: memref<80xi32, #tpu.memory_space<vmem>>, %arg18: memref<80xi32, #tpu.memory_space<vmem>>, %arg19: memref<80xi32, #tpu.memory_space<vmem>>, %arg20: memref<80xi32, #tpu.memory_space<vmem>>, %arg21: memref<80xi32, #tpu.memory_space<vmem>>, %arg22: memref<80xi32, #tpu.memory_space<vmem>>, %arg23: memref<80x128xf32, #tpu.memory_space<vmem>>, %arg24: memref<80x128xf32, #tpu.memory_space<vmem>>, %arg25: memref<80x128xf32, #tpu.memory_space<vmem>>, %arg26: memref<80x128xf32, #tpu.memory_space<vmem>>, %arg27: memref<10000x128xf32, #tpu.memory_space<vmem_shared>>, %arg28: memref<!tpu.dma_semaphore, #tpu.memory_space<semaphore_mem>>, %arg29: memref<!tpu.dma_semaphore, #tpu.memory_space<semaphore_mem>>, %arg30: memref<!tpu.dma_semaphore, #tpu.memory_space<semaphore_mem>>, %arg31: memref<!tpu.dma_semaphore, #tpu.memory_space<semaphore_mem>>, %arg32: memref<!tpu.dma_semaphore, #tpu.memory_space<semaphore_mem>>, %arg33: memref<!tpu.dma_semaphore, #tpu.memory_space<semaphore_mem>>, %arg34: memref<!tpu.dma_semaphore, #tpu.memory_space<semaphore_mem>>, %arg35: memref<!tpu.dma_semaphore, #tpu.memory_space<semaphore_mem>>, %arg36: memref<!tpu.dma_semaphore, #tpu.memory_space<semaphore_mem>>, %arg37: memref<!tpu.dma_semaphore, #tpu.memory_space<semaphore_mem>>, %arg38: memref<!tpu.dma_semaphore, #tpu.memory_space<semaphore_mem>>, %arg39: memref<!tpu.dma_semaphore, #tpu.memory_space<semaphore_mem>>, %arg40: memref<!tpu.dma_semaphore, #tpu.memory_space<semaphore_mem>>, %arg41: memref<!tpu.dma_semaphore, #tpu.memory_space<semaphore_mem>>, %arg42: memref<!tpu.dma_semaphore, #tpu.memory_space<semaphore_mem>>, %arg43: memref<!tpu.dma_semaphore, #tpu.memory_space<semaphore_mem>>, %arg44: memref<!tpu.dma_semaphore, #tpu.memory_space<semaphore_mem>>, %arg45: memref<!tpu.dma_semaphore, #tpu.memory_space<semaphore_mem>>, %arg46: memref<!tpu.dma_semaphore, #tpu.memory_space<semaphore_mem>>, %arg47: memref<!tpu.dma_semaphore, #tpu.memory_space<semaphore_mem>>, %arg48: memref<!tpu.dma_semaphore, #tpu.memory_space<semaphore_mem>>, %arg49: memref<!tpu.dma_semaphore, #tpu.memory_space<semaphore_mem>>) attributes {dimension_semantics = [#tpu.dimension_semantics<core_parallel>, #tpu.dimension_semantics<subcore_parallel>], iteration_bounds = array<i64: 2, 16>, scalar_prefetch = 0 : i64, scratch_operands = 43 : i64, tpu.core_type = #tpu.core_type<sc_vector_subcore>, window_params = [{transform_indices = #map}, {transform_indices = #map1}, {transform_indices = #map1}, {transform_indices = #map}, {transform_indices = #map}]} {
    %mul3A = arith.constant 320000 : i32
    %mul3A_0 = arith.muli %arg0, %mul3A : i32
    %mul3A_1 = arith.constant 20000 : i32
    %mul3A_2 = arith.muli %arg1, %mul3A_1 : i32
    %add3A = arith.addi %mul3A_0, %mul3A_2 : i32
    %mul3A_3 = arith.constant 20000 : i32
    %mul3A_4 = arith.muli %arg1, %mul3A_3 : i32
    %add3A_5 = arith.constant 0 : i32
    %add3A_6 = arith.addi %add3A, %add3A_5 : i32
    %dma_start3A = tpu.memref_slice %arg3[%add3A_6] : memref<640000xi32, #tpu.memory_space<hbm>> -> memref<80xi32, #tpu.memory_space<hbm>>
    %dma_start3A_7 = tpu.memref_slice %arg3[%add3A_6] : memref<640000xi32, #tpu.memory_space<hbm>> -> memref<80xi32, #tpu.memory_space<hbm>>
    tpu.enqueue_dma source(%dma_start3A_7 : memref<80xi32, #tpu.memory_space<hbm>>) target(%arg7 : memref<80xi32, #tpu.memory_space<vmem>>) target_semaphore(%arg28 : memref<!tpu.dma_semaphore, #tpu.memory_space<semaphore_mem>>)
    %add3A_8 = arith.constant 0 : i32
    %add3A_9 = arith.addi %mul3A_4, %add3A_8 : i32
    %dma_start3A_10 = tpu.memref_slice %arg4[%add3A_9] : memref<320000xi32, #tpu.memory_space<hbm>> -> memref<80xi32, #tpu.memory_space<hbm>>
    %dma_start3A_11 = tpu.memref_slice %arg4[%add3A_9] : memref<320000xi32, #tpu.memory_space<hbm>> -> memref<80xi32, #tpu.memory_space<hbm>>
    tpu.enqueue_dma source(%dma_start3A_11 : memref<80xi32, #tpu.memory_space<hbm>>) target(%arg15 : memref<80xi32, #tpu.memory_space<vmem>>) target_semaphore(%arg36 : memref<!tpu.dma_semaphore, #tpu.memory_space<semaphore_mem>>)
    %add3A_12 = arith.constant 80 : i32
    %add3A_13 = arith.addi %add3A, %add3A_12 : i32
    %dma_start3A_14 = tpu.memref_slice %arg3[%add3A_13] : memref<640000xi32, #tpu.memory_space<hbm>> -> memref<80xi32, #tpu.memory_space<hbm>>
    %dma_start3A_15 = tpu.memref_slice %arg3[%add3A_13] : memref<640000xi32, #tpu.memory_space<hbm>> -> memref<80xi32, #tpu.memory_space<hbm>>
    tpu.enqueue_dma source(%dma_start3A_15 : memref<80xi32, #tpu.memory_space<hbm>>) target(%arg8 : memref<80xi32, #tpu.memory_space<vmem>>) target_semaphore(%arg29 : memref<!tpu.dma_semaphore, #tpu.memory_space<semaphore_mem>>)
    %add3A_16 = arith.constant 80 : i32
    %add3A_17 = arith.addi %mul3A_4, %add3A_16 : i32
    %dma_start3A_18 = tpu.memref_slice %arg4[%add3A_17] : memref<320000xi32, #tpu.memory_space<hbm>> -> memref<80xi32, #tpu.memory_space<hbm>>
    %dma_start3A_19 = tpu.memref_slice %arg4[%add3A_17] : memref<320000xi32, #tpu.memory_space<hbm>> -> memref<80xi32, #tpu.memory_space<hbm>>
    tpu.enqueue_dma source(%dma_start3A_19 : memref<80xi32, #tpu.memory_space<hbm>>) target(%arg16 : memref<80xi32, #tpu.memory_space<vmem>>) target_semaphore(%arg37 : memref<!tpu.dma_semaphore, #tpu.memory_space<semaphore_mem>>)
    %add3A_20 = arith.constant 160 : i32
    %add3A_21 = arith.addi %add3A, %add3A_20 : i32
    %dma_start3A_22 = tpu.memref_slice %arg3[%add3A_21] : memref<640000xi32, #tpu.memory_space<hbm>> -> memref<80xi32, #tpu.memory_space<hbm>>
    %dma_start3A_23 = tpu.memref_slice %arg3[%add3A_21] : memref<640000xi32, #tpu.memory_space<hbm>> -> memref<80xi32, #tpu.memory_space<hbm>>
    tpu.enqueue_dma source(%dma_start3A_23 : memref<80xi32, #tpu.memory_space<hbm>>) target(%arg9 : memref<80xi32, #tpu.memory_space<vmem>>) target_semaphore(%arg30 : memref<!tpu.dma_semaphore, #tpu.memory_space<semaphore_mem>>)
    %add3A_24 = arith.constant 160 : i32
    %add3A_25 = arith.addi %mul3A_4, %add3A_24 : i32
    %dma_start3A_26 = tpu.memref_slice %arg4[%add3A_25] : memref<320000xi32, #tpu.memory_space<hbm>> -> memref<80xi32, #tpu.memory_space<hbm>>
    %dma_start3A_27 = tpu.memref_slice %arg4[%add3A_25] : memref<320000xi32, #tpu.memory_space<hbm>> -> memref<80xi32, #tpu.memory_space<hbm>>
    tpu.enqueue_dma source(%dma_start3A_27 : memref<80xi32, #tpu.memory_space<hbm>>) target(%arg17 : memref<80xi32, #tpu.memory_space<vmem>>) target_semaphore(%arg38 : memref<!tpu.dma_semaphore, #tpu.memory_space<semaphore_mem>>)
    %add3A_28 = arith.constant 240 : i32
    %add3A_29 = arith.addi %add3A, %add3A_28 : i32
    %dma_start3A_30 = tpu.memref_slice %arg3[%add3A_29] : memref<640000xi32, #tpu.memory_space<hbm>> -> memref<80xi32, #tpu.memory_space<hbm>>
    %dma_start3A_31 = tpu.memref_slice %arg3[%add3A_29] : memref<640000xi32, #tpu.memory_space<hbm>> -> memref<80xi32, #tpu.memory_space<hbm>>
    tpu.enqueue_dma source(%dma_start3A_31 : memref<80xi32, #tpu.memory_space<hbm>>) target(%arg10 : memref<80xi32, #tpu.memory_space<vmem>>) target_semaphore(%arg31 : memref<!tpu.dma_semaphore, #tpu.memory_space<semaphore_mem>>)
    %add3A_32 = arith.constant 240 : i32
    %add3A_33 = arith.addi %mul3A_4, %add3A_32 : i32
    %dma_start3A_34 = tpu.memref_slice %arg4[%add3A_33] : memref<320000xi32, #tpu.memory_space<hbm>> -> memref<80xi32, #tpu.memory_space<hbm>>
    %dma_start3A_35 = tpu.memref_slice %arg4[%add3A_33] : memref<320000xi32, #tpu.memory_space<hbm>> -> memref<80xi32, #tpu.memory_space<hbm>>
    tpu.enqueue_dma source(%dma_start3A_35 : memref<80xi32, #tpu.memory_space<hbm>>) target(%arg18 : memref<80xi32, #tpu.memory_space<vmem>>) target_semaphore(%arg39 : memref<!tpu.dma_semaphore, #tpu.memory_space<semaphore_mem>>)
    %add3A_36 = arith.constant 320 : i32
    %add3A_37 = arith.addi %add3A, %add3A_36 : i32
    %dma_start3A_38 = tpu.memref_slice %arg3[%add3A_37] : memref<640000xi32, #tpu.memory_space<hbm>> -> memref<80xi32, #tpu.memory_space<hbm>>
    %dma_start3A_39 = tpu.memref_slice %arg3[%add3A_37] : memref<640000xi32, #tpu.memory_space<hbm>> -> memref<80xi32, #tpu.memory_space<hbm>>
    tpu.enqueue_dma source(%dma_start3A_39 : memref<80xi32, #tpu.memory_space<hbm>>) target(%arg11 : memref<80xi32, #tpu.memory_space<vmem>>) target_semaphore(%arg32 : memref<!tpu.dma_semaphore, #tpu.memory_space<semaphore_mem>>)
    %add3A_40 = arith.constant 320 : i32
    %add3A_41 = arith.addi %mul3A_4, %add3A_40 : i32
    %dma_start3A_42 = tpu.memref_slice %arg4[%add3A_41] : memref<320000xi32, #tpu.memory_space<hbm>> -> memref<80xi32, #tpu.memory_space<hbm>>
    %dma_start3A_43 = tpu.memref_slice %arg4[%add3A_41] : memref<320000xi32, #tpu.memory_space<hbm>> -> memref<80xi32, #tpu.memory_space<hbm>>
    tpu.enqueue_dma source(%dma_start3A_43 : memref<80xi32, #tpu.memory_space<hbm>>) target(%arg19 : memref<80xi32, #tpu.memory_space<vmem>>) target_semaphore(%arg40 : memref<!tpu.dma_semaphore, #tpu.memory_space<semaphore_mem>>)
    %add3A_44 = arith.constant 400 : i32
    %add3A_45 = arith.addi %add3A, %add3A_44 : i32
    %dma_start3A_46 = tpu.memref_slice %arg3[%add3A_45] : memref<640000xi32, #tpu.memory_space<hbm>> -> memref<80xi32, #tpu.memory_space<hbm>>
    %dma_start3A_47 = tpu.memref_slice %arg3[%add3A_45] : memref<640000xi32, #tpu.memory_space<hbm>> -> memref<80xi32, #tpu.memory_space<hbm>>
    tpu.enqueue_dma source(%dma_start3A_47 : memref<80xi32, #tpu.memory_space<hbm>>) target(%arg12 : memref<80xi32, #tpu.memory_space<vmem>>) target_semaphore(%arg33 : memref<!tpu.dma_semaphore, #tpu.memory_space<semaphore_mem>>)
    %add3A_48 = arith.constant 400 : i32
    %add3A_49 = arith.addi %mul3A_4, %add3A_48 : i32
    %dma_start3A_50 = tpu.memref_slice %arg4[%add3A_49] : memref<320000xi32, #tpu.memory_space<hbm>> -> memref<80xi32, #tpu.memory_space<hbm>>
    %dma_start3A_51 = tpu.memref_slice %arg4[%add3A_49] : memref<320000xi32, #tpu.memory_space<hbm>> -> memref<80xi32, #tpu.memory_space<hbm>>
    tpu.enqueue_dma source(%dma_start3A_51 : memref<80xi32, #tpu.memory_space<hbm>>) target(%arg20 : memref<80xi32, #tpu.memory_space<vmem>>) target_semaphore(%arg41 : memref<!tpu.dma_semaphore, #tpu.memory_space<semaphore_mem>>)
    %mul3A_52 = arith.constant 624 : i32
    %mul3A_53 = arith.muli %arg1, %mul3A_52 : i32
    %mul3A_54 = arith.constant 624 : i32
    %mul3A_55 = arith.muli %arg1, %mul3A_54 : i32
    "tpu.region"() ({
      %run_scoped3A = tpu.sem_alloc : memref<!tpu.dma_semaphore, #tpu.memory_space<semaphore_mem>>
      %dma_start3A_125 = arith.constant 0 : i32
      %dma_start3A_126 = tpu.memref_slice %arg27[%mul3A_55, %dma_start3A_125] : memref<10000x128xf32, #tpu.memory_space<vmem_shared>> -> memref<624x128xf32, #tpu.memory_space<vmem_shared>>
      %dma_start3A_127 = arith.constant 0 : i32
      %dma_start3A_128 = tpu.memref_slice %arg5[%mul3A_53, %dma_start3A_127] : memref<10000x128xf32, #tpu.memory_space<hbm>> -> memref<624x128xf32, #tpu.memory_space<hbm>>
      tpu.enqueue_dma source(%dma_start3A_128 : memref<624x128xf32, #tpu.memory_space<hbm>>) target(%dma_start3A_126 : memref<624x128xf32, #tpu.memory_space<vmem_shared>>) target_semaphore(%run_scoped3A : memref<!tpu.dma_semaphore, #tpu.memory_space<semaphore_mem>>)
      %dma_wait3A_129 = arith.constant 0 : i32
      %dma_wait3A_130 = tpu.memref_slice %arg27[%mul3A_55, %dma_wait3A_129] : memref<10000x128xf32, #tpu.memory_space<vmem_shared>> -> memref<624x128xf32, #tpu.memory_space<vmem_shared>>
      %dma_wait3A_131 = arith.constant 0 : i32
      %dma_wait3A_132 = tpu.memref_slice %arg5[%mul3A_53, %dma_wait3A_131] : memref<10000x128xf32, #tpu.memory_space<hbm>> -> memref<624x128xf32, #tpu.memory_space<hbm>>
      tpu.wait_dma2 semaphore(%run_scoped3A : memref<!tpu.dma_semaphore, #tpu.memory_space<semaphore_mem>>) src(%dma_wait3A_132 : memref<624x128xf32, #tpu.memory_space<hbm>>) dst(%dma_wait3A_130 : memref<624x128xf32, #tpu.memory_space<vmem_shared>>)
      tpu.yield
    }) : () -> ()
    %eq3A = arith.constant 15 : i32
    %eq3A_56 = arith.cmpi eq, %arg1, %eq3A : i32
    %convert_element_type3A = arith.extui %eq3A_56 : i1 to i32
    %cond3A = arith.constant 0 : i32
    %cond3A_57 = arith.cmpi ne, %convert_element_type3A, %cond3A : i32
    scf.if %cond3A_57 {
      "tpu.region"() ({
        %run_scoped3A = tpu.sem_alloc : memref<!tpu.dma_semaphore, #tpu.memory_space<semaphore_mem>>
        %dma_start3A_125 = arith.constant 9984 : i32
        %dma_start3A_126 = arith.constant 0 : i32
        %dma_start3A_127 = tpu.memref_slice %arg27[%dma_start3A_125, %dma_start3A_126] : memref<10000x128xf32, #tpu.memory_space<vmem_shared>> -> memref<16x128xf32, #tpu.memory_space<vmem_shared>>
        %dma_start3A_128 = arith.constant 9984 : i32
        %dma_start3A_129 = arith.constant 0 : i32
        %dma_start3A_130 = tpu.memref_slice %arg5[%dma_start3A_128, %dma_start3A_129] : memref<10000x128xf32, #tpu.memory_space<hbm>> -> memref<16x128xf32, #tpu.memory_space<hbm>>
        tpu.enqueue_dma source(%dma_start3A_130 : memref<16x128xf32, #tpu.memory_space<hbm>>) target(%dma_start3A_127 : memref<16x128xf32, #tpu.memory_space<vmem_shared>>) target_semaphore(%run_scoped3A : memref<!tpu.dma_semaphore, #tpu.memory_space<semaphore_mem>>)
        %dma_wait3A_131 = arith.constant 9984 : i32
        %dma_wait3A_132 = arith.constant 0 : i32
        %dma_wait3A_133 = tpu.memref_slice %arg27[%dma_wait3A_131, %dma_wait3A_132] : memref<10000x128xf32, #tpu.memory_space<vmem_shared>> -> memref<16x128xf32, #tpu.memory_space<vmem_shared>>
        %dma_wait3A_134 = arith.constant 9984 : i32
        %dma_wait3A_135 = arith.constant 0 : i32
        %dma_wait3A_136 = tpu.memref_slice %arg5[%dma_wait3A_134, %dma_wait3A_135] : memref<10000x128xf32, #tpu.memory_space<hbm>> -> memref<16x128xf32, #tpu.memory_space<hbm>>
        tpu.wait_dma2 semaphore(%run_scoped3A : memref<!tpu.dma_semaphore, #tpu.memory_space<semaphore_mem>>) src(%dma_wait3A_136 : memref<16x128xf32, #tpu.memory_space<hbm>>) dst(%dma_wait3A_133 : memref<16x128xf32, #tpu.memory_space<vmem_shared>>)
        tpu.yield
      }) : () -> ()
    } else {
    }
    %add3A_58 = arith.constant 0 : i32
    %add3A_59 = arith.addi %add3A, %add3A_58 : i32
    %dma_wait3A = tpu.memref_slice %arg3[%add3A_59] : memref<640000xi32, #tpu.memory_space<hbm>> -> memref<80xi32, #tpu.memory_space<hbm>>
    %dma_wait3A_60 = tpu.memref_slice %arg3[%add3A_59] : memref<640000xi32, #tpu.memory_space<hbm>> -> memref<80xi32, #tpu.memory_space<hbm>>
    tpu.wait_dma2 semaphore(%arg28 : memref<!tpu.dma_semaphore, #tpu.memory_space<semaphore_mem>>) src(%dma_wait3A_60 : memref<80xi32, #tpu.memory_space<hbm>>) dst(%arg7 : memref<80xi32, #tpu.memory_space<vmem>>)
    %dma_start3A_61 = arith.constant 0 : i32
    %dma_start3A_62 = arith.constant 0 : i32
    %dma_start3A_63 = tpu.memref_slice %arg2[%dma_start3A_61, %dma_start3A_62] : memref<20000x128xf32, #tpu.memory_space<hbm>> -> memref<20000x128xf32, #tpu.memory_space<hbm>>
    tpu.enqueue_indirect_dma source(%dma_start3A_63 : memref<20000x128xf32, #tpu.memory_space<hbm>>) target(%arg23 : memref<80x128xf32, #tpu.memory_space<vmem>>) offsets(%arg7 : memref<80xi32, #tpu.memory_space<vmem>>) semaphore(%arg44 : memref<!tpu.dma_semaphore, #tpu.memory_space<semaphore_mem>>)
    %add3A_64 = arith.constant 80 : i32
    %add3A_65 = arith.addi %add3A, %add3A_64 : i32
    %dma_wait3A_66 = tpu.memref_slice %arg3[%add3A_65] : memref<640000xi32, #tpu.memory_space<hbm>> -> memref<80xi32, #tpu.memory_space<hbm>>
    %dma_wait3A_67 = tpu.memref_slice %arg3[%add3A_65] : memref<640000xi32, #tpu.memory_space<hbm>> -> memref<80xi32, #tpu.memory_space<hbm>>
    tpu.wait_dma2 semaphore(%arg29 : memref<!tpu.dma_semaphore, #tpu.memory_space<semaphore_mem>>) src(%dma_wait3A_67 : memref<80xi32, #tpu.memory_space<hbm>>) dst(%arg8 : memref<80xi32, #tpu.memory_space<vmem>>)
    %dma_start3A_68 = arith.constant 0 : i32
    %dma_start3A_69 = arith.constant 0 : i32
    %dma_start3A_70 = tpu.memref_slice %arg2[%dma_start3A_68, %dma_start3A_69] : memref<20000x128xf32, #tpu.memory_space<hbm>> -> memref<20000x128xf32, #tpu.memory_space<hbm>>
    tpu.enqueue_indirect_dma source(%dma_start3A_70 : memref<20000x128xf32, #tpu.memory_space<hbm>>) target(%arg24 : memref<80x128xf32, #tpu.memory_space<vmem>>) offsets(%arg8 : memref<80xi32, #tpu.memory_space<vmem>>) semaphore(%arg45 : memref<!tpu.dma_semaphore, #tpu.memory_space<semaphore_mem>>)
    %add3A_71 = arith.constant 160 : i32
    %add3A_72 = arith.addi %add3A, %add3A_71 : i32
    %dma_wait3A_73 = tpu.memref_slice %arg3[%add3A_72] : memref<640000xi32, #tpu.memory_space<hbm>> -> memref<80xi32, #tpu.memory_space<hbm>>
    %dma_wait3A_74 = tpu.memref_slice %arg3[%add3A_72] : memref<640000xi32, #tpu.memory_space<hbm>> -> memref<80xi32, #tpu.memory_space<hbm>>
    tpu.wait_dma2 semaphore(%arg30 : memref<!tpu.dma_semaphore, #tpu.memory_space<semaphore_mem>>) src(%dma_wait3A_74 : memref<80xi32, #tpu.memory_space<hbm>>) dst(%arg9 : memref<80xi32, #tpu.memory_space<vmem>>)
    %dma_start3A_75 = arith.constant 0 : i32
    %dma_start3A_76 = arith.constant 0 : i32
    %dma_start3A_77 = tpu.memref_slice %arg2[%dma_start3A_75, %dma_start3A_76] : memref<20000x128xf32, #tpu.memory_space<hbm>> -> memref<20000x128xf32, #tpu.memory_space<hbm>>
    tpu.enqueue_indirect_dma source(%dma_start3A_77 : memref<20000x128xf32, #tpu.memory_space<hbm>>) target(%arg25 : memref<80x128xf32, #tpu.memory_space<vmem>>) offsets(%arg9 : memref<80xi32, #tpu.memory_space<vmem>>) semaphore(%arg46 : memref<!tpu.dma_semaphore, #tpu.memory_space<semaphore_mem>>)
    %barrier3A = arith.constant 0 : index
    tpu.barrier barrier_id(%barrier3A)
    %scan3A = arith.constant 0 : i32
    %scan3A_78 = arith.constant 0 : i32
    %scan3A_79 = arith.constant 31 : i32
    %scan3A_80 = arith.addi %scan3A_78, %scan3A_79 : i32
    %scan3A_81 = arith.constant 1 : i32
    scf.for %scan3A_125 = %scan3A_78 to %scan3A_80 step %scan3A_81  : i32 {
      %mul3A_126 = arith.constant 8 : i32
      %mul3A_127 = arith.muli %scan3A_125, %mul3A_126 : i32
      %add3A_128 = arith.constant 0 : i32
      %add3A_129 = arith.addi %mul3A_127, %add3A_128 : i32
      %dma_wait3A_130 = arith.constant 0 : i32
      %dma_wait3A_131 = arith.constant 0 : i32
      %dma_wait3A_132 = tpu.memref_slice %arg2[%dma_wait3A_130, %dma_wait3A_131] : memref<20000x128xf32, #tpu.memory_space<hbm>> -> memref<20000x128xf32, #tpu.memory_space<hbm>>
      tpu.wait_indirect_dma semaphore(%arg44 : memref<!tpu.dma_semaphore, #tpu.memory_space<semaphore_mem>>) src(%dma_wait3A_132 : memref<20000x128xf32, #tpu.memory_space<hbm>>) dst(%arg23 : memref<80x128xf32, #tpu.memory_space<vmem>>)
      %ge3A = arith.constant 1 : i32
      %ge3A_133 = arith.cmpi sge, %add3A_129, %ge3A : i32
      %convert_element_type3A_134 = arith.extui %ge3A_133 : i1 to i32
      %cond3A_135 = arith.constant 0 : i32
      %cond3A_136 = arith.cmpi ne, %convert_element_type3A_134, %cond3A_135 : i32
      scf.if %cond3A_136 {
        %dma_wait3A_382 = arith.constant 0 : i32
        %dma_wait3A_383 = arith.constant 0 : i32
        %dma_wait3A_384 = tpu.memref_slice %arg27[%dma_wait3A_382, %dma_wait3A_383] : memref<10000x128xf32, #tpu.memory_space<vmem_shared>> -> memref<10000x128xf32, #tpu.memory_space<vmem_shared>>
        tpu.wait_indirect_dma semaphore(%arg49 : memref<!tpu.dma_semaphore, #tpu.memory_space<semaphore_mem>>) src(%arg26 : memref<80x128xf32, #tpu.memory_space<vmem>>) dst(%dma_wait3A_384 : memref<10000x128xf32, #tpu.memory_space<vmem_shared>>)
      } else {
      }
      %add3A_137 = arith.constant 6 : i32
      %add3A_138 = arith.addi %add3A_129, %add3A_137 : i32
      %lt3A = arith.constant 250 : i32
      %lt3A_139 = arith.cmpi slt, %add3A_138, %lt3A : i32
      %convert_element_type3A_140 = arith.extui %lt3A_139 : i1 to i32
      %cond3A_141 = arith.constant 0 : i32
      %cond3A_142 = arith.cmpi ne, %convert_element_type3A_140, %cond3A_141 : i32
      scf.if %cond3A_142 {
        %add3A_382 = arith.constant 6 : i32
        %add3A_383 = arith.addi %add3A_129, %add3A_382 : i32
        %mul3A_384 = arith.constant 80 : i32
        %mul3A_385 = arith.muli %add3A_383, %mul3A_384 : i32
        %add3A_386 = arith.addi %add3A, %mul3A_385 : i32
        %dma_start3A_387 = tpu.memref_slice %arg3[%add3A_386] : memref<640000xi32, #tpu.memory_space<hbm>> -> memref<80xi32, #tpu.memory_space<hbm>>
        %dma_start3A_388 = tpu.memref_slice %arg3[%add3A_386] : memref<640000xi32, #tpu.memory_space<hbm>> -> memref<80xi32, #tpu.memory_space<hbm>>
        tpu.enqueue_dma source(%dma_start3A_388 : memref<80xi32, #tpu.memory_space<hbm>>) target(%arg13 : memref<80xi32, #tpu.memory_space<vmem>>) target_semaphore(%arg34 : memref<!tpu.dma_semaphore, #tpu.memory_space<semaphore_mem>>)
        %mul3A_389 = arith.constant 80 : i32
        %mul3A_390 = arith.muli %add3A_383, %mul3A_389 : i32
        %add3A_391 = arith.addi %mul3A_4, %mul3A_390 : i32
        %dma_start3A_392 = tpu.memref_slice %arg4[%add3A_391] : memref<320000xi32, #tpu.memory_space<hbm>> -> memref<80xi32, #tpu.memory_space<hbm>>
        %dma_start3A_393 = tpu.memref_slice %arg4[%add3A_391] : memref<320000xi32, #tpu.memory_space<hbm>> -> memref<80xi32, #tpu.memory_space<hbm>>
        tpu.enqueue_dma source(%dma_start3A_393 : memref<80xi32, #tpu.memory_space<hbm>>) target(%arg21 : memref<80xi32, #tpu.memory_space<vmem>>) target_semaphore(%arg42 : memref<!tpu.dma_semaphore, #tpu.memory_space<semaphore_mem>>)
      } else {
      }
      %add3A_143 = arith.constant 3 : i32
      %add3A_144 = arith.addi %add3A_129, %add3A_143 : i32
      %lt3A_145 = arith.constant 250 : i32
      %lt3A_146 = arith.cmpi slt, %add3A_144, %lt3A_145 : i32
      %convert_element_type3A_147 = arith.extui %lt3A_146 : i1 to i32
      %cond3A_148 = arith.constant 0 : i32
      %cond3A_149 = arith.cmpi ne, %convert_element_type3A_147, %cond3A_148 : i32
      scf.if %cond3A_149 {
        %add3A_382 = arith.constant 3 : i32
        %add3A_383 = arith.addi %add3A_129, %add3A_382 : i32
        %mul3A_384 = arith.constant 80 : i32
        %mul3A_385 = arith.muli %add3A_383, %mul3A_384 : i32
        %add3A_386 = arith.addi %add3A, %mul3A_385 : i32
        %dma_wait3A_387 = tpu.memref_slice %arg3[%add3A_386] : memref<640000xi32, #tpu.memory_space<hbm>> -> memref<80xi32, #tpu.memory_space<hbm>>
        %dma_wait3A_388 = tpu.memref_slice %arg3[%add3A_386] : memref<640000xi32, #tpu.memory_space<hbm>> -> memref<80xi32, #tpu.memory_space<hbm>>
        tpu.wait_dma2 semaphore(%arg31 : memref<!tpu.dma_semaphore, #tpu.memory_space<semaphore_mem>>) src(%dma_wait3A_388 : memref<80xi32, #tpu.memory_space<hbm>>) dst(%arg10 : memref<80xi32, #tpu.memory_space<vmem>>)
        %dma_start3A_389 = arith.constant 0 : i32
        %dma_start3A_390 = arith.constant 0 : i32
        %dma_start3A_391 = tpu.memref_slice %arg2[%dma_start3A_389, %dma_start3A_390] : memref<20000x128xf32, #tpu.memory_space<hbm>> -> memref<20000x128xf32, #tpu.memory_space<hbm>>
        tpu.enqueue_indirect_dma source(%dma_start3A_391 : memref<20000x128xf32, #tpu.memory_space<hbm>>) target(%arg26 : memref<80x128xf32, #tpu.memory_space<vmem>>) offsets(%arg10 : memref<80xi32, #tpu.memory_space<vmem>>) semaphore(%arg47 : memref<!tpu.dma_semaphore, #tpu.memory_space<semaphore_mem>>)
      } else {
      }
      %mul3A_150 = arith.constant 80 : i32
      %mul3A_151 = arith.muli %add3A_129, %mul3A_150 : i32
      %add3A_152 = arith.addi %mul3A_4, %mul3A_151 : i32
      %dma_wait3A_153 = tpu.memref_slice %arg4[%add3A_152] : memref<320000xi32, #tpu.memory_space<hbm>> -> memref<80xi32, #tpu.memory_space<hbm>>
      %dma_wait3A_154 = tpu.memref_slice %arg4[%add3A_152] : memref<320000xi32, #tpu.memory_space<hbm>> -> memref<80xi32, #tpu.memory_space<hbm>>
      tpu.wait_dma2 semaphore(%arg36 : memref<!tpu.dma_semaphore, #tpu.memory_space<semaphore_mem>>) src(%dma_wait3A_154 : memref<80xi32, #tpu.memory_space<hbm>>) dst(%arg15 : memref<80xi32, #tpu.memory_space<vmem>>)
      %dma_start3A_155 = arith.constant 0 : i32
      %dma_start3A_156 = arith.constant 0 : i32
      %dma_start3A_157 = tpu.memref_slice %arg27[%dma_start3A_155, %dma_start3A_156] : memref<10000x128xf32, #tpu.memory_space<vmem_shared>> -> memref<10000x128xf32, #tpu.memory_space<vmem_shared>>
      tpu.enqueue_indirect_dma source(%arg23 : memref<80x128xf32, #tpu.memory_space<vmem>>) target(%dma_start3A_157 : memref<10000x128xf32, #tpu.memory_space<vmem_shared>>) offsets(%arg15 : memref<80xi32, #tpu.memory_space<vmem>>) semaphore(%arg48 : memref<!tpu.dma_semaphore, #tpu.memory_space<semaphore_mem>>) {add = true}
      %mul3A_158 = arith.constant 8 : i32
      %mul3A_159 = arith.muli %scan3A_125, %mul3A_158 : i32
      %add3A_160 = arith.constant 1 : i32
      %add3A_161 = arith.addi %mul3A_159, %add3A_160 : i32
      %dma_wait3A_162 = arith.constant 0 : i32
      %dma_wait3A_163 = arith.constant 0 : i32
      %dma_wait3A_164 = tpu.memref_slice %arg2[%dma_wait3A_162, %dma_wait3A_163] : memref<20000x128xf32, #tpu.memory_space<hbm>> -> memref<20000x128xf32, #tpu.memory_space<hbm>>
      tpu.wait_indirect_dma semaphore(%arg45 : memref<!tpu.dma_semaphore, #tpu.memory_space<semaphore_mem>>) src(%dma_wait3A_164 : memref<20000x128xf32, #tpu.memory_space<hbm>>) dst(%arg24 : memref<80x128xf32, #tpu.memory_space<vmem>>)
      %dma_wait3A_165 = arith.constant 0 : i32
      %dma_wait3A_166 = arith.constant 0 : i32
      %dma_wait3A_167 = tpu.memref_slice %arg27[%dma_wait3A_165, %dma_wait3A_166] : memref<10000x128xf32, #tpu.memory_space<vmem_shared>> -> memref<10000x128xf32, #tpu.memory_space<vmem_shared>>
      tpu.wait_indirect_dma semaphore(%arg48 : memref<!tpu.dma_semaphore, #tpu.memory_space<semaphore_mem>>) src(%arg23 : memref<80x128xf32, #tpu.memory_space<vmem>>) dst(%dma_wait3A_167 : memref<10000x128xf32, #tpu.memory_space<vmem_shared>>)
      %add3A_168 = arith.constant 6 : i32
      %add3A_169 = arith.addi %add3A_161, %add3A_168 : i32
      %lt3A_170 = arith.constant 250 : i32
      %lt3A_171 = arith.cmpi slt, %add3A_169, %lt3A_170 : i32
      %convert_element_type3A_172 = arith.extui %lt3A_171 : i1 to i32
      %cond3A_173 = arith.constant 0 : i32
      %cond3A_174 = arith.cmpi ne, %convert_element_type3A_172, %cond3A_173 : i32
      scf.if %cond3A_174 {
        %add3A_382 = arith.constant 6 : i32
        %add3A_383 = arith.addi %add3A_161, %add3A_382 : i32
        %mul3A_384 = arith.constant 80 : i32
        %mul3A_385 = arith.muli %add3A_383, %mul3A_384 : i32
        %add3A_386 = arith.addi %add3A, %mul3A_385 : i32
        %dma_start3A_387 = tpu.memref_slice %arg3[%add3A_386] : memref<640000xi32, #tpu.memory_space<hbm>> -> memref<80xi32, #tpu.memory_space<hbm>>
        %dma_start3A_388 = tpu.memref_slice %arg3[%add3A_386] : memref<640000xi32, #tpu.memory_space<hbm>> -> memref<80xi32, #tpu.memory_space<hbm>>
        tpu.enqueue_dma source(%dma_start3A_388 : memref<80xi32, #tpu.memory_space<hbm>>) target(%arg14 : memref<80xi32, #tpu.memory_space<vmem>>) target_semaphore(%arg35 : memref<!tpu.dma_semaphore, #tpu.memory_space<semaphore_mem>>)
        %mul3A_389 = arith.constant 80 : i32
        %mul3A_390 = arith.muli %add3A_383, %mul3A_389 : i32
        %add3A_391 = arith.addi %mul3A_4, %mul3A_390 : i32
        %dma_start3A_392 = tpu.memref_slice %arg4[%add3A_391] : memref<320000xi32, #tpu.memory_space<hbm>> -> memref<80xi32, #tpu.memory_space<hbm>>
        %dma_start3A_393 = tpu.memref_slice %arg4[%add3A_391] : memref<320000xi32, #tpu.memory_space<hbm>> -> memref<80xi32, #tpu.memory_space<hbm>>
        tpu.enqueue_dma source(%dma_start3A_393 : memref<80xi32, #tpu.memory_space<hbm>>) target(%arg22 : memref<80xi32, #tpu.memory_space<vmem>>) target_semaphore(%arg43 : memref<!tpu.dma_semaphore, #tpu.memory_space<semaphore_mem>>)
      } else {
      }
      %add3A_175 = arith.constant 3 : i32
      %add3A_176 = arith.addi %add3A_161, %add3A_175 : i32
      %lt3A_177 = arith.constant 250 : i32
      %lt3A_178 = arith.cmpi slt, %add3A_176, %lt3A_177 : i32
      %convert_element_type3A_179 = arith.extui %lt3A_178 : i1 to i32
      %cond3A_180 = arith.constant 0 : i32
      %cond3A_181 = arith.cmpi ne, %convert_element_type3A_179, %cond3A_180 : i32
      scf.if %cond3A_181 {
        %add3A_382 = arith.constant 3 : i32
        %add3A_383 = arith.addi %add3A_161, %add3A_382 : i32
        %mul3A_384 = arith.constant 80 : i32
        %mul3A_385 = arith.muli %add3A_383, %mul3A_384 : i32
        %add3A_386 = arith.addi %add3A, %mul3A_385 : i32
        %dma_wait3A_387 = tpu.memref_slice %arg3[%add3A_386] : memref<640000xi32, #tpu.memory_space<hbm>> -> memref<80xi32, #tpu.memory_space<hbm>>
        %dma_wait3A_388 = tpu.memref_slice %arg3[%add3A_386] : memref<640000xi32, #tpu.memory_space<hbm>> -> memref<80xi32, #tpu.memory_space<hbm>>
        tpu.wait_dma2 semaphore(%arg32 : memref<!tpu.dma_semaphore, #tpu.memory_space<semaphore_mem>>) src(%dma_wait3A_388 : memref<80xi32, #tpu.memory_space<hbm>>) dst(%arg11 : memref<80xi32, #tpu.memory_space<vmem>>)
        %dma_start3A_389 = arith.constant 0 : i32
        %dma_start3A_390 = arith.constant 0 : i32
        %dma_start3A_391 = tpu.memref_slice %arg2[%dma_start3A_389, %dma_start3A_390] : memref<20000x128xf32, #tpu.memory_space<hbm>> -> memref<20000x128xf32, #tpu.memory_space<hbm>>
        tpu.enqueue_indirect_dma source(%dma_start3A_391 : memref<20000x128xf32, #tpu.memory_space<hbm>>) target(%arg23 : memref<80x128xf32, #tpu.memory_space<vmem>>) offsets(%arg11 : memref<80xi32, #tpu.memory_space<vmem>>) semaphore(%arg44 : memref<!tpu.dma_semaphore, #tpu.memory_space<semaphore_mem>>)
      } else {
      }
      %mul3A_182 = arith.constant 80 : i32
      %mul3A_183 = arith.muli %add3A_161, %mul3A_182 : i32
      %add3A_184 = arith.addi %mul3A_4, %mul3A_183 : i32
      %dma_wait3A_185 = tpu.memref_slice %arg4[%add3A_184] : memref<320000xi32, #tpu.memory_space<hbm>> -> memref<80xi32, #tpu.memory_space<hbm>>
      %dma_wait3A_186 = tpu.memref_slice %arg4[%add3A_184] : memref<320000xi32, #tpu.memory_space<hbm>> -> memref<80xi32, #tpu.memory_space<hbm>>
      tpu.wait_dma2 semaphore(%arg37 : memref<!tpu.dma_semaphore, #tpu.memory_space<semaphore_mem>>) src(%dma_wait3A_186 : memref<80xi32, #tpu.memory_space<hbm>>) dst(%arg16 : memref<80xi32, #tpu.memory_space<vmem>>)
      %dma_start3A_187 = arith.constant 0 : i32
      %dma_start3A_188 = arith.constant 0 : i32
      %dma_start3A_189 = tpu.memref_slice %arg27[%dma_start3A_187, %dma_start3A_188] : memref<10000x128xf32, #tpu.memory_space<vmem_shared>> -> memref<10000x128xf32, #tpu.memory_space<vmem_shared>>
      tpu.enqueue_indirect_dma source(%arg24 : memref<80x128xf32, #tpu.memory_space<vmem>>) target(%dma_start3A_189 : memref<10000x128xf32, #tpu.memory_space<vmem_shared>>) offsets(%arg16 : memref<80xi32, #tpu.memory_space<vmem>>) semaphore(%arg49 : memref<!tpu.dma_semaphore, #tpu.memory_space<semaphore_mem>>) {add = true}
      %mul3A_190 = arith.constant 8 : i32
      %mul3A_191 = arith.muli %scan3A_125, %mul3A_190 : i32
      %add3A_192 = arith.constant 2 : i32
      %add3A_193 = arith.addi %mul3A_191, %add3A_192 : i32
      %dma_wait3A_194 = arith.constant 0 : i32
      %dma_wait3A_195 = arith.constant 0 : i32
      %dma_wait3A_196 = tpu.memref_slice %arg2[%dma_wait3A_194, %dma_wait3A_195] : memref<20000x128xf32, #tpu.memory_space<hbm>> -> memref<20000x128xf32, #tpu.memory_space<hbm>>
      tpu.wait_indirect_dma semaphore(%arg46 : memref<!tpu.dma_semaphore, #tpu.memory_space<semaphore_mem>>) src(%dma_wait3A_196 : memref<20000x128xf32, #tpu.memory_space<hbm>>) dst(%arg25 : memref<80x128xf32, #tpu.memory_space<vmem>>)
      %dma_wait3A_197 = arith.constant 0 : i32
      %dma_wait3A_198 = arith.constant 0 : i32
      %dma_wait3A_199 = tpu.memref_slice %arg27[%dma_wait3A_197, %dma_wait3A_198] : memref<10000x128xf32, #tpu.memory_space<vmem_shared>> -> memref<10000x128xf32, #tpu.memory_space<vmem_shared>>
      tpu.wait_indirect_dma semaphore(%arg49 : memref<!tpu.dma_semaphore, #tpu.memory_space<semaphore_mem>>) src(%arg24 : memref<80x128xf32, #tpu.memory_space<vmem>>) dst(%dma_wait3A_199 : memref<10000x128xf32, #tpu.memory_space<vmem_shared>>)
      %add3A_200 = arith.constant 6 : i32
      %add3A_201 = arith.addi %add3A_193, %add3A_200 : i32
      %lt3A_202 = arith.constant 250 : i32
      %lt3A_203 = arith.cmpi slt, %add3A_201, %lt3A_202 : i32
      %convert_element_type3A_204 = arith.extui %lt3A_203 : i1 to i32
      %cond3A_205 = arith.constant 0 : i32
      %cond3A_206 = arith.cmpi ne, %convert_element_type3A_204, %cond3A_205 : i32
      scf.if %cond3A_206 {
        %add3A_382 = arith.constant 6 : i32
        %add3A_383 = arith.addi %add3A_193, %add3A_382 : i32
        %mul3A_384 = arith.constant 80 : i32
        %mul3A_385 = arith.muli %add3A_383, %mul3A_384 : i32
        %add3A_386 = arith.addi %add3A, %mul3A_385 : i32
        %dma_start3A_387 = tpu.memref_slice %arg3[%add3A_386] : memref<640000xi32, #tpu.memory_space<hbm>> -> memref<80xi32, #tpu.memory_space<hbm>>
        %dma_start3A_388 = tpu.memref_slice %arg3[%add3A_386] : memref<640000xi32, #tpu.memory_space<hbm>> -> memref<80xi32, #tpu.memory_space<hbm>>
        tpu.enqueue_dma source(%dma_start3A_388 : memref<80xi32, #tpu.memory_space<hbm>>) target(%arg7 : memref<80xi32, #tpu.memory_space<vmem>>) target_semaphore(%arg28 : memref<!tpu.dma_semaphore, #tpu.memory_space<semaphore_mem>>)
        %mul3A_389 = arith.constant 80 : i32
        %mul3A_390 = arith.muli %add3A_383, %mul3A_389 : i32
        %add3A_391 = arith.addi %mul3A_4, %mul3A_390 : i32
        %dma_start3A_392 = tpu.memref_slice %arg4[%add3A_391] : memref<320000xi32, #tpu.memory_space<hbm>> -> memref<80xi32, #tpu.memory_space<hbm>>
        %dma_start3A_393 = tpu.memref_slice %arg4[%add3A_391] : memref<320000xi32, #tpu.memory_space<hbm>> -> memref<80xi32, #tpu.memory_space<hbm>>
        tpu.enqueue_dma source(%dma_start3A_393 : memref<80xi32, #tpu.memory_space<hbm>>) target(%arg15 : memref<80xi32, #tpu.memory_space<vmem>>) target_semaphore(%arg36 : memref<!tpu.dma_semaphore, #tpu.memory_space<semaphore_mem>>)
      } else {
      }
      %add3A_207 = arith.constant 3 : i32
      %add3A_208 = arith.addi %add3A_193, %add3A_207 : i32
      %lt3A_209 = arith.constant 250 : i32
      %lt3A_210 = arith.cmpi slt, %add3A_208, %lt3A_209 : i32
      %convert_element_type3A_211 = arith.extui %lt3A_210 : i1 to i32
      %cond3A_212 = arith.constant 0 : i32
      %cond3A_213 = arith.cmpi ne, %convert_element_type3A_211, %cond3A_212 : i32
      scf.if %cond3A_213 {
        %add3A_382 = arith.constant 3 : i32
        %add3A_383 = arith.addi %add3A_193, %add3A_382 : i32
        %mul3A_384 = arith.constant 80 : i32
        %mul3A_385 = arith.muli %add3A_383, %mul3A_384 : i32
        %add3A_386 = arith.addi %add3A, %mul3A_385 : i32
        %dma_wait3A_387 = tpu.memref_slice %arg3[%add3A_386] : memref<640000xi32, #tpu.memory_space<hbm>> -> memref<80xi32, #tpu.memory_space<hbm>>
        %dma_wait3A_388 = tpu.memref_slice %arg3[%add3A_386] : memref<640000xi32, #tpu.memory_space<hbm>> -> memref<80xi32, #tpu.memory_space<hbm>>
        tpu.wait_dma2 semaphore(%arg33 : memref<!tpu.dma_semaphore, #tpu.memory_space<semaphore_mem>>) src(%dma_wait3A_388 : memref<80xi32, #tpu.memory_space<hbm>>) dst(%arg12 : memref<80xi32, #tpu.memory_space<vmem>>)
        %dma_start3A_389 = arith.constant 0 : i32
        %dma_start3A_390 = arith.constant 0 : i32
        %dma_start3A_391 = tpu.memref_slice %arg2[%dma_start3A_389, %dma_start3A_390] : memref<20000x128xf32, #tpu.memory_space<hbm>> -> memref<20000x128xf32, #tpu.memory_space<hbm>>
        tpu.enqueue_indirect_dma source(%dma_start3A_391 : memref<20000x128xf32, #tpu.memory_space<hbm>>) target(%arg24 : memref<80x128xf32, #tpu.memory_space<vmem>>) offsets(%arg12 : memref<80xi32, #tpu.memory_space<vmem>>) semaphore(%arg45 : memref<!tpu.dma_semaphore, #tpu.memory_space<semaphore_mem>>)
      } else {
      }
      %mul3A_214 = arith.constant 80 : i32
      %mul3A_215 = arith.muli %add3A_193, %mul3A_214 : i32
      %add3A_216 = arith.addi %mul3A_4, %mul3A_215 : i32
      %dma_wait3A_217 = tpu.memref_slice %arg4[%add3A_216] : memref<320000xi32, #tpu.memory_space<hbm>> -> memref<80xi32, #tpu.memory_space<hbm>>
      %dma_wait3A_218 = tpu.memref_slice %arg4[%add3A_216] : memref<320000xi32, #tpu.memory_space<hbm>> -> memref<80xi32, #tpu.memory_space<hbm>>
      tpu.wait_dma2 semaphore(%arg38 : memref<!tpu.dma_semaphore, #tpu.memory_space<semaphore_mem>>) src(%dma_wait3A_218 : memref<80xi32, #tpu.memory_space<hbm>>) dst(%arg17 : memref<80xi32, #tpu.memory_space<vmem>>)
      %dma_start3A_219 = arith.constant 0 : i32
      %dma_start3A_220 = arith.constant 0 : i32
      %dma_start3A_221 = tpu.memref_slice %arg27[%dma_start3A_219, %dma_start3A_220] : memref<10000x128xf32, #tpu.memory_space<vmem_shared>> -> memref<10000x128xf32, #tpu.memory_space<vmem_shared>>
      tpu.enqueue_indirect_dma source(%arg25 : memref<80x128xf32, #tpu.memory_space<vmem>>) target(%dma_start3A_221 : memref<10000x128xf32, #tpu.memory_space<vmem_shared>>) offsets(%arg17 : memref<80xi32, #tpu.memory_space<vmem>>) semaphore(%arg48 : memref<!tpu.dma_semaphore, #tpu.memory_space<semaphore_mem>>) {add = true}
      %mul3A_222 = arith.constant 8 : i32
      %mul3A_223 = arith.muli %scan3A_125, %mul3A_222 : i32
      %add3A_224 = arith.constant 3 : i32
      %add3A_225 = arith.addi %mul3A_223, %add3A_224 : i32
      %dma_wait3A_226 = arith.constant 0 : i32
      %dma_wait3A_227 = arith.constant 0 : i32
      %dma_wait3A_228 = tpu.memref_slice %arg2[%dma_wait3A_226, %dma_wait3A_227] : memref<20000x128xf32, #tpu.memory_space<hbm>> -> memref<20000x128xf32, #tpu.memory_space<hbm>>
      tpu.wait_indirect_dma semaphore(%arg47 : memref<!tpu.dma_semaphore, #tpu.memory_space<semaphore_mem>>) src(%dma_wait3A_228 : memref<20000x128xf32, #tpu.memory_space<hbm>>) dst(%arg26 : memref<80x128xf32, #tpu.memory_space<vmem>>)
      %dma_wait3A_229 = arith.constant 0 : i32
      %dma_wait3A_230 = arith.constant 0 : i32
      %dma_wait3A_231 = tpu.memref_slice %arg27[%dma_wait3A_229, %dma_wait3A_230] : memref<10000x128xf32, #tpu.memory_space<vmem_shared>> -> memref<10000x128xf32, #tpu.memory_space<vmem_shared>>
      tpu.wait_indirect_dma semaphore(%arg48 : memref<!tpu.dma_semaphore, #tpu.memory_space<semaphore_mem>>) src(%arg25 : memref<80x128xf32, #tpu.memory_space<vmem>>) dst(%dma_wait3A_231 : memref<10000x128xf32, #tpu.memory_space<vmem_shared>>)
      %add3A_232 = arith.constant 6 : i32
      %add3A_233 = arith.addi %add3A_225, %add3A_232 : i32
      %lt3A_234 = arith.constant 250 : i32
      %lt3A_235 = arith.cmpi slt, %add3A_233, %lt3A_234 : i32
      %convert_element_type3A_236 = arith.extui %lt3A_235 : i1 to i32
      %cond3A_237 = arith.constant 0 : i32
      %cond3A_238 = arith.cmpi ne, %convert_element_type3A_236, %cond3A_237 : i32
      scf.if %cond3A_238 {
        %add3A_382 = arith.constant 6 : i32
        %add3A_383 = arith.addi %add3A_225, %add3A_382 : i32
        %mul3A_384 = arith.constant 80 : i32
        %mul3A_385 = arith.muli %add3A_383, %mul3A_384 : i32
        %add3A_386 = arith.addi %add3A, %mul3A_385 : i32
        %dma_start3A_387 = tpu.memref_slice %arg3[%add3A_386] : memref<640000xi32, #tpu.memory_space<hbm>> -> memref<80xi32, #tpu.memory_space<hbm>>
        %dma_start3A_388 = tpu.memref_slice %arg3[%add3A_386] : memref<640000xi32, #tpu.memory_space<hbm>> -> memref<80xi32, #tpu.memory_space<hbm>>
        tpu.enqueue_dma source(%dma_start3A_388 : memref<80xi32, #tpu.memory_space<hbm>>) target(%arg8 : memref<80xi32, #tpu.memory_space<vmem>>) target_semaphore(%arg29 : memref<!tpu.dma_semaphore, #tpu.memory_space<semaphore_mem>>)
        %mul3A_389 = arith.constant 80 : i32
        %mul3A_390 = arith.muli %add3A_383, %mul3A_389 : i32
        %add3A_391 = arith.addi %mul3A_4, %mul3A_390 : i32
        %dma_start3A_392 = tpu.memref_slice %arg4[%add3A_391] : memref<320000xi32, #tpu.memory_space<hbm>> -> memref<80xi32, #tpu.memory_space<hbm>>
        %dma_start3A_393 = tpu.memref_slice %arg4[%add3A_391] : memref<320000xi32, #tpu.memory_space<hbm>> -> memref<80xi32, #tpu.memory_space<hbm>>
        tpu.enqueue_dma source(%dma_start3A_393 : memref<80xi32, #tpu.memory_space<hbm>>) target(%arg16 : memref<80xi32, #tpu.memory_space<vmem>>) target_semaphore(%arg37 : memref<!tpu.dma_semaphore, #tpu.memory_space<semaphore_mem>>)
      } else {
      }
      %add3A_239 = arith.constant 3 : i32
      %add3A_240 = arith.addi %add3A_225, %add3A_239 : i32
      %lt3A_241 = arith.constant 250 : i32
      %lt3A_242 = arith.cmpi slt, %add3A_240, %lt3A_241 : i32
      %convert_element_type3A_243 = arith.extui %lt3A_242 : i1 to i32
      %cond3A_244 = arith.constant 0 : i32
      %cond3A_245 = arith.cmpi ne, %convert_element_type3A_243, %cond3A_244 : i32
      scf.if %cond3A_245 {
        %add3A_382 = arith.constant 3 : i32
        %add3A_383 = arith.addi %add3A_225, %add3A_382 : i32
        %mul3A_384 = arith.constant 80 : i32
        %mul3A_385 = arith.muli %add3A_383, %mul3A_384 : i32
        %add3A_386 = arith.addi %add3A, %mul3A_385 : i32
        %dma_wait3A_387 = tpu.memref_slice %arg3[%add3A_386] : memref<640000xi32, #tpu.memory_space<hbm>> -> memref<80xi32, #tpu.memory_space<hbm>>
        %dma_wait3A_388 = tpu.memref_slice %arg3[%add3A_386] : memref<640000xi32, #tpu.memory_space<hbm>> -> memref<80xi32, #tpu.memory_space<hbm>>
        tpu.wait_dma2 semaphore(%arg34 : memref<!tpu.dma_semaphore, #tpu.memory_space<semaphore_mem>>) src(%dma_wait3A_388 : memref<80xi32, #tpu.memory_space<hbm>>) dst(%arg13 : memref<80xi32, #tpu.memory_space<vmem>>)
        %dma_start3A_389 = arith.constant 0 : i32
        %dma_start3A_390 = arith.constant 0 : i32
        %dma_start3A_391 = tpu.memref_slice %arg2[%dma_start3A_389, %dma_start3A_390] : memref<20000x128xf32, #tpu.memory_space<hbm>> -> memref<20000x128xf32, #tpu.memory_space<hbm>>
        tpu.enqueue_indirect_dma source(%dma_start3A_391 : memref<20000x128xf32, #tpu.memory_space<hbm>>) target(%arg25 : memref<80x128xf32, #tpu.memory_space<vmem>>) offsets(%arg13 : memref<80xi32, #tpu.memory_space<vmem>>) semaphore(%arg46 : memref<!tpu.dma_semaphore, #tpu.memory_space<semaphore_mem>>)
      } else {
      }
      %mul3A_246 = arith.constant 80 : i32
      %mul3A_247 = arith.muli %add3A_225, %mul3A_246 : i32
      %add3A_248 = arith.addi %mul3A_4, %mul3A_247 : i32
      %dma_wait3A_249 = tpu.memref_slice %arg4[%add3A_248] : memref<320000xi32, #tpu.memory_space<hbm>> -> memref<80xi32, #tpu.memory_space<hbm>>
      %dma_wait3A_250 = tpu.memref_slice %arg4[%add3A_248] : memref<320000xi32, #tpu.memory_space<hbm>> -> memref<80xi32, #tpu.memory_space<hbm>>
      tpu.wait_dma2 semaphore(%arg39 : memref<!tpu.dma_semaphore, #tpu.memory_space<semaphore_mem>>) src(%dma_wait3A_250 : memref<80xi32, #tpu.memory_space<hbm>>) dst(%arg18 : memref<80xi32, #tpu.memory_space<vmem>>)
      %dma_start3A_251 = arith.constant 0 : i32
      %dma_start3A_252 = arith.constant 0 : i32
      %dma_start3A_253 = tpu.memref_slice %arg27[%dma_start3A_251, %dma_start3A_252] : memref<10000x128xf32, #tpu.memory_space<vmem_shared>> -> memref<10000x128xf32, #tpu.memory_space<vmem_shared>>
      tpu.enqueue_indirect_dma source(%arg26 : memref<80x128xf32, #tpu.memory_space<vmem>>) target(%dma_start3A_253 : memref<10000x128xf32, #tpu.memory_space<vmem_shared>>) offsets(%arg18 : memref<80xi32, #tpu.memory_space<vmem>>) semaphore(%arg49 : memref<!tpu.dma_semaphore, #tpu.memory_space<semaphore_mem>>) {add = true}
      %mul3A_254 = arith.constant 8 : i32
      %mul3A_255 = arith.muli %scan3A_125, %mul3A_254 : i32
      %add3A_256 = arith.constant 4 : i32
      %add3A_257 = arith.addi %mul3A_255, %add3A_256 : i32
      %dma_wait3A_258 = arith.constant 0 : i32
      %dma_wait3A_259 = arith.constant 0 : i32
      %dma_wait3A_260 = tpu.memref_slice %arg2[%dma_wait3A_258, %dma_wait3A_259] : memref<20000x128xf32, #tpu.memory_space<hbm>> -> memref<20000x128xf32, #tpu.memory_space<hbm>>
      tpu.wait_indirect_dma semaphore(%arg44 : memref<!tpu.dma_semaphore, #tpu.memory_space<semaphore_mem>>) src(%dma_wait3A_260 : memref<20000x128xf32, #tpu.memory_space<hbm>>) dst(%arg23 : memref<80x128xf32, #tpu.memory_space<vmem>>)
      %dma_wait3A_261 = arith.constant 0 : i32
      %dma_wait3A_262 = arith.constant 0 : i32
      %dma_wait3A_263 = tpu.memref_slice %arg27[%dma_wait3A_261, %dma_wait3A_262] : memref<10000x128xf32, #tpu.memory_space<vmem_shared>> -> memref<10000x128xf32, #tpu.memory_space<vmem_shared>>
      tpu.wait_indirect_dma semaphore(%arg49 : memref<!tpu.dma_semaphore, #tpu.memory_space<semaphore_mem>>) src(%arg26 : memref<80x128xf32, #tpu.memory_space<vmem>>) dst(%dma_wait3A_263 : memref<10000x128xf32, #tpu.memory_space<vmem_shared>>)
      %add3A_264 = arith.constant 6 : i32
      %add3A_265 = arith.addi %add3A_257, %add3A_264 : i32
      %lt3A_266 = arith.constant 250 : i32
      %lt3A_267 = arith.cmpi slt, %add3A_265, %lt3A_266 : i32
      %convert_element_type3A_268 = arith.extui %lt3A_267 : i1 to i32
      %cond3A_269 = arith.constant 0 : i32
      %cond3A_270 = arith.cmpi ne, %convert_element_type3A_268, %cond3A_269 : i32
      scf.if %cond3A_270 {
        %add3A_382 = arith.constant 6 : i32
        %add3A_383 = arith.addi %add3A_257, %add3A_382 : i32
        %mul3A_384 = arith.constant 80 : i32
        %mul3A_385 = arith.muli %add3A_383, %mul3A_384 : i32
        %add3A_386 = arith.addi %add3A, %mul3A_385 : i32
        %dma_start3A_387 = tpu.memref_slice %arg3[%add3A_386] : memref<640000xi32, #tpu.memory_space<hbm>> -> memref<80xi32, #tpu.memory_space<hbm>>
        %dma_start3A_388 = tpu.memref_slice %arg3[%add3A_386] : memref<640000xi32, #tpu.memory_space<hbm>> -> memref<80xi32, #tpu.memory_space<hbm>>
        tpu.enqueue_dma source(%dma_start3A_388 : memref<80xi32, #tpu.memory_space<hbm>>) target(%arg9 : memref<80xi32, #tpu.memory_space<vmem>>) target_semaphore(%arg30 : memref<!tpu.dma_semaphore, #tpu.memory_space<semaphore_mem>>)
        %mul3A_389 = arith.constant 80 : i32
        %mul3A_390 = arith.muli %add3A_383, %mul3A_389 : i32
        %add3A_391 = arith.addi %mul3A_4, %mul3A_390 : i32
        %dma_start3A_392 = tpu.memref_slice %arg4[%add3A_391] : memref<320000xi32, #tpu.memory_space<hbm>> -> memref<80xi32, #tpu.memory_space<hbm>>
        %dma_start3A_393 = tpu.memref_slice %arg4[%add3A_391] : memref<320000xi32, #tpu.memory_space<hbm>> -> memref<80xi32, #tpu.memory_space<hbm>>
        tpu.enqueue_dma source(%dma_start3A_393 : memref<80xi32, #tpu.memory_space<hbm>>) target(%arg17 : memref<80xi32, #tpu.memory_space<vmem>>) target_semaphore(%arg38 : memref<!tpu.dma_semaphore, #tpu.memory_space<semaphore_mem>>)
      } else {
      }
      %add3A_271 = arith.constant 3 : i32
      %add3A_272 = arith.addi %add3A_257, %add3A_271 : i32
      %lt3A_273 = arith.constant 250 : i32
      %lt3A_274 = arith.cmpi slt, %add3A_272, %lt3A_273 : i32
      %convert_element_type3A_275 = arith.extui %lt3A_274 : i1 to i32
      %cond3A_276 = arith.constant 0 : i32
      %cond3A_277 = arith.cmpi ne, %convert_element_type3A_275, %cond3A_276 : i32
      scf.if %cond3A_277 {
        %add3A_382 = arith.constant 3 : i32
        %add3A_383 = arith.addi %add3A_257, %add3A_382 : i32
        %mul3A_384 = arith.constant 80 : i32
        %mul3A_385 = arith.muli %add3A_383, %mul3A_384 : i32
        %add3A_386 = arith.addi %add3A, %mul3A_385 : i32
        %dma_wait3A_387 = tpu.memref_slice %arg3[%add3A_386] : memref<640000xi32, #tpu.memory_space<hbm>> -> memref<80xi32, #tpu.memory_space<hbm>>
        %dma_wait3A_388 = tpu.memref_slice %arg3[%add3A_386] : memref<640000xi32, #tpu.memory_space<hbm>> -> memref<80xi32, #tpu.memory_space<hbm>>
        tpu.wait_dma2 semaphore(%arg35 : memref<!tpu.dma_semaphore, #tpu.memory_space<semaphore_mem>>) src(%dma_wait3A_388 : memref<80xi32, #tpu.memory_space<hbm>>) dst(%arg14 : memref<80xi32, #tpu.memory_space<vmem>>)
        %dma_start3A_389 = arith.constant 0 : i32
        %dma_start3A_390 = arith.constant 0 : i32
        %dma_start3A_391 = tpu.memref_slice %arg2[%dma_start3A_389, %dma_start3A_390] : memref<20000x128xf32, #tpu.memory_space<hbm>> -> memref<20000x128xf32, #tpu.memory_space<hbm>>
        tpu.enqueue_indirect_dma source(%dma_start3A_391 : memref<20000x128xf32, #tpu.memory_space<hbm>>) target(%arg26 : memref<80x128xf32, #tpu.memory_space<vmem>>) offsets(%arg14 : memref<80xi32, #tpu.memory_space<vmem>>) semaphore(%arg47 : memref<!tpu.dma_semaphore, #tpu.memory_space<semaphore_mem>>)
      } else {
      }
      %mul3A_278 = arith.constant 80 : i32
      %mul3A_279 = arith.muli %add3A_257, %mul3A_278 : i32
      %add3A_280 = arith.addi %mul3A_4, %mul3A_279 : i32
      %dma_wait3A_281 = tpu.memref_slice %arg4[%add3A_280] : memref<320000xi32, #tpu.memory_space<hbm>> -> memref<80xi32, #tpu.memory_space<hbm>>
      %dma_wait3A_282 = tpu.memref_slice %arg4[%add3A_280] : memref<320000xi32, #tpu.memory_space<hbm>> -> memref<80xi32, #tpu.memory_space<hbm>>
      tpu.wait_dma2 semaphore(%arg40 : memref<!tpu.dma_semaphore, #tpu.memory_space<semaphore_mem>>) src(%dma_wait3A_282 : memref<80xi32, #tpu.memory_space<hbm>>) dst(%arg19 : memref<80xi32, #tpu.memory_space<vmem>>)
      %dma_start3A_283 = arith.constant 0 : i32
      %dma_start3A_284 = arith.constant 0 : i32
      %dma_start3A_285 = tpu.memref_slice %arg27[%dma_start3A_283, %dma_start3A_284] : memref<10000x128xf32, #tpu.memory_space<vmem_shared>> -> memref<10000x128xf32, #tpu.memory_space<vmem_shared>>
      tpu.enqueue_indirect_dma source(%arg23 : memref<80x128xf32, #tpu.memory_space<vmem>>) target(%dma_start3A_285 : memref<10000x128xf32, #tpu.memory_space<vmem_shared>>) offsets(%arg19 : memref<80xi32, #tpu.memory_space<vmem>>) semaphore(%arg48 : memref<!tpu.dma_semaphore, #tpu.memory_space<semaphore_mem>>) {add = true}
      %mul3A_286 = arith.constant 8 : i32
      %mul3A_287 = arith.muli %scan3A_125, %mul3A_286 : i32
      %add3A_288 = arith.constant 5 : i32
      %add3A_289 = arith.addi %mul3A_287, %add3A_288 : i32
      %dma_wait3A_290 = arith.constant 0 : i32
      %dma_wait3A_291 = arith.constant 0 : i32
      %dma_wait3A_292 = tpu.memref_slice %arg2[%dma_wait3A_290, %dma_wait3A_291] : memref<20000x128xf32, #tpu.memory_space<hbm>> -> memref<20000x128xf32, #tpu.memory_space<hbm>>
      tpu.wait_indirect_dma semaphore(%arg45 : memref<!tpu.dma_semaphore, #tpu.memory_space<semaphore_mem>>) src(%dma_wait3A_292 : memref<20000x128xf32, #tpu.memory_space<hbm>>) dst(%arg24 : memref<80x128xf32, #tpu.memory_space<vmem>>)
      %dma_wait3A_293 = arith.constant 0 : i32
      %dma_wait3A_294 = arith.constant 0 : i32
      %dma_wait3A_295 = tpu.memref_slice %arg27[%dma_wait3A_293, %dma_wait3A_294] : memref<10000x128xf32, #tpu.memory_space<vmem_shared>> -> memref<10000x128xf32, #tpu.memory_space<vmem_shared>>
      tpu.wait_indirect_dma semaphore(%arg48 : memref<!tpu.dma_semaphore, #tpu.memory_space<semaphore_mem>>) src(%arg23 : memref<80x128xf32, #tpu.memory_space<vmem>>) dst(%dma_wait3A_295 : memref<10000x128xf32, #tpu.memory_space<vmem_shared>>)
      %add3A_296 = arith.constant 6 : i32
      %add3A_297 = arith.addi %add3A_289, %add3A_296 : i32
      %lt3A_298 = arith.constant 250 : i32
      %lt3A_299 = arith.cmpi slt, %add3A_297, %lt3A_298 : i32
      %convert_element_type3A_300 = arith.extui %lt3A_299 : i1 to i32
      %cond3A_301 = arith.constant 0 : i32
      %cond3A_302 = arith.cmpi ne, %convert_element_type3A_300, %cond3A_301 : i32
      scf.if %cond3A_302 {
        %add3A_382 = arith.constant 6 : i32
        %add3A_383 = arith.addi %add3A_289, %add3A_382 : i32
        %mul3A_384 = arith.constant 80 : i32
        %mul3A_385 = arith.muli %add3A_383, %mul3A_384 : i32
        %add3A_386 = arith.addi %add3A, %mul3A_385 : i32
        %dma_start3A_387 = tpu.memref_slice %arg3[%add3A_386] : memref<640000xi32, #tpu.memory_space<hbm>> -> memref<80xi32, #tpu.memory_space<hbm>>
        %dma_start3A_388 = tpu.memref_slice %arg3[%add3A_386] : memref<640000xi32, #tpu.memory_space<hbm>> -> memref<80xi32, #tpu.memory_space<hbm>>
        tpu.enqueue_dma source(%dma_start3A_388 : memref<80xi32, #tpu.memory_space<hbm>>) target(%arg10 : memref<80xi32, #tpu.memory_space<vmem>>) target_semaphore(%arg31 : memref<!tpu.dma_semaphore, #tpu.memory_space<semaphore_mem>>)
        %mul3A_389 = arith.constant 80 : i32
        %mul3A_390 = arith.muli %add3A_383, %mul3A_389 : i32
        %add3A_391 = arith.addi %mul3A_4, %mul3A_390 : i32
        %dma_start3A_392 = tpu.memref_slice %arg4[%add3A_391] : memref<320000xi32, #tpu.memory_space<hbm>> -> memref<80xi32, #tpu.memory_space<hbm>>
        %dma_start3A_393 = tpu.memref_slice %arg4[%add3A_391] : memref<320000xi32, #tpu.memory_space<hbm>> -> memref<80xi32, #tpu.memory_space<hbm>>
        tpu.enqueue_dma source(%dma_start3A_393 : memref<80xi32, #tpu.memory_space<hbm>>) target(%arg18 : memref<80xi32, #tpu.memory_space<vmem>>) target_semaphore(%arg39 : memref<!tpu.dma_semaphore, #tpu.memory_space<semaphore_mem>>)
      } else {
      }
      %add3A_303 = arith.constant 3 : i32
      %add3A_304 = arith.addi %add3A_289, %add3A_303 : i32
      %lt3A_305 = arith.constant 250 : i32
      %lt3A_306 = arith.cmpi slt, %add3A_304, %lt3A_305 : i32
      %convert_element_type3A_307 = arith.extui %lt3A_306 : i1 to i32
      %cond3A_308 = arith.constant 0 : i32
      %cond3A_309 = arith.cmpi ne, %convert_element_type3A_307, %cond3A_308 : i32
      scf.if %cond3A_309 {
        %add3A_382 = arith.constant 3 : i32
        %add3A_383 = arith.addi %add3A_289, %add3A_382 : i32
        %mul3A_384 = arith.constant 80 : i32
        %mul3A_385 = arith.muli %add3A_383, %mul3A_384 : i32
        %add3A_386 = arith.addi %add3A, %mul3A_385 : i32
        %dma_wait3A_387 = tpu.memref_slice %arg3[%add3A_386] : memref<640000xi32, #tpu.memory_space<hbm>> -> memref<80xi32, #tpu.memory_space<hbm>>
        %dma_wait3A_388 = tpu.memref_slice %arg3[%add3A_386] : memref<640000xi32, #tpu.memory_space<hbm>> -> memref<80xi32, #tpu.memory_space<hbm>>
        tpu.wait_dma2 semaphore(%arg28 : memref<!tpu.dma_semaphore, #tpu.memory_space<semaphore_mem>>) src(%dma_wait3A_388 : memref<80xi32, #tpu.memory_space<hbm>>) dst(%arg7 : memref<80xi32, #tpu.memory_space<vmem>>)
        %dma_start3A_389 = arith.constant 0 : i32
        %dma_start3A_390 = arith.constant 0 : i32
        %dma_start3A_391 = tpu.memref_slice %arg2[%dma_start3A_389, %dma_start3A_390] : memref<20000x128xf32, #tpu.memory_space<hbm>> -> memref<20000x128xf32, #tpu.memory_space<hbm>>
        tpu.enqueue_indirect_dma source(%dma_start3A_391 : memref<20000x128xf32, #tpu.memory_space<hbm>>) target(%arg23 : memref<80x128xf32, #tpu.memory_space<vmem>>) offsets(%arg7 : memref<80xi32, #tpu.memory_space<vmem>>) semaphore(%arg44 : memref<!tpu.dma_semaphore, #tpu.memory_space<semaphore_mem>>)
      } else {
      }
      %mul3A_310 = arith.constant 80 : i32
      %mul3A_311 = arith.muli %add3A_289, %mul3A_310 : i32
      %add3A_312 = arith.addi %mul3A_4, %mul3A_311 : i32
      %dma_wait3A_313 = tpu.memref_slice %arg4[%add3A_312] : memref<320000xi32, #tpu.memory_space<hbm>> -> memref<80xi32, #tpu.memory_space<hbm>>
      %dma_wait3A_314 = tpu.memref_slice %arg4[%add3A_312] : memref<320000xi32, #tpu.memory_space<hbm>> -> memref<80xi32, #tpu.memory_space<hbm>>
      tpu.wait_dma2 semaphore(%arg41 : memref<!tpu.dma_semaphore, #tpu.memory_space<semaphore_mem>>) src(%dma_wait3A_314 : memref<80xi32, #tpu.memory_space<hbm>>) dst(%arg20 : memref<80xi32, #tpu.memory_space<vmem>>)
      %dma_start3A_315 = arith.constant 0 : i32
      %dma_start3A_316 = arith.constant 0 : i32
      %dma_start3A_317 = tpu.memref_slice %arg27[%dma_start3A_315, %dma_start3A_316] : memref<10000x128xf32, #tpu.memory_space<vmem_shared>> -> memref<10000x128xf32, #tpu.memory_space<vmem_shared>>
      tpu.enqueue_indirect_dma source(%arg24 : memref<80x128xf32, #tpu.memory_space<vmem>>) target(%dma_start3A_317 : memref<10000x128xf32, #tpu.memory_space<vmem_shared>>) offsets(%arg20 : memref<80xi32, #tpu.memory_space<vmem>>) semaphore(%arg49 : memref<!tpu.dma_semaphore, #tpu.memory_space<semaphore_mem>>) {add = true}
      %mul3A_318 = arith.constant 8 : i32
      %mul3A_319 = arith.muli %scan3A_125, %mul3A_318 : i32
      %add3A_320 = arith.constant 6 : i32
      %add3A_321 = arith.addi %mul3A_319, %add3A_320 : i32
      %dma_wait3A_322 = arith.constant 0 : i32
      %dma_wait3A_323 = arith.constant 0 : i32
      %dma_wait3A_324 = tpu.memref_slice %arg2[%dma_wait3A_322, %dma_wait3A_323] : memref<20000x128xf32, #tpu.memory_space<hbm>> -> memref<20000x128xf32, #tpu.memory_space<hbm>>
      tpu.wait_indirect_dma semaphore(%arg46 : memref<!tpu.dma_semaphore, #tpu.memory_space<semaphore_mem>>) src(%dma_wait3A_324 : memref<20000x128xf32, #tpu.memory_space<hbm>>) dst(%arg25 : memref<80x128xf32, #tpu.memory_space<vmem>>)
      %dma_wait3A_325 = arith.constant 0 : i32
      %dma_wait3A_326 = arith.constant 0 : i32
      %dma_wait3A_327 = tpu.memref_slice %arg27[%dma_wait3A_325, %dma_wait3A_326] : memref<10000x128xf32, #tpu.memory_space<vmem_shared>> -> memref<10000x128xf32, #tpu.memory_space<vmem_shared>>
      tpu.wait_indirect_dma semaphore(%arg49 : memref<!tpu.dma_semaphore, #tpu.memory_space<semaphore_mem>>) src(%arg24 : memref<80x128xf32, #tpu.memory_space<vmem>>) dst(%dma_wait3A_327 : memref<10000x128xf32, #tpu.memory_space<vmem_shared>>)
      %add3A_328 = arith.constant 6 : i32
      %add3A_329 = arith.addi %add3A_321, %add3A_328 : i32
      %lt3A_330 = arith.constant 250 : i32
      %lt3A_331 = arith.cmpi slt, %add3A_329, %lt3A_330 : i32
      %convert_element_type3A_332 = arith.extui %lt3A_331 : i1 to i32
      %cond3A_333 = arith.constant 0 : i32
      %cond3A_334 = arith.cmpi ne, %convert_element_type3A_332, %cond3A_333 : i32
      scf.if %cond3A_334 {
        %add3A_382 = arith.constant 6 : i32
        %add3A_383 = arith.addi %add3A_321, %add3A_382 : i32
        %mul3A_384 = arith.constant 80 : i32
        %mul3A_385 = arith.muli %add3A_383, %mul3A_384 : i32
        %add3A_386 = arith.addi %add3A, %mul3A_385 : i32
        %dma_start3A_387 = tpu.memref_slice %arg3[%add3A_386] : memref<640000xi32, #tpu.memory_space<hbm>> -> memref<80xi32, #tpu.memory_space<hbm>>
        %dma_start3A_388 = tpu.memref_slice %arg3[%add3A_386] : memref<640000xi32, #tpu.memory_space<hbm>> -> memref<80xi32, #tpu.memory_space<hbm>>
        tpu.enqueue_dma source(%dma_start3A_388 : memref<80xi32, #tpu.memory_space<hbm>>) target(%arg11 : memref<80xi32, #tpu.memory_space<vmem>>) target_semaphore(%arg32 : memref<!tpu.dma_semaphore, #tpu.memory_space<semaphore_mem>>)
        %mul3A_389 = arith.constant 80 : i32
        %mul3A_390 = arith.muli %add3A_383, %mul3A_389 : i32
        %add3A_391 = arith.addi %mul3A_4, %mul3A_390 : i32
        %dma_start3A_392 = tpu.memref_slice %arg4[%add3A_391] : memref<320000xi32, #tpu.memory_space<hbm>> -> memref<80xi32, #tpu.memory_space<hbm>>
        %dma_start3A_393 = tpu.memref_slice %arg4[%add3A_391] : memref<320000xi32, #tpu.memory_space<hbm>> -> memref<80xi32, #tpu.memory_space<hbm>>
        tpu.enqueue_dma source(%dma_start3A_393 : memref<80xi32, #tpu.memory_space<hbm>>) target(%arg19 : memref<80xi32, #tpu.memory_space<vmem>>) target_semaphore(%arg40 : memref<!tpu.dma_semaphore, #tpu.memory_space<semaphore_mem>>)
      } else {
      }
      %add3A_335 = arith.constant 3 : i32
      %add3A_336 = arith.addi %add3A_321, %add3A_335 : i32
      %lt3A_337 = arith.constant 250 : i32
      %lt3A_338 = arith.cmpi slt, %add3A_336, %lt3A_337 : i32
      %convert_element_type3A_339 = arith.extui %lt3A_338 : i1 to i32
      %cond3A_340 = arith.constant 0 : i32
      %cond3A_341 = arith.cmpi ne, %convert_element_type3A_339, %cond3A_340 : i32
      scf.if %cond3A_341 {
        %add3A_382 = arith.constant 3 : i32
        %add3A_383 = arith.addi %add3A_321, %add3A_382 : i32
        %mul3A_384 = arith.constant 80 : i32
        %mul3A_385 = arith.muli %add3A_383, %mul3A_384 : i32
        %add3A_386 = arith.addi %add3A, %mul3A_385 : i32
        %dma_wait3A_387 = tpu.memref_slice %arg3[%add3A_386] : memref<640000xi32, #tpu.memory_space<hbm>> -> memref<80xi32, #tpu.memory_space<hbm>>
        %dma_wait3A_388 = tpu.memref_slice %arg3[%add3A_386] : memref<640000xi32, #tpu.memory_space<hbm>> -> memref<80xi32, #tpu.memory_space<hbm>>
        tpu.wait_dma2 semaphore(%arg29 : memref<!tpu.dma_semaphore, #tpu.memory_space<semaphore_mem>>) src(%dma_wait3A_388 : memref<80xi32, #tpu.memory_space<hbm>>) dst(%arg8 : memref<80xi32, #tpu.memory_space<vmem>>)
        %dma_start3A_389 = arith.constant 0 : i32
        %dma_start3A_390 = arith.constant 0 : i32
        %dma_start3A_391 = tpu.memref_slice %arg2[%dma_start3A_389, %dma_start3A_390] : memref<20000x128xf32, #tpu.memory_space<hbm>> -> memref<20000x128xf32, #tpu.memory_space<hbm>>
        tpu.enqueue_indirect_dma source(%dma_start3A_391 : memref<20000x128xf32, #tpu.memory_space<hbm>>) target(%arg24 : memref<80x128xf32, #tpu.memory_space<vmem>>) offsets(%arg8 : memref<80xi32, #tpu.memory_space<vmem>>) semaphore(%arg45 : memref<!tpu.dma_semaphore, #tpu.memory_space<semaphore_mem>>)
      } else {
      }
      %mul3A_342 = arith.constant 80 : i32
      %mul3A_343 = arith.muli %add3A_321, %mul3A_342 : i32
      %add3A_344 = arith.addi %mul3A_4, %mul3A_343 : i32
      %dma_wait3A_345 = tpu.memref_slice %arg4[%add3A_344] : memref<320000xi32, #tpu.memory_space<hbm>> -> memref<80xi32, #tpu.memory_space<hbm>>
      %dma_wait3A_346 = tpu.memref_slice %arg4[%add3A_344] : memref<320000xi32, #tpu.memory_space<hbm>> -> memref<80xi32, #tpu.memory_space<hbm>>
      tpu.wait_dma2 semaphore(%arg42 : memref<!tpu.dma_semaphore, #tpu.memory_space<semaphore_mem>>) src(%dma_wait3A_346 : memref<80xi32, #tpu.memory_space<hbm>>) dst(%arg21 : memref<80xi32, #tpu.memory_space<vmem>>)
      %dma_start3A_347 = arith.constant 0 : i32
      %dma_start3A_348 = arith.constant 0 : i32
      %dma_start3A_349 = tpu.memref_slice %arg27[%dma_start3A_347, %dma_start3A_348] : memref<10000x128xf32, #tpu.memory_space<vmem_shared>> -> memref<10000x128xf32, #tpu.memory_space<vmem_shared>>
      tpu.enqueue_indirect_dma source(%arg25 : memref<80x128xf32, #tpu.memory_space<vmem>>) target(%dma_start3A_349 : memref<10000x128xf32, #tpu.memory_space<vmem_shared>>) offsets(%arg21 : memref<80xi32, #tpu.memory_space<vmem>>) semaphore(%arg48 : memref<!tpu.dma_semaphore, #tpu.memory_space<semaphore_mem>>) {add = true}
      %mul3A_350 = arith.constant 8 : i32
      %mul3A_351 = arith.muli %scan3A_125, %mul3A_350 : i32
      %add3A_352 = arith.constant 7 : i32
      %add3A_353 = arith.addi %mul3A_351, %add3A_352 : i32
      %dma_wait3A_354 = arith.constant 0 : i32
      %dma_wait3A_355 = arith.constant 0 : i32
      %dma_wait3A_356 = tpu.memref_slice %arg2[%dma_wait3A_354, %dma_wait3A_355] : memref<20000x128xf32, #tpu.memory_space<hbm>> -> memref<20000x128xf32, #tpu.memory_space<hbm>>
      tpu.wait_indirect_dma semaphore(%arg47 : memref<!tpu.dma_semaphore, #tpu.memory_space<semaphore_mem>>) src(%dma_wait3A_356 : memref<20000x128xf32, #tpu.memory_space<hbm>>) dst(%arg26 : memref<80x128xf32, #tpu.memory_space<vmem>>)
      %dma_wait3A_357 = arith.constant 0 : i32
      %dma_wait3A_358 = arith.constant 0 : i32
      %dma_wait3A_359 = tpu.memref_slice %arg27[%dma_wait3A_357, %dma_wait3A_358] : memref<10000x128xf32, #tpu.memory_space<vmem_shared>> -> memref<10000x128xf32, #tpu.memory_space<vmem_shared>>
      tpu.wait_indirect_dma semaphore(%arg48 : memref<!tpu.dma_semaphore, #tpu.memory_space<semaphore_mem>>) src(%arg25 : memref<80x128xf32, #tpu.memory_space<vmem>>) dst(%dma_wait3A_359 : memref<10000x128xf32, #tpu.memory_space<vmem_shared>>)
      %add3A_360 = arith.constant 6 : i32
      %add3A_361 = arith.addi %add3A_353, %add3A_360 : i32
      %lt3A_362 = arith.constant 250 : i32
      %lt3A_363 = arith.cmpi slt, %add3A_361, %lt3A_362 : i32
      %convert_element_type3A_364 = arith.extui %lt3A_363 : i1 to i32
      %cond3A_365 = arith.constant 0 : i32
      %cond3A_366 = arith.cmpi ne, %convert_element_type3A_364, %cond3A_365 : i32
      scf.if %cond3A_366 {
        %add3A_382 = arith.constant 6 : i32
        %add3A_383 = arith.addi %add3A_353, %add3A_382 : i32
        %mul3A_384 = arith.constant 80 : i32
        %mul3A_385 = arith.muli %add3A_383, %mul3A_384 : i32
        %add3A_386 = arith.addi %add3A, %mul3A_385 : i32
        %dma_start3A_387 = tpu.memref_slice %arg3[%add3A_386] : memref<640000xi32, #tpu.memory_space<hbm>> -> memref<80xi32, #tpu.memory_space<hbm>>
        %dma_start3A_388 = tpu.memref_slice %arg3[%add3A_386] : memref<640000xi32, #tpu.memory_space<hbm>> -> memref<80xi32, #tpu.memory_space<hbm>>
        tpu.enqueue_dma source(%dma_start3A_388 : memref<80xi32, #tpu.memory_space<hbm>>) target(%arg12 : memref<80xi32, #tpu.memory_space<vmem>>) target_semaphore(%arg33 : memref<!tpu.dma_semaphore, #tpu.memory_space<semaphore_mem>>)
        %mul3A_389 = arith.constant 80 : i32
        %mul3A_390 = arith.muli %add3A_383, %mul3A_389 : i32
        %add3A_391 = arith.addi %mul3A_4, %mul3A_390 : i32
        %dma_start3A_392 = tpu.memref_slice %arg4[%add3A_391] : memref<320000xi32, #tpu.memory_space<hbm>> -> memref<80xi32, #tpu.memory_space<hbm>>
        %dma_start3A_393 = tpu.memref_slice %arg4[%add3A_391] : memref<320000xi32, #tpu.memory_space<hbm>> -> memref<80xi32, #tpu.memory_space<hbm>>
        tpu.enqueue_dma source(%dma_start3A_393 : memref<80xi32, #tpu.memory_space<hbm>>) target(%arg20 : memref<80xi32, #tpu.memory_space<vmem>>) target_semaphore(%arg41 : memref<!tpu.dma_semaphore, #tpu.memory_space<semaphore_mem>>)
      } else {
      }
      %add3A_367 = arith.constant 3 : i32
      %add3A_368 = arith.addi %add3A_353, %add3A_367 : i32
      %lt3A_369 = arith.constant 250 : i32
      %lt3A_370 = arith.cmpi slt, %add3A_368, %lt3A_369 : i32
      %convert_element_type3A_371 = arith.extui %lt3A_370 : i1 to i32
      %cond3A_372 = arith.constant 0 : i32
      %cond3A_373 = arith.cmpi ne, %convert_element_type3A_371, %cond3A_372 : i32
      scf.if %cond3A_373 {
        %add3A_382 = arith.constant 3 : i32
        %add3A_383 = arith.addi %add3A_353, %add3A_382 : i32
        %mul3A_384 = arith.constant 80 : i32
        %mul3A_385 = arith.muli %add3A_383, %mul3A_384 : i32
        %add3A_386 = arith.addi %add3A, %mul3A_385 : i32
        %dma_wait3A_387 = tpu.memref_slice %arg3[%add3A_386] : memref<640000xi32, #tpu.memory_space<hbm>> -> memref<80xi32, #tpu.memory_space<hbm>>
        %dma_wait3A_388 = tpu.memref_slice %arg3[%add3A_386] : memref<640000xi32, #tpu.memory_space<hbm>> -> memref<80xi32, #tpu.memory_space<hbm>>
        tpu.wait_dma2 semaphore(%arg30 : memref<!tpu.dma_semaphore, #tpu.memory_space<semaphore_mem>>) src(%dma_wait3A_388 : memref<80xi32, #tpu.memory_space<hbm>>) dst(%arg9 : memref<80xi32, #tpu.memory_space<vmem>>)
        %dma_start3A_389 = arith.constant 0 : i32
        %dma_start3A_390 = arith.constant 0 : i32
        %dma_start3A_391 = tpu.memref_slice %arg2[%dma_start3A_389, %dma_start3A_390] : memref<20000x128xf32, #tpu.memory_space<hbm>> -> memref<20000x128xf32, #tpu.memory_space<hbm>>
        tpu.enqueue_indirect_dma source(%dma_start3A_391 : memref<20000x128xf32, #tpu.memory_space<hbm>>) target(%arg25 : memref<80x128xf32, #tpu.memory_space<vmem>>) offsets(%arg9 : memref<80xi32, #tpu.memory_space<vmem>>) semaphore(%arg46 : memref<!tpu.dma_semaphore, #tpu.memory_space<semaphore_mem>>)
      } else {
      }
      %mul3A_374 = arith.constant 80 : i32
      %mul3A_375 = arith.muli %add3A_353, %mul3A_374 : i32
      %add3A_376 = arith.addi %mul3A_4, %mul3A_375 : i32
      %dma_wait3A_377 = tpu.memref_slice %arg4[%add3A_376] : memref<320000xi32, #tpu.memory_space<hbm>> -> memref<80xi32, #tpu.memory_space<hbm>>
      %dma_wait3A_378 = tpu.memref_slice %arg4[%add3A_376] : memref<320000xi32, #tpu.memory_space<hbm>> -> memref<80xi32, #tpu.memory_space<hbm>>
      tpu.wait_dma2 semaphore(%arg43 : memref<!tpu.dma_semaphore, #tpu.memory_space<semaphore_mem>>) src(%dma_wait3A_378 : memref<80xi32, #tpu.memory_space<hbm>>) dst(%arg22 : memref<80xi32, #tpu.memory_space<vmem>>)
      %dma_start3A_379 = arith.constant 0 : i32
      %dma_start3A_380 = arith.constant 0 : i32
      %dma_start3A_381 = tpu.memref_slice %arg27[%dma_start3A_379, %dma_start3A_380] : memref<10000x128xf32, #tpu.memory_space<vmem_shared>> -> memref<10000x128xf32, #tpu.memory_space<vmem_shared>>
      tpu.enqueue_indirect_dma source(%arg26 : memref<80x128xf32, #tpu.memory_space<vmem>>) target(%dma_start3A_381 : memref<10000x128xf32, #tpu.memory_space<vmem_shared>>) offsets(%arg22 : memref<80xi32, #tpu.memory_space<vmem>>) semaphore(%arg49 : memref<!tpu.dma_semaphore, #tpu.memory_space<semaphore_mem>>) {add = true}
    }
    %scan3A_82 = arith.constant 31 : i32
    %dma_wait3A_83 = arith.constant 0 : i32
    %dma_wait3A_84 = arith.constant 0 : i32
    %dma_wait3A_85 = tpu.memref_slice %arg2[%dma_wait3A_83, %dma_wait3A_84] : memref<20000x128xf32, #tpu.memory_space<hbm>> -> memref<20000x128xf32, #tpu.memory_space<hbm>>
    tpu.wait_indirect_dma semaphore(%arg44 : memref<!tpu.dma_semaphore, #tpu.memory_space<semaphore_mem>>) src(%dma_wait3A_85 : memref<20000x128xf32, #tpu.memory_space<hbm>>) dst(%arg23 : memref<80x128xf32, #tpu.memory_space<vmem>>)
    %dma_wait3A_86 = arith.constant 0 : i32
    %dma_wait3A_87 = arith.constant 0 : i32
    %dma_wait3A_88 = tpu.memref_slice %arg27[%dma_wait3A_86, %dma_wait3A_87] : memref<10000x128xf32, #tpu.memory_space<vmem_shared>> -> memref<10000x128xf32, #tpu.memory_space<vmem_shared>>
    tpu.wait_indirect_dma semaphore(%arg49 : memref<!tpu.dma_semaphore, #tpu.memory_space<semaphore_mem>>) src(%arg26 : memref<80x128xf32, #tpu.memory_space<vmem>>) dst(%dma_wait3A_88 : memref<10000x128xf32, #tpu.memory_space<vmem_shared>>)
    %add3A_89 = arith.constant 19840 : i32
    %add3A_90 = arith.addi %mul3A_4, %add3A_89 : i32
    %dma_wait3A_91 = tpu.memref_slice %arg4[%add3A_90] : memref<320000xi32, #tpu.memory_space<hbm>> -> memref<80xi32, #tpu.memory_space<hbm>>
    %dma_wait3A_92 = tpu.memref_slice %arg4[%add3A_90] : memref<320000xi32, #tpu.memory_space<hbm>> -> memref<80xi32, #tpu.memory_space<hbm>>
    tpu.wait_dma2 semaphore(%arg36 : memref<!tpu.dma_semaphore, #tpu.memory_space<semaphore_mem>>) src(%dma_wait3A_92 : memref<80xi32, #tpu.memory_space<hbm>>) dst(%arg15 : memref<80xi32, #tpu.memory_space<vmem>>)
    %dma_start3A_93 = arith.constant 0 : i32
    %dma_start3A_94 = arith.constant 0 : i32
    %dma_start3A_95 = tpu.memref_slice %arg27[%dma_start3A_93, %dma_start3A_94] : memref<10000x128xf32, #tpu.memory_space<vmem_shared>> -> memref<10000x128xf32, #tpu.memory_space<vmem_shared>>
    tpu.enqueue_indirect_dma source(%arg23 : memref<80x128xf32, #tpu.memory_space<vmem>>) target(%dma_start3A_95 : memref<10000x128xf32, #tpu.memory_space<vmem_shared>>) offsets(%arg15 : memref<80xi32, #tpu.memory_space<vmem>>) semaphore(%arg48 : memref<!tpu.dma_semaphore, #tpu.memory_space<semaphore_mem>>) {add = true}
    %dma_wait3A_96 = arith.constant 0 : i32
    %dma_wait3A_97 = arith.constant 0 : i32
    %dma_wait3A_98 = tpu.memref_slice %arg2[%dma_wait3A_96, %dma_wait3A_97] : memref<20000x128xf32, #tpu.memory_space<hbm>> -> memref<20000x128xf32, #tpu.memory_space<hbm>>
    tpu.wait_indirect_dma semaphore(%arg45 : memref<!tpu.dma_semaphore, #tpu.memory_space<semaphore_mem>>) src(%dma_wait3A_98 : memref<20000x128xf32, #tpu.memory_space<hbm>>) dst(%arg24 : memref<80x128xf32, #tpu.memory_space<vmem>>)
    %dma_wait3A_99 = arith.constant 0 : i32
    %dma_wait3A_100 = arith.constant 0 : i32
    %dma_wait3A_101 = tpu.memref_slice %arg27[%dma_wait3A_99, %dma_wait3A_100] : memref<10000x128xf32, #tpu.memory_space<vmem_shared>> -> memref<10000x128xf32, #tpu.memory_space<vmem_shared>>
    tpu.wait_indirect_dma semaphore(%arg48 : memref<!tpu.dma_semaphore, #tpu.memory_space<semaphore_mem>>) src(%arg23 : memref<80x128xf32, #tpu.memory_space<vmem>>) dst(%dma_wait3A_101 : memref<10000x128xf32, #tpu.memory_space<vmem_shared>>)
    %add3A_102 = arith.constant 19920 : i32
    %add3A_103 = arith.addi %mul3A_4, %add3A_102 : i32
    %dma_wait3A_104 = tpu.memref_slice %arg4[%add3A_103] : memref<320000xi32, #tpu.memory_space<hbm>> -> memref<80xi32, #tpu.memory_space<hbm>>
    %dma_wait3A_105 = tpu.memref_slice %arg4[%add3A_103] : memref<320000xi32, #tpu.memory_space<hbm>> -> memref<80xi32, #tpu.memory_space<hbm>>
    tpu.wait_dma2 semaphore(%arg37 : memref<!tpu.dma_semaphore, #tpu.memory_space<semaphore_mem>>) src(%dma_wait3A_105 : memref<80xi32, #tpu.memory_space<hbm>>) dst(%arg16 : memref<80xi32, #tpu.memory_space<vmem>>)
    %dma_start3A_106 = arith.constant 0 : i32
    %dma_start3A_107 = arith.constant 0 : i32
    %dma_start3A_108 = tpu.memref_slice %arg27[%dma_start3A_106, %dma_start3A_107] : memref<10000x128xf32, #tpu.memory_space<vmem_shared>> -> memref<10000x128xf32, #tpu.memory_space<vmem_shared>>
    tpu.enqueue_indirect_dma source(%arg24 : memref<80x128xf32, #tpu.memory_space<vmem>>) target(%dma_start3A_108 : memref<10000x128xf32, #tpu.memory_space<vmem_shared>>) offsets(%arg16 : memref<80xi32, #tpu.memory_space<vmem>>) semaphore(%arg49 : memref<!tpu.dma_semaphore, #tpu.memory_space<semaphore_mem>>) {add = true}
    %dma_wait3A_109 = arith.constant 0 : i32
    %dma_wait3A_110 = arith.constant 0 : i32
    %dma_wait3A_111 = tpu.memref_slice %arg27[%dma_wait3A_109, %dma_wait3A_110] : memref<10000x128xf32, #tpu.memory_space<vmem_shared>> -> memref<10000x128xf32, #tpu.memory_space<vmem_shared>>
    tpu.wait_indirect_dma semaphore(%arg49 : memref<!tpu.dma_semaphore, #tpu.memory_space<semaphore_mem>>) src(%arg24 : memref<80x128xf32, #tpu.memory_space<vmem>>) dst(%dma_wait3A_111 : memref<10000x128xf32, #tpu.memory_space<vmem_shared>>)
    %barrier3A_112 = arith.constant 0 : index
    tpu.barrier barrier_id(%barrier3A_112)
    %mul3A_113 = arith.constant 624 : i32
    %mul3A_114 = arith.muli %arg1, %mul3A_113 : i32
    %mul3A_115 = arith.constant 10000 : i32
    %mul3A_116 = arith.muli %arg0, %mul3A_115 : i32
    %mul3A_117 = arith.constant 624 : i32
    %mul3A_118 = arith.muli %arg1, %mul3A_117 : i32
    %add3A_119 = arith.addi %mul3A_116, %mul3A_118 : i32
    "tpu.region"() ({
      %run_scoped3A = tpu.sem_alloc : memref<!tpu.dma_semaphore, #tpu.memory_space<semaphore_mem>>
      %dma_start3A_125 = arith.constant 0 : i32
      %dma_start3A_126 = tpu.memref_slice %arg6[%add3A_119, %dma_start3A_125] : memref<20000x128xf32, #tpu.memory_space<hbm>> -> memref<624x128xf32, #tpu.memory_space<hbm>>
      %dma_start3A_127 = arith.constant 0 : i32
      %dma_start3A_128 = tpu.memref_slice %arg27[%mul3A_114, %dma_start3A_127] : memref<10000x128xf32, #tpu.memory_space<vmem_shared>> -> memref<624x128xf32, #tpu.memory_space<vmem_shared>>
      tpu.enqueue_dma source(%dma_start3A_128 : memref<624x128xf32, #tpu.memory_space<vmem_shared>>) target(%dma_start3A_126 : memref<624x128xf32, #tpu.memory_space<hbm>>) target_semaphore(%run_scoped3A : memref<!tpu.dma_semaphore, #tpu.memory_space<semaphore_mem>>)
      %dma_wait3A_129 = arith.constant 0 : i32
      %dma_wait3A_130 = tpu.memref_slice %arg6[%add3A_119, %dma_wait3A_129] : memref<20000x128xf32, #tpu.memory_space<hbm>> -> memref<624x128xf32, #tpu.memory_space<hbm>>
      %dma_wait3A_131 = arith.constant 0 : i32
      %dma_wait3A_132 = tpu.memref_slice %arg27[%mul3A_114, %dma_wait3A_131] : memref<10000x128xf32, #tpu.memory_space<vmem_shared>> -> memref<624x128xf32, #tpu.memory_space<vmem_shared>>
      tpu.wait_dma2 semaphore(%run_scoped3A : memref<!tpu.dma_semaphore, #tpu.memory_space<semaphore_mem>>) src(%dma_wait3A_132 : memref<624x128xf32, #tpu.memory_space<vmem_shared>>) dst(%dma_wait3A_130 : memref<624x128xf32, #tpu.memory_space<hbm>>)
      tpu.yield
    }) : () -> ()
    %eq3A_120 = arith.constant 15 : i32
    %eq3A_121 = arith.cmpi eq, %arg1, %eq3A_120 : i32
    %convert_element_type3A_122 = arith.extui %eq3A_121 : i1 to i32
    %cond3A_123 = arith.constant 0 : i32
    %cond3A_124 = arith.cmpi ne, %convert_element_type3A_122, %cond3A_123 : i32
    scf.if %cond3A_124 {
      %mul3A_125 = arith.constant 10000 : i32
      %mul3A_126 = arith.muli %arg0, %mul3A_125 : i32
      %add3A_127 = arith.constant 9984 : i32
      %add3A_128 = arith.addi %mul3A_126, %add3A_127 : i32
      "tpu.region"() ({
        %run_scoped3A = tpu.sem_alloc : memref<!tpu.dma_semaphore, #tpu.memory_space<semaphore_mem>>
        %dma_start3A_129 = arith.constant 0 : i32
        %dma_start3A_130 = tpu.memref_slice %arg6[%add3A_128, %dma_start3A_129] : memref<20000x128xf32, #tpu.memory_space<hbm>> -> memref<16x128xf32, #tpu.memory_space<hbm>>
        %dma_start3A_131 = arith.constant 9984 : i32
        %dma_start3A_132 = arith.constant 0 : i32
        %dma_start3A_133 = tpu.memref_slice %arg27[%dma_start3A_131, %dma_start3A_132] : memref<10000x128xf32, #tpu.memory_space<vmem_shared>> -> memref<16x128xf32, #tpu.memory_space<vmem_shared>>
        tpu.enqueue_dma source(%dma_start3A_133 : memref<16x128xf32, #tpu.memory_space<vmem_shared>>) target(%dma_start3A_130 : memref<16x128xf32, #tpu.memory_space<hbm>>) target_semaphore(%run_scoped3A : memref<!tpu.dma_semaphore, #tpu.memory_space<semaphore_mem>>)
        %dma_wait3A_134 = arith.constant 0 : i32
        %dma_wait3A_135 = tpu.memref_slice %arg6[%add3A_128, %dma_wait3A_134] : memref<20000x128xf32, #tpu.memory_space<hbm>> -> memref<16x128xf32, #tpu.memory_space<hbm>>
        %dma_wait3A_136 = arith.constant 9984 : i32
        %dma_wait3A_137 = arith.constant 0 : i32
        %dma_wait3A_138 = tpu.memref_slice %arg27[%dma_wait3A_136, %dma_wait3A_137] : memref<10000x128xf32, #tpu.memory_space<vmem_shared>> -> memref<16x128xf32, #tpu.memory_space<vmem_shared>>
        tpu.wait_dma2 semaphore(%run_scoped3A : memref<!tpu.dma_semaphore, #tpu.memory_space<semaphore_mem>>) src(%dma_wait3A_138 : memref<16x128xf32, #tpu.memory_space<vmem_shared>>) dst(%dma_wait3A_135 : memref<16x128xf32, #tpu.memory_space<hbm>>)
        tpu.yield
      }) : () -> ()
    } else {
    }
    return
  }
}

#map = affine_map<(d0, d1) -> (0, 0)>
#map1 = affine_map<(d0, d1) -> (0)>
module attributes {stable_mosaic.version = 14 : i64} {
  func.func @sc_agg(%arg0: i32, %arg1: i32, %arg2: memref<20000x128xf32, #tpu.memory_space<hbm>>, %arg3: memref<640000xi32, #tpu.memory_space<hbm>>, %arg4: memref<320000xi32, #tpu.memory_space<hbm>>, %arg5: memref<10000x128xf32, #tpu.memory_space<hbm>>, %arg6: memref<20000x128xf32, #tpu.memory_space<hbm>>, %arg7: memref<80xi32, #tpu.memory_space<vmem>>, %arg8: memref<80xi32, #tpu.memory_space<vmem>>, %arg9: memref<80xi32, #tpu.memory_space<vmem>>, %arg10: memref<80xi32, #tpu.memory_space<vmem>>, %arg11: memref<80xi32, #tpu.memory_space<vmem>>, %arg12: memref<80xi32, #tpu.memory_space<vmem>>, %arg13: memref<80xi32, #tpu.memory_space<vmem>>, %arg14: memref<80xi32, #tpu.memory_space<vmem>>, %arg15: memref<80xi32, #tpu.memory_space<vmem>>, %arg16: memref<80xi32, #tpu.memory_space<vmem>>, %arg17: memref<80xi32, #tpu.memory_space<vmem>>, %arg18: memref<80xi32, #tpu.memory_space<vmem>>, %arg19: memref<80xi32, #tpu.memory_space<vmem>>, %arg20: memref<80xi32, #tpu.memory_space<vmem>>, %arg21: memref<80xi32, #tpu.memory_space<vmem>>, %arg22: memref<80xi32, #tpu.memory_space<vmem>>, %arg23: memref<80x128xf32, #tpu.memory_space<vmem>>, %arg24: memref<80x128xf32, #tpu.memory_space<vmem>>, %arg25: memref<80x128xf32, #tpu.memory_space<vmem>>, %arg26: memref<80x128xf32, #tpu.memory_space<vmem>>, %arg27: memref<10000x128xf32, #tpu.memory_space<vmem_shared>>, %arg28: memref<!tpu.dma_semaphore, #tpu.memory_space<semaphore_mem>>, %arg29: memref<!tpu.dma_semaphore, #tpu.memory_space<semaphore_mem>>, %arg30: memref<!tpu.dma_semaphore, #tpu.memory_space<semaphore_mem>>, %arg31: memref<!tpu.dma_semaphore, #tpu.memory_space<semaphore_mem>>, %arg32: memref<!tpu.dma_semaphore, #tpu.memory_space<semaphore_mem>>, %arg33: memref<!tpu.dma_semaphore, #tpu.memory_space<semaphore_mem>>, %arg34: memref<!tpu.dma_semaphore, #tpu.memory_space<semaphore_mem>>, %arg35: memref<!tpu.dma_semaphore, #tpu.memory_space<semaphore_mem>>, %arg36: memref<!tpu.dma_semaphore, #tpu.memory_space<semaphore_mem>>, %arg37: memref<!tpu.dma_semaphore, #tpu.memory_space<semaphore_mem>>, %arg38: memref<!tpu.dma_semaphore, #tpu.memory_space<semaphore_mem>>, %arg39: memref<!tpu.dma_semaphore, #tpu.memory_space<semaphore_mem>>, %arg40: memref<!tpu.dma_semaphore, #tpu.memory_space<semaphore_mem>>, %arg41: memref<!tpu.dma_semaphore, #tpu.memory_space<semaphore_mem>>, %arg42: memref<!tpu.dma_semaphore, #tpu.memory_space<semaphore_mem>>, %arg43: memref<!tpu.dma_semaphore, #tpu.memory_space<semaphore_mem>>, %arg44: memref<!tpu.dma_semaphore, #tpu.memory_space<semaphore_mem>>, %arg45: memref<!tpu.dma_semaphore, #tpu.memory_space<semaphore_mem>>, %arg46: memref<!tpu.dma_semaphore, #tpu.memory_space<semaphore_mem>>, %arg47: memref<!tpu.dma_semaphore, #tpu.memory_space<semaphore_mem>>, %arg48: memref<!tpu.dma_semaphore, #tpu.memory_space<semaphore_mem>>, %arg49: memref<!tpu.dma_semaphore, #tpu.memory_space<semaphore_mem>>) attributes {dimension_semantics = [#tpu.dimension_semantics<core_parallel>, #tpu.dimension_semantics<subcore_parallel>], iteration_bounds = array<i64: 2, 16>, scalar_prefetch = 0 : i64, scratch_operands = 43 : i64, tpu.core_type = #tpu.core_type<sc_vector_subcore>, window_params = [{transform_indices = #map}, {transform_indices = #map1}, {transform_indices = #map1}, {transform_indices = #map}, {transform_indices = #map}]} {
    %mul3A = arith.constant 320000 : i32
    %mul3A_0 = arith.muli %arg0, %mul3A : i32
    %mul3A_1 = arith.constant 20000 : i32
    %mul3A_2 = arith.muli %arg1, %mul3A_1 : i32
    %add3A = arith.addi %mul3A_0, %mul3A_2 : i32
    %mul3A_3 = arith.constant 20000 : i32
    %mul3A_4 = arith.muli %arg1, %mul3A_3 : i32
    %add3A_5 = arith.constant 0 : i32
    %add3A_6 = arith.addi %add3A, %add3A_5 : i32
    %dma_start3A = tpu.memref_slice %arg3[%add3A_6] : memref<640000xi32, #tpu.memory_space<hbm>> -> memref<80xi32, #tpu.memory_space<hbm>>
    %dma_start3A_7 = tpu.memref_slice %arg3[%add3A_6] : memref<640000xi32, #tpu.memory_space<hbm>> -> memref<80xi32, #tpu.memory_space<hbm>>
    tpu.enqueue_dma source(%dma_start3A_7 : memref<80xi32, #tpu.memory_space<hbm>>) target(%arg7 : memref<80xi32, #tpu.memory_space<vmem>>) target_semaphore(%arg28 : memref<!tpu.dma_semaphore, #tpu.memory_space<semaphore_mem>>)
    %add3A_8 = arith.constant 0 : i32
    %add3A_9 = arith.addi %mul3A_4, %add3A_8 : i32
    %dma_start3A_10 = tpu.memref_slice %arg4[%add3A_9] : memref<320000xi32, #tpu.memory_space<hbm>> -> memref<80xi32, #tpu.memory_space<hbm>>
    %dma_start3A_11 = tpu.memref_slice %arg4[%add3A_9] : memref<320000xi32, #tpu.memory_space<hbm>> -> memref<80xi32, #tpu.memory_space<hbm>>
    tpu.enqueue_dma source(%dma_start3A_11 : memref<80xi32, #tpu.memory_space<hbm>>) target(%arg15 : memref<80xi32, #tpu.memory_space<vmem>>) target_semaphore(%arg36 : memref<!tpu.dma_semaphore, #tpu.memory_space<semaphore_mem>>)
    %add3A_12 = arith.constant 80 : i32
    %add3A_13 = arith.addi %add3A, %add3A_12 : i32
    %dma_start3A_14 = tpu.memref_slice %arg3[%add3A_13] : memref<640000xi32, #tpu.memory_space<hbm>> -> memref<80xi32, #tpu.memory_space<hbm>>
    %dma_start3A_15 = tpu.memref_slice %arg3[%add3A_13] : memref<640000xi32, #tpu.memory_space<hbm>> -> memref<80xi32, #tpu.memory_space<hbm>>
    tpu.enqueue_dma source(%dma_start3A_15 : memref<80xi32, #tpu.memory_space<hbm>>) target(%arg8 : memref<80xi32, #tpu.memory_space<vmem>>) target_semaphore(%arg29 : memref<!tpu.dma_semaphore, #tpu.memory_space<semaphore_mem>>)
    %add3A_16 = arith.constant 80 : i32
    %add3A_17 = arith.addi %mul3A_4, %add3A_16 : i32
    %dma_start3A_18 = tpu.memref_slice %arg4[%add3A_17] : memref<320000xi32, #tpu.memory_space<hbm>> -> memref<80xi32, #tpu.memory_space<hbm>>
    %dma_start3A_19 = tpu.memref_slice %arg4[%add3A_17] : memref<320000xi32, #tpu.memory_space<hbm>> -> memref<80xi32, #tpu.memory_space<hbm>>
    tpu.enqueue_dma source(%dma_start3A_19 : memref<80xi32, #tpu.memory_space<hbm>>) target(%arg16 : memref<80xi32, #tpu.memory_space<vmem>>) target_semaphore(%arg37 : memref<!tpu.dma_semaphore, #tpu.memory_space<semaphore_mem>>)
    %add3A_20 = arith.constant 160 : i32
    %add3A_21 = arith.addi %add3A, %add3A_20 : i32
    %dma_start3A_22 = tpu.memref_slice %arg3[%add3A_21] : memref<640000xi32, #tpu.memory_space<hbm>> -> memref<80xi32, #tpu.memory_space<hbm>>
    %dma_start3A_23 = tpu.memref_slice %arg3[%add3A_21] : memref<640000xi32, #tpu.memory_space<hbm>> -> memref<80xi32, #tpu.memory_space<hbm>>
    tpu.enqueue_dma source(%dma_start3A_23 : memref<80xi32, #tpu.memory_space<hbm>>) target(%arg9 : memref<80xi32, #tpu.memory_space<vmem>>) target_semaphore(%arg30 : memref<!tpu.dma_semaphore, #tpu.memory_space<semaphore_mem>>)
    %add3A_24 = arith.constant 160 : i32
    %add3A_25 = arith.addi %mul3A_4, %add3A_24 : i32
    %dma_start3A_26 = tpu.memref_slice %arg4[%add3A_25] : memref<320000xi32, #tpu.memory_space<hbm>> -> memref<80xi32, #tpu.memory_space<hbm>>
    %dma_start3A_27 = tpu.memref_slice %arg4[%add3A_25] : memref<320000xi32, #tpu.memory_space<hbm>> -> memref<80xi32, #tpu.memory_space<hbm>>
    tpu.enqueue_dma source(%dma_start3A_27 : memref<80xi32, #tpu.memory_space<hbm>>) target(%arg17 : memref<80xi32, #tpu.memory_space<vmem>>) target_semaphore(%arg38 : memref<!tpu.dma_semaphore, #tpu.memory_space<semaphore_mem>>)
    %add3A_28 = arith.constant 240 : i32
    %add3A_29 = arith.addi %add3A, %add3A_28 : i32
    %dma_start3A_30 = tpu.memref_slice %arg3[%add3A_29] : memref<640000xi32, #tpu.memory_space<hbm>> -> memref<80xi32, #tpu.memory_space<hbm>>
    %dma_start3A_31 = tpu.memref_slice %arg3[%add3A_29] : memref<640000xi32, #tpu.memory_space<hbm>> -> memref<80xi32, #tpu.memory_space<hbm>>
    tpu.enqueue_dma source(%dma_start3A_31 : memref<80xi32, #tpu.memory_space<hbm>>) target(%arg10 : memref<80xi32, #tpu.memory_space<vmem>>) target_semaphore(%arg31 : memref<!tpu.dma_semaphore, #tpu.memory_space<semaphore_mem>>)
    %add3A_32 = arith.constant 240 : i32
    %add3A_33 = arith.addi %mul3A_4, %add3A_32 : i32
    %dma_start3A_34 = tpu.memref_slice %arg4[%add3A_33] : memref<320000xi32, #tpu.memory_space<hbm>> -> memref<80xi32, #tpu.memory_space<hbm>>
    %dma_start3A_35 = tpu.memref_slice %arg4[%add3A_33] : memref<320000xi32, #tpu.memory_space<hbm>> -> memref<80xi32, #tpu.memory_space<hbm>>
    tpu.enqueue_dma source(%dma_start3A_35 : memref<80xi32, #tpu.memory_space<hbm>>) target(%arg18 : memref<80xi32, #tpu.memory_space<vmem>>) target_semaphore(%arg39 : memref<!tpu.dma_semaphore, #tpu.memory_space<semaphore_mem>>)
    %add3A_36 = arith.constant 320 : i32
    %add3A_37 = arith.addi %add3A, %add3A_36 : i32
    %dma_start3A_38 = tpu.memref_slice %arg3[%add3A_37] : memref<640000xi32, #tpu.memory_space<hbm>> -> memref<80xi32, #tpu.memory_space<hbm>>
    %dma_start3A_39 = tpu.memref_slice %arg3[%add3A_37] : memref<640000xi32, #tpu.memory_space<hbm>> -> memref<80xi32, #tpu.memory_space<hbm>>
    tpu.enqueue_dma source(%dma_start3A_39 : memref<80xi32, #tpu.memory_space<hbm>>) target(%arg11 : memref<80xi32, #tpu.memory_space<vmem>>) target_semaphore(%arg32 : memref<!tpu.dma_semaphore, #tpu.memory_space<semaphore_mem>>)
    %add3A_40 = arith.constant 320 : i32
    %add3A_41 = arith.addi %mul3A_4, %add3A_40 : i32
    %dma_start3A_42 = tpu.memref_slice %arg4[%add3A_41] : memref<320000xi32, #tpu.memory_space<hbm>> -> memref<80xi32, #tpu.memory_space<hbm>>
    %dma_start3A_43 = tpu.memref_slice %arg4[%add3A_41] : memref<320000xi32, #tpu.memory_space<hbm>> -> memref<80xi32, #tpu.memory_space<hbm>>
    tpu.enqueue_dma source(%dma_start3A_43 : memref<80xi32, #tpu.memory_space<hbm>>) target(%arg19 : memref<80xi32, #tpu.memory_space<vmem>>) target_semaphore(%arg40 : memref<!tpu.dma_semaphore, #tpu.memory_space<semaphore_mem>>)
    %add3A_44 = arith.constant 400 : i32
    %add3A_45 = arith.addi %add3A, %add3A_44 : i32
    %dma_start3A_46 = tpu.memref_slice %arg3[%add3A_45] : memref<640000xi32, #tpu.memory_space<hbm>> -> memref<80xi32, #tpu.memory_space<hbm>>
    %dma_start3A_47 = tpu.memref_slice %arg3[%add3A_45] : memref<640000xi32, #tpu.memory_space<hbm>> -> memref<80xi32, #tpu.memory_space<hbm>>
    tpu.enqueue_dma source(%dma_start3A_47 : memref<80xi32, #tpu.memory_space<hbm>>) target(%arg12 : memref<80xi32, #tpu.memory_space<vmem>>) target_semaphore(%arg33 : memref<!tpu.dma_semaphore, #tpu.memory_space<semaphore_mem>>)
    %add3A_48 = arith.constant 400 : i32
    %add3A_49 = arith.addi %mul3A_4, %add3A_48 : i32
    %dma_start3A_50 = tpu.memref_slice %arg4[%add3A_49] : memref<320000xi32, #tpu.memory_space<hbm>> -> memref<80xi32, #tpu.memory_space<hbm>>
    %dma_start3A_51 = tpu.memref_slice %arg4[%add3A_49] : memref<320000xi32, #tpu.memory_space<hbm>> -> memref<80xi32, #tpu.memory_space<hbm>>
    tpu.enqueue_dma source(%dma_start3A_51 : memref<80xi32, #tpu.memory_space<hbm>>) target(%arg20 : memref<80xi32, #tpu.memory_space<vmem>>) target_semaphore(%arg41 : memref<!tpu.dma_semaphore, #tpu.memory_space<semaphore_mem>>)
    %mul3A_52 = arith.constant 624 : i32
    %mul3A_53 = arith.muli %arg1, %mul3A_52 : i32
    %mul3A_54 = arith.constant 624 : i32
    %mul3A_55 = arith.muli %arg1, %mul3A_54 : i32
    "tpu.region"() ({
      %run_scoped3A = tpu.sem_alloc : memref<!tpu.dma_semaphore, #tpu.memory_space<semaphore_mem>>
      %dma_start3A_125 = arith.constant 0 : i32
      %dma_start3A_126 = tpu.memref_slice %arg27[%mul3A_55, %dma_start3A_125] : memref<10000x128xf32, #tpu.memory_space<vmem_shared>> -> memref<624x128xf32, #tpu.memory_space<vmem_shared>>
      %dma_start3A_127 = arith.constant 0 : i32
      %dma_start3A_128 = tpu.memref_slice %arg5[%mul3A_53, %dma_start3A_127] : memref<10000x128xf32, #tpu.memory_space<hbm>> -> memref<624x128xf32, #tpu.memory_space<hbm>>
      tpu.enqueue_dma source(%dma_start3A_128 : memref<624x128xf32, #tpu.memory_space<hbm>>) target(%dma_start3A_126 : memref<624x128xf32, #tpu.memory_space<vmem_shared>>) target_semaphore(%run_scoped3A : memref<!tpu.dma_semaphore, #tpu.memory_space<semaphore_mem>>)
      %dma_wait3A_129 = arith.constant 0 : i32
      %dma_wait3A_130 = tpu.memref_slice %arg27[%mul3A_55, %dma_wait3A_129] : memref<10000x128xf32, #tpu.memory_space<vmem_shared>> -> memref<624x128xf32, #tpu.memory_space<vmem_shared>>
      %dma_wait3A_131 = arith.constant 0 : i32
      %dma_wait3A_132 = tpu.memref_slice %arg5[%mul3A_53, %dma_wait3A_131] : memref<10000x128xf32, #tpu.memory_space<hbm>> -> memref<624x128xf32, #tpu.memory_space<hbm>>
      tpu.wait_dma2 semaphore(%run_scoped3A : memref<!tpu.dma_semaphore, #tpu.memory_space<semaphore_mem>>) src(%dma_wait3A_132 : memref<624x128xf32, #tpu.memory_space<hbm>>) dst(%dma_wait3A_130 : memref<624x128xf32, #tpu.memory_space<vmem_shared>>)
      tpu.yield
    }) : () -> ()
    %eq3A = arith.constant 15 : i32
    %eq3A_56 = arith.cmpi eq, %arg1, %eq3A : i32
    %convert_element_type3A = arith.extui %eq3A_56 : i1 to i32
    %cond3A = arith.constant 0 : i32
    %cond3A_57 = arith.cmpi ne, %convert_element_type3A, %cond3A : i32
    scf.if %cond3A_57 {
      "tpu.region"() ({
        %run_scoped3A = tpu.sem_alloc : memref<!tpu.dma_semaphore, #tpu.memory_space<semaphore_mem>>
        %dma_start3A_125 = arith.constant 9984 : i32
        %dma_start3A_126 = arith.constant 0 : i32
        %dma_start3A_127 = tpu.memref_slice %arg27[%dma_start3A_125, %dma_start3A_126] : memref<10000x128xf32, #tpu.memory_space<vmem_shared>> -> memref<16x128xf32, #tpu.memory_space<vmem_shared>>
        %dma_start3A_128 = arith.constant 9984 : i32
        %dma_start3A_129 = arith.constant 0 : i32
        %dma_start3A_130 = tpu.memref_slice %arg5[%dma_start3A_128, %dma_start3A_129] : memref<10000x128xf32, #tpu.memory_space<hbm>> -> memref<16x128xf32, #tpu.memory_space<hbm>>
        tpu.enqueue_dma source(%dma_start3A_130 : memref<16x128xf32, #tpu.memory_space<hbm>>) target(%dma_start3A_127 : memref<16x128xf32, #tpu.memory_space<vmem_shared>>) target_semaphore(%run_scoped3A : memref<!tpu.dma_semaphore, #tpu.memory_space<semaphore_mem>>)
        %dma_wait3A_131 = arith.constant 9984 : i32
        %dma_wait3A_132 = arith.constant 0 : i32
        %dma_wait3A_133 = tpu.memref_slice %arg27[%dma_wait3A_131, %dma_wait3A_132] : memref<10000x128xf32, #tpu.memory_space<vmem_shared>> -> memref<16x128xf32, #tpu.memory_space<vmem_shared>>
        %dma_wait3A_134 = arith.constant 9984 : i32
        %dma_wait3A_135 = arith.constant 0 : i32
        %dma_wait3A_136 = tpu.memref_slice %arg5[%dma_wait3A_134, %dma_wait3A_135] : memref<10000x128xf32, #tpu.memory_space<hbm>> -> memref<16x128xf32, #tpu.memory_space<hbm>>
        tpu.wait_dma2 semaphore(%run_scoped3A : memref<!tpu.dma_semaphore, #tpu.memory_space<semaphore_mem>>) src(%dma_wait3A_136 : memref<16x128xf32, #tpu.memory_space<hbm>>) dst(%dma_wait3A_133 : memref<16x128xf32, #tpu.memory_space<vmem_shared>>)
        tpu.yield
      }) : () -> ()
    } else {
    }
    %add3A_58 = arith.constant 0 : i32
    %add3A_59 = arith.addi %add3A, %add3A_58 : i32
    %dma_wait3A = tpu.memref_slice %arg3[%add3A_59] : memref<640000xi32, #tpu.memory_space<hbm>> -> memref<80xi32, #tpu.memory_space<hbm>>
    %dma_wait3A_60 = tpu.memref_slice %arg3[%add3A_59] : memref<640000xi32, #tpu.memory_space<hbm>> -> memref<80xi32, #tpu.memory_space<hbm>>
    tpu.wait_dma2 semaphore(%arg28 : memref<!tpu.dma_semaphore, #tpu.memory_space<semaphore_mem>>) src(%dma_wait3A_60 : memref<80xi32, #tpu.memory_space<hbm>>) dst(%arg7 : memref<80xi32, #tpu.memory_space<vmem>>)
    %dma_start3A_61 = arith.constant 0 : i32
    %dma_start3A_62 = arith.constant 0 : i32
    %dma_start3A_63 = tpu.memref_slice %arg2[%dma_start3A_61, %dma_start3A_62] : memref<20000x128xf32, #tpu.memory_space<hbm>> -> memref<20000x128xf32, #tpu.memory_space<hbm>>
    tpu.enqueue_indirect_dma source(%dma_start3A_63 : memref<20000x128xf32, #tpu.memory_space<hbm>>) target(%arg23 : memref<80x128xf32, #tpu.memory_space<vmem>>) offsets(%arg7 : memref<80xi32, #tpu.memory_space<vmem>>) semaphore(%arg44 : memref<!tpu.dma_semaphore, #tpu.memory_space<semaphore_mem>>)
    %add3A_64 = arith.constant 80 : i32
    %add3A_65 = arith.addi %add3A, %add3A_64 : i32
    %dma_wait3A_66 = tpu.memref_slice %arg3[%add3A_65] : memref<640000xi32, #tpu.memory_space<hbm>> -> memref<80xi32, #tpu.memory_space<hbm>>
    %dma_wait3A_67 = tpu.memref_slice %arg3[%add3A_65] : memref<640000xi32, #tpu.memory_space<hbm>> -> memref<80xi32, #tpu.memory_space<hbm>>
    tpu.wait_dma2 semaphore(%arg29 : memref<!tpu.dma_semaphore, #tpu.memory_space<semaphore_mem>>) src(%dma_wait3A_67 : memref<80xi32, #tpu.memory_space<hbm>>) dst(%arg8 : memref<80xi32, #tpu.memory_space<vmem>>)
    %dma_start3A_68 = arith.constant 0 : i32
    %dma_start3A_69 = arith.constant 0 : i32
    %dma_start3A_70 = tpu.memref_slice %arg2[%dma_start3A_68, %dma_start3A_69] : memref<20000x128xf32, #tpu.memory_space<hbm>> -> memref<20000x128xf32, #tpu.memory_space<hbm>>
    tpu.enqueue_indirect_dma source(%dma_start3A_70 : memref<20000x128xf32, #tpu.memory_space<hbm>>) target(%arg24 : memref<80x128xf32, #tpu.memory_space<vmem>>) offsets(%arg8 : memref<80xi32, #tpu.memory_space<vmem>>) semaphore(%arg45 : memref<!tpu.dma_semaphore, #tpu.memory_space<semaphore_mem>>)
    %add3A_71 = arith.constant 160 : i32
    %add3A_72 = arith.addi %add3A, %add3A_71 : i32
    %dma_wait3A_73 = tpu.memref_slice %arg3[%add3A_72] : memref<640000xi32, #tpu.memory_space<hbm>> -> memref<80xi32, #tpu.memory_space<hbm>>
    %dma_wait3A_74 = tpu.memref_slice %arg3[%add3A_72] : memref<640000xi32, #tpu.memory_space<hbm>> -> memref<80xi32, #tpu.memory_space<hbm>>
    tpu.wait_dma2 semaphore(%arg30 : memref<!tpu.dma_semaphore, #tpu.memory_space<semaphore_mem>>) src(%dma_wait3A_74 : memref<80xi32, #tpu.memory_space<hbm>>) dst(%arg9 : memref<80xi32, #tpu.memory_space<vmem>>)
    %dma_start3A_75 = arith.constant 0 : i32
    %dma_start3A_76 = arith.constant 0 : i32
    %dma_start3A_77 = tpu.memref_slice %arg2[%dma_start3A_75, %dma_start3A_76] : memref<20000x128xf32, #tpu.memory_space<hbm>> -> memref<20000x128xf32, #tpu.memory_space<hbm>>
    tpu.enqueue_indirect_dma source(%dma_start3A_77 : memref<20000x128xf32, #tpu.memory_space<hbm>>) target(%arg25 : memref<80x128xf32, #tpu.memory_space<vmem>>) offsets(%arg9 : memref<80xi32, #tpu.memory_space<vmem>>) semaphore(%arg46 : memref<!tpu.dma_semaphore, #tpu.memory_space<semaphore_mem>>)
    %barrier3A = arith.constant 0 : index
    tpu.barrier barrier_id(%barrier3A)
    %scan3A = arith.constant 0 : i32
    %scan3A_78 = arith.constant 0 : i32
    %scan3A_79 = arith.constant 31 : i32
    %scan3A_80 = arith.addi %scan3A_78, %scan3A_79 : i32
    %scan3A_81 = arith.constant 1 : i32
    scf.for %scan3A_125 = %scan3A_78 to %scan3A_80 step %scan3A_81  : i32 {
      %mul3A_126 = arith.constant 8 : i32
      %mul3A_127 = arith.muli %scan3A_125, %mul3A_126 : i32
      %add3A_128 = arith.constant 0 : i32
      %add3A_129 = arith.addi %mul3A_127, %add3A_128 : i32
      %dma_wait3A_130 = arith.constant 0 : i32
      %dma_wait3A_131 = arith.constant 0 : i32
      %dma_wait3A_132 = tpu.memref_slice %arg2[%dma_wait3A_130, %dma_wait3A_131] : memref<20000x128xf32, #tpu.memory_space<hbm>> -> memref<20000x128xf32, #tpu.memory_space<hbm>>
      tpu.wait_indirect_dma semaphore(%arg44 : memref<!tpu.dma_semaphore, #tpu.memory_space<semaphore_mem>>) src(%dma_wait3A_132 : memref<20000x128xf32, #tpu.memory_space<hbm>>) dst(%arg23 : memref<80x128xf32, #tpu.memory_space<vmem>>)
      %ge3A = arith.constant 1 : i32
      %ge3A_133 = arith.cmpi sge, %add3A_129, %ge3A : i32
      %convert_element_type3A_134 = arith.extui %ge3A_133 : i1 to i32
      %cond3A_135 = arith.constant 0 : i32
      %cond3A_136 = arith.cmpi ne, %convert_element_type3A_134, %cond3A_135 : i32
      scf.if %cond3A_136 {
        %dma_wait3A_382 = arith.constant 0 : i32
        %dma_wait3A_383 = arith.constant 0 : i32
        %dma_wait3A_384 = tpu.memref_slice %arg27[%dma_wait3A_382, %dma_wait3A_383] : memref<10000x128xf32, #tpu.memory_space<vmem_shared>> -> memref<10000x128xf32, #tpu.memory_space<vmem_shared>>
        tpu.wait_indirect_dma semaphore(%arg49 : memref<!tpu.dma_semaphore, #tpu.memory_space<semaphore_mem>>) src(%arg26 : memref<80x128xf32, #tpu.memory_space<vmem>>) dst(%dma_wait3A_384 : memref<10000x128xf32, #tpu.memory_space<vmem_shared>>)
      } else {
      }
      %add3A_137 = arith.constant 6 : i32
      %add3A_138 = arith.addi %add3A_129, %add3A_137 : i32
      %lt3A = arith.constant 250 : i32
      %lt3A_139 = arith.cmpi slt, %add3A_138, %lt3A : i32
      %convert_element_type3A_140 = arith.extui %lt3A_139 : i1 to i32
      %cond3A_141 = arith.constant 0 : i32
      %cond3A_142 = arith.cmpi ne, %convert_element_type3A_140, %cond3A_141 : i32
      scf.if %cond3A_142 {
        %add3A_382 = arith.constant 6 : i32
        %add3A_383 = arith.addi %add3A_129, %add3A_382 : i32
        %mul3A_384 = arith.constant 80 : i32
        %mul3A_385 = arith.muli %add3A_383, %mul3A_384 : i32
        %add3A_386 = arith.addi %add3A, %mul3A_385 : i32
        %dma_start3A_387 = tpu.memref_slice %arg3[%add3A_386] : memref<640000xi32, #tpu.memory_space<hbm>> -> memref<80xi32, #tpu.memory_space<hbm>>
        %dma_start3A_388 = tpu.memref_slice %arg3[%add3A_386] : memref<640000xi32, #tpu.memory_space<hbm>> -> memref<80xi32, #tpu.memory_space<hbm>>
        tpu.enqueue_dma source(%dma_start3A_388 : memref<80xi32, #tpu.memory_space<hbm>>) target(%arg13 : memref<80xi32, #tpu.memory_space<vmem>>) target_semaphore(%arg34 : memref<!tpu.dma_semaphore, #tpu.memory_space<semaphore_mem>>)
        %mul3A_389 = arith.constant 80 : i32
        %mul3A_390 = arith.muli %add3A_383, %mul3A_389 : i32
        %add3A_391 = arith.addi %mul3A_4, %mul3A_390 : i32
        %dma_start3A_392 = tpu.memref_slice %arg4[%add3A_391] : memref<320000xi32, #tpu.memory_space<hbm>> -> memref<80xi32, #tpu.memory_space<hbm>>
        %dma_start3A_393 = tpu.memref_slice %arg4[%add3A_391] : memref<320000xi32, #tpu.memory_space<hbm>> -> memref<80xi32, #tpu.memory_space<hbm>>
        tpu.enqueue_dma source(%dma_start3A_393 : memref<80xi32, #tpu.memory_space<hbm>>) target(%arg21 : memref<80xi32, #tpu.memory_space<vmem>>) target_semaphore(%arg42 : memref<!tpu.dma_semaphore, #tpu.memory_space<semaphore_mem>>)
      } else {
      }
      %add3A_143 = arith.constant 3 : i32
      %add3A_144 = arith.addi %add3A_129, %add3A_143 : i32
      %lt3A_145 = arith.constant 250 : i32
      %lt3A_146 = arith.cmpi slt, %add3A_144, %lt3A_145 : i32
      %convert_element_type3A_147 = arith.extui %lt3A_146 : i1 to i32
      %cond3A_148 = arith.constant 0 : i32
      %cond3A_149 = arith.cmpi ne, %convert_element_type3A_147, %cond3A_148 : i32
      scf.if %cond3A_149 {
        %add3A_382 = arith.constant 3 : i32
        %add3A_383 = arith.addi %add3A_129, %add3A_382 : i32
        %mul3A_384 = arith.constant 80 : i32
        %mul3A_385 = arith.muli %add3A_383, %mul3A_384 : i32
        %add3A_386 = arith.addi %add3A, %mul3A_385 : i32
        %dma_wait3A_387 = tpu.memref_slice %arg3[%add3A_386] : memref<640000xi32, #tpu.memory_space<hbm>> -> memref<80xi32, #tpu.memory_space<hbm>>
        %dma_wait3A_388 = tpu.memref_slice %arg3[%add3A_386] : memref<640000xi32, #tpu.memory_space<hbm>> -> memref<80xi32, #tpu.memory_space<hbm>>
        tpu.wait_dma2 semaphore(%arg31 : memref<!tpu.dma_semaphore, #tpu.memory_space<semaphore_mem>>) src(%dma_wait3A_388 : memref<80xi32, #tpu.memory_space<hbm>>) dst(%arg10 : memref<80xi32, #tpu.memory_space<vmem>>)
        %dma_start3A_389 = arith.constant 0 : i32
        %dma_start3A_390 = arith.constant 0 : i32
        %dma_start3A_391 = tpu.memref_slice %arg2[%dma_start3A_389, %dma_start3A_390] : memref<20000x128xf32, #tpu.memory_space<hbm>> -> memref<20000x128xf32, #tpu.memory_space<hbm>>
        tpu.enqueue_indirect_dma source(%dma_start3A_391 : memref<20000x128xf32, #tpu.memory_space<hbm>>) target(%arg26 : memref<80x128xf32, #tpu.memory_space<vmem>>) offsets(%arg10 : memref<80xi32, #tpu.memory_space<vmem>>) semaphore(%arg47 : memref<!tpu.dma_semaphore, #tpu.memory_space<semaphore_mem>>)
      } else {
      }
      %mul3A_150 = arith.constant 80 : i32
      %mul3A_151 = arith.muli %add3A_129, %mul3A_150 : i32
      %add3A_152 = arith.addi %mul3A_4, %mul3A_151 : i32
      %dma_wait3A_153 = tpu.memref_slice %arg4[%add3A_152] : memref<320000xi32, #tpu.memory_space<hbm>> -> memref<80xi32, #tpu.memory_space<hbm>>
      %dma_wait3A_154 = tpu.memref_slice %arg4[%add3A_152] : memref<320000xi32, #tpu.memory_space<hbm>> -> memref<80xi32, #tpu.memory_space<hbm>>
      tpu.wait_dma2 semaphore(%arg36 : memref<!tpu.dma_semaphore, #tpu.memory_space<semaphore_mem>>) src(%dma_wait3A_154 : memref<80xi32, #tpu.memory_space<hbm>>) dst(%arg15 : memref<80xi32, #tpu.memory_space<vmem>>)
      %dma_start3A_155 = arith.constant 0 : i32
      %dma_start3A_156 = arith.constant 0 : i32
      %dma_start3A_157 = tpu.memref_slice %arg27[%dma_start3A_155, %dma_start3A_156] : memref<10000x128xf32, #tpu.memory_space<vmem_shared>> -> memref<10000x128xf32, #tpu.memory_space<vmem_shared>>
      tpu.enqueue_indirect_dma source(%arg23 : memref<80x128xf32, #tpu.memory_space<vmem>>) target(%dma_start3A_157 : memref<10000x128xf32, #tpu.memory_space<vmem_shared>>) offsets(%arg15 : memref<80xi32, #tpu.memory_space<vmem>>) semaphore(%arg48 : memref<!tpu.dma_semaphore, #tpu.memory_space<semaphore_mem>>) {add = true}
      %mul3A_158 = arith.constant 8 : i32
      %mul3A_159 = arith.muli %scan3A_125, %mul3A_158 : i32
      %add3A_160 = arith.constant 1 : i32
      %add3A_161 = arith.addi %mul3A_159, %add3A_160 : i32
      %dma_wait3A_162 = arith.constant 0 : i32
      %dma_wait3A_163 = arith.constant 0 : i32
      %dma_wait3A_164 = tpu.memref_slice %arg2[%dma_wait3A_162, %dma_wait3A_163] : memref<20000x128xf32, #tpu.memory_space<hbm>> -> memref<20000x128xf32, #tpu.memory_space<hbm>>
      tpu.wait_indirect_dma semaphore(%arg45 : memref<!tpu.dma_semaphore, #tpu.memory_space<semaphore_mem>>) src(%dma_wait3A_164 : memref<20000x128xf32, #tpu.memory_space<hbm>>) dst(%arg24 : memref<80x128xf32, #tpu.memory_space<vmem>>)
      %dma_wait3A_165 = arith.constant 0 : i32
      %dma_wait3A_166 = arith.constant 0 : i32
      %dma_wait3A_167 = tpu.memref_slice %arg27[%dma_wait3A_165, %dma_wait3A_166] : memref<10000x128xf32, #tpu.memory_space<vmem_shared>> -> memref<10000x128xf32, #tpu.memory_space<vmem_shared>>
      tpu.wait_indirect_dma semaphore(%arg48 : memref<!tpu.dma_semaphore, #tpu.memory_space<semaphore_mem>>) src(%arg23 : memref<80x128xf32, #tpu.memory_space<vmem>>) dst(%dma_wait3A_167 : memref<10000x128xf32, #tpu.memory_space<vmem_shared>>)
      %add3A_168 = arith.constant 6 : i32
      %add3A_169 = arith.addi %add3A_161, %add3A_168 : i32
      %lt3A_170 = arith.constant 250 : i32
      %lt3A_171 = arith.cmpi slt, %add3A_169, %lt3A_170 : i32
      %convert_element_type3A_172 = arith.extui %lt3A_171 : i1 to i32
      %cond3A_173 = arith.constant 0 : i32
      %cond3A_174 = arith.cmpi ne, %convert_element_type3A_172, %cond3A_173 : i32
      scf.if %cond3A_174 {
        %add3A_382 = arith.constant 6 : i32
        %add3A_383 = arith.addi %add3A_161, %add3A_382 : i32
        %mul3A_384 = arith.constant 80 : i32
        %mul3A_385 = arith.muli %add3A_383, %mul3A_384 : i32
        %add3A_386 = arith.addi %add3A, %mul3A_385 : i32
        %dma_start3A_387 = tpu.memref_slice %arg3[%add3A_386] : memref<640000xi32, #tpu.memory_space<hbm>> -> memref<80xi32, #tpu.memory_space<hbm>>
        %dma_start3A_388 = tpu.memref_slice %arg3[%add3A_386] : memref<640000xi32, #tpu.memory_space<hbm>> -> memref<80xi32, #tpu.memory_space<hbm>>
        tpu.enqueue_dma source(%dma_start3A_388 : memref<80xi32, #tpu.memory_space<hbm>>) target(%arg14 : memref<80xi32, #tpu.memory_space<vmem>>) target_semaphore(%arg35 : memref<!tpu.dma_semaphore, #tpu.memory_space<semaphore_mem>>)
        %mul3A_389 = arith.constant 80 : i32
        %mul3A_390 = arith.muli %add3A_383, %mul3A_389 : i32
        %add3A_391 = arith.addi %mul3A_4, %mul3A_390 : i32
        %dma_start3A_392 = tpu.memref_slice %arg4[%add3A_391] : memref<320000xi32, #tpu.memory_space<hbm>> -> memref<80xi32, #tpu.memory_space<hbm>>
        %dma_start3A_393 = tpu.memref_slice %arg4[%add3A_391] : memref<320000xi32, #tpu.memory_space<hbm>> -> memref<80xi32, #tpu.memory_space<hbm>>
        tpu.enqueue_dma source(%dma_start3A_393 : memref<80xi32, #tpu.memory_space<hbm>>) target(%arg22 : memref<80xi32, #tpu.memory_space<vmem>>) target_semaphore(%arg43 : memref<!tpu.dma_semaphore, #tpu.memory_space<semaphore_mem>>)
      } else {
      }
      %add3A_175 = arith.constant 3 : i32
      %add3A_176 = arith.addi %add3A_161, %add3A_175 : i32
      %lt3A_177 = arith.constant 250 : i32
      %lt3A_178 = arith.cmpi slt, %add3A_176, %lt3A_177 : i32
      %convert_element_type3A_179 = arith.extui %lt3A_178 : i1 to i32
      %cond3A_180 = arith.constant 0 : i32
      %cond3A_181 = arith.cmpi ne, %convert_element_type3A_179, %cond3A_180 : i32
      scf.if %cond3A_181 {
        %add3A_382 = arith.constant 3 : i32
        %add3A_383 = arith.addi %add3A_161, %add3A_382 : i32
        %mul3A_384 = arith.constant 80 : i32
        %mul3A_385 = arith.muli %add3A_383, %mul3A_384 : i32
        %add3A_386 = arith.addi %add3A, %mul3A_385 : i32
        %dma_wait3A_387 = tpu.memref_slice %arg3[%add3A_386] : memref<640000xi32, #tpu.memory_space<hbm>> -> memref<80xi32, #tpu.memory_space<hbm>>
        %dma_wait3A_388 = tpu.memref_slice %arg3[%add3A_386] : memref<640000xi32, #tpu.memory_space<hbm>> -> memref<80xi32, #tpu.memory_space<hbm>>
        tpu.wait_dma2 semaphore(%arg32 : memref<!tpu.dma_semaphore, #tpu.memory_space<semaphore_mem>>) src(%dma_wait3A_388 : memref<80xi32, #tpu.memory_space<hbm>>) dst(%arg11 : memref<80xi32, #tpu.memory_space<vmem>>)
        %dma_start3A_389 = arith.constant 0 : i32
        %dma_start3A_390 = arith.constant 0 : i32
        %dma_start3A_391 = tpu.memref_slice %arg2[%dma_start3A_389, %dma_start3A_390] : memref<20000x128xf32, #tpu.memory_space<hbm>> -> memref<20000x128xf32, #tpu.memory_space<hbm>>
        tpu.enqueue_indirect_dma source(%dma_start3A_391 : memref<20000x128xf32, #tpu.memory_space<hbm>>) target(%arg23 : memref<80x128xf32, #tpu.memory_space<vmem>>) offsets(%arg11 : memref<80xi32, #tpu.memory_space<vmem>>) semaphore(%arg44 : memref<!tpu.dma_semaphore, #tpu.memory_space<semaphore_mem>>)
      } else {
      }
      %mul3A_182 = arith.constant 80 : i32
      %mul3A_183 = arith.muli %add3A_161, %mul3A_182 : i32
      %add3A_184 = arith.addi %mul3A_4, %mul3A_183 : i32
      %dma_wait3A_185 = tpu.memref_slice %arg4[%add3A_184] : memref<320000xi32, #tpu.memory_space<hbm>> -> memref<80xi32, #tpu.memory_space<hbm>>
      %dma_wait3A_186 = tpu.memref_slice %arg4[%add3A_184] : memref<320000xi32, #tpu.memory_space<hbm>> -> memref<80xi32, #tpu.memory_space<hbm>>
      tpu.wait_dma2 semaphore(%arg37 : memref<!tpu.dma_semaphore, #tpu.memory_space<semaphore_mem>>) src(%dma_wait3A_186 : memref<80xi32, #tpu.memory_space<hbm>>) dst(%arg16 : memref<80xi32, #tpu.memory_space<vmem>>)
      %dma_start3A_187 = arith.constant 0 : i32
      %dma_start3A_188 = arith.constant 0 : i32
      %dma_start3A_189 = tpu.memref_slice %arg27[%dma_start3A_187, %dma_start3A_188] : memref<10000x128xf32, #tpu.memory_space<vmem_shared>> -> memref<10000x128xf32, #tpu.memory_space<vmem_shared>>
      tpu.enqueue_indirect_dma source(%arg24 : memref<80x128xf32, #tpu.memory_space<vmem>>) target(%dma_start3A_189 : memref<10000x128xf32, #tpu.memory_space<vmem_shared>>) offsets(%arg16 : memref<80xi32, #tpu.memory_space<vmem>>) semaphore(%arg49 : memref<!tpu.dma_semaphore, #tpu.memory_space<semaphore_mem>>) {add = true}
      %mul3A_190 = arith.constant 8 : i32
      %mul3A_191 = arith.muli %scan3A_125, %mul3A_190 : i32
      %add3A_192 = arith.constant 2 : i32
      %add3A_193 = arith.addi %mul3A_191, %add3A_192 : i32
      %dma_wait3A_194 = arith.constant 0 : i32
      %dma_wait3A_195 = arith.constant 0 : i32
      %dma_wait3A_196 = tpu.memref_slice %arg2[%dma_wait3A_194, %dma_wait3A_195] : memref<20000x128xf32, #tpu.memory_space<hbm>> -> memref<20000x128xf32, #tpu.memory_space<hbm>>
      tpu.wait_indirect_dma semaphore(%arg46 : memref<!tpu.dma_semaphore, #tpu.memory_space<semaphore_mem>>) src(%dma_wait3A_196 : memref<20000x128xf32, #tpu.memory_space<hbm>>) dst(%arg25 : memref<80x128xf32, #tpu.memory_space<vmem>>)
      %dma_wait3A_197 = arith.constant 0 : i32
      %dma_wait3A_198 = arith.constant 0 : i32
      %dma_wait3A_199 = tpu.memref_slice %arg27[%dma_wait3A_197, %dma_wait3A_198] : memref<10000x128xf32, #tpu.memory_space<vmem_shared>> -> memref<10000x128xf32, #tpu.memory_space<vmem_shared>>
      tpu.wait_indirect_dma semaphore(%arg49 : memref<!tpu.dma_semaphore, #tpu.memory_space<semaphore_mem>>) src(%arg24 : memref<80x128xf32, #tpu.memory_space<vmem>>) dst(%dma_wait3A_199 : memref<10000x128xf32, #tpu.memory_space<vmem_shared>>)
      %add3A_200 = arith.constant 6 : i32
      %add3A_201 = arith.addi %add3A_193, %add3A_200 : i32
      %lt3A_202 = arith.constant 250 : i32
      %lt3A_203 = arith.cmpi slt, %add3A_201, %lt3A_202 : i32
      %convert_element_type3A_204 = arith.extui %lt3A_203 : i1 to i32
      %cond3A_205 = arith.constant 0 : i32
      %cond3A_206 = arith.cmpi ne, %convert_element_type3A_204, %cond3A_205 : i32
      scf.if %cond3A_206 {
        %add3A_382 = arith.constant 6 : i32
        %add3A_383 = arith.addi %add3A_193, %add3A_382 : i32
        %mul3A_384 = arith.constant 80 : i32
        %mul3A_385 = arith.muli %add3A_383, %mul3A_384 : i32
        %add3A_386 = arith.addi %add3A, %mul3A_385 : i32
        %dma_start3A_387 = tpu.memref_slice %arg3[%add3A_386] : memref<640000xi32, #tpu.memory_space<hbm>> -> memref<80xi32, #tpu.memory_space<hbm>>
        %dma_start3A_388 = tpu.memref_slice %arg3[%add3A_386] : memref<640000xi32, #tpu.memory_space<hbm>> -> memref<80xi32, #tpu.memory_space<hbm>>
        tpu.enqueue_dma source(%dma_start3A_388 : memref<80xi32, #tpu.memory_space<hbm>>) target(%arg7 : memref<80xi32, #tpu.memory_space<vmem>>) target_semaphore(%arg28 : memref<!tpu.dma_semaphore, #tpu.memory_space<semaphore_mem>>)
        %mul3A_389 = arith.constant 80 : i32
        %mul3A_390 = arith.muli %add3A_383, %mul3A_389 : i32
        %add3A_391 = arith.addi %mul3A_4, %mul3A_390 : i32
        %dma_start3A_392 = tpu.memref_slice %arg4[%add3A_391] : memref<320000xi32, #tpu.memory_space<hbm>> -> memref<80xi32, #tpu.memory_space<hbm>>
        %dma_start3A_393 = tpu.memref_slice %arg4[%add3A_391] : memref<320000xi32, #tpu.memory_space<hbm>> -> memref<80xi32, #tpu.memory_space<hbm>>
        tpu.enqueue_dma source(%dma_start3A_393 : memref<80xi32, #tpu.memory_space<hbm>>) target(%arg15 : memref<80xi32, #tpu.memory_space<vmem>>) target_semaphore(%arg36 : memref<!tpu.dma_semaphore, #tpu.memory_space<semaphore_mem>>)
      } else {
      }
      %add3A_207 = arith.constant 3 : i32
      %add3A_208 = arith.addi %add3A_193, %add3A_207 : i32
      %lt3A_209 = arith.constant 250 : i32
      %lt3A_210 = arith.cmpi slt, %add3A_208, %lt3A_209 : i32
      %convert_element_type3A_211 = arith.extui %lt3A_210 : i1 to i32
      %cond3A_212 = arith.constant 0 : i32
      %cond3A_213 = arith.cmpi ne, %convert_element_type3A_211, %cond3A_212 : i32
      scf.if %cond3A_213 {
        %add3A_382 = arith.constant 3 : i32
        %add3A_383 = arith.addi %add3A_193, %add3A_382 : i32
        %mul3A_384 = arith.constant 80 : i32
        %mul3A_385 = arith.muli %add3A_383, %mul3A_384 : i32
        %add3A_386 = arith.addi %add3A, %mul3A_385 : i32
        %dma_wait3A_387 = tpu.memref_slice %arg3[%add3A_386] : memref<640000xi32, #tpu.memory_space<hbm>> -> memref<80xi32, #tpu.memory_space<hbm>>
        %dma_wait3A_388 = tpu.memref_slice %arg3[%add3A_386] : memref<640000xi32, #tpu.memory_space<hbm>> -> memref<80xi32, #tpu.memory_space<hbm>>
        tpu.wait_dma2 semaphore(%arg33 : memref<!tpu.dma_semaphore, #tpu.memory_space<semaphore_mem>>) src(%dma_wait3A_388 : memref<80xi32, #tpu.memory_space<hbm>>) dst(%arg12 : memref<80xi32, #tpu.memory_space<vmem>>)
        %dma_start3A_389 = arith.constant 0 : i32
        %dma_start3A_390 = arith.constant 0 : i32
        %dma_start3A_391 = tpu.memref_slice %arg2[%dma_start3A_389, %dma_start3A_390] : memref<20000x128xf32, #tpu.memory_space<hbm>> -> memref<20000x128xf32, #tpu.memory_space<hbm>>
        tpu.enqueue_indirect_dma source(%dma_start3A_391 : memref<20000x128xf32, #tpu.memory_space<hbm>>) target(%arg24 : memref<80x128xf32, #tpu.memory_space<vmem>>) offsets(%arg12 : memref<80xi32, #tpu.memory_space<vmem>>) semaphore(%arg45 : memref<!tpu.dma_semaphore, #tpu.memory_space<semaphore_mem>>)
      } else {
      }
      %mul3A_214 = arith.constant 80 : i32
      %mul3A_215 = arith.muli %add3A_193, %mul3A_214 : i32
      %add3A_216 = arith.addi %mul3A_4, %mul3A_215 : i32
      %dma_wait3A_217 = tpu.memref_slice %arg4[%add3A_216] : memref<320000xi32, #tpu.memory_space<hbm>> -> memref<80xi32, #tpu.memory_space<hbm>>
      %dma_wait3A_218 = tpu.memref_slice %arg4[%add3A_216] : memref<320000xi32, #tpu.memory_space<hbm>> -> memref<80xi32, #tpu.memory_space<hbm>>
      tpu.wait_dma2 semaphore(%arg38 : memref<!tpu.dma_semaphore, #tpu.memory_space<semaphore_mem>>) src(%dma_wait3A_218 : memref<80xi32, #tpu.memory_space<hbm>>) dst(%arg17 : memref<80xi32, #tpu.memory_space<vmem>>)
      %dma_start3A_219 = arith.constant 0 : i32
      %dma_start3A_220 = arith.constant 0 : i32
      %dma_start3A_221 = tpu.memref_slice %arg27[%dma_start3A_219, %dma_start3A_220] : memref<10000x128xf32, #tpu.memory_space<vmem_shared>> -> memref<10000x128xf32, #tpu.memory_space<vmem_shared>>
      tpu.enqueue_indirect_dma source(%arg25 : memref<80x128xf32, #tpu.memory_space<vmem>>) target(%dma_start3A_221 : memref<10000x128xf32, #tpu.memory_space<vmem_shared>>) offsets(%arg17 : memref<80xi32, #tpu.memory_space<vmem>>) semaphore(%arg48 : memref<!tpu.dma_semaphore, #tpu.memory_space<semaphore_mem>>) {add = true}
      %mul3A_222 = arith.constant 8 : i32
      %mul3A_223 = arith.muli %scan3A_125, %mul3A_222 : i32
      %add3A_224 = arith.constant 3 : i32
      %add3A_225 = arith.addi %mul3A_223, %add3A_224 : i32
      %dma_wait3A_226 = arith.constant 0 : i32
      %dma_wait3A_227 = arith.constant 0 : i32
      %dma_wait3A_228 = tpu.memref_slice %arg2[%dma_wait3A_226, %dma_wait3A_227] : memref<20000x128xf32, #tpu.memory_space<hbm>> -> memref<20000x128xf32, #tpu.memory_space<hbm>>
      tpu.wait_indirect_dma semaphore(%arg47 : memref<!tpu.dma_semaphore, #tpu.memory_space<semaphore_mem>>) src(%dma_wait3A_228 : memref<20000x128xf32, #tpu.memory_space<hbm>>) dst(%arg26 : memref<80x128xf32, #tpu.memory_space<vmem>>)
      %dma_wait3A_229 = arith.constant 0 : i32
      %dma_wait3A_230 = arith.constant 0 : i32
      %dma_wait3A_231 = tpu.memref_slice %arg27[%dma_wait3A_229, %dma_wait3A_230] : memref<10000x128xf32, #tpu.memory_space<vmem_shared>> -> memref<10000x128xf32, #tpu.memory_space<vmem_shared>>
      tpu.wait_indirect_dma semaphore(%arg48 : memref<!tpu.dma_semaphore, #tpu.memory_space<semaphore_mem>>) src(%arg25 : memref<80x128xf32, #tpu.memory_space<vmem>>) dst(%dma_wait3A_231 : memref<10000x128xf32, #tpu.memory_space<vmem_shared>>)
      %add3A_232 = arith.constant 6 : i32
      %add3A_233 = arith.addi %add3A_225, %add3A_232 : i32
      %lt3A_234 = arith.constant 250 : i32
      %lt3A_235 = arith.cmpi slt, %add3A_233, %lt3A_234 : i32
      %convert_element_type3A_236 = arith.extui %lt3A_235 : i1 to i32
      %cond3A_237 = arith.constant 0 : i32
      %cond3A_238 = arith.cmpi ne, %convert_element_type3A_236, %cond3A_237 : i32
      scf.if %cond3A_238 {
        %add3A_382 = arith.constant 6 : i32
        %add3A_383 = arith.addi %add3A_225, %add3A_382 : i32
        %mul3A_384 = arith.constant 80 : i32
        %mul3A_385 = arith.muli %add3A_383, %mul3A_384 : i32
        %add3A_386 = arith.addi %add3A, %mul3A_385 : i32
        %dma_start3A_387 = tpu.memref_slice %arg3[%add3A_386] : memref<640000xi32, #tpu.memory_space<hbm>> -> memref<80xi32, #tpu.memory_space<hbm>>
        %dma_start3A_388 = tpu.memref_slice %arg3[%add3A_386] : memref<640000xi32, #tpu.memory_space<hbm>> -> memref<80xi32, #tpu.memory_space<hbm>>
        tpu.enqueue_dma source(%dma_start3A_388 : memref<80xi32, #tpu.memory_space<hbm>>) target(%arg8 : memref<80xi32, #tpu.memory_space<vmem>>) target_semaphore(%arg29 : memref<!tpu.dma_semaphore, #tpu.memory_space<semaphore_mem>>)
        %mul3A_389 = arith.constant 80 : i32
        %mul3A_390 = arith.muli %add3A_383, %mul3A_389 : i32
        %add3A_391 = arith.addi %mul3A_4, %mul3A_390 : i32
        %dma_start3A_392 = tpu.memref_slice %arg4[%add3A_391] : memref<320000xi32, #tpu.memory_space<hbm>> -> memref<80xi32, #tpu.memory_space<hbm>>
        %dma_start3A_393 = tpu.memref_slice %arg4[%add3A_391] : memref<320000xi32, #tpu.memory_space<hbm>> -> memref<80xi32, #tpu.memory_space<hbm>>
        tpu.enqueue_dma source(%dma_start3A_393 : memref<80xi32, #tpu.memory_space<hbm>>) target(%arg16 : memref<80xi32, #tpu.memory_space<vmem>>) target_semaphore(%arg37 : memref<!tpu.dma_semaphore, #tpu.memory_space<semaphore_mem>>)
      } else {
      }
      %add3A_239 = arith.constant 3 : i32
      %add3A_240 = arith.addi %add3A_225, %add3A_239 : i32
      %lt3A_241 = arith.constant 250 : i32
      %lt3A_242 = arith.cmpi slt, %add3A_240, %lt3A_241 : i32
      %convert_element_type3A_243 = arith.extui %lt3A_242 : i1 to i32
      %cond3A_244 = arith.constant 0 : i32
      %cond3A_245 = arith.cmpi ne, %convert_element_type3A_243, %cond3A_244 : i32
      scf.if %cond3A_245 {
        %add3A_382 = arith.constant 3 : i32
        %add3A_383 = arith.addi %add3A_225, %add3A_382 : i32
        %mul3A_384 = arith.constant 80 : i32
        %mul3A_385 = arith.muli %add3A_383, %mul3A_384 : i32
        %add3A_386 = arith.addi %add3A, %mul3A_385 : i32
        %dma_wait3A_387 = tpu.memref_slice %arg3[%add3A_386] : memref<640000xi32, #tpu.memory_space<hbm>> -> memref<80xi32, #tpu.memory_space<hbm>>
        %dma_wait3A_388 = tpu.memref_slice %arg3[%add3A_386] : memref<640000xi32, #tpu.memory_space<hbm>> -> memref<80xi32, #tpu.memory_space<hbm>>
        tpu.wait_dma2 semaphore(%arg34 : memref<!tpu.dma_semaphore, #tpu.memory_space<semaphore_mem>>) src(%dma_wait3A_388 : memref<80xi32, #tpu.memory_space<hbm>>) dst(%arg13 : memref<80xi32, #tpu.memory_space<vmem>>)
        %dma_start3A_389 = arith.constant 0 : i32
        %dma_start3A_390 = arith.constant 0 : i32
        %dma_start3A_391 = tpu.memref_slice %arg2[%dma_start3A_389, %dma_start3A_390] : memref<20000x128xf32, #tpu.memory_space<hbm>> -> memref<20000x128xf32, #tpu.memory_space<hbm>>
        tpu.enqueue_indirect_dma source(%dma_start3A_391 : memref<20000x128xf32, #tpu.memory_space<hbm>>) target(%arg25 : memref<80x128xf32, #tpu.memory_space<vmem>>) offsets(%arg13 : memref<80xi32, #tpu.memory_space<vmem>>) semaphore(%arg46 : memref<!tpu.dma_semaphore, #tpu.memory_space<semaphore_mem>>)
      } else {
      }
      %mul3A_246 = arith.constant 80 : i32
      %mul3A_247 = arith.muli %add3A_225, %mul3A_246 : i32
      %add3A_248 = arith.addi %mul3A_4, %mul3A_247 : i32
      %dma_wait3A_249 = tpu.memref_slice %arg4[%add3A_248] : memref<320000xi32, #tpu.memory_space<hbm>> -> memref<80xi32, #tpu.memory_space<hbm>>
      %dma_wait3A_250 = tpu.memref_slice %arg4[%add3A_248] : memref<320000xi32, #tpu.memory_space<hbm>> -> memref<80xi32, #tpu.memory_space<hbm>>
      tpu.wait_dma2 semaphore(%arg39 : memref<!tpu.dma_semaphore, #tpu.memory_space<semaphore_mem>>) src(%dma_wait3A_250 : memref<80xi32, #tpu.memory_space<hbm>>) dst(%arg18 : memref<80xi32, #tpu.memory_space<vmem>>)
      %dma_start3A_251 = arith.constant 0 : i32
      %dma_start3A_252 = arith.constant 0 : i32
      %dma_start3A_253 = tpu.memref_slice %arg27[%dma_start3A_251, %dma_start3A_252] : memref<10000x128xf32, #tpu.memory_space<vmem_shared>> -> memref<10000x128xf32, #tpu.memory_space<vmem_shared>>
      tpu.enqueue_indirect_dma source(%arg26 : memref<80x128xf32, #tpu.memory_space<vmem>>) target(%dma_start3A_253 : memref<10000x128xf32, #tpu.memory_space<vmem_shared>>) offsets(%arg18 : memref<80xi32, #tpu.memory_space<vmem>>) semaphore(%arg49 : memref<!tpu.dma_semaphore, #tpu.memory_space<semaphore_mem>>) {add = true}
      %mul3A_254 = arith.constant 8 : i32
      %mul3A_255 = arith.muli %scan3A_125, %mul3A_254 : i32
      %add3A_256 = arith.constant 4 : i32
      %add3A_257 = arith.addi %mul3A_255, %add3A_256 : i32
      %dma_wait3A_258 = arith.constant 0 : i32
      %dma_wait3A_259 = arith.constant 0 : i32
      %dma_wait3A_260 = tpu.memref_slice %arg2[%dma_wait3A_258, %dma_wait3A_259] : memref<20000x128xf32, #tpu.memory_space<hbm>> -> memref<20000x128xf32, #tpu.memory_space<hbm>>
      tpu.wait_indirect_dma semaphore(%arg44 : memref<!tpu.dma_semaphore, #tpu.memory_space<semaphore_mem>>) src(%dma_wait3A_260 : memref<20000x128xf32, #tpu.memory_space<hbm>>) dst(%arg23 : memref<80x128xf32, #tpu.memory_space<vmem>>)
      %dma_wait3A_261 = arith.constant 0 : i32
      %dma_wait3A_262 = arith.constant 0 : i32
      %dma_wait3A_263 = tpu.memref_slice %arg27[%dma_wait3A_261, %dma_wait3A_262] : memref<10000x128xf32, #tpu.memory_space<vmem_shared>> -> memref<10000x128xf32, #tpu.memory_space<vmem_shared>>
      tpu.wait_indirect_dma semaphore(%arg49 : memref<!tpu.dma_semaphore, #tpu.memory_space<semaphore_mem>>) src(%arg26 : memref<80x128xf32, #tpu.memory_space<vmem>>) dst(%dma_wait3A_263 : memref<10000x128xf32, #tpu.memory_space<vmem_shared>>)
      %add3A_264 = arith.constant 6 : i32
      %add3A_265 = arith.addi %add3A_257, %add3A_264 : i32
      %lt3A_266 = arith.constant 250 : i32
      %lt3A_267 = arith.cmpi slt, %add3A_265, %lt3A_266 : i32
      %convert_element_type3A_268 = arith.extui %lt3A_267 : i1 to i32
      %cond3A_269 = arith.constant 0 : i32
      %cond3A_270 = arith.cmpi ne, %convert_element_type3A_268, %cond3A_269 : i32
      scf.if %cond3A_270 {
        %add3A_382 = arith.constant 6 : i32
        %add3A_383 = arith.addi %add3A_257, %add3A_382 : i32
        %mul3A_384 = arith.constant 80 : i32
        %mul3A_385 = arith.muli %add3A_383, %mul3A_384 : i32
        %add3A_386 = arith.addi %add3A, %mul3A_385 : i32
        %dma_start3A_387 = tpu.memref_slice %arg3[%add3A_386] : memref<640000xi32, #tpu.memory_space<hbm>> -> memref<80xi32, #tpu.memory_space<hbm>>
        %dma_start3A_388 = tpu.memref_slice %arg3[%add3A_386] : memref<640000xi32, #tpu.memory_space<hbm>> -> memref<80xi32, #tpu.memory_space<hbm>>
        tpu.enqueue_dma source(%dma_start3A_388 : memref<80xi32, #tpu.memory_space<hbm>>) target(%arg9 : memref<80xi32, #tpu.memory_space<vmem>>) target_semaphore(%arg30 : memref<!tpu.dma_semaphore, #tpu.memory_space<semaphore_mem>>)
        %mul3A_389 = arith.constant 80 : i32
        %mul3A_390 = arith.muli %add3A_383, %mul3A_389 : i32
        %add3A_391 = arith.addi %mul3A_4, %mul3A_390 : i32
        %dma_start3A_392 = tpu.memref_slice %arg4[%add3A_391] : memref<320000xi32, #tpu.memory_space<hbm>> -> memref<80xi32, #tpu.memory_space<hbm>>
        %dma_start3A_393 = tpu.memref_slice %arg4[%add3A_391] : memref<320000xi32, #tpu.memory_space<hbm>> -> memref<80xi32, #tpu.memory_space<hbm>>
        tpu.enqueue_dma source(%dma_start3A_393 : memref<80xi32, #tpu.memory_space<hbm>>) target(%arg17 : memref<80xi32, #tpu.memory_space<vmem>>) target_semaphore(%arg38 : memref<!tpu.dma_semaphore, #tpu.memory_space<semaphore_mem>>)
      } else {
      }
      %add3A_271 = arith.constant 3 : i32
      %add3A_272 = arith.addi %add3A_257, %add3A_271 : i32
      %lt3A_273 = arith.constant 250 : i32
      %lt3A_274 = arith.cmpi slt, %add3A_272, %lt3A_273 : i32
      %convert_element_type3A_275 = arith.extui %lt3A_274 : i1 to i32
      %cond3A_276 = arith.constant 0 : i32
      %cond3A_277 = arith.cmpi ne, %convert_element_type3A_275, %cond3A_276 : i32
      scf.if %cond3A_277 {
        %add3A_382 = arith.constant 3 : i32
        %add3A_383 = arith.addi %add3A_257, %add3A_382 : i32
        %mul3A_384 = arith.constant 80 : i32
        %mul3A_385 = arith.muli %add3A_383, %mul3A_384 : i32
        %add3A_386 = arith.addi %add3A, %mul3A_385 : i32
        %dma_wait3A_387 = tpu.memref_slice %arg3[%add3A_386] : memref<640000xi32, #tpu.memory_space<hbm>> -> memref<80xi32, #tpu.memory_space<hbm>>
        %dma_wait3A_388 = tpu.memref_slice %arg3[%add3A_386] : memref<640000xi32, #tpu.memory_space<hbm>> -> memref<80xi32, #tpu.memory_space<hbm>>
        tpu.wait_dma2 semaphore(%arg35 : memref<!tpu.dma_semaphore, #tpu.memory_space<semaphore_mem>>) src(%dma_wait3A_388 : memref<80xi32, #tpu.memory_space<hbm>>) dst(%arg14 : memref<80xi32, #tpu.memory_space<vmem>>)
        %dma_start3A_389 = arith.constant 0 : i32
        %dma_start3A_390 = arith.constant 0 : i32
        %dma_start3A_391 = tpu.memref_slice %arg2[%dma_start3A_389, %dma_start3A_390] : memref<20000x128xf32, #tpu.memory_space<hbm>> -> memref<20000x128xf32, #tpu.memory_space<hbm>>
        tpu.enqueue_indirect_dma source(%dma_start3A_391 : memref<20000x128xf32, #tpu.memory_space<hbm>>) target(%arg26 : memref<80x128xf32, #tpu.memory_space<vmem>>) offsets(%arg14 : memref<80xi32, #tpu.memory_space<vmem>>) semaphore(%arg47 : memref<!tpu.dma_semaphore, #tpu.memory_space<semaphore_mem>>)
      } else {
      }
      %mul3A_278 = arith.constant 80 : i32
      %mul3A_279 = arith.muli %add3A_257, %mul3A_278 : i32
      %add3A_280 = arith.addi %mul3A_4, %mul3A_279 : i32
      %dma_wait3A_281 = tpu.memref_slice %arg4[%add3A_280] : memref<320000xi32, #tpu.memory_space<hbm>> -> memref<80xi32, #tpu.memory_space<hbm>>
      %dma_wait3A_282 = tpu.memref_slice %arg4[%add3A_280] : memref<320000xi32, #tpu.memory_space<hbm>> -> memref<80xi32, #tpu.memory_space<hbm>>
      tpu.wait_dma2 semaphore(%arg40 : memref<!tpu.dma_semaphore, #tpu.memory_space<semaphore_mem>>) src(%dma_wait3A_282 : memref<80xi32, #tpu.memory_space<hbm>>) dst(%arg19 : memref<80xi32, #tpu.memory_space<vmem>>)
      %dma_start3A_283 = arith.constant 0 : i32
      %dma_start3A_284 = arith.constant 0 : i32
      %dma_start3A_285 = tpu.memref_slice %arg27[%dma_start3A_283, %dma_start3A_284] : memref<10000x128xf32, #tpu.memory_space<vmem_shared>> -> memref<10000x128xf32, #tpu.memory_space<vmem_shared>>
      tpu.enqueue_indirect_dma source(%arg23 : memref<80x128xf32, #tpu.memory_space<vmem>>) target(%dma_start3A_285 : memref<10000x128xf32, #tpu.memory_space<vmem_shared>>) offsets(%arg19 : memref<80xi32, #tpu.memory_space<vmem>>) semaphore(%arg48 : memref<!tpu.dma_semaphore, #tpu.memory_space<semaphore_mem>>) {add = true}
      %mul3A_286 = arith.constant 8 : i32
      %mul3A_287 = arith.muli %scan3A_125, %mul3A_286 : i32
      %add3A_288 = arith.constant 5 : i32
      %add3A_289 = arith.addi %mul3A_287, %add3A_288 : i32
      %dma_wait3A_290 = arith.constant 0 : i32
      %dma_wait3A_291 = arith.constant 0 : i32
      %dma_wait3A_292 = tpu.memref_slice %arg2[%dma_wait3A_290, %dma_wait3A_291] : memref<20000x128xf32, #tpu.memory_space<hbm>> -> memref<20000x128xf32, #tpu.memory_space<hbm>>
      tpu.wait_indirect_dma semaphore(%arg45 : memref<!tpu.dma_semaphore, #tpu.memory_space<semaphore_mem>>) src(%dma_wait3A_292 : memref<20000x128xf32, #tpu.memory_space<hbm>>) dst(%arg24 : memref<80x128xf32, #tpu.memory_space<vmem>>)
      %dma_wait3A_293 = arith.constant 0 : i32
      %dma_wait3A_294 = arith.constant 0 : i32
      %dma_wait3A_295 = tpu.memref_slice %arg27[%dma_wait3A_293, %dma_wait3A_294] : memref<10000x128xf32, #tpu.memory_space<vmem_shared>> -> memref<10000x128xf32, #tpu.memory_space<vmem_shared>>
      tpu.wait_indirect_dma semaphore(%arg48 : memref<!tpu.dma_semaphore, #tpu.memory_space<semaphore_mem>>) src(%arg23 : memref<80x128xf32, #tpu.memory_space<vmem>>) dst(%dma_wait3A_295 : memref<10000x128xf32, #tpu.memory_space<vmem_shared>>)
      %add3A_296 = arith.constant 6 : i32
      %add3A_297 = arith.addi %add3A_289, %add3A_296 : i32
      %lt3A_298 = arith.constant 250 : i32
      %lt3A_299 = arith.cmpi slt, %add3A_297, %lt3A_298 : i32
      %convert_element_type3A_300 = arith.extui %lt3A_299 : i1 to i32
      %cond3A_301 = arith.constant 0 : i32
      %cond3A_302 = arith.cmpi ne, %convert_element_type3A_300, %cond3A_301 : i32
      scf.if %cond3A_302 {
        %add3A_382 = arith.constant 6 : i32
        %add3A_383 = arith.addi %add3A_289, %add3A_382 : i32
        %mul3A_384 = arith.constant 80 : i32
        %mul3A_385 = arith.muli %add3A_383, %mul3A_384 : i32
        %add3A_386 = arith.addi %add3A, %mul3A_385 : i32
        %dma_start3A_387 = tpu.memref_slice %arg3[%add3A_386] : memref<640000xi32, #tpu.memory_space<hbm>> -> memref<80xi32, #tpu.memory_space<hbm>>
        %dma_start3A_388 = tpu.memref_slice %arg3[%add3A_386] : memref<640000xi32, #tpu.memory_space<hbm>> -> memref<80xi32, #tpu.memory_space<hbm>>
        tpu.enqueue_dma source(%dma_start3A_388 : memref<80xi32, #tpu.memory_space<hbm>>) target(%arg10 : memref<80xi32, #tpu.memory_space<vmem>>) target_semaphore(%arg31 : memref<!tpu.dma_semaphore, #tpu.memory_space<semaphore_mem>>)
        %mul3A_389 = arith.constant 80 : i32
        %mul3A_390 = arith.muli %add3A_383, %mul3A_389 : i32
        %add3A_391 = arith.addi %mul3A_4, %mul3A_390 : i32
        %dma_start3A_392 = tpu.memref_slice %arg4[%add3A_391] : memref<320000xi32, #tpu.memory_space<hbm>> -> memref<80xi32, #tpu.memory_space<hbm>>
        %dma_start3A_393 = tpu.memref_slice %arg4[%add3A_391] : memref<320000xi32, #tpu.memory_space<hbm>> -> memref<80xi32, #tpu.memory_space<hbm>>
        tpu.enqueue_dma source(%dma_start3A_393 : memref<80xi32, #tpu.memory_space<hbm>>) target(%arg18 : memref<80xi32, #tpu.memory_space<vmem>>) target_semaphore(%arg39 : memref<!tpu.dma_semaphore, #tpu.memory_space<semaphore_mem>>)
      } else {
      }
      %add3A_303 = arith.constant 3 : i32
      %add3A_304 = arith.addi %add3A_289, %add3A_303 : i32
      %lt3A_305 = arith.constant 250 : i32
      %lt3A_306 = arith.cmpi slt, %add3A_304, %lt3A_305 : i32
      %convert_element_type3A_307 = arith.extui %lt3A_306 : i1 to i32
      %cond3A_308 = arith.constant 0 : i32
      %cond3A_309 = arith.cmpi ne, %convert_element_type3A_307, %cond3A_308 : i32
      scf.if %cond3A_309 {
        %add3A_382 = arith.constant 3 : i32
        %add3A_383 = arith.addi %add3A_289, %add3A_382 : i32
        %mul3A_384 = arith.constant 80 : i32
        %mul3A_385 = arith.muli %add3A_383, %mul3A_384 : i32
        %add3A_386 = arith.addi %add3A, %mul3A_385 : i32
        %dma_wait3A_387 = tpu.memref_slice %arg3[%add3A_386] : memref<640000xi32, #tpu.memory_space<hbm>> -> memref<80xi32, #tpu.memory_space<hbm>>
        %dma_wait3A_388 = tpu.memref_slice %arg3[%add3A_386] : memref<640000xi32, #tpu.memory_space<hbm>> -> memref<80xi32, #tpu.memory_space<hbm>>
        tpu.wait_dma2 semaphore(%arg28 : memref<!tpu.dma_semaphore, #tpu.memory_space<semaphore_mem>>) src(%dma_wait3A_388 : memref<80xi32, #tpu.memory_space<hbm>>) dst(%arg7 : memref<80xi32, #tpu.memory_space<vmem>>)
        %dma_start3A_389 = arith.constant 0 : i32
        %dma_start3A_390 = arith.constant 0 : i32
        %dma_start3A_391 = tpu.memref_slice %arg2[%dma_start3A_389, %dma_start3A_390] : memref<20000x128xf32, #tpu.memory_space<hbm>> -> memref<20000x128xf32, #tpu.memory_space<hbm>>
        tpu.enqueue_indirect_dma source(%dma_start3A_391 : memref<20000x128xf32, #tpu.memory_space<hbm>>) target(%arg23 : memref<80x128xf32, #tpu.memory_space<vmem>>) offsets(%arg7 : memref<80xi32, #tpu.memory_space<vmem>>) semaphore(%arg44 : memref<!tpu.dma_semaphore, #tpu.memory_space<semaphore_mem>>)
      } else {
      }
      %mul3A_310 = arith.constant 80 : i32
      %mul3A_311 = arith.muli %add3A_289, %mul3A_310 : i32
      %add3A_312 = arith.addi %mul3A_4, %mul3A_311 : i32
      %dma_wait3A_313 = tpu.memref_slice %arg4[%add3A_312] : memref<320000xi32, #tpu.memory_space<hbm>> -> memref<80xi32, #tpu.memory_space<hbm>>
      %dma_wait3A_314 = tpu.memref_slice %arg4[%add3A_312] : memref<320000xi32, #tpu.memory_space<hbm>> -> memref<80xi32, #tpu.memory_space<hbm>>
      tpu.wait_dma2 semaphore(%arg41 : memref<!tpu.dma_semaphore, #tpu.memory_space<semaphore_mem>>) src(%dma_wait3A_314 : memref<80xi32, #tpu.memory_space<hbm>>) dst(%arg20 : memref<80xi32, #tpu.memory_space<vmem>>)
      %dma_start3A_315 = arith.constant 0 : i32
      %dma_start3A_316 = arith.constant 0 : i32
      %dma_start3A_317 = tpu.memref_slice %arg27[%dma_start3A_315, %dma_start3A_316] : memref<10000x128xf32, #tpu.memory_space<vmem_shared>> -> memref<10000x128xf32, #tpu.memory_space<vmem_shared>>
      tpu.enqueue_indirect_dma source(%arg24 : memref<80x128xf32, #tpu.memory_space<vmem>>) target(%dma_start3A_317 : memref<10000x128xf32, #tpu.memory_space<vmem_shared>>) offsets(%arg20 : memref<80xi32, #tpu.memory_space<vmem>>) semaphore(%arg49 : memref<!tpu.dma_semaphore, #tpu.memory_space<semaphore_mem>>) {add = true}
      %mul3A_318 = arith.constant 8 : i32
      %mul3A_319 = arith.muli %scan3A_125, %mul3A_318 : i32
      %add3A_320 = arith.constant 6 : i32
      %add3A_321 = arith.addi %mul3A_319, %add3A_320 : i32
      %dma_wait3A_322 = arith.constant 0 : i32
      %dma_wait3A_323 = arith.constant 0 : i32
      %dma_wait3A_324 = tpu.memref_slice %arg2[%dma_wait3A_322, %dma_wait3A_323] : memref<20000x128xf32, #tpu.memory_space<hbm>> -> memref<20000x128xf32, #tpu.memory_space<hbm>>
      tpu.wait_indirect_dma semaphore(%arg46 : memref<!tpu.dma_semaphore, #tpu.memory_space<semaphore_mem>>) src(%dma_wait3A_324 : memref<20000x128xf32, #tpu.memory_space<hbm>>) dst(%arg25 : memref<80x128xf32, #tpu.memory_space<vmem>>)
      %dma_wait3A_325 = arith.constant 0 : i32
      %dma_wait3A_326 = arith.constant 0 : i32
      %dma_wait3A_327 = tpu.memref_slice %arg27[%dma_wait3A_325, %dma_wait3A_326] : memref<10000x128xf32, #tpu.memory_space<vmem_shared>> -> memref<10000x128xf32, #tpu.memory_space<vmem_shared>>
      tpu.wait_indirect_dma semaphore(%arg49 : memref<!tpu.dma_semaphore, #tpu.memory_space<semaphore_mem>>) src(%arg24 : memref<80x128xf32, #tpu.memory_space<vmem>>) dst(%dma_wait3A_327 : memref<10000x128xf32, #tpu.memory_space<vmem_shared>>)
      %add3A_328 = arith.constant 6 : i32
      %add3A_329 = arith.addi %add3A_321, %add3A_328 : i32
      %lt3A_330 = arith.constant 250 : i32
      %lt3A_331 = arith.cmpi slt, %add3A_329, %lt3A_330 : i32
      %convert_element_type3A_332 = arith.extui %lt3A_331 : i1 to i32
      %cond3A_333 = arith.constant 0 : i32
      %cond3A_334 = arith.cmpi ne, %convert_element_type3A_332, %cond3A_333 : i32
      scf.if %cond3A_334 {
        %add3A_382 = arith.constant 6 : i32
        %add3A_383 = arith.addi %add3A_321, %add3A_382 : i32
        %mul3A_384 = arith.constant 80 : i32
        %mul3A_385 = arith.muli %add3A_383, %mul3A_384 : i32
        %add3A_386 = arith.addi %add3A, %mul3A_385 : i32
        %dma_start3A_387 = tpu.memref_slice %arg3[%add3A_386] : memref<640000xi32, #tpu.memory_space<hbm>> -> memref<80xi32, #tpu.memory_space<hbm>>
        %dma_start3A_388 = tpu.memref_slice %arg3[%add3A_386] : memref<640000xi32, #tpu.memory_space<hbm>> -> memref<80xi32, #tpu.memory_space<hbm>>
        tpu.enqueue_dma source(%dma_start3A_388 : memref<80xi32, #tpu.memory_space<hbm>>) target(%arg11 : memref<80xi32, #tpu.memory_space<vmem>>) target_semaphore(%arg32 : memref<!tpu.dma_semaphore, #tpu.memory_space<semaphore_mem>>)
        %mul3A_389 = arith.constant 80 : i32
        %mul3A_390 = arith.muli %add3A_383, %mul3A_389 : i32
        %add3A_391 = arith.addi %mul3A_4, %mul3A_390 : i32
        %dma_start3A_392 = tpu.memref_slice %arg4[%add3A_391] : memref<320000xi32, #tpu.memory_space<hbm>> -> memref<80xi32, #tpu.memory_space<hbm>>
        %dma_start3A_393 = tpu.memref_slice %arg4[%add3A_391] : memref<320000xi32, #tpu.memory_space<hbm>> -> memref<80xi32, #tpu.memory_space<hbm>>
        tpu.enqueue_dma source(%dma_start3A_393 : memref<80xi32, #tpu.memory_space<hbm>>) target(%arg19 : memref<80xi32, #tpu.memory_space<vmem>>) target_semaphore(%arg40 : memref<!tpu.dma_semaphore, #tpu.memory_space<semaphore_mem>>)
      } else {
      }
      %add3A_335 = arith.constant 3 : i32
      %add3A_336 = arith.addi %add3A_321, %add3A_335 : i32
      %lt3A_337 = arith.constant 250 : i32
      %lt3A_338 = arith.cmpi slt, %add3A_336, %lt3A_337 : i32
      %convert_element_type3A_339 = arith.extui %lt3A_338 : i1 to i32
      %cond3A_340 = arith.constant 0 : i32
      %cond3A_341 = arith.cmpi ne, %convert_element_type3A_339, %cond3A_340 : i32
      scf.if %cond3A_341 {
        %add3A_382 = arith.constant 3 : i32
        %add3A_383 = arith.addi %add3A_321, %add3A_382 : i32
        %mul3A_384 = arith.constant 80 : i32
        %mul3A_385 = arith.muli %add3A_383, %mul3A_384 : i32
        %add3A_386 = arith.addi %add3A, %mul3A_385 : i32
        %dma_wait3A_387 = tpu.memref_slice %arg3[%add3A_386] : memref<640000xi32, #tpu.memory_space<hbm>> -> memref<80xi32, #tpu.memory_space<hbm>>
        %dma_wait3A_388 = tpu.memref_slice %arg3[%add3A_386] : memref<640000xi32, #tpu.memory_space<hbm>> -> memref<80xi32, #tpu.memory_space<hbm>>
        tpu.wait_dma2 semaphore(%arg29 : memref<!tpu.dma_semaphore, #tpu.memory_space<semaphore_mem>>) src(%dma_wait3A_388 : memref<80xi32, #tpu.memory_space<hbm>>) dst(%arg8 : memref<80xi32, #tpu.memory_space<vmem>>)
        %dma_start3A_389 = arith.constant 0 : i32
        %dma_start3A_390 = arith.constant 0 : i32
        %dma_start3A_391 = tpu.memref_slice %arg2[%dma_start3A_389, %dma_start3A_390] : memref<20000x128xf32, #tpu.memory_space<hbm>> -> memref<20000x128xf32, #tpu.memory_space<hbm>>
        tpu.enqueue_indirect_dma source(%dma_start3A_391 : memref<20000x128xf32, #tpu.memory_space<hbm>>) target(%arg24 : memref<80x128xf32, #tpu.memory_space<vmem>>) offsets(%arg8 : memref<80xi32, #tpu.memory_space<vmem>>) semaphore(%arg45 : memref<!tpu.dma_semaphore, #tpu.memory_space<semaphore_mem>>)
      } else {
      }
      %mul3A_342 = arith.constant 80 : i32
      %mul3A_343 = arith.muli %add3A_321, %mul3A_342 : i32
      %add3A_344 = arith.addi %mul3A_4, %mul3A_343 : i32
      %dma_wait3A_345 = tpu.memref_slice %arg4[%add3A_344] : memref<320000xi32, #tpu.memory_space<hbm>> -> memref<80xi32, #tpu.memory_space<hbm>>
      %dma_wait3A_346 = tpu.memref_slice %arg4[%add3A_344] : memref<320000xi32, #tpu.memory_space<hbm>> -> memref<80xi32, #tpu.memory_space<hbm>>
      tpu.wait_dma2 semaphore(%arg42 : memref<!tpu.dma_semaphore, #tpu.memory_space<semaphore_mem>>) src(%dma_wait3A_346 : memref<80xi32, #tpu.memory_space<hbm>>) dst(%arg21 : memref<80xi32, #tpu.memory_space<vmem>>)
      %dma_start3A_347 = arith.constant 0 : i32
      %dma_start3A_348 = arith.constant 0 : i32
      %dma_start3A_349 = tpu.memref_slice %arg27[%dma_start3A_347, %dma_start3A_348] : memref<10000x128xf32, #tpu.memory_space<vmem_shared>> -> memref<10000x128xf32, #tpu.memory_space<vmem_shared>>
      tpu.enqueue_indirect_dma source(%arg25 : memref<80x128xf32, #tpu.memory_space<vmem>>) target(%dma_start3A_349 : memref<10000x128xf32, #tpu.memory_space<vmem_shared>>) offsets(%arg21 : memref<80xi32, #tpu.memory_space<vmem>>) semaphore(%arg48 : memref<!tpu.dma_semaphore, #tpu.memory_space<semaphore_mem>>) {add = true}
      %mul3A_350 = arith.constant 8 : i32
      %mul3A_351 = arith.muli %scan3A_125, %mul3A_350 : i32
      %add3A_352 = arith.constant 7 : i32
      %add3A_353 = arith.addi %mul3A_351, %add3A_352 : i32
      %dma_wait3A_354 = arith.constant 0 : i32
      %dma_wait3A_355 = arith.constant 0 : i32
      %dma_wait3A_356 = tpu.memref_slice %arg2[%dma_wait3A_354, %dma_wait3A_355] : memref<20000x128xf32, #tpu.memory_space<hbm>> -> memref<20000x128xf32, #tpu.memory_space<hbm>>
      tpu.wait_indirect_dma semaphore(%arg47 : memref<!tpu.dma_semaphore, #tpu.memory_space<semaphore_mem>>) src(%dma_wait3A_356 : memref<20000x128xf32, #tpu.memory_space<hbm>>) dst(%arg26 : memref<80x128xf32, #tpu.memory_space<vmem>>)
      %dma_wait3A_357 = arith.constant 0 : i32
      %dma_wait3A_358 = arith.constant 0 : i32
      %dma_wait3A_359 = tpu.memref_slice %arg27[%dma_wait3A_357, %dma_wait3A_358] : memref<10000x128xf32, #tpu.memory_space<vmem_shared>> -> memref<10000x128xf32, #tpu.memory_space<vmem_shared>>
      tpu.wait_indirect_dma semaphore(%arg48 : memref<!tpu.dma_semaphore, #tpu.memory_space<semaphore_mem>>) src(%arg25 : memref<80x128xf32, #tpu.memory_space<vmem>>) dst(%dma_wait3A_359 : memref<10000x128xf32, #tpu.memory_space<vmem_shared>>)
      %add3A_360 = arith.constant 6 : i32
      %add3A_361 = arith.addi %add3A_353, %add3A_360 : i32
      %lt3A_362 = arith.constant 250 : i32
      %lt3A_363 = arith.cmpi slt, %add3A_361, %lt3A_362 : i32
      %convert_element_type3A_364 = arith.extui %lt3A_363 : i1 to i32
      %cond3A_365 = arith.constant 0 : i32
      %cond3A_366 = arith.cmpi ne, %convert_element_type3A_364, %cond3A_365 : i32
      scf.if %cond3A_366 {
        %add3A_382 = arith.constant 6 : i32
        %add3A_383 = arith.addi %add3A_353, %add3A_382 : i32
        %mul3A_384 = arith.constant 80 : i32
        %mul3A_385 = arith.muli %add3A_383, %mul3A_384 : i32
        %add3A_386 = arith.addi %add3A, %mul3A_385 : i32
        %dma_start3A_387 = tpu.memref_slice %arg3[%add3A_386] : memref<640000xi32, #tpu.memory_space<hbm>> -> memref<80xi32, #tpu.memory_space<hbm>>
        %dma_start3A_388 = tpu.memref_slice %arg3[%add3A_386] : memref<640000xi32, #tpu.memory_space<hbm>> -> memref<80xi32, #tpu.memory_space<hbm>>
        tpu.enqueue_dma source(%dma_start3A_388 : memref<80xi32, #tpu.memory_space<hbm>>) target(%arg12 : memref<80xi32, #tpu.memory_space<vmem>>) target_semaphore(%arg33 : memref<!tpu.dma_semaphore, #tpu.memory_space<semaphore_mem>>)
        %mul3A_389 = arith.constant 80 : i32
        %mul3A_390 = arith.muli %add3A_383, %mul3A_389 : i32
        %add3A_391 = arith.addi %mul3A_4, %mul3A_390 : i32
        %dma_start3A_392 = tpu.memref_slice %arg4[%add3A_391] : memref<320000xi32, #tpu.memory_space<hbm>> -> memref<80xi32, #tpu.memory_space<hbm>>
        %dma_start3A_393 = tpu.memref_slice %arg4[%add3A_391] : memref<320000xi32, #tpu.memory_space<hbm>> -> memref<80xi32, #tpu.memory_space<hbm>>
        tpu.enqueue_dma source(%dma_start3A_393 : memref<80xi32, #tpu.memory_space<hbm>>) target(%arg20 : memref<80xi32, #tpu.memory_space<vmem>>) target_semaphore(%arg41 : memref<!tpu.dma_semaphore, #tpu.memory_space<semaphore_mem>>)
      } else {
      }
      %add3A_367 = arith.constant 3 : i32
      %add3A_368 = arith.addi %add3A_353, %add3A_367 : i32
      %lt3A_369 = arith.constant 250 : i32
      %lt3A_370 = arith.cmpi slt, %add3A_368, %lt3A_369 : i32
      %convert_element_type3A_371 = arith.extui %lt3A_370 : i1 to i32
      %cond3A_372 = arith.constant 0 : i32
      %cond3A_373 = arith.cmpi ne, %convert_element_type3A_371, %cond3A_372 : i32
      scf.if %cond3A_373 {
        %add3A_382 = arith.constant 3 : i32
        %add3A_383 = arith.addi %add3A_353, %add3A_382 : i32
        %mul3A_384 = arith.constant 80 : i32
        %mul3A_385 = arith.muli %add3A_383, %mul3A_384 : i32
        %add3A_386 = arith.addi %add3A, %mul3A_385 : i32
        %dma_wait3A_387 = tpu.memref_slice %arg3[%add3A_386] : memref<640000xi32, #tpu.memory_space<hbm>> -> memref<80xi32, #tpu.memory_space<hbm>>
        %dma_wait3A_388 = tpu.memref_slice %arg3[%add3A_386] : memref<640000xi32, #tpu.memory_space<hbm>> -> memref<80xi32, #tpu.memory_space<hbm>>
        tpu.wait_dma2 semaphore(%arg30 : memref<!tpu.dma_semaphore, #tpu.memory_space<semaphore_mem>>) src(%dma_wait3A_388 : memref<80xi32, #tpu.memory_space<hbm>>) dst(%arg9 : memref<80xi32, #tpu.memory_space<vmem>>)
        %dma_start3A_389 = arith.constant 0 : i32
        %dma_start3A_390 = arith.constant 0 : i32
        %dma_start3A_391 = tpu.memref_slice %arg2[%dma_start3A_389, %dma_start3A_390] : memref<20000x128xf32, #tpu.memory_space<hbm>> -> memref<20000x128xf32, #tpu.memory_space<hbm>>
        tpu.enqueue_indirect_dma source(%dma_start3A_391 : memref<20000x128xf32, #tpu.memory_space<hbm>>) target(%arg25 : memref<80x128xf32, #tpu.memory_space<vmem>>) offsets(%arg9 : memref<80xi32, #tpu.memory_space<vmem>>) semaphore(%arg46 : memref<!tpu.dma_semaphore, #tpu.memory_space<semaphore_mem>>)
      } else {
      }
      %mul3A_374 = arith.constant 80 : i32
      %mul3A_375 = arith.muli %add3A_353, %mul3A_374 : i32
      %add3A_376 = arith.addi %mul3A_4, %mul3A_375 : i32
      %dma_wait3A_377 = tpu.memref_slice %arg4[%add3A_376] : memref<320000xi32, #tpu.memory_space<hbm>> -> memref<80xi32, #tpu.memory_space<hbm>>
      %dma_wait3A_378 = tpu.memref_slice %arg4[%add3A_376] : memref<320000xi32, #tpu.memory_space<hbm>> -> memref<80xi32, #tpu.memory_space<hbm>>
      tpu.wait_dma2 semaphore(%arg43 : memref<!tpu.dma_semaphore, #tpu.memory_space<semaphore_mem>>) src(%dma_wait3A_378 : memref<80xi32, #tpu.memory_space<hbm>>) dst(%arg22 : memref<80xi32, #tpu.memory_space<vmem>>)
      %dma_start3A_379 = arith.constant 0 : i32
      %dma_start3A_380 = arith.constant 0 : i32
      %dma_start3A_381 = tpu.memref_slice %arg27[%dma_start3A_379, %dma_start3A_380] : memref<10000x128xf32, #tpu.memory_space<vmem_shared>> -> memref<10000x128xf32, #tpu.memory_space<vmem_shared>>
      tpu.enqueue_indirect_dma source(%arg26 : memref<80x128xf32, #tpu.memory_space<vmem>>) target(%dma_start3A_381 : memref<10000x128xf32, #tpu.memory_space<vmem_shared>>) offsets(%arg22 : memref<80xi32, #tpu.memory_space<vmem>>) semaphore(%arg49 : memref<!tpu.dma_semaphore, #tpu.memory_space<semaphore_mem>>) {add = true}
    }
    %scan3A_82 = arith.constant 31 : i32
    %dma_wait3A_83 = arith.constant 0 : i32
    %dma_wait3A_84 = arith.constant 0 : i32
    %dma_wait3A_85 = tpu.memref_slice %arg2[%dma_wait3A_83, %dma_wait3A_84] : memref<20000x128xf32, #tpu.memory_space<hbm>> -> memref<20000x128xf32, #tpu.memory_space<hbm>>
    tpu.wait_indirect_dma semaphore(%arg44 : memref<!tpu.dma_semaphore, #tpu.memory_space<semaphore_mem>>) src(%dma_wait3A_85 : memref<20000x128xf32, #tpu.memory_space<hbm>>) dst(%arg23 : memref<80x128xf32, #tpu.memory_space<vmem>>)
    %dma_wait3A_86 = arith.constant 0 : i32
    %dma_wait3A_87 = arith.constant 0 : i32
    %dma_wait3A_88 = tpu.memref_slice %arg27[%dma_wait3A_86, %dma_wait3A_87] : memref<10000x128xf32, #tpu.memory_space<vmem_shared>> -> memref<10000x128xf32, #tpu.memory_space<vmem_shared>>
    tpu.wait_indirect_dma semaphore(%arg49 : memref<!tpu.dma_semaphore, #tpu.memory_space<semaphore_mem>>) src(%arg26 : memref<80x128xf32, #tpu.memory_space<vmem>>) dst(%dma_wait3A_88 : memref<10000x128xf32, #tpu.memory_space<vmem_shared>>)
    %add3A_89 = arith.constant 19840 : i32
    %add3A_90 = arith.addi %mul3A_4, %add3A_89 : i32
    %dma_wait3A_91 = tpu.memref_slice %arg4[%add3A_90] : memref<320000xi32, #tpu.memory_space<hbm>> -> memref<80xi32, #tpu.memory_space<hbm>>
    %dma_wait3A_92 = tpu.memref_slice %arg4[%add3A_90] : memref<320000xi32, #tpu.memory_space<hbm>> -> memref<80xi32, #tpu.memory_space<hbm>>
    tpu.wait_dma2 semaphore(%arg36 : memref<!tpu.dma_semaphore, #tpu.memory_space<semaphore_mem>>) src(%dma_wait3A_92 : memref<80xi32, #tpu.memory_space<hbm>>) dst(%arg15 : memref<80xi32, #tpu.memory_space<vmem>>)
    %dma_start3A_93 = arith.constant 0 : i32
    %dma_start3A_94 = arith.constant 0 : i32
    %dma_start3A_95 = tpu.memref_slice %arg27[%dma_start3A_93, %dma_start3A_94] : memref<10000x128xf32, #tpu.memory_space<vmem_shared>> -> memref<10000x128xf32, #tpu.memory_space<vmem_shared>>
    tpu.enqueue_indirect_dma source(%arg23 : memref<80x128xf32, #tpu.memory_space<vmem>>) target(%dma_start3A_95 : memref<10000x128xf32, #tpu.memory_space<vmem_shared>>) offsets(%arg15 : memref<80xi32, #tpu.memory_space<vmem>>) semaphore(%arg48 : memref<!tpu.dma_semaphore, #tpu.memory_space<semaphore_mem>>) {add = true}
    %dma_wait3A_96 = arith.constant 0 : i32
    %dma_wait3A_97 = arith.constant 0 : i32
    %dma_wait3A_98 = tpu.memref_slice %arg2[%dma_wait3A_96, %dma_wait3A_97] : memref<20000x128xf32, #tpu.memory_space<hbm>> -> memref<20000x128xf32, #tpu.memory_space<hbm>>
    tpu.wait_indirect_dma semaphore(%arg45 : memref<!tpu.dma_semaphore, #tpu.memory_space<semaphore_mem>>) src(%dma_wait3A_98 : memref<20000x128xf32, #tpu.memory_space<hbm>>) dst(%arg24 : memref<80x128xf32, #tpu.memory_space<vmem>>)
    %dma_wait3A_99 = arith.constant 0 : i32
    %dma_wait3A_100 = arith.constant 0 : i32
    %dma_wait3A_101 = tpu.memref_slice %arg27[%dma_wait3A_99, %dma_wait3A_100] : memref<10000x128xf32, #tpu.memory_space<vmem_shared>> -> memref<10000x128xf32, #tpu.memory_space<vmem_shared>>
    tpu.wait_indirect_dma semaphore(%arg48 : memref<!tpu.dma_semaphore, #tpu.memory_space<semaphore_mem>>) src(%arg23 : memref<80x128xf32, #tpu.memory_space<vmem>>) dst(%dma_wait3A_101 : memref<10000x128xf32, #tpu.memory_space<vmem_shared>>)
    %add3A_102 = arith.constant 19920 : i32
    %add3A_103 = arith.addi %mul3A_4, %add3A_102 : i32
    %dma_wait3A_104 = tpu.memref_slice %arg4[%add3A_103] : memref<320000xi32, #tpu.memory_space<hbm>> -> memref<80xi32, #tpu.memory_space<hbm>>
    %dma_wait3A_105 = tpu.memref_slice %arg4[%add3A_103] : memref<320000xi32, #tpu.memory_space<hbm>> -> memref<80xi32, #tpu.memory_space<hbm>>
    tpu.wait_dma2 semaphore(%arg37 : memref<!tpu.dma_semaphore, #tpu.memory_space<semaphore_mem>>) src(%dma_wait3A_105 : memref<80xi32, #tpu.memory_space<hbm>>) dst(%arg16 : memref<80xi32, #tpu.memory_space<vmem>>)
    %dma_start3A_106 = arith.constant 0 : i32
    %dma_start3A_107 = arith.constant 0 : i32
    %dma_start3A_108 = tpu.memref_slice %arg27[%dma_start3A_106, %dma_start3A_107] : memref<10000x128xf32, #tpu.memory_space<vmem_shared>> -> memref<10000x128xf32, #tpu.memory_space<vmem_shared>>
    tpu.enqueue_indirect_dma source(%arg24 : memref<80x128xf32, #tpu.memory_space<vmem>>) target(%dma_start3A_108 : memref<10000x128xf32, #tpu.memory_space<vmem_shared>>) offsets(%arg16 : memref<80xi32, #tpu.memory_space<vmem>>) semaphore(%arg49 : memref<!tpu.dma_semaphore, #tpu.memory_space<semaphore_mem>>) {add = true}
    %dma_wait3A_109 = arith.constant 0 : i32
    %dma_wait3A_110 = arith.constant 0 : i32
    %dma_wait3A_111 = tpu.memref_slice %arg27[%dma_wait3A_109, %dma_wait3A_110] : memref<10000x128xf32, #tpu.memory_space<vmem_shared>> -> memref<10000x128xf32, #tpu.memory_space<vmem_shared>>
    tpu.wait_indirect_dma semaphore(%arg49 : memref<!tpu.dma_semaphore, #tpu.memory_space<semaphore_mem>>) src(%arg24 : memref<80x128xf32, #tpu.memory_space<vmem>>) dst(%dma_wait3A_111 : memref<10000x128xf32, #tpu.memory_space<vmem_shared>>)
    %barrier3A_112 = arith.constant 0 : index
    tpu.barrier barrier_id(%barrier3A_112)
    %mul3A_113 = arith.constant 624 : i32
    %mul3A_114 = arith.muli %arg1, %mul3A_113 : i32
    %mul3A_115 = arith.constant 10000 : i32
    %mul3A_116 = arith.muli %arg0, %mul3A_115 : i32
    %mul3A_117 = arith.constant 624 : i32
    %mul3A_118 = arith.muli %arg1, %mul3A_117 : i32
    %add3A_119 = arith.addi %mul3A_116, %mul3A_118 : i32
    "tpu.region"() ({
      %run_scoped3A = tpu.sem_alloc : memref<!tpu.dma_semaphore, #tpu.memory_space<semaphore_mem>>
      %dma_start3A_125 = arith.constant 0 : i32
      %dma_start3A_126 = tpu.memref_slice %arg6[%add3A_119, %dma_start3A_125] : memref<20000x128xf32, #tpu.memory_space<hbm>> -> memref<624x128xf32, #tpu.memory_space<hbm>>
      %dma_start3A_127 = arith.constant 0 : i32
      %dma_start3A_128 = tpu.memref_slice %arg27[%mul3A_114, %dma_start3A_127] : memref<10000x128xf32, #tpu.memory_space<vmem_shared>> -> memref<624x128xf32, #tpu.memory_space<vmem_shared>>
      tpu.enqueue_dma source(%dma_start3A_128 : memref<624x128xf32, #tpu.memory_space<vmem_shared>>) target(%dma_start3A_126 : memref<624x128xf32, #tpu.memory_space<hbm>>) target_semaphore(%run_scoped3A : memref<!tpu.dma_semaphore, #tpu.memory_space<semaphore_mem>>)
      %dma_wait3A_129 = arith.constant 0 : i32
      %dma_wait3A_130 = tpu.memref_slice %arg6[%add3A_119, %dma_wait3A_129] : memref<20000x128xf32, #tpu.memory_space<hbm>> -> memref<624x128xf32, #tpu.memory_space<hbm>>
      %dma_wait3A_131 = arith.constant 0 : i32
      %dma_wait3A_132 = tpu.memref_slice %arg27[%mul3A_114, %dma_wait3A_131] : memref<10000x128xf32, #tpu.memory_space<vmem_shared>> -> memref<624x128xf32, #tpu.memory_space<vmem_shared>>
      tpu.wait_dma2 semaphore(%run_scoped3A : memref<!tpu.dma_semaphore, #tpu.memory_space<semaphore_mem>>) src(%dma_wait3A_132 : memref<624x128xf32, #tpu.memory_space<vmem_shared>>) dst(%dma_wait3A_130 : memref<624x128xf32, #tpu.memory_space<hbm>>)
      tpu.yield
    }) : () -> ()
    %eq3A_120 = arith.constant 15 : i32
    %eq3A_121 = arith.cmpi eq, %arg1, %eq3A_120 : i32
    %convert_element_type3A_122 = arith.extui %eq3A_121 : i1 to i32
    %cond3A_123 = arith.constant 0 : i32
    %cond3A_124 = arith.cmpi ne, %convert_element_type3A_122, %cond3A_123 : i32
    scf.if %cond3A_124 {
      %mul3A_125 = arith.constant 10000 : i32
      %mul3A_126 = arith.muli %arg0, %mul3A_125 : i32
      %add3A_127 = arith.constant 9984 : i32
      %add3A_128 = arith.addi %mul3A_126, %add3A_127 : i32
      "tpu.region"() ({
        %run_scoped3A = tpu.sem_alloc : memref<!tpu.dma_semaphore, #tpu.memory_space<semaphore_mem>>
        %dma_start3A_129 = arith.constant 0 : i32
        %dma_start3A_130 = tpu.memref_slice %arg6[%add3A_128, %dma_start3A_129] : memref<20000x128xf32, #tpu.memory_space<hbm>> -> memref<16x128xf32, #tpu.memory_space<hbm>>
        %dma_start3A_131 = arith.constant 9984 : i32
        %dma_start3A_132 = arith.constant 0 : i32
        %dma_start3A_133 = tpu.memref_slice %arg27[%dma_start3A_131, %dma_start3A_132] : memref<10000x128xf32, #tpu.memory_space<vmem_shared>> -> memref<16x128xf32, #tpu.memory_space<vmem_shared>>
        tpu.enqueue_dma source(%dma_start3A_133 : memref<16x128xf32, #tpu.memory_space<vmem_shared>>) target(%dma_start3A_130 : memref<16x128xf32, #tpu.memory_space<hbm>>) target_semaphore(%run_scoped3A : memref<!tpu.dma_semaphore, #tpu.memory_space<semaphore_mem>>)
        %dma_wait3A_134 = arith.constant 0 : i32
        %dma_wait3A_135 = tpu.memref_slice %arg6[%add3A_128, %dma_wait3A_134] : memref<20000x128xf32, #tpu.memory_space<hbm>> -> memref<16x128xf32, #tpu.memory_space<hbm>>
        %dma_wait3A_136 = arith.constant 9984 : i32
        %dma_wait3A_137 = arith.constant 0 : i32
        %dma_wait3A_138 = tpu.memref_slice %arg27[%dma_wait3A_136, %dma_wait3A_137] : memref<10000x128xf32, #tpu.memory_space<vmem_shared>> -> memref<16x128xf32, #tpu.memory_space<vmem_shared>>
        tpu.wait_dma2 semaphore(%run_scoped3A : memref<!tpu.dma_semaphore, #tpu.memory_space<semaphore_mem>>) src(%dma_wait3A_138 : memref<16x128xf32, #tpu.memory_space<vmem_shared>>) dst(%dma_wait3A_135 : memref<16x128xf32, #tpu.memory_space<hbm>>)
        tpu.yield
      }) : () -> ()
    } else {
    }
    return
  }
}

module attributes {stable_mosaic.version = 14 : i64} {
  func.func @body(%arg0: i32, %arg1: i32, %arg2: memref<2x2000x128xf32, #tpu.memory_space<vmem>>, %arg3: memref<2x2000x128xf32, #tpu.memory_space<vmem>>, %arg4: memref<1x1x2000xi32, #tpu.memory_space<vmem>>, %arg5: memref<256x256xf32, #tpu.memory_space<vmem>>, %arg6: memref<1x256xf32, #tpu.memory_space<vmem>>, %arg7: memref<256x256xf32, #tpu.memory_space<vmem>>, %arg8: memref<1x256xf32, #tpu.memory_space<vmem>>, %arg9: memref<1x256xf32, #tpu.memory_space<vmem>>, %arg10: memref<1x256xf32, #tpu.memory_space<vmem>>, %arg11: memref<1x256xf32, #tpu.memory_space<vmem>>, %arg12: memref<2x2000x128xf32, #tpu.memory_space<vmem>>, %arg13: memref<10000x256xf32, #tpu.memory_space<vmem>>, %arg14: memref<64x256xf32, #tpu.memory_space<vmem>>, %arg15: memref<64x256xf32, #tpu.memory_space<vmem>>, %arg16: memref<64x256xf32, #tpu.memory_space<vmem>>) attributes {dimension_semantics = [#tpu.dimension_semantics<arbitrary>, #tpu.dimension_semantics<arbitrary>], iteration_bounds = array<i64: 2, 5>, scalar_prefetch = 0 : i64, scratch_operands = 4 : i64, tpu.core_type = #tpu.core_type<tc>, window_params = [{transform_indices = @transform_0, window_bounds = array<i64: 2, 2000, 128>}, {transform_indices = @transform_1, window_bounds = array<i64: 2, 2000, 128>}, {transform_indices = @transform_2, window_bounds = array<i64: 1, 1, 2000>}, {pipeline_mode = #tpu.pipeline_mode<synchronous>, transform_indices = @transform_3, window_bounds = array<i64: 256, 256>}, {pipeline_mode = #tpu.pipeline_mode<synchronous>, transform_indices = @transform_4, window_bounds = array<i64: 1, 256>}, {pipeline_mode = #tpu.pipeline_mode<synchronous>, transform_indices = @transform_5, window_bounds = array<i64: 256, 256>}, {pipeline_mode = #tpu.pipeline_mode<synchronous>, transform_indices = @transform_6, window_bounds = array<i64: 1, 256>}, {pipeline_mode = #tpu.pipeline_mode<synchronous>, transform_indices = @transform_7, window_bounds = array<i64: 1, 256>}, {pipeline_mode = #tpu.pipeline_mode<synchronous>, transform_indices = @transform_8, window_bounds = array<i64: 1, 256>}, {pipeline_mode = #tpu.pipeline_mode<synchronous>, transform_indices = @transform_9, window_bounds = array<i64: 1, 256>}, {transform_indices = @transform_10, window_bounds = array<i64: 2, 2000, 128>}]} {
    %eq3A = arith.constant 0 : i32
    %eq3A_0 = arith.cmpi eq, %arg0, %eq3A : i32
    %eq3A_1 = arith.constant 0 : i32
    %eq3A_2 = arith.cmpi eq, %arg1, %eq3A_1 : i32
    %and3A = arith.andi %eq3A_0, %eq3A_2 : i1
    %convert_element_type3A = arith.extui %and3A : i1 to i32
    %cond3A = arith.constant 0 : i32
    %cond3A_3 = arith.cmpi ne, %convert_element_type3A, %cond3A : i32
    scf.if %cond3A_3 {
      %broadcast_in_dim3A_22 = arith.constant 0.000000e+00 : f32
      %broadcast_in_dim3A_23 = vector.broadcast %broadcast_in_dim3A_22 : f32 to vector<64x256xf32>
      %swap3A = arith.constant 0 : index
      %swap3A_24 = arith.constant 0 : index
      %swap3A_25 = vector.load %arg14[%swap3A, %swap3A_24] : memref<64x256xf32, #tpu.memory_space<vmem>>, vector<64x256xf32>
      tpu.vector_store %arg14[%swap3A, %swap3A_24], %broadcast_in_dim3A_23 {strides = array<i32>} : memref<64x256xf32, #tpu.memory_space<vmem>>, vector<64x256xf32>,
      %broadcast_in_dim3A_26 = arith.constant 0.000000e+00 : f32
      %broadcast_in_dim3A_27 = vector.broadcast %broadcast_in_dim3A_26 : f32 to vector<64x256xf32>
      %swap3A_28 = arith.constant 0 : index
      %swap3A_29 = arith.constant 0 : index
      %swap3A_30 = vector.load %arg15[%swap3A_28, %swap3A_29] : memref<64x256xf32, #tpu.memory_space<vmem>>, vector<64x256xf32>
      tpu.vector_store %arg15[%swap3A_28, %swap3A_29], %broadcast_in_dim3A_27 {strides = array<i32>} : memref<64x256xf32, #tpu.memory_space<vmem>>, vector<64x256xf32>,
      %broadcast_in_dim3A_31 = arith.constant 0.000000e+00 : f32
      %broadcast_in_dim3A_32 = vector.broadcast %broadcast_in_dim3A_31 : f32 to vector<64x256xf32>
      %swap3A_33 = arith.constant 0 : index
      %swap3A_34 = arith.constant 0 : index
      %swap3A_35 = vector.load %arg16[%swap3A_33, %swap3A_34] : memref<64x256xf32, #tpu.memory_space<vmem>>, vector<64x256xf32>
      tpu.vector_store %arg16[%swap3A_33, %swap3A_34], %broadcast_in_dim3A_32 {strides = array<i32>} : memref<64x256xf32, #tpu.memory_space<vmem>>, vector<64x256xf32>,
    } else {
    }
    %get3A = arith.constant 0 : index
    %get3A_4 = arith.constant 0 : index
    %get3A_5 = arith.constant 0 : index
    %get3A_6 = vector.load %arg4[%get3A, %get3A_4, %get3A_5] : memref<1x1x2000xi32, #tpu.memory_space<vmem>>, vector<1x1x2000xi32>
    %get3A_7 = vector.shape_cast %get3A_6 : vector<1x1x2000xi32> to vector<2000xi32>
    %broadcast_in_dim3A = vector.shape_cast %get3A_7 : vector<2000xi32> to vector<2000x1xi32>
    %iota3A = tpu.iota {dimensions = array<i32: 1>} : vector<2000x64xi32>
    %eq3A_8 = vector.broadcast %broadcast_in_dim3A : vector<2000x1xi32> to vector<2000x64xi32>
    %eq3A_9 = arith.cmpi eq, %eq3A_8, %iota3A : vector<2000x64xi32>
    %convert_element_type3A_10 = arith.extui %eq3A_9 : vector<2000x64xi1> to vector<2000x64xi32>
    %convert_element_type3A_11 = arith.sitofp %convert_element_type3A_10 : vector<2000x64xi32> to vector<2000x64xf32>
    %eq3A_12 = arith.constant 0 : i32
    %eq3A_13 = arith.cmpi eq, %arg0, %eq3A_12 : i32
    %convert_element_type3A_14 = arith.extui %eq3A_13 : i1 to i32
    %cond3A_15 = arith.constant 0 : i32
    %cond3A_16 = arith.cmpi ne, %convert_element_type3A_14, %cond3A_15 : i32
    scf.if %cond3A_16 {
      %get3A_22 = arith.constant 0 : index
      %get3A_23 = arith.constant 0 : index
      %get3A_24 = arith.constant 0 : index
      %get3A_25 = vector.load %arg2[%get3A_22, %get3A_23, %get3A_24] : memref<2x2000x128xf32, #tpu.memory_space<vmem>>, vector<1x2000x128xf32>
      %get3A_26 = vector.shape_cast %get3A_25 : vector<1x2000x128xf32> to vector<2000x128xf32>
      %get3A_27 = arith.constant 0 : index
      %get3A_28 = arith.constant 0 : index
      %get3A_29 = arith.constant 0 : index
      %get3A_30 = vector.load %arg3[%get3A_27, %get3A_28, %get3A_29] : memref<2x2000x128xf32, #tpu.memory_space<vmem>>, vector<1x2000x128xf32>
      %get3A_31 = vector.shape_cast %get3A_30 : vector<1x2000x128xf32> to vector<2000x128xf32>
      %add3A = arith.addf %get3A_26, %get3A_31 : vector<2000x128xf32>
      %get3A_32 = arith.constant 1 : index
      %get3A_33 = arith.constant 0 : index
      %get3A_34 = arith.constant 0 : index
      %get3A_35 = vector.load %arg2[%get3A_32, %get3A_33, %get3A_34] : memref<2x2000x128xf32, #tpu.memory_space<vmem>>, vector<1x2000x128xf32>
      %get3A_36 = vector.shape_cast %get3A_35 : vector<1x2000x128xf32> to vector<2000x128xf32>
      %get3A_37 = arith.constant 1 : index
      %get3A_38 = arith.constant 0 : index
      %get3A_39 = arith.constant 0 : index
      %get3A_40 = vector.load %arg3[%get3A_37, %get3A_38, %get3A_39] : memref<2x2000x128xf32, #tpu.memory_space<vmem>>, vector<1x2000x128xf32>
      %get3A_41 = vector.shape_cast %get3A_40 : vector<1x2000x128xf32> to vector<2000x128xf32>
      %add3A_42 = arith.addf %get3A_36, %get3A_41 : vector<2000x128xf32>
      %concatenate3A = tpu.concatenate %add3A, %add3A_42 in 1 : vector<2000x128xf32>, vector<2000x128xf32> -> vector<2000x256xf32>
      %get3A_43 = arith.constant 0 : index
      %get3A_44 = arith.constant 0 : index
      %get3A_45 = vector.load %arg5[%get3A_43, %get3A_44] : memref<256x256xf32, #tpu.memory_space<vmem>>, vector<256x256xf32>
      %convert_element_type3A_46 = arith.truncf %concatenate3A : vector<2000x256xf32> to vector<2000x256xbf16>
      %convert_element_type3A_47 = arith.extf %convert_element_type3A_46 : vector<2000x256xbf16> to vector<2000x256xf32>
      %sub3A = arith.subf %concatenate3A, %convert_element_type3A_47 : vector<2000x256xf32>
      %convert_element_type3A_48 = arith.truncf %sub3A : vector<2000x256xf32> to vector<2000x256xbf16>
      %convert_element_type3A_49 = arith.truncf %get3A_45 : vector<256x256xf32> to vector<256x256xbf16>
      %convert_element_type3A_50 = arith.extf %convert_element_type3A_49 : vector<256x256xbf16> to vector<256x256xf32>
      %sub3A_51 = arith.subf %get3A_45, %convert_element_type3A_50 : vector<256x256xf32>
      %convert_element_type3A_52 = arith.truncf %sub3A_51 : vector<256x256xf32> to vector<256x256xbf16>
      %dot_general3A = arith.constant dense<0.000000e+00> : vector<2000x256xf32>
      %dot_general3A_53 = tpu.matmul %convert_element_type3A_46, %convert_element_type3A_49, %dot_general3A {dimension_numbers = #tpu.dot_dimension_numbers<[1], [0], [0], [1], [0, 0, 1, 1], [], []>, transpose_lhs_hint = false} : vector<2000x256xbf16>, vector<256x256xbf16>, vector<2000x256xf32> -> vector<2000x256xf32>
      %dot_general3A_54 = arith.constant dense<0.000000e+00> : vector<2000x256xf32>
      %dot_general3A_55 = tpu.matmul %convert_element_type3A_48, %convert_element_type3A_49, %dot_general3A_54 {dimension_numbers = #tpu.dot_dimension_numbers<[1], [0], [0], [1], [0, 0, 1, 1], [], []>, transpose_lhs_hint = false} : vector<2000x256xbf16>, vector<256x256xbf16>, vector<2000x256xf32> -> vector<2000x256xf32>
      %dot_general3A_56 = arith.constant dense<0.000000e+00> : vector<2000x256xf32>
      %dot_general3A_57 = tpu.matmul %convert_element_type3A_46, %convert_element_type3A_52, %dot_general3A_56 {dimension_numbers = #tpu.dot_dimension_numbers<[1], [0], [0], [1], [0, 0, 1, 1], [], []>, transpose_lhs_hint = false} : vector<2000x256xbf16>, vector<256x256xbf16>, vector<2000x256xf32> -> vector<2000x256xf32>
      %add3A_58 = arith.addf %dot_general3A_55, %dot_general3A_57 : vector<2000x256xf32>
      %add3A_59 = arith.addf %dot_general3A_53, %add3A_58 : vector<2000x256xf32>
      %get3A_60 = arith.constant 0 : index
      %get3A_61 = arith.constant 0 : index
      %get3A_62 = vector.load %arg6[%get3A_60, %get3A_61] : memref<1x256xf32, #tpu.memory_space<vmem>>, vector<1x256xf32>
      %add3A_63 = vector.broadcast %get3A_62 : vector<1x256xf32> to vector<2000x256xf32>
      %add3A_64 = arith.addf %add3A_59, %add3A_63 : vector<2000x256xf32>
      %max3A = arith.constant 0.000000e+00 : f32
      %max3A_65 = vector.broadcast %max3A : f32 to vector<2000x256xf32>
      %max3A_66 = arith.maximumf %add3A_64, %max3A_65 : vector<2000x256xf32>
      %get3A_67 = arith.constant 0 : index
      %get3A_68 = arith.constant 0 : index
      %get3A_69 = vector.load %arg7[%get3A_67, %get3A_68] : memref<256x256xf32, #tpu.memory_space<vmem>>, vector<256x256xf32>
      %convert_element_type3A_70 = arith.truncf %max3A_66 : vector<2000x256xf32> to vector<2000x256xbf16>
      %convert_element_type3A_71 = arith.extf %convert_element_type3A_70 : vector<2000x256xbf16> to vector<2000x256xf32>
      %sub3A_72 = arith.subf %max3A_66, %convert_element_type3A_71 : vector<2000x256xf32>
      %convert_element_type3A_73 = arith.truncf %sub3A_72 : vector<2000x256xf32> to vector<2000x256xbf16>
      %convert_element_type3A_74 = arith.truncf %get3A_69 : vector<256x256xf32> to vector<256x256xbf16>
      %convert_element_type3A_75 = arith.extf %convert_element_type3A_74 : vector<256x256xbf16> to vector<256x256xf32>
      %sub3A_76 = arith.subf %get3A_69, %convert_element_type3A_75 : vector<256x256xf32>
      %convert_element_type3A_77 = arith.truncf %sub3A_76 : vector<256x256xf32> to vector<256x256xbf16>
      %dot_general3A_78 = arith.constant dense<0.000000e+00> : vector<2000x256xf32>
      %dot_general3A_79 = tpu.matmul %convert_element_type3A_70, %convert_element_type3A_74, %dot_general3A_78 {dimension_numbers = #tpu.dot_dimension_numbers<[1], [0], [0], [1], [0, 0, 1, 1], [], []>, transpose_lhs_hint = false} : vector<2000x256xbf16>, vector<256x256xbf16>, vector<2000x256xf32> -> vector<2000x256xf32>
      %dot_general3A_80 = arith.constant dense<0.000000e+00> : vector<2000x256xf32>
      %dot_general3A_81 = tpu.matmul %convert_element_type3A_73, %convert_element_type3A_74, %dot_general3A_80 {dimension_numbers = #tpu.dot_dimension_numbers<[1], [0], [0], [1], [0, 0, 1, 1], [], []>, transpose_lhs_hint = false} : vector<2000x256xbf16>, vector<256x256xbf16>, vector<2000x256xf32> -> vector<2000x256xf32>
      %dot_general3A_82 = arith.constant dense<0.000000e+00> : vector<2000x256xf32>
      %dot_general3A_83 = tpu.matmul %convert_element_type3A_70, %convert_element_type3A_77, %dot_general3A_82 {dimension_numbers = #tpu.dot_dimension_numbers<[1], [0], [0], [1], [0, 0, 1, 1], [], []>, transpose_lhs_hint = false} : vector<2000x256xbf16>, vector<256x256xbf16>, vector<2000x256xf32> -> vector<2000x256xf32>
      %add3A_84 = arith.addf %dot_general3A_81, %dot_general3A_83 : vector<2000x256xf32>
      %add3A_85 = arith.addf %dot_general3A_79, %add3A_84 : vector<2000x256xf32>
      %get3A_86 = arith.constant 0 : index
      %get3A_87 = arith.constant 0 : index
      %get3A_88 = vector.load %arg8[%get3A_86, %get3A_87] : memref<1x256xf32, #tpu.memory_space<vmem>>, vector<1x256xf32>
      %add3A_89 = vector.broadcast %get3A_88 : vector<1x256xf32> to vector<2000x256xf32>
      %add3A_90 = arith.addf %add3A_85, %add3A_89 : vector<2000x256xf32>
      %mul3A = arith.constant 2000 : i32
      %mul3A_91 = arith.muli %arg1, %mul3A : i32
      %swap3A = arith.index_cast %mul3A_91 : i32 to index
      %swap3A_92 = arith.constant 0 : index
      %swap3A_93 = vector.load %arg13[%swap3A, %swap3A_92] : memref<10000x256xf32, #tpu.memory_space<vmem>>, vector<2000x256xf32>
      tpu.vector_store %arg13[%swap3A, %swap3A_92], %add3A_90 {strides = array<i32>} : memref<10000x256xf32, #tpu.memory_space<vmem>>, vector<2000x256xf32>,
      %get3A_94 = arith.constant 0 : index
      %get3A_95 = arith.constant 0 : index
      %get3A_96 = vector.load %arg14[%get3A_94, %get3A_95] : memref<64x256xf32, #tpu.memory_space<vmem>>, vector<64x256xf32>
      %dot_general3A_97 = arith.constant dense<0.000000e+00> : vector<64x256xf32>
      %dot_general3A_98 = tpu.matmul %convert_element_type3A_11, %add3A_90, %dot_general3A_97 {dimension_numbers = #tpu.dot_dimension_numbers<[0], [0], [1], [1], [0, 1, 1, 1], [], []>, transpose_lhs_hint = false} : vector<2000x64xf32>, vector<2000x256xf32>, vector<64x256xf32> -> vector<64x256xf32>
      %add3A_99 = arith.addf %get3A_96, %dot_general3A_98 : vector<64x256xf32>
      %swap3A_100 = arith.constant 0 : index
      %swap3A_101 = arith.constant 0 : index
      %swap3A_102 = vector.load %arg14[%swap3A_100, %swap3A_101] : memref<64x256xf32, #tpu.memory_space<vmem>>, vector<64x256xf32>
      tpu.vector_store %arg14[%swap3A_100, %swap3A_101], %add3A_99 {strides = array<i32>} : memref<64x256xf32, #tpu.memory_space<vmem>>, vector<64x256xf32>,
      %get3A_103 = arith.constant 0 : index
      %get3A_104 = arith.constant 0 : index
      %get3A_105 = vector.load %arg15[%get3A_103, %get3A_104] : memref<64x256xf32, #tpu.memory_space<vmem>>, vector<64x256xf32>
      %mul3A_106 = arith.mulf %add3A_90, %add3A_90 : vector<2000x256xf32>
      %dot_general3A_107 = arith.constant dense<0.000000e+00> : vector<64x256xf32>
      %dot_general3A_108 = tpu.matmul %convert_element_type3A_11, %mul3A_106, %dot_general3A_107 {dimension_numbers = #tpu.dot_dimension_numbers<[0], [0], [1], [1], [0, 1, 1, 1], [], []>, transpose_lhs_hint = false} : vector<2000x64xf32>, vector<2000x256xf32>, vector<64x256xf32> -> vector<64x256xf32>
      %add3A_109 = arith.addf %get3A_105, %dot_general3A_108 : vector<64x256xf32>
      %swap3A_110 = arith.constant 0 : index
      %swap3A_111 = arith.constant 0 : index
      %swap3A_112 = vector.load %arg15[%swap3A_110, %swap3A_111] : memref<64x256xf32, #tpu.memory_space<vmem>>, vector<64x256xf32>
      tpu.vector_store %arg15[%swap3A_110, %swap3A_111], %add3A_109 {strides = array<i32>} : memref<64x256xf32, #tpu.memory_space<vmem>>, vector<64x256xf32>,
      %get3A_113 = arith.constant 0 : index
      %get3A_114 = arith.constant 0 : index
      %get3A_115 = vector.load %arg16[%get3A_113, %get3A_114] : memref<64x256xf32, #tpu.memory_space<vmem>>, vector<64x256xf32>
      %reduce_sum3A = arith.constant dense<0.000000e+00> : vector<64xf32>
      %reduce_sum3A_116 = vector.multi_reduction <add>, %convert_element_type3A_11, %reduce_sum3A [0] : vector<2000x64xf32> to vector<64xf32>
      %broadcast_in_dim3A_117 = vector.shape_cast %reduce_sum3A_116 : vector<64xf32> to vector<64x1xf32>
      %broadcast_in_dim3A_118 = vector.shape_cast %broadcast_in_dim3A_117 : vector<64x1xf32> to vector<64x1xf32>
      %broadcast_in_dim3A_119 = vector.broadcast %broadcast_in_dim3A_118 : vector<64x1xf32> to vector<64x256xf32>
      %add3A_120 = arith.addf %get3A_115, %broadcast_in_dim3A_119 : vector<64x256xf32>
      %swap3A_121 = arith.constant 0 : index
      %swap3A_122 = arith.constant 0 : index
      %swap3A_123 = vector.load %arg16[%swap3A_121, %swap3A_122] : memref<64x256xf32, #tpu.memory_space<vmem>>, vector<64x256xf32>
      tpu.vector_store %arg16[%swap3A_121, %swap3A_122], %add3A_120 {strides = array<i32>} : memref<64x256xf32, #tpu.memory_space<vmem>>, vector<64x256xf32>,
    } else {
    }
    %eq3A_17 = arith.constant 1 : i32
    %eq3A_18 = arith.cmpi eq, %arg0, %eq3A_17 : i32
    %convert_element_type3A_19 = arith.extui %eq3A_18 : i1 to i32
    %cond3A_20 = arith.constant 0 : i32
    %cond3A_21 = arith.cmpi ne, %convert_element_type3A_19, %cond3A_20 : i32
    scf.if %cond3A_21 {
      %get3A_22 = arith.constant 0 : index
      %get3A_23 = arith.constant 0 : index
      %get3A_24 = vector.load %arg16[%get3A_22, %get3A_23] : memref<64x256xf32, #tpu.memory_space<vmem>>, vector<64x256xf32>
      %max3A = arith.constant 1.000000e+00 : f32
      %max3A_25 = vector.broadcast %max3A : f32 to vector<64x256xf32>
      %max3A_26 = arith.maximumf %get3A_24, %max3A_25 : vector<64x256xf32>
      %get3A_27 = arith.constant 0 : index
      %get3A_28 = arith.constant 0 : index
      %get3A_29 = vector.load %arg14[%get3A_27, %get3A_28] : memref<64x256xf32, #tpu.memory_space<vmem>>, vector<64x256xf32>
      %div3A = arith.divf %get3A_29, %max3A_26 : vector<64x256xf32>
      %get3A_30 = arith.constant 0 : index
      %get3A_31 = arith.constant 0 : index
      %get3A_32 = vector.load %arg15[%get3A_30, %get3A_31] : memref<64x256xf32, #tpu.memory_space<vmem>>, vector<64x256xf32>
      %div3A_33 = arith.divf %get3A_32, %max3A_26 : vector<64x256xf32>
      %get3A_34 = arith.constant 0 : index
      %get3A_35 = arith.constant 0 : index
      %get3A_36 = vector.load %arg11[%get3A_34, %get3A_35] : memref<1x256xf32, #tpu.memory_space<vmem>>, vector<1x256xf32>
      %mul3A = arith.mulf %div3A, %div3A : vector<64x256xf32>
      %mul3A_37 = vector.broadcast %get3A_36 : vector<1x256xf32> to vector<64x256xf32>
      %mul3A_38 = arith.mulf %mul3A, %mul3A_37 : vector<64x256xf32>
      %sub3A = arith.constant 2.000000e+00 : f32
      %sub3A_39 = vector.broadcast %sub3A : f32 to vector<1x256xf32>
      %sub3A_40 = arith.subf %sub3A_39, %get3A_36 : vector<1x256xf32>
      %mul3A_41 = vector.broadcast %sub3A_40 : vector<1x256xf32> to vector<64x256xf32>
      %mul3A_42 = arith.mulf %mul3A_38, %mul3A_41 : vector<64x256xf32>
      %sub3A_43 = arith.subf %div3A_33, %mul3A_42 : vector<64x256xf32>
      %add3A = arith.constant 9.99999974E-6 : f32
      %add3A_44 = vector.broadcast %add3A : f32 to vector<64x256xf32>
      %add3A_45 = arith.addf %sub3A_43, %add3A_44 : vector<64x256xf32>
      %rsqrt3A = math.rsqrt %add3A_45 : vector<64x256xf32>
      %mul3A_46 = vector.broadcast %get3A_36 : vector<1x256xf32> to vector<64x256xf32>
      %mul3A_47 = arith.mulf %div3A, %mul3A_46 : vector<64x256xf32>
      %convert_element_type3A_48 = arith.truncf %convert_element_type3A_11 : vector<2000x64xf32> to vector<2000x64xbf16>
      %convert_element_type3A_49 = arith.truncf %mul3A_47 : vector<64x256xf32> to vector<64x256xbf16>
      %convert_element_type3A_50 = arith.extf %convert_element_type3A_49 : vector<64x256xbf16> to vector<64x256xf32>
      %sub3A_51 = arith.subf %mul3A_47, %convert_element_type3A_50 : vector<64x256xf32>
      %convert_element_type3A_52 = arith.truncf %sub3A_51 : vector<64x256xf32> to vector<64x256xbf16>
      %dot_general3A = arith.constant dense<0.000000e+00> : vector<2000x256xf32>
      %dot_general3A_53 = tpu.matmul %convert_element_type3A_48, %convert_element_type3A_49, %dot_general3A {dimension_numbers = #tpu.dot_dimension_numbers<[1], [0], [0], [1], [0, 0, 1, 1], [], []>, transpose_lhs_hint = false} : vector<2000x64xbf16>, vector<64x256xbf16>, vector<2000x256xf32> -> vector<2000x256xf32>
      %dot_general3A_54 = arith.constant dense<0.000000e+00> : vector<2000x256xf32>
      %dot_general3A_55 = tpu.matmul %convert_element_type3A_48, %convert_element_type3A_52, %dot_general3A_54 {dimension_numbers = #tpu.dot_dimension_numbers<[1], [0], [0], [1], [0, 0, 1, 1], [], []>, transpose_lhs_hint = false} : vector<2000x64xbf16>, vector<64x256xbf16>, vector<2000x256xf32> -> vector<2000x256xf32>
      %add3A_56 = arith.addf %dot_general3A_53, %dot_general3A_55 : vector<2000x256xf32>
      %get3A_57 = arith.constant 0 : index
      %get3A_58 = arith.constant 0 : index
      %get3A_59 = vector.load %arg9[%get3A_57, %get3A_58] : memref<1x256xf32, #tpu.memory_space<vmem>>, vector<1x256xf32>
      %mul3A_60 = vector.broadcast %get3A_59 : vector<1x256xf32> to vector<64x256xf32>
      %mul3A_61 = arith.mulf %mul3A_60, %rsqrt3A : vector<64x256xf32>
      %convert_element_type3A_62 = arith.truncf %convert_element_type3A_11 : vector<2000x64xf32> to vector<2000x64xbf16>
      %convert_element_type3A_63 = arith.truncf %mul3A_61 : vector<64x256xf32> to vector<64x256xbf16>
      %convert_element_type3A_64 = arith.extf %convert_element_type3A_63 : vector<64x256xbf16> to vector<64x256xf32>
      %sub3A_65 = arith.subf %mul3A_61, %convert_element_type3A_64 : vector<64x256xf32>
      %convert_element_type3A_66 = arith.truncf %sub3A_65 : vector<64x256xf32> to vector<64x256xbf16>
      %dot_general3A_67 = arith.constant dense<0.000000e+00> : vector<2000x256xf32>
      %dot_general3A_68 = tpu.matmul %convert_element_type3A_62, %convert_element_type3A_63, %dot_general3A_67 {dimension_numbers = #tpu.dot_dimension_numbers<[1], [0], [0], [1], [0, 0, 1, 1], [], []>, transpose_lhs_hint = false} : vector<2000x64xbf16>, vector<64x256xbf16>, vector<2000x256xf32> -> vector<2000x256xf32>
      %dot_general3A_69 = arith.constant dense<0.000000e+00> : vector<2000x256xf32>
      %dot_general3A_70 = tpu.matmul %convert_element_type3A_62, %convert_element_type3A_66, %dot_general3A_69 {dimension_numbers = #tpu.dot_dimension_numbers<[1], [0], [0], [1], [0, 0, 1, 1], [], []>, transpose_lhs_hint = false} : vector<2000x64xbf16>, vector<64x256xbf16>, vector<2000x256xf32> -> vector<2000x256xf32>
      %add3A_71 = arith.addf %dot_general3A_68, %dot_general3A_70 : vector<2000x256xf32>
      %mul3A_72 = arith.constant 2000 : i32
      %mul3A_73 = arith.muli %arg1, %mul3A_72 : i32
      %get3A_74 = arith.index_cast %mul3A_73 : i32 to index
      %get3A_75 = arith.constant 0 : index
      %get3A_76 = vector.load %arg13[%get3A_74, %get3A_75] : memref<10000x256xf32, #tpu.memory_space<vmem>>, vector<2000x256xf32>
      %sub3A_77 = arith.subf %get3A_76, %add3A_56 : vector<2000x256xf32>
      %mul3A_78 = arith.mulf %sub3A_77, %add3A_71 : vector<2000x256xf32>
      %get3A_79 = arith.constant 0 : index
      %get3A_80 = arith.constant 0 : index
      %get3A_81 = vector.load %arg10[%get3A_79, %get3A_80] : memref<1x256xf32, #tpu.memory_space<vmem>>, vector<1x256xf32>
      %add3A_82 = vector.broadcast %get3A_81 : vector<1x256xf32> to vector<2000x256xf32>
      %add3A_83 = arith.addf %mul3A_78, %add3A_82 : vector<2000x256xf32>
      %max3A_84 = arith.constant 0.000000e+00 : f32
      %max3A_85 = vector.broadcast %max3A_84 : f32 to vector<2000x256xf32>
      %max3A_86 = arith.maximumf %add3A_83, %max3A_85 : vector<2000x256xf32>
      %slice3A = vector.extract_strided_slice %max3A_86 {offsets = [0, 0], sizes = [2000, 128], strides = [1, 1]} : vector<2000x256xf32> to vector<2000x128xf32>
      %slice3A_87 = vector.extract_strided_slice %max3A_86 {offsets = [0, 128], sizes = [2000, 128], strides = [1, 1]} : vector<2000x256xf32> to vector<2000x128xf32>
      %stack3A = vector.shape_cast %slice3A : vector<2000x128xf32> to vector<1x2000x128xf32>
      %stack3A_88 = vector.shape_cast %slice3A_87 : vector<2000x128xf32> to vector<1x2000x128xf32>
      %stack3A_89 = tpu.concatenate %stack3A, %stack3A_88 in 0 : vector<1x2000x128xf32>, vector<1x2000x128xf32> -> vector<2x2000x128xf32>
      %swap3A = arith.constant 0 : index
      %swap3A_90 = arith.constant 0 : index
      %swap3A_91 = arith.constant 0 : index
      %swap3A_92 = vector.load %arg12[%swap3A, %swap3A_90, %swap3A_91] : memref<2x2000x128xf32, #tpu.memory_space<vmem>>, vector<2x2000x128xf32>
      tpu.vector_store %arg12[%swap3A, %swap3A_90, %swap3A_91], %stack3A_89 {strides = array<i32>} : memref<2x2000x128xf32, #tpu.memory_space<vmem>>, vector<2x2000x128xf32>,
    } else {
    }
    return
  }
  func.func @transform_0(%arg0: i32, %arg1: i32) -> (i32, i32, i32) {
    %eq3A = arith.constant 0 : i32
    %eq3A_0 = arith.cmpi eq, %arg0, %eq3A : i32
    %jit3A = arith.constant 0 : i32
    %select_n3A = arith.select %eq3A_0, %arg1, %jit3A : i32
    %c0_i32 = arith.constant 0 : i32
    %c0_i32_1 = arith.constant 0 : i32
    %c0_i32_2 = arith.constant 0 : i32
    return %c0_i32, %select_n3A, %c0_i32_1 : i32, i32, i32
  }
  func.func @transform_1(%arg0: i32, %arg1: i32) -> (i32, i32, i32) {
    %eq3A = arith.constant 0 : i32
    %eq3A_0 = arith.cmpi eq, %arg0, %eq3A : i32
    %jit3A = arith.constant 0 : i32
    %select_n3A = arith.select %eq3A_0, %arg1, %jit3A : i32
    %c0_i32 = arith.constant 0 : i32
    %c0_i32_1 = arith.constant 0 : i32
    %c0_i32_2 = arith.constant 0 : i32
    return %c0_i32, %select_n3A, %c0_i32_1 : i32, i32, i32
  }
  func.func @transform_2(%arg0: i32, %arg1: i32) -> (i32, i32, i32) {
    %c0_i32 = arith.constant 0 : i32
    %c0_i32_0 = arith.constant 0 : i32
    %c0_i32_1 = arith.constant 0 : i32
    return %arg1, %c0_i32, %c0_i32_0 : i32, i32, i32
  }
  func.func @transform_3(%arg0: i32, %arg1: i32) -> (i32, i32) {
    %c0_i32 = arith.constant 0 : i32
    %c0_i32_0 = arith.constant 0 : i32
    %c0_i32_1 = arith.constant 0 : i32
    return %c0_i32, %c0_i32_0 : i32, i32
  }
  func.func @transform_4(%arg0: i32, %arg1: i32) -> (i32, i32) {
    %c0_i32 = arith.constant 0 : i32
    %c0_i32_0 = arith.constant 0 : i32
    %c0_i32_1 = arith.constant 0 : i32
    return %c0_i32, %c0_i32_0 : i32, i32
  }
  func.func @transform_5(%arg0: i32, %arg1: i32) -> (i32, i32) {
    %c0_i32 = arith.constant 0 : i32
    %c0_i32_0 = arith.constant 0 : i32
    %c0_i32_1 = arith.constant 0 : i32
    return %c0_i32, %c0_i32_0 : i32, i32
  }
  func.func @transform_6(%arg0: i32, %arg1: i32) -> (i32, i32) {
    %c0_i32 = arith.constant 0 : i32
    %c0_i32_0 = arith.constant 0 : i32
    %c0_i32_1 = arith.constant 0 : i32
    return %c0_i32, %c0_i32_0 : i32, i32
  }
  func.func @transform_7(%arg0: i32, %arg1: i32) -> (i32, i32) {
    %c0_i32 = arith.constant 0 : i32
    %c0_i32_0 = arith.constant 0 : i32
    %c0_i32_1 = arith.constant 0 : i32
    return %c0_i32, %c0_i32_0 : i32, i32
  }
  func.func @transform_8(%arg0: i32, %arg1: i32) -> (i32, i32) {
    %c0_i32 = arith.constant 0 : i32
    %c0_i32_0 = arith.constant 0 : i32
    %c0_i32_1 = arith.constant 0 : i32
    return %c0_i32, %c0_i32_0 : i32, i32
  }
  func.func @transform_9(%arg0: i32, %arg1: i32) -> (i32, i32) {
    %c0_i32 = arith.constant 0 : i32
    %c0_i32_0 = arith.constant 0 : i32
    %c0_i32_1 = arith.constant 0 : i32
    return %c0_i32, %c0_i32_0 : i32, i32
  }
  func.func @transform_10(%arg0: i32, %arg1: i32) -> (i32, i32, i32) {
    %eq3A = arith.constant 0 : i32
    %eq3A_0 = arith.cmpi eq, %arg0, %eq3A : i32
    %jit3A = arith.constant 0 : i32
    %select_n3A = arith.select %eq3A_0, %jit3A, %arg1 : i32
    %c0_i32 = arith.constant 0 : i32
    %c0_i32_1 = arith.constant 0 : i32
    %c0_i32_2 = arith.constant 0 : i32
    return %c0_i32, %select_n3A, %c0_i32_1 : i32, i32, i32
  }
}

module attributes {stable_mosaic.version = 14 : i64} {
  func.func @body(%arg0: i32, %arg1: i32, %arg2: memref<2000x128xf32, #tpu.memory_space<vmem>>, %arg3: memref<2x2000x128xf32, #tpu.memory_space<vmem>>, %arg4: memref<1x1x2000xi32, #tpu.memory_space<vmem>>, %arg5: memref<128x256xf32, #tpu.memory_space<vmem>>, %arg6: memref<1x256xf32, #tpu.memory_space<vmem>>, %arg7: memref<256x256xf32, #tpu.memory_space<vmem>>, %arg8: memref<1x256xf32, #tpu.memory_space<vmem>>, %arg9: memref<1x256xf32, #tpu.memory_space<vmem>>, %arg10: memref<1x256xf32, #tpu.memory_space<vmem>>, %arg11: memref<1x256xf32, #tpu.memory_space<vmem>>, %arg12: memref<2x2000x128xf32, #tpu.memory_space<vmem>>, %arg13: memref<10000x256xf32, #tpu.memory_space<vmem>>, %arg14: memref<64x256xf32, #tpu.memory_space<vmem>>, %arg15: memref<64x256xf32, #tpu.memory_space<vmem>>, %arg16: memref<64x256xf32, #tpu.memory_space<vmem>>) attributes {dimension_semantics = [#tpu.dimension_semantics<arbitrary>, #tpu.dimension_semantics<arbitrary>], iteration_bounds = array<i64: 2, 5>, scalar_prefetch = 0 : i64, scratch_operands = 4 : i64, tpu.core_type = #tpu.core_type<tc>, window_params = [{transform_indices = @transform_0, window_bounds = array<i64: 2000, 128>}, {transform_indices = @transform_1, window_bounds = array<i64: 2, 2000, 128>}, {transform_indices = @transform_2, window_bounds = array<i64: 1, 1, 2000>}, {pipeline_mode = #tpu.pipeline_mode<synchronous>, transform_indices = @transform_3, window_bounds = array<i64: 128, 256>}, {pipeline_mode = #tpu.pipeline_mode<synchronous>, transform_indices = @transform_4, window_bounds = array<i64: 1, 256>}, {pipeline_mode = #tpu.pipeline_mode<synchronous>, transform_indices = @transform_5, window_bounds = array<i64: 256, 256>}, {pipeline_mode = #tpu.pipeline_mode<synchronous>, transform_indices = @transform_6, window_bounds = array<i64: 1, 256>}, {pipeline_mode = #tpu.pipeline_mode<synchronous>, transform_indices = @transform_7, window_bounds = array<i64: 1, 256>}, {pipeline_mode = #tpu.pipeline_mode<synchronous>, transform_indices = @transform_8, window_bounds = array<i64: 1, 256>}, {pipeline_mode = #tpu.pipeline_mode<synchronous>, transform_indices = @transform_9, window_bounds = array<i64: 1, 256>}, {transform_indices = @transform_10, window_bounds = array<i64: 2, 2000, 128>}]} {
    %eq3A = arith.constant 0 : i32
    %eq3A_0 = arith.cmpi eq, %arg0, %eq3A : i32
    %eq3A_1 = arith.constant 0 : i32
    %eq3A_2 = arith.cmpi eq, %arg1, %eq3A_1 : i32
    %and3A = arith.andi %eq3A_0, %eq3A_2 : i1
    %convert_element_type3A = arith.extui %and3A : i1 to i32
    %cond3A = arith.constant 0 : i32
    %cond3A_3 = arith.cmpi ne, %convert_element_type3A, %cond3A : i32
    scf.if %cond3A_3 {
      %broadcast_in_dim3A_22 = arith.constant 0.000000e+00 : f32
      %broadcast_in_dim3A_23 = vector.broadcast %broadcast_in_dim3A_22 : f32 to vector<64x256xf32>
      %swap3A = arith.constant 0 : index
      %swap3A_24 = arith.constant 0 : index
      %swap3A_25 = vector.load %arg14[%swap3A, %swap3A_24] : memref<64x256xf32, #tpu.memory_space<vmem>>, vector<64x256xf32>
      tpu.vector_store %arg14[%swap3A, %swap3A_24], %broadcast_in_dim3A_23 {strides = array<i32>} : memref<64x256xf32, #tpu.memory_space<vmem>>, vector<64x256xf32>,
      %broadcast_in_dim3A_26 = arith.constant 0.000000e+00 : f32
      %broadcast_in_dim3A_27 = vector.broadcast %broadcast_in_dim3A_26 : f32 to vector<64x256xf32>
      %swap3A_28 = arith.constant 0 : index
      %swap3A_29 = arith.constant 0 : index
      %swap3A_30 = vector.load %arg15[%swap3A_28, %swap3A_29] : memref<64x256xf32, #tpu.memory_space<vmem>>, vector<64x256xf32>
      tpu.vector_store %arg15[%swap3A_28, %swap3A_29], %broadcast_in_dim3A_27 {strides = array<i32>} : memref<64x256xf32, #tpu.memory_space<vmem>>, vector<64x256xf32>,
      %broadcast_in_dim3A_31 = arith.constant 0.000000e+00 : f32
      %broadcast_in_dim3A_32 = vector.broadcast %broadcast_in_dim3A_31 : f32 to vector<64x256xf32>
      %swap3A_33 = arith.constant 0 : index
      %swap3A_34 = arith.constant 0 : index
      %swap3A_35 = vector.load %arg16[%swap3A_33, %swap3A_34] : memref<64x256xf32, #tpu.memory_space<vmem>>, vector<64x256xf32>
      tpu.vector_store %arg16[%swap3A_33, %swap3A_34], %broadcast_in_dim3A_32 {strides = array<i32>} : memref<64x256xf32, #tpu.memory_space<vmem>>, vector<64x256xf32>,
    } else {
    }
    %get3A = arith.constant 0 : index
    %get3A_4 = arith.constant 0 : index
    %get3A_5 = arith.constant 0 : index
    %get3A_6 = vector.load %arg4[%get3A, %get3A_4, %get3A_5] : memref<1x1x2000xi32, #tpu.memory_space<vmem>>, vector<1x1x2000xi32>
    %get3A_7 = vector.shape_cast %get3A_6 : vector<1x1x2000xi32> to vector<2000xi32>
    %broadcast_in_dim3A = vector.shape_cast %get3A_7 : vector<2000xi32> to vector<2000x1xi32>
    %iota3A = tpu.iota {dimensions = array<i32: 1>} : vector<2000x64xi32>
    %eq3A_8 = vector.broadcast %broadcast_in_dim3A : vector<2000x1xi32> to vector<2000x64xi32>
    %eq3A_9 = arith.cmpi eq, %eq3A_8, %iota3A : vector<2000x64xi32>
    %convert_element_type3A_10 = arith.extui %eq3A_9 : vector<2000x64xi1> to vector<2000x64xi32>
    %convert_element_type3A_11 = arith.sitofp %convert_element_type3A_10 : vector<2000x64xi32> to vector<2000x64xf32>
    %eq3A_12 = arith.constant 0 : i32
    %eq3A_13 = arith.cmpi eq, %arg0, %eq3A_12 : i32
    %convert_element_type3A_14 = arith.extui %eq3A_13 : i1 to i32
    %cond3A_15 = arith.constant 0 : i32
    %cond3A_16 = arith.cmpi ne, %convert_element_type3A_14, %cond3A_15 : i32
    scf.if %cond3A_16 {
      %get3A_22 = arith.constant 0 : index
      %get3A_23 = arith.constant 0 : index
      %get3A_24 = vector.load %arg2[%get3A_22, %get3A_23] : memref<2000x128xf32, #tpu.memory_space<vmem>>, vector<2000x128xf32>
      %get3A_25 = arith.constant 0 : index
      %get3A_26 = arith.constant 0 : index
      %get3A_27 = arith.constant 0 : index
      %get3A_28 = vector.load %arg3[%get3A_25, %get3A_26, %get3A_27] : memref<2x2000x128xf32, #tpu.memory_space<vmem>>, vector<1x2000x128xf32>
      %get3A_29 = vector.shape_cast %get3A_28 : vector<1x2000x128xf32> to vector<2000x128xf32>
      %add3A = arith.addf %get3A_24, %get3A_29 : vector<2000x128xf32>
      %get3A_30 = arith.constant 1 : index
      %get3A_31 = arith.constant 0 : index
      %get3A_32 = arith.constant 0 : index
      %get3A_33 = vector.load %arg3[%get3A_30, %get3A_31, %get3A_32] : memref<2x2000x128xf32, #tpu.memory_space<vmem>>, vector<1x2000x128xf32>
      %get3A_34 = vector.shape_cast %get3A_33 : vector<1x2000x128xf32> to vector<2000x128xf32>
      %add3A_35 = arith.addf %add3A, %get3A_34 : vector<2000x128xf32>
      %get3A_36 = arith.constant 0 : index
      %get3A_37 = arith.constant 0 : index
      %get3A_38 = vector.load %arg5[%get3A_36, %get3A_37] : memref<128x256xf32, #tpu.memory_space<vmem>>, vector<128x256xf32>
      %convert_element_type3A_39 = arith.truncf %add3A_35 : vector<2000x128xf32> to vector<2000x128xbf16>
      %convert_element_type3A_40 = arith.extf %convert_element_type3A_39 : vector<2000x128xbf16> to vector<2000x128xf32>
      %sub3A = arith.subf %add3A_35, %convert_element_type3A_40 : vector<2000x128xf32>
      %convert_element_type3A_41 = arith.truncf %sub3A : vector<2000x128xf32> to vector<2000x128xbf16>
      %convert_element_type3A_42 = arith.truncf %get3A_38 : vector<128x256xf32> to vector<128x256xbf16>
      %convert_element_type3A_43 = arith.extf %convert_element_type3A_42 : vector<128x256xbf16> to vector<128x256xf32>
      %sub3A_44 = arith.subf %get3A_38, %convert_element_type3A_43 : vector<128x256xf32>
      %convert_element_type3A_45 = arith.truncf %sub3A_44 : vector<128x256xf32> to vector<128x256xbf16>
      %dot_general3A = arith.constant dense<0.000000e+00> : vector<2000x256xf32>
      %dot_general3A_46 = tpu.matmul %convert_element_type3A_39, %convert_element_type3A_42, %dot_general3A {dimension_numbers = #tpu.dot_dimension_numbers<[1], [0], [0], [1], [0, 0, 1, 1], [], []>, transpose_lhs_hint = false} : vector<2000x128xbf16>, vector<128x256xbf16>, vector<2000x256xf32> -> vector<2000x256xf32>
      %dot_general3A_47 = arith.constant dense<0.000000e+00> : vector<2000x256xf32>
      %dot_general3A_48 = tpu.matmul %convert_element_type3A_41, %convert_element_type3A_42, %dot_general3A_47 {dimension_numbers = #tpu.dot_dimension_numbers<[1], [0], [0], [1], [0, 0, 1, 1], [], []>, transpose_lhs_hint = false} : vector<2000x128xbf16>, vector<128x256xbf16>, vector<2000x256xf32> -> vector<2000x256xf32>
      %dot_general3A_49 = arith.constant dense<0.000000e+00> : vector<2000x256xf32>
      %dot_general3A_50 = tpu.matmul %convert_element_type3A_39, %convert_element_type3A_45, %dot_general3A_49 {dimension_numbers = #tpu.dot_dimension_numbers<[1], [0], [0], [1], [0, 0, 1, 1], [], []>, transpose_lhs_hint = false} : vector<2000x128xbf16>, vector<128x256xbf16>, vector<2000x256xf32> -> vector<2000x256xf32>
      %add3A_51 = arith.addf %dot_general3A_48, %dot_general3A_50 : vector<2000x256xf32>
      %add3A_52 = arith.addf %dot_general3A_46, %add3A_51 : vector<2000x256xf32>
      %get3A_53 = arith.constant 0 : index
      %get3A_54 = arith.constant 0 : index
      %get3A_55 = vector.load %arg6[%get3A_53, %get3A_54] : memref<1x256xf32, #tpu.memory_space<vmem>>, vector<1x256xf32>
      %add3A_56 = vector.broadcast %get3A_55 : vector<1x256xf32> to vector<2000x256xf32>
      %add3A_57 = arith.addf %add3A_52, %add3A_56 : vector<2000x256xf32>
      %max3A = arith.constant 0.000000e+00 : f32
      %max3A_58 = vector.broadcast %max3A : f32 to vector<2000x256xf32>
      %max3A_59 = arith.maximumf %add3A_57, %max3A_58 : vector<2000x256xf32>
      %get3A_60 = arith.constant 0 : index
      %get3A_61 = arith.constant 0 : index
      %get3A_62 = vector.load %arg7[%get3A_60, %get3A_61] : memref<256x256xf32, #tpu.memory_space<vmem>>, vector<256x256xf32>
      %convert_element_type3A_63 = arith.truncf %max3A_59 : vector<2000x256xf32> to vector<2000x256xbf16>
      %convert_element_type3A_64 = arith.extf %convert_element_type3A_63 : vector<2000x256xbf16> to vector<2000x256xf32>
      %sub3A_65 = arith.subf %max3A_59, %convert_element_type3A_64 : vector<2000x256xf32>
      %convert_element_type3A_66 = arith.truncf %sub3A_65 : vector<2000x256xf32> to vector<2000x256xbf16>
      %convert_element_type3A_67 = arith.truncf %get3A_62 : vector<256x256xf32> to vector<256x256xbf16>
      %convert_element_type3A_68 = arith.extf %convert_element_type3A_67 : vector<256x256xbf16> to vector<256x256xf32>
      %sub3A_69 = arith.subf %get3A_62, %convert_element_type3A_68 : vector<256x256xf32>
      %convert_element_type3A_70 = arith.truncf %sub3A_69 : vector<256x256xf32> to vector<256x256xbf16>
      %dot_general3A_71 = arith.constant dense<0.000000e+00> : vector<2000x256xf32>
      %dot_general3A_72 = tpu.matmul %convert_element_type3A_63, %convert_element_type3A_67, %dot_general3A_71 {dimension_numbers = #tpu.dot_dimension_numbers<[1], [0], [0], [1], [0, 0, 1, 1], [], []>, transpose_lhs_hint = false} : vector<2000x256xbf16>, vector<256x256xbf16>, vector<2000x256xf32> -> vector<2000x256xf32>
      %dot_general3A_73 = arith.constant dense<0.000000e+00> : vector<2000x256xf32>
      %dot_general3A_74 = tpu.matmul %convert_element_type3A_66, %convert_element_type3A_67, %dot_general3A_73 {dimension_numbers = #tpu.dot_dimension_numbers<[1], [0], [0], [1], [0, 0, 1, 1], [], []>, transpose_lhs_hint = false} : vector<2000x256xbf16>, vector<256x256xbf16>, vector<2000x256xf32> -> vector<2000x256xf32>
      %dot_general3A_75 = arith.constant dense<0.000000e+00> : vector<2000x256xf32>
      %dot_general3A_76 = tpu.matmul %convert_element_type3A_63, %convert_element_type3A_70, %dot_general3A_75 {dimension_numbers = #tpu.dot_dimension_numbers<[1], [0], [0], [1], [0, 0, 1, 1], [], []>, transpose_lhs_hint = false} : vector<2000x256xbf16>, vector<256x256xbf16>, vector<2000x256xf32> -> vector<2000x256xf32>
      %add3A_77 = arith.addf %dot_general3A_74, %dot_general3A_76 : vector<2000x256xf32>
      %add3A_78 = arith.addf %dot_general3A_72, %add3A_77 : vector<2000x256xf32>
      %get3A_79 = arith.constant 0 : index
      %get3A_80 = arith.constant 0 : index
      %get3A_81 = vector.load %arg8[%get3A_79, %get3A_80] : memref<1x256xf32, #tpu.memory_space<vmem>>, vector<1x256xf32>
      %add3A_82 = vector.broadcast %get3A_81 : vector<1x256xf32> to vector<2000x256xf32>
      %add3A_83 = arith.addf %add3A_78, %add3A_82 : vector<2000x256xf32>
      %mul3A = arith.constant 2000 : i32
      %mul3A_84 = arith.muli %arg1, %mul3A : i32
      %swap3A = arith.index_cast %mul3A_84 : i32 to index
      %swap3A_85 = arith.constant 0 : index
      %swap3A_86 = vector.load %arg13[%swap3A, %swap3A_85] : memref<10000x256xf32, #tpu.memory_space<vmem>>, vector<2000x256xf32>
      tpu.vector_store %arg13[%swap3A, %swap3A_85], %add3A_83 {strides = array<i32>} : memref<10000x256xf32, #tpu.memory_space<vmem>>, vector<2000x256xf32>,
      %get3A_87 = arith.constant 0 : index
      %get3A_88 = arith.constant 0 : index
      %get3A_89 = vector.load %arg14[%get3A_87, %get3A_88] : memref<64x256xf32, #tpu.memory_space<vmem>>, vector<64x256xf32>
      %dot_general3A_90 = arith.constant dense<0.000000e+00> : vector<64x256xf32>
      %dot_general3A_91 = tpu.matmul %convert_element_type3A_11, %add3A_83, %dot_general3A_90 {dimension_numbers = #tpu.dot_dimension_numbers<[0], [0], [1], [1], [0, 1, 1, 1], [], []>, transpose_lhs_hint = false} : vector<2000x64xf32>, vector<2000x256xf32>, vector<64x256xf32> -> vector<64x256xf32>
      %add3A_92 = arith.addf %get3A_89, %dot_general3A_91 : vector<64x256xf32>
      %swap3A_93 = arith.constant 0 : index
      %swap3A_94 = arith.constant 0 : index
      %swap3A_95 = vector.load %arg14[%swap3A_93, %swap3A_94] : memref<64x256xf32, #tpu.memory_space<vmem>>, vector<64x256xf32>
      tpu.vector_store %arg14[%swap3A_93, %swap3A_94], %add3A_92 {strides = array<i32>} : memref<64x256xf32, #tpu.memory_space<vmem>>, vector<64x256xf32>,
      %get3A_96 = arith.constant 0 : index
      %get3A_97 = arith.constant 0 : index
      %get3A_98 = vector.load %arg15[%get3A_96, %get3A_97] : memref<64x256xf32, #tpu.memory_space<vmem>>, vector<64x256xf32>
      %mul3A_99 = arith.mulf %add3A_83, %add3A_83 : vector<2000x256xf32>
      %dot_general3A_100 = arith.constant dense<0.000000e+00> : vector<64x256xf32>
      %dot_general3A_101 = tpu.matmul %convert_element_type3A_11, %mul3A_99, %dot_general3A_100 {dimension_numbers = #tpu.dot_dimension_numbers<[0], [0], [1], [1], [0, 1, 1, 1], [], []>, transpose_lhs_hint = false} : vector<2000x64xf32>, vector<2000x256xf32>, vector<64x256xf32> -> vector<64x256xf32>
      %add3A_102 = arith.addf %get3A_98, %dot_general3A_101 : vector<64x256xf32>
      %swap3A_103 = arith.constant 0 : index
      %swap3A_104 = arith.constant 0 : index
      %swap3A_105 = vector.load %arg15[%swap3A_103, %swap3A_104] : memref<64x256xf32, #tpu.memory_space<vmem>>, vector<64x256xf32>
      tpu.vector_store %arg15[%swap3A_103, %swap3A_104], %add3A_102 {strides = array<i32>} : memref<64x256xf32, #tpu.memory_space<vmem>>, vector<64x256xf32>,
      %get3A_106 = arith.constant 0 : index
      %get3A_107 = arith.constant 0 : index
      %get3A_108 = vector.load %arg16[%get3A_106, %get3A_107] : memref<64x256xf32, #tpu.memory_space<vmem>>, vector<64x256xf32>
      %reduce_sum3A = arith.constant dense<0.000000e+00> : vector<64xf32>
      %reduce_sum3A_109 = vector.multi_reduction <add>, %convert_element_type3A_11, %reduce_sum3A [0] : vector<2000x64xf32> to vector<64xf32>
      %broadcast_in_dim3A_110 = vector.shape_cast %reduce_sum3A_109 : vector<64xf32> to vector<64x1xf32>
      %broadcast_in_dim3A_111 = vector.shape_cast %broadcast_in_dim3A_110 : vector<64x1xf32> to vector<64x1xf32>
      %broadcast_in_dim3A_112 = vector.broadcast %broadcast_in_dim3A_111 : vector<64x1xf32> to vector<64x256xf32>
      %add3A_113 = arith.addf %get3A_108, %broadcast_in_dim3A_112 : vector<64x256xf32>
      %swap3A_114 = arith.constant 0 : index
      %swap3A_115 = arith.constant 0 : index
      %swap3A_116 = vector.load %arg16[%swap3A_114, %swap3A_115] : memref<64x256xf32, #tpu.memory_space<vmem>>, vector<64x256xf32>
      tpu.vector_store %arg16[%swap3A_114, %swap3A_115], %add3A_113 {strides = array<i32>} : memref<64x256xf32, #tpu.memory_space<vmem>>, vector<64x256xf32>,
    } else {
    }
    %eq3A_17 = arith.constant 1 : i32
    %eq3A_18 = arith.cmpi eq, %arg0, %eq3A_17 : i32
    %convert_element_type3A_19 = arith.extui %eq3A_18 : i1 to i32
    %cond3A_20 = arith.constant 0 : i32
    %cond3A_21 = arith.cmpi ne, %convert_element_type3A_19, %cond3A_20 : i32
    scf.if %cond3A_21 {
      %get3A_22 = arith.constant 0 : index
      %get3A_23 = arith.constant 0 : index
      %get3A_24 = vector.load %arg16[%get3A_22, %get3A_23] : memref<64x256xf32, #tpu.memory_space<vmem>>, vector<64x256xf32>
      %max3A = arith.constant 1.000000e+00 : f32
      %max3A_25 = vector.broadcast %max3A : f32 to vector<64x256xf32>
      %max3A_26 = arith.maximumf %get3A_24, %max3A_25 : vector<64x256xf32>
      %get3A_27 = arith.constant 0 : index
      %get3A_28 = arith.constant 0 : index
      %get3A_29 = vector.load %arg14[%get3A_27, %get3A_28] : memref<64x256xf32, #tpu.memory_space<vmem>>, vector<64x256xf32>
      %div3A = arith.divf %get3A_29, %max3A_26 : vector<64x256xf32>
      %get3A_30 = arith.constant 0 : index
      %get3A_31 = arith.constant 0 : index
      %get3A_32 = vector.load %arg15[%get3A_30, %get3A_31] : memref<64x256xf32, #tpu.memory_space<vmem>>, vector<64x256xf32>
      %div3A_33 = arith.divf %get3A_32, %max3A_26 : vector<64x256xf32>
      %get3A_34 = arith.constant 0 : index
      %get3A_35 = arith.constant 0 : index
      %get3A_36 = vector.load %arg11[%get3A_34, %get3A_35] : memref<1x256xf32, #tpu.memory_space<vmem>>, vector<1x256xf32>
      %mul3A = arith.mulf %div3A, %div3A : vector<64x256xf32>
      %mul3A_37 = vector.broadcast %get3A_36 : vector<1x256xf32> to vector<64x256xf32>
      %mul3A_38 = arith.mulf %mul3A, %mul3A_37 : vector<64x256xf32>
      %sub3A = arith.constant 2.000000e+00 : f32
      %sub3A_39 = vector.broadcast %sub3A : f32 to vector<1x256xf32>
      %sub3A_40 = arith.subf %sub3A_39, %get3A_36 : vector<1x256xf32>
      %mul3A_41 = vector.broadcast %sub3A_40 : vector<1x256xf32> to vector<64x256xf32>
      %mul3A_42 = arith.mulf %mul3A_38, %mul3A_41 : vector<64x256xf32>
      %sub3A_43 = arith.subf %div3A_33, %mul3A_42 : vector<64x256xf32>
      %add3A = arith.constant 9.99999974E-6 : f32
      %add3A_44 = vector.broadcast %add3A : f32 to vector<64x256xf32>
      %add3A_45 = arith.addf %sub3A_43, %add3A_44 : vector<64x256xf32>
      %rsqrt3A = math.rsqrt %add3A_45 : vector<64x256xf32>
      %mul3A_46 = vector.broadcast %get3A_36 : vector<1x256xf32> to vector<64x256xf32>
      %mul3A_47 = arith.mulf %div3A, %mul3A_46 : vector<64x256xf32>
      %convert_element_type3A_48 = arith.truncf %convert_element_type3A_11 : vector<2000x64xf32> to vector<2000x64xbf16>
      %convert_element_type3A_49 = arith.truncf %mul3A_47 : vector<64x256xf32> to vector<64x256xbf16>
      %convert_element_type3A_50 = arith.extf %convert_element_type3A_49 : vector<64x256xbf16> to vector<64x256xf32>
      %sub3A_51 = arith.subf %mul3A_47, %convert_element_type3A_50 : vector<64x256xf32>
      %convert_element_type3A_52 = arith.truncf %sub3A_51 : vector<64x256xf32> to vector<64x256xbf16>
      %dot_general3A = arith.constant dense<0.000000e+00> : vector<2000x256xf32>
      %dot_general3A_53 = tpu.matmul %convert_element_type3A_48, %convert_element_type3A_49, %dot_general3A {dimension_numbers = #tpu.dot_dimension_numbers<[1], [0], [0], [1], [0, 0, 1, 1], [], []>, transpose_lhs_hint = false} : vector<2000x64xbf16>, vector<64x256xbf16>, vector<2000x256xf32> -> vector<2000x256xf32>
      %dot_general3A_54 = arith.constant dense<0.000000e+00> : vector<2000x256xf32>
      %dot_general3A_55 = tpu.matmul %convert_element_type3A_48, %convert_element_type3A_52, %dot_general3A_54 {dimension_numbers = #tpu.dot_dimension_numbers<[1], [0], [0], [1], [0, 0, 1, 1], [], []>, transpose_lhs_hint = false} : vector<2000x64xbf16>, vector<64x256xbf16>, vector<2000x256xf32> -> vector<2000x256xf32>
      %add3A_56 = arith.addf %dot_general3A_53, %dot_general3A_55 : vector<2000x256xf32>
      %get3A_57 = arith.constant 0 : index
      %get3A_58 = arith.constant 0 : index
      %get3A_59 = vector.load %arg9[%get3A_57, %get3A_58] : memref<1x256xf32, #tpu.memory_space<vmem>>, vector<1x256xf32>
      %mul3A_60 = vector.broadcast %get3A_59 : vector<1x256xf32> to vector<64x256xf32>
      %mul3A_61 = arith.mulf %mul3A_60, %rsqrt3A : vector<64x256xf32>
      %convert_element_type3A_62 = arith.truncf %convert_element_type3A_11 : vector<2000x64xf32> to vector<2000x64xbf16>
      %convert_element_type3A_63 = arith.truncf %mul3A_61 : vector<64x256xf32> to vector<64x256xbf16>
      %convert_element_type3A_64 = arith.extf %convert_element_type3A_63 : vector<64x256xbf16> to vector<64x256xf32>
      %sub3A_65 = arith.subf %mul3A_61, %convert_element_type3A_64 : vector<64x256xf32>
      %convert_element_type3A_66 = arith.truncf %sub3A_65 : vector<64x256xf32> to vector<64x256xbf16>
      %dot_general3A_67 = arith.constant dense<0.000000e+00> : vector<2000x256xf32>
      %dot_general3A_68 = tpu.matmul %convert_element_type3A_62, %convert_element_type3A_63, %dot_general3A_67 {dimension_numbers = #tpu.dot_dimension_numbers<[1], [0], [0], [1], [0, 0, 1, 1], [], []>, transpose_lhs_hint = false} : vector<2000x64xbf16>, vector<64x256xbf16>, vector<2000x256xf32> -> vector<2000x256xf32>
      %dot_general3A_69 = arith.constant dense<0.000000e+00> : vector<2000x256xf32>
      %dot_general3A_70 = tpu.matmul %convert_element_type3A_62, %convert_element_type3A_66, %dot_general3A_69 {dimension_numbers = #tpu.dot_dimension_numbers<[1], [0], [0], [1], [0, 0, 1, 1], [], []>, transpose_lhs_hint = false} : vector<2000x64xbf16>, vector<64x256xbf16>, vector<2000x256xf32> -> vector<2000x256xf32>
      %add3A_71 = arith.addf %dot_general3A_68, %dot_general3A_70 : vector<2000x256xf32>
      %mul3A_72 = arith.constant 2000 : i32
      %mul3A_73 = arith.muli %arg1, %mul3A_72 : i32
      %get3A_74 = arith.index_cast %mul3A_73 : i32 to index
      %get3A_75 = arith.constant 0 : index
      %get3A_76 = vector.load %arg13[%get3A_74, %get3A_75] : memref<10000x256xf32, #tpu.memory_space<vmem>>, vector<2000x256xf32>
      %sub3A_77 = arith.subf %get3A_76, %add3A_56 : vector<2000x256xf32>
      %mul3A_78 = arith.mulf %sub3A_77, %add3A_71 : vector<2000x256xf32>
      %get3A_79 = arith.constant 0 : index
      %get3A_80 = arith.constant 0 : index
      %get3A_81 = vector.load %arg10[%get3A_79, %get3A_80] : memref<1x256xf32, #tpu.memory_space<vmem>>, vector<1x256xf32>
      %add3A_82 = vector.broadcast %get3A_81 : vector<1x256xf32> to vector<2000x256xf32>
      %add3A_83 = arith.addf %mul3A_78, %add3A_82 : vector<2000x256xf32>
      %max3A_84 = arith.constant 0.000000e+00 : f32
      %max3A_85 = vector.broadcast %max3A_84 : f32 to vector<2000x256xf32>
      %max3A_86 = arith.maximumf %add3A_83, %max3A_85 : vector<2000x256xf32>
      %slice3A = vector.extract_strided_slice %max3A_86 {offsets = [0, 0], sizes = [2000, 128], strides = [1, 1]} : vector<2000x256xf32> to vector<2000x128xf32>
      %slice3A_87 = vector.extract_strided_slice %max3A_86 {offsets = [0, 128], sizes = [2000, 128], strides = [1, 1]} : vector<2000x256xf32> to vector<2000x128xf32>
      %stack3A = vector.shape_cast %slice3A : vector<2000x128xf32> to vector<1x2000x128xf32>
      %stack3A_88 = vector.shape_cast %slice3A_87 : vector<2000x128xf32> to vector<1x2000x128xf32>
      %stack3A_89 = tpu.concatenate %stack3A, %stack3A_88 in 0 : vector<1x2000x128xf32>, vector<1x2000x128xf32> -> vector<2x2000x128xf32>
      %swap3A = arith.constant 0 : index
      %swap3A_90 = arith.constant 0 : index
      %swap3A_91 = arith.constant 0 : index
      %swap3A_92 = vector.load %arg12[%swap3A, %swap3A_90, %swap3A_91] : memref<2x2000x128xf32, #tpu.memory_space<vmem>>, vector<2x2000x128xf32>
      tpu.vector_store %arg12[%swap3A, %swap3A_90, %swap3A_91], %stack3A_89 {strides = array<i32>} : memref<2x2000x128xf32, #tpu.memory_space<vmem>>, vector<2x2000x128xf32>,
    } else {
    }
    return
  }
  func.func @transform_0(%arg0: i32, %arg1: i32) -> (i32, i32) {
    %eq3A = arith.constant 0 : i32
    %eq3A_0 = arith.cmpi eq, %arg0, %eq3A : i32
    %jit3A = arith.constant 0 : i32
    %select_n3A = arith.select %eq3A_0, %arg1, %jit3A : i32
    %c0_i32 = arith.constant 0 : i32
    %c0_i32_1 = arith.constant 0 : i32
    return %select_n3A, %c0_i32 : i32, i32
  }
  func.func @transform_1(%arg0: i32, %arg1: i32) -> (i32, i32, i32) {
    %eq3A = arith.constant 0 : i32
    %eq3A_0 = arith.cmpi eq, %arg0, %eq3A : i32
    %jit3A = arith.constant 0 : i32
    %select_n3A = arith.select %eq3A_0, %arg1, %jit3A : i32
    %c0_i32 = arith.constant 0 : i32
    %c0_i32_1 = arith.constant 0 : i32
    %c0_i32_2 = arith.constant 0 : i32
    return %c0_i32, %select_n3A, %c0_i32_1 : i32, i32, i32
  }
  func.func @transform_2(%arg0: i32, %arg1: i32) -> (i32, i32, i32) {
    %c0_i32 = arith.constant 0 : i32
    %c0_i32_0 = arith.constant 0 : i32
    %c0_i32_1 = arith.constant 0 : i32
    return %arg1, %c0_i32, %c0_i32_0 : i32, i32, i32
  }
  func.func @transform_3(%arg0: i32, %arg1: i32) -> (i32, i32) {
    %c0_i32 = arith.constant 0 : i32
    %c0_i32_0 = arith.constant 0 : i32
    %c0_i32_1 = arith.constant 0 : i32
    return %c0_i32, %c0_i32_0 : i32, i32
  }
  func.func @transform_4(%arg0: i32, %arg1: i32) -> (i32, i32) {
    %c0_i32 = arith.constant 0 : i32
    %c0_i32_0 = arith.constant 0 : i32
    %c0_i32_1 = arith.constant 0 : i32
    return %c0_i32, %c0_i32_0 : i32, i32
  }
  func.func @transform_5(%arg0: i32, %arg1: i32) -> (i32, i32) {
    %c0_i32 = arith.constant 0 : i32
    %c0_i32_0 = arith.constant 0 : i32
    %c0_i32_1 = arith.constant 0 : i32
    return %c0_i32, %c0_i32_0 : i32, i32
  }
  func.func @transform_6(%arg0: i32, %arg1: i32) -> (i32, i32) {
    %c0_i32 = arith.constant 0 : i32
    %c0_i32_0 = arith.constant 0 : i32
    %c0_i32_1 = arith.constant 0 : i32
    return %c0_i32, %c0_i32_0 : i32, i32
  }
  func.func @transform_7(%arg0: i32, %arg1: i32) -> (i32, i32) {
    %c0_i32 = arith.constant 0 : i32
    %c0_i32_0 = arith.constant 0 : i32
    %c0_i32_1 = arith.constant 0 : i32
    return %c0_i32, %c0_i32_0 : i32, i32
  }
  func.func @transform_8(%arg0: i32, %arg1: i32) -> (i32, i32) {
    %c0_i32 = arith.constant 0 : i32
    %c0_i32_0 = arith.constant 0 : i32
    %c0_i32_1 = arith.constant 0 : i32
    return %c0_i32, %c0_i32_0 : i32, i32
  }
  func.func @transform_9(%arg0: i32, %arg1: i32) -> (i32, i32) {
    %c0_i32 = arith.constant 0 : i32
    %c0_i32_0 = arith.constant 0 : i32
    %c0_i32_1 = arith.constant 0 : i32
    return %c0_i32, %c0_i32_0 : i32, i32
  }
  func.func @transform_10(%arg0: i32, %arg1: i32) -> (i32, i32, i32) {
    %eq3A = arith.constant 0 : i32
    %eq3A_0 = arith.cmpi eq, %arg0, %eq3A : i32
    %jit3A = arith.constant 0 : i32
    %select_n3A = arith.select %eq3A_0, %jit3A, %arg1 : i32
    %c0_i32 = arith.constant 0 : i32
    %c0_i32_1 = arith.constant 0 : i32
    %c0_i32_2 = arith.constant 0 : i32
    return %c0_i32, %select_n3A, %c0_i32_1 : i32, i32, i32
  }
}

module attributes {stable_mosaic.version = 14 : i64} {
  func.func @body(%arg0: i32, %arg1: i32, %arg2: memref<2x2000x128xf32, #tpu.memory_space<vmem>>, %arg3: memref<2x2000x128xf32, #tpu.memory_space<vmem>>, %arg4: memref<1x1x2000xi32, #tpu.memory_space<vmem>>, %arg5: memref<256x256xf32, #tpu.memory_space<vmem>>, %arg6: memref<1x256xf32, #tpu.memory_space<vmem>>, %arg7: memref<256x256xf32, #tpu.memory_space<vmem>>, %arg8: memref<1x256xf32, #tpu.memory_space<vmem>>, %arg9: memref<1x256xf32, #tpu.memory_space<vmem>>, %arg10: memref<1x256xf32, #tpu.memory_space<vmem>>, %arg11: memref<1x256xf32, #tpu.memory_space<vmem>>, %arg12: memref<256x256xf32, #tpu.memory_space<vmem>>, %arg13: memref<1x256xf32, #tpu.memory_space<vmem>>, %arg14: memref<256x40xf32, #tpu.memory_space<vmem>>, %arg15: memref<1x40xf32, #tpu.memory_space<vmem>>, %arg16: memref<64x40xf32, #tpu.memory_space<vmem>>, %arg17: memref<10000x256xf32, #tpu.memory_space<vmem>>, %arg18: memref<64x256xf32, #tpu.memory_space<vmem>>, %arg19: memref<64x256xf32, #tpu.memory_space<vmem>>, %arg20: memref<64x256xf32, #tpu.memory_space<vmem>>, %arg21: memref<64x256xf32, #tpu.memory_space<vmem>>) attributes {dimension_semantics = [#tpu.dimension_semantics<arbitrary>, #tpu.dimension_semantics<arbitrary>], iteration_bounds = array<i64: 2, 5>, scalar_prefetch = 0 : i64, scratch_operands = 5 : i64, tpu.core_type = #tpu.core_type<tc>, window_params = [{transform_indices = @transform_0, window_bounds = array<i64: 2, 2000, 128>}, {transform_indices = @transform_1, window_bounds = array<i64: 2, 2000, 128>}, {transform_indices = @transform_2, window_bounds = array<i64: 1, 1, 2000>}, {pipeline_mode = #tpu.pipeline_mode<synchronous>, transform_indices = @transform_3, window_bounds = array<i64: 256, 256>}, {pipeline_mode = #tpu.pipeline_mode<synchronous>, transform_indices = @transform_4, window_bounds = array<i64: 1, 256>}, {pipeline_mode = #tpu.pipeline_mode<synchronous>, transform_indices = @transform_5, window_bounds = array<i64: 256, 256>}, {pipeline_mode = #tpu.pipeline_mode<synchronous>, transform_indices = @transform_6, window_bounds = array<i64: 1, 256>}, {pipeline_mode = #tpu.pipeline_mode<synchronous>, transform_indices = @transform_7, window_bounds = array<i64: 1, 256>}, {pipeline_mode = #tpu.pipeline_mode<synchronous>, transform_indices = @transform_8, window_bounds = array<i64: 1, 256>}, {pipeline_mode = #tpu.pipeline_mode<synchronous>, transform_indices = @transform_9, window_bounds = array<i64: 1, 256>}, {pipeline_mode = #tpu.pipeline_mode<synchronous>, transform_indices = @transform_10, window_bounds = array<i64: 256, 256>}, {pipeline_mode = #tpu.pipeline_mode<synchronous>, transform_indices = @transform_11, window_bounds = array<i64: 1, 256>}, {pipeline_mode = #tpu.pipeline_mode<synchronous>, transform_indices = @transform_12, window_bounds = array<i64: 256, 40>}, {pipeline_mode = #tpu.pipeline_mode<synchronous>, transform_indices = @transform_13, window_bounds = array<i64: 1, 40>}, {pipeline_mode = #tpu.pipeline_mode<synchronous>, transform_indices = @transform_14, window_bounds = array<i64: 64, 40>}]} {
    %eq3A = arith.constant 0 : i32
    %eq3A_0 = arith.cmpi eq, %arg0, %eq3A : i32
    %eq3A_1 = arith.constant 0 : i32
    %eq3A_2 = arith.cmpi eq, %arg1, %eq3A_1 : i32
    %and3A = arith.andi %eq3A_0, %eq3A_2 : i1
    %convert_element_type3A = arith.extui %and3A : i1 to i32
    %cond3A = arith.constant 0 : i32
    %cond3A_3 = arith.cmpi ne, %convert_element_type3A, %cond3A : i32
    scf.if %cond3A_3 {
      %broadcast_in_dim3A_22 = arith.constant 0.000000e+00 : f32
      %broadcast_in_dim3A_23 = vector.broadcast %broadcast_in_dim3A_22 : f32 to vector<64x256xf32>
      %swap3A = arith.constant 0 : index
      %swap3A_24 = arith.constant 0 : index
      %swap3A_25 = vector.load %arg18[%swap3A, %swap3A_24] : memref<64x256xf32, #tpu.memory_space<vmem>>, vector<64x256xf32>
      tpu.vector_store %arg18[%swap3A, %swap3A_24], %broadcast_in_dim3A_23 {strides = array<i32>} : memref<64x256xf32, #tpu.memory_space<vmem>>, vector<64x256xf32>,
      %broadcast_in_dim3A_26 = arith.constant 0.000000e+00 : f32
      %broadcast_in_dim3A_27 = vector.broadcast %broadcast_in_dim3A_26 : f32 to vector<64x256xf32>
      %swap3A_28 = arith.constant 0 : index
      %swap3A_29 = arith.constant 0 : index
      %swap3A_30 = vector.load %arg19[%swap3A_28, %swap3A_29] : memref<64x256xf32, #tpu.memory_space<vmem>>, vector<64x256xf32>
      tpu.vector_store %arg19[%swap3A_28, %swap3A_29], %broadcast_in_dim3A_27 {strides = array<i32>} : memref<64x256xf32, #tpu.memory_space<vmem>>, vector<64x256xf32>,
      %broadcast_in_dim3A_31 = arith.constant 0.000000e+00 : f32
      %broadcast_in_dim3A_32 = vector.broadcast %broadcast_in_dim3A_31 : f32 to vector<64x256xf32>
      %swap3A_33 = arith.constant 0 : index
      %swap3A_34 = arith.constant 0 : index
      %swap3A_35 = vector.load %arg20[%swap3A_33, %swap3A_34] : memref<64x256xf32, #tpu.memory_space<vmem>>, vector<64x256xf32>
      tpu.vector_store %arg20[%swap3A_33, %swap3A_34], %broadcast_in_dim3A_32 {strides = array<i32>} : memref<64x256xf32, #tpu.memory_space<vmem>>, vector<64x256xf32>,
      %broadcast_in_dim3A_36 = arith.constant 0.000000e+00 : f32
      %broadcast_in_dim3A_37 = vector.broadcast %broadcast_in_dim3A_36 : f32 to vector<64x256xf32>
      %swap3A_38 = arith.constant 0 : index
      %swap3A_39 = arith.constant 0 : index
      %swap3A_40 = vector.load %arg21[%swap3A_38, %swap3A_39] : memref<64x256xf32, #tpu.memory_space<vmem>>, vector<64x256xf32>
      tpu.vector_store %arg21[%swap3A_38, %swap3A_39], %broadcast_in_dim3A_37 {strides = array<i32>} : memref<64x256xf32, #tpu.memory_space<vmem>>, vector<64x256xf32>,
    } else {
    }
    %get3A = arith.constant 0 : index
    %get3A_4 = arith.constant 0 : index
    %get3A_5 = arith.constant 0 : index
    %get3A_6 = vector.load %arg4[%get3A, %get3A_4, %get3A_5] : memref<1x1x2000xi32, #tpu.memory_space<vmem>>, vector<1x1x2000xi32>
    %get3A_7 = vector.shape_cast %get3A_6 : vector<1x1x2000xi32> to vector<2000xi32>
    %broadcast_in_dim3A = vector.shape_cast %get3A_7 : vector<2000xi32> to vector<2000x1xi32>
    %iota3A = tpu.iota {dimensions = array<i32: 1>} : vector<2000x64xi32>
    %eq3A_8 = vector.broadcast %broadcast_in_dim3A : vector<2000x1xi32> to vector<2000x64xi32>
    %eq3A_9 = arith.cmpi eq, %eq3A_8, %iota3A : vector<2000x64xi32>
    %convert_element_type3A_10 = arith.extui %eq3A_9 : vector<2000x64xi1> to vector<2000x64xi32>
    %convert_element_type3A_11 = arith.sitofp %convert_element_type3A_10 : vector<2000x64xi32> to vector<2000x64xf32>
    %eq3A_12 = arith.constant 0 : i32
    %eq3A_13 = arith.cmpi eq, %arg0, %eq3A_12 : i32
    %convert_element_type3A_14 = arith.extui %eq3A_13 : i1 to i32
    %cond3A_15 = arith.constant 0 : i32
    %cond3A_16 = arith.cmpi ne, %convert_element_type3A_14, %cond3A_15 : i32
    scf.if %cond3A_16 {
      %get3A_22 = arith.constant 0 : index
      %get3A_23 = arith.constant 0 : index
      %get3A_24 = arith.constant 0 : index
      %get3A_25 = vector.load %arg2[%get3A_22, %get3A_23, %get3A_24] : memref<2x2000x128xf32, #tpu.memory_space<vmem>>, vector<1x2000x128xf32>
      %get3A_26 = vector.shape_cast %get3A_25 : vector<1x2000x128xf32> to vector<2000x128xf32>
      %get3A_27 = arith.constant 0 : index
      %get3A_28 = arith.constant 0 : index
      %get3A_29 = arith.constant 0 : index
      %get3A_30 = vector.load %arg3[%get3A_27, %get3A_28, %get3A_29] : memref<2x2000x128xf32, #tpu.memory_space<vmem>>, vector<1x2000x128xf32>
      %get3A_31 = vector.shape_cast %get3A_30 : vector<1x2000x128xf32> to vector<2000x128xf32>
      %add3A = arith.addf %get3A_26, %get3A_31 : vector<2000x128xf32>
      %get3A_32 = arith.constant 1 : index
      %get3A_33 = arith.constant 0 : index
      %get3A_34 = arith.constant 0 : index
      %get3A_35 = vector.load %arg2[%get3A_32, %get3A_33, %get3A_34] : memref<2x2000x128xf32, #tpu.memory_space<vmem>>, vector<1x2000x128xf32>
      %get3A_36 = vector.shape_cast %get3A_35 : vector<1x2000x128xf32> to vector<2000x128xf32>
      %get3A_37 = arith.constant 1 : index
      %get3A_38 = arith.constant 0 : index
      %get3A_39 = arith.constant 0 : index
      %get3A_40 = vector.load %arg3[%get3A_37, %get3A_38, %get3A_39] : memref<2x2000x128xf32, #tpu.memory_space<vmem>>, vector<1x2000x128xf32>
      %get3A_41 = vector.shape_cast %get3A_40 : vector<1x2000x128xf32> to vector<2000x128xf32>
      %add3A_42 = arith.addf %get3A_36, %get3A_41 : vector<2000x128xf32>
      %concatenate3A = tpu.concatenate %add3A, %add3A_42 in 1 : vector<2000x128xf32>, vector<2000x128xf32> -> vector<2000x256xf32>
      %get3A_43 = arith.constant 0 : index
      %get3A_44 = arith.constant 0 : index
      %get3A_45 = vector.load %arg5[%get3A_43, %get3A_44] : memref<256x256xf32, #tpu.memory_space<vmem>>, vector<256x256xf32>
      %convert_element_type3A_46 = arith.truncf %concatenate3A : vector<2000x256xf32> to vector<2000x256xbf16>
      %convert_element_type3A_47 = arith.extf %convert_element_type3A_46 : vector<2000x256xbf16> to vector<2000x256xf32>
      %sub3A = arith.subf %concatenate3A, %convert_element_type3A_47 : vector<2000x256xf32>
      %convert_element_type3A_48 = arith.truncf %sub3A : vector<2000x256xf32> to vector<2000x256xbf16>
      %convert_element_type3A_49 = arith.truncf %get3A_45 : vector<256x256xf32> to vector<256x256xbf16>
      %convert_element_type3A_50 = arith.extf %convert_element_type3A_49 : vector<256x256xbf16> to vector<256x256xf32>
      %sub3A_51 = arith.subf %get3A_45, %convert_element_type3A_50 : vector<256x256xf32>
      %convert_element_type3A_52 = arith.truncf %sub3A_51 : vector<256x256xf32> to vector<256x256xbf16>
      %dot_general3A = arith.constant dense<0.000000e+00> : vector<2000x256xf32>
      %dot_general3A_53 = tpu.matmul %convert_element_type3A_46, %convert_element_type3A_49, %dot_general3A {dimension_numbers = #tpu.dot_dimension_numbers<[1], [0], [0], [1], [0, 0, 1, 1], [], []>, transpose_lhs_hint = false} : vector<2000x256xbf16>, vector<256x256xbf16>, vector<2000x256xf32> -> vector<2000x256xf32>
      %dot_general3A_54 = arith.constant dense<0.000000e+00> : vector<2000x256xf32>
      %dot_general3A_55 = tpu.matmul %convert_element_type3A_48, %convert_element_type3A_49, %dot_general3A_54 {dimension_numbers = #tpu.dot_dimension_numbers<[1], [0], [0], [1], [0, 0, 1, 1], [], []>, transpose_lhs_hint = false} : vector<2000x256xbf16>, vector<256x256xbf16>, vector<2000x256xf32> -> vector<2000x256xf32>
      %dot_general3A_56 = arith.constant dense<0.000000e+00> : vector<2000x256xf32>
      %dot_general3A_57 = tpu.matmul %convert_element_type3A_46, %convert_element_type3A_52, %dot_general3A_56 {dimension_numbers = #tpu.dot_dimension_numbers<[1], [0], [0], [1], [0, 0, 1, 1], [], []>, transpose_lhs_hint = false} : vector<2000x256xbf16>, vector<256x256xbf16>, vector<2000x256xf32> -> vector<2000x256xf32>
      %add3A_58 = arith.addf %dot_general3A_55, %dot_general3A_57 : vector<2000x256xf32>
      %add3A_59 = arith.addf %dot_general3A_53, %add3A_58 : vector<2000x256xf32>
      %get3A_60 = arith.constant 0 : index
      %get3A_61 = arith.constant 0 : index
      %get3A_62 = vector.load %arg6[%get3A_60, %get3A_61] : memref<1x256xf32, #tpu.memory_space<vmem>>, vector<1x256xf32>
      %add3A_63 = vector.broadcast %get3A_62 : vector<1x256xf32> to vector<2000x256xf32>
      %add3A_64 = arith.addf %add3A_59, %add3A_63 : vector<2000x256xf32>
      %max3A = arith.constant 0.000000e+00 : f32
      %max3A_65 = vector.broadcast %max3A : f32 to vector<2000x256xf32>
      %max3A_66 = arith.maximumf %add3A_64, %max3A_65 : vector<2000x256xf32>
      %get3A_67 = arith.constant 0 : index
      %get3A_68 = arith.constant 0 : index
      %get3A_69 = vector.load %arg7[%get3A_67, %get3A_68] : memref<256x256xf32, #tpu.memory_space<vmem>>, vector<256x256xf32>
      %convert_element_type3A_70 = arith.truncf %max3A_66 : vector<2000x256xf32> to vector<2000x256xbf16>
      %convert_element_type3A_71 = arith.extf %convert_element_type3A_70 : vector<2000x256xbf16> to vector<2000x256xf32>
      %sub3A_72 = arith.subf %max3A_66, %convert_element_type3A_71 : vector<2000x256xf32>
      %convert_element_type3A_73 = arith.truncf %sub3A_72 : vector<2000x256xf32> to vector<2000x256xbf16>
      %convert_element_type3A_74 = arith.truncf %get3A_69 : vector<256x256xf32> to vector<256x256xbf16>
      %convert_element_type3A_75 = arith.extf %convert_element_type3A_74 : vector<256x256xbf16> to vector<256x256xf32>
      %sub3A_76 = arith.subf %get3A_69, %convert_element_type3A_75 : vector<256x256xf32>
      %convert_element_type3A_77 = arith.truncf %sub3A_76 : vector<256x256xf32> to vector<256x256xbf16>
      %dot_general3A_78 = arith.constant dense<0.000000e+00> : vector<2000x256xf32>
      %dot_general3A_79 = tpu.matmul %convert_element_type3A_70, %convert_element_type3A_74, %dot_general3A_78 {dimension_numbers = #tpu.dot_dimension_numbers<[1], [0], [0], [1], [0, 0, 1, 1], [], []>, transpose_lhs_hint = false} : vector<2000x256xbf16>, vector<256x256xbf16>, vector<2000x256xf32> -> vector<2000x256xf32>
      %dot_general3A_80 = arith.constant dense<0.000000e+00> : vector<2000x256xf32>
      %dot_general3A_81 = tpu.matmul %convert_element_type3A_73, %convert_element_type3A_74, %dot_general3A_80 {dimension_numbers = #tpu.dot_dimension_numbers<[1], [0], [0], [1], [0, 0, 1, 1], [], []>, transpose_lhs_hint = false} : vector<2000x256xbf16>, vector<256x256xbf16>, vector<2000x256xf32> -> vector<2000x256xf32>
      %dot_general3A_82 = arith.constant dense<0.000000e+00> : vector<2000x256xf32>
      %dot_general3A_83 = tpu.matmul %convert_element_type3A_70, %convert_element_type3A_77, %dot_general3A_82 {dimension_numbers = #tpu.dot_dimension_numbers<[1], [0], [0], [1], [0, 0, 1, 1], [], []>, transpose_lhs_hint = false} : vector<2000x256xbf16>, vector<256x256xbf16>, vector<2000x256xf32> -> vector<2000x256xf32>
      %add3A_84 = arith.addf %dot_general3A_81, %dot_general3A_83 : vector<2000x256xf32>
      %add3A_85 = arith.addf %dot_general3A_79, %add3A_84 : vector<2000x256xf32>
      %get3A_86 = arith.constant 0 : index
      %get3A_87 = arith.constant 0 : index
      %get3A_88 = vector.load %arg8[%get3A_86, %get3A_87] : memref<1x256xf32, #tpu.memory_space<vmem>>, vector<1x256xf32>
      %add3A_89 = vector.broadcast %get3A_88 : vector<1x256xf32> to vector<2000x256xf32>
      %add3A_90 = arith.addf %add3A_85, %add3A_89 : vector<2000x256xf32>
      %mul3A = arith.constant 2000 : i32
      %mul3A_91 = arith.muli %arg1, %mul3A : i32
      %swap3A = arith.index_cast %mul3A_91 : i32 to index
      %swap3A_92 = arith.constant 0 : index
      %swap3A_93 = vector.load %arg17[%swap3A, %swap3A_92] : memref<10000x256xf32, #tpu.memory_space<vmem>>, vector<2000x256xf32>
      tpu.vector_store %arg17[%swap3A, %swap3A_92], %add3A_90 {strides = array<i32>} : memref<10000x256xf32, #tpu.memory_space<vmem>>, vector<2000x256xf32>,
      %get3A_94 = arith.constant 0 : index
      %get3A_95 = arith.constant 0 : index
      %get3A_96 = vector.load %arg18[%get3A_94, %get3A_95] : memref<64x256xf32, #tpu.memory_space<vmem>>, vector<64x256xf32>
      %dot_general3A_97 = arith.constant dense<0.000000e+00> : vector<64x256xf32>
      %dot_general3A_98 = tpu.matmul %convert_element_type3A_11, %add3A_90, %dot_general3A_97 {dimension_numbers = #tpu.dot_dimension_numbers<[0], [0], [1], [1], [0, 1, 1, 1], [], []>, transpose_lhs_hint = false} : vector<2000x64xf32>, vector<2000x256xf32>, vector<64x256xf32> -> vector<64x256xf32>
      %add3A_99 = arith.addf %get3A_96, %dot_general3A_98 : vector<64x256xf32>
      %swap3A_100 = arith.constant 0 : index
      %swap3A_101 = arith.constant 0 : index
      %swap3A_102 = vector.load %arg18[%swap3A_100, %swap3A_101] : memref<64x256xf32, #tpu.memory_space<vmem>>, vector<64x256xf32>
      tpu.vector_store %arg18[%swap3A_100, %swap3A_101], %add3A_99 {strides = array<i32>} : memref<64x256xf32, #tpu.memory_space<vmem>>, vector<64x256xf32>,
      %get3A_103 = arith.constant 0 : index
      %get3A_104 = arith.constant 0 : index
      %get3A_105 = vector.load %arg19[%get3A_103, %get3A_104] : memref<64x256xf32, #tpu.memory_space<vmem>>, vector<64x256xf32>
      %mul3A_106 = arith.mulf %add3A_90, %add3A_90 : vector<2000x256xf32>
      %dot_general3A_107 = arith.constant dense<0.000000e+00> : vector<64x256xf32>
      %dot_general3A_108 = tpu.matmul %convert_element_type3A_11, %mul3A_106, %dot_general3A_107 {dimension_numbers = #tpu.dot_dimension_numbers<[0], [0], [1], [1], [0, 1, 1, 1], [], []>, transpose_lhs_hint = false} : vector<2000x64xf32>, vector<2000x256xf32>, vector<64x256xf32> -> vector<64x256xf32>
      %add3A_109 = arith.addf %get3A_105, %dot_general3A_108 : vector<64x256xf32>
      %swap3A_110 = arith.constant 0 : index
      %swap3A_111 = arith.constant 0 : index
      %swap3A_112 = vector.load %arg19[%swap3A_110, %swap3A_111] : memref<64x256xf32, #tpu.memory_space<vmem>>, vector<64x256xf32>
      tpu.vector_store %arg19[%swap3A_110, %swap3A_111], %add3A_109 {strides = array<i32>} : memref<64x256xf32, #tpu.memory_space<vmem>>, vector<64x256xf32>,
      %get3A_113 = arith.constant 0 : index
      %get3A_114 = arith.constant 0 : index
      %get3A_115 = vector.load %arg20[%get3A_113, %get3A_114] : memref<64x256xf32, #tpu.memory_space<vmem>>, vector<64x256xf32>
      %reduce_sum3A = arith.constant dense<0.000000e+00> : vector<64xf32>
      %reduce_sum3A_116 = vector.multi_reduction <add>, %convert_element_type3A_11, %reduce_sum3A [0] : vector<2000x64xf32> to vector<64xf32>
      %broadcast_in_dim3A_117 = vector.shape_cast %reduce_sum3A_116 : vector<64xf32> to vector<64x1xf32>
      %broadcast_in_dim3A_118 = vector.shape_cast %broadcast_in_dim3A_117 : vector<64x1xf32> to vector<64x1xf32>
      %broadcast_in_dim3A_119 = vector.broadcast %broadcast_in_dim3A_118 : vector<64x1xf32> to vector<64x256xf32>
      %add3A_120 = arith.addf %get3A_115, %broadcast_in_dim3A_119 : vector<64x256xf32>
      %swap3A_121 = arith.constant 0 : index
      %swap3A_122 = arith.constant 0 : index
      %swap3A_123 = vector.load %arg20[%swap3A_121, %swap3A_122] : memref<64x256xf32, #tpu.memory_space<vmem>>, vector<64x256xf32>
      tpu.vector_store %arg20[%swap3A_121, %swap3A_122], %add3A_120 {strides = array<i32>} : memref<64x256xf32, #tpu.memory_space<vmem>>, vector<64x256xf32>,
    } else {
    }
    %eq3A_17 = arith.constant 1 : i32
    %eq3A_18 = arith.cmpi eq, %arg0, %eq3A_17 : i32
    %convert_element_type3A_19 = arith.extui %eq3A_18 : i1 to i32
    %cond3A_20 = arith.constant 0 : i32
    %cond3A_21 = arith.cmpi ne, %convert_element_type3A_19, %cond3A_20 : i32
    scf.if %cond3A_21 {
      %get3A_22 = arith.constant 0 : index
      %get3A_23 = arith.constant 0 : index
      %get3A_24 = vector.load %arg20[%get3A_22, %get3A_23] : memref<64x256xf32, #tpu.memory_space<vmem>>, vector<64x256xf32>
      %max3A = arith.constant 1.000000e+00 : f32
      %max3A_25 = vector.broadcast %max3A : f32 to vector<64x256xf32>
      %max3A_26 = arith.maximumf %get3A_24, %max3A_25 : vector<64x256xf32>
      %get3A_27 = arith.constant 0 : index
      %get3A_28 = arith.constant 0 : index
      %get3A_29 = vector.load %arg18[%get3A_27, %get3A_28] : memref<64x256xf32, #tpu.memory_space<vmem>>, vector<64x256xf32>
      %div3A = arith.divf %get3A_29, %max3A_26 : vector<64x256xf32>
      %get3A_30 = arith.constant 0 : index
      %get3A_31 = arith.constant 0 : index
      %get3A_32 = vector.load %arg19[%get3A_30, %get3A_31] : memref<64x256xf32, #tpu.memory_space<vmem>>, vector<64x256xf32>
      %div3A_33 = arith.divf %get3A_32, %max3A_26 : vector<64x256xf32>
      %get3A_34 = arith.constant 0 : index
      %get3A_35 = arith.constant 0 : index
      %get3A_36 = vector.load %arg11[%get3A_34, %get3A_35] : memref<1x256xf32, #tpu.memory_space<vmem>>, vector<1x256xf32>
      %mul3A = arith.mulf %div3A, %div3A : vector<64x256xf32>
      %mul3A_37 = vector.broadcast %get3A_36 : vector<1x256xf32> to vector<64x256xf32>
      %mul3A_38 = arith.mulf %mul3A, %mul3A_37 : vector<64x256xf32>
      %sub3A = arith.constant 2.000000e+00 : f32
      %sub3A_39 = vector.broadcast %sub3A : f32 to vector<1x256xf32>
      %sub3A_40 = arith.subf %sub3A_39, %get3A_36 : vector<1x256xf32>
      %mul3A_41 = vector.broadcast %sub3A_40 : vector<1x256xf32> to vector<64x256xf32>
      %mul3A_42 = arith.mulf %mul3A_38, %mul3A_41 : vector<64x256xf32>
      %sub3A_43 = arith.subf %div3A_33, %mul3A_42 : vector<64x256xf32>
      %add3A = arith.constant 9.99999974E-6 : f32
      %add3A_44 = vector.broadcast %add3A : f32 to vector<64x256xf32>
      %add3A_45 = arith.addf %sub3A_43, %add3A_44 : vector<64x256xf32>
      %rsqrt3A = math.rsqrt %add3A_45 : vector<64x256xf32>
      %mul3A_46 = vector.broadcast %get3A_36 : vector<1x256xf32> to vector<64x256xf32>
      %mul3A_47 = arith.mulf %div3A, %mul3A_46 : vector<64x256xf32>
      %convert_element_type3A_48 = arith.truncf %convert_element_type3A_11 : vector<2000x64xf32> to vector<2000x64xbf16>
      %convert_element_type3A_49 = arith.truncf %mul3A_47 : vector<64x256xf32> to vector<64x256xbf16>
      %convert_element_type3A_50 = arith.extf %convert_element_type3A_49 : vector<64x256xbf16> to vector<64x256xf32>
      %sub3A_51 = arith.subf %mul3A_47, %convert_element_type3A_50 : vector<64x256xf32>
      %convert_element_type3A_52 = arith.truncf %sub3A_51 : vector<64x256xf32> to vector<64x256xbf16>
      %dot_general3A = arith.constant dense<0.000000e+00> : vector<2000x256xf32>
      %dot_general3A_53 = tpu.matmul %convert_element_type3A_48, %convert_element_type3A_49, %dot_general3A {dimension_numbers = #tpu.dot_dimension_numbers<[1], [0], [0], [1], [0, 0, 1, 1], [], []>, transpose_lhs_hint = false} : vector<2000x64xbf16>, vector<64x256xbf16>, vector<2000x256xf32> -> vector<2000x256xf32>
      %dot_general3A_54 = arith.constant dense<0.000000e+00> : vector<2000x256xf32>
      %dot_general3A_55 = tpu.matmul %convert_element_type3A_48, %convert_element_type3A_52, %dot_general3A_54 {dimension_numbers = #tpu.dot_dimension_numbers<[1], [0], [0], [1], [0, 0, 1, 1], [], []>, transpose_lhs_hint = false} : vector<2000x64xbf16>, vector<64x256xbf16>, vector<2000x256xf32> -> vector<2000x256xf32>
      %add3A_56 = arith.addf %dot_general3A_53, %dot_general3A_55 : vector<2000x256xf32>
      %get3A_57 = arith.constant 0 : index
      %get3A_58 = arith.constant 0 : index
      %get3A_59 = vector.load %arg9[%get3A_57, %get3A_58] : memref<1x256xf32, #tpu.memory_space<vmem>>, vector<1x256xf32>
      %mul3A_60 = vector.broadcast %get3A_59 : vector<1x256xf32> to vector<64x256xf32>
      %mul3A_61 = arith.mulf %mul3A_60, %rsqrt3A : vector<64x256xf32>
      %convert_element_type3A_62 = arith.truncf %convert_element_type3A_11 : vector<2000x64xf32> to vector<2000x64xbf16>
      %convert_element_type3A_63 = arith.truncf %mul3A_61 : vector<64x256xf32> to vector<64x256xbf16>
      %convert_element_type3A_64 = arith.extf %convert_element_type3A_63 : vector<64x256xbf16> to vector<64x256xf32>
      %sub3A_65 = arith.subf %mul3A_61, %convert_element_type3A_64 : vector<64x256xf32>
      %convert_element_type3A_66 = arith.truncf %sub3A_65 : vector<64x256xf32> to vector<64x256xbf16>
      %dot_general3A_67 = arith.constant dense<0.000000e+00> : vector<2000x256xf32>
      %dot_general3A_68 = tpu.matmul %convert_element_type3A_62, %convert_element_type3A_63, %dot_general3A_67 {dimension_numbers = #tpu.dot_dimension_numbers<[1], [0], [0], [1], [0, 0, 1, 1], [], []>, transpose_lhs_hint = false} : vector<2000x64xbf16>, vector<64x256xbf16>, vector<2000x256xf32> -> vector<2000x256xf32>
      %dot_general3A_69 = arith.constant dense<0.000000e+00> : vector<2000x256xf32>
      %dot_general3A_70 = tpu.matmul %convert_element_type3A_62, %convert_element_type3A_66, %dot_general3A_69 {dimension_numbers = #tpu.dot_dimension_numbers<[1], [0], [0], [1], [0, 0, 1, 1], [], []>, transpose_lhs_hint = false} : vector<2000x64xbf16>, vector<64x256xbf16>, vector<2000x256xf32> -> vector<2000x256xf32>
      %add3A_71 = arith.addf %dot_general3A_68, %dot_general3A_70 : vector<2000x256xf32>
      %mul3A_72 = arith.constant 2000 : i32
      %mul3A_73 = arith.muli %arg1, %mul3A_72 : i32
      %get3A_74 = arith.index_cast %mul3A_73 : i32 to index
      %get3A_75 = arith.constant 0 : index
      %get3A_76 = vector.load %arg17[%get3A_74, %get3A_75] : memref<10000x256xf32, #tpu.memory_space<vmem>>, vector<2000x256xf32>
      %sub3A_77 = arith.subf %get3A_76, %add3A_56 : vector<2000x256xf32>
      %mul3A_78 = arith.mulf %sub3A_77, %add3A_71 : vector<2000x256xf32>
      %get3A_79 = arith.constant 0 : index
      %get3A_80 = arith.constant 0 : index
      %get3A_81 = vector.load %arg10[%get3A_79, %get3A_80] : memref<1x256xf32, #tpu.memory_space<vmem>>, vector<1x256xf32>
      %add3A_82 = vector.broadcast %get3A_81 : vector<1x256xf32> to vector<2000x256xf32>
      %add3A_83 = arith.addf %mul3A_78, %add3A_82 : vector<2000x256xf32>
      %max3A_84 = arith.constant 0.000000e+00 : f32
      %max3A_85 = vector.broadcast %max3A_84 : f32 to vector<2000x256xf32>
      %max3A_86 = arith.maximumf %add3A_83, %max3A_85 : vector<2000x256xf32>
      %get3A_87 = arith.constant 0 : index
      %get3A_88 = arith.constant 0 : index
      %get3A_89 = vector.load %arg21[%get3A_87, %get3A_88] : memref<64x256xf32, #tpu.memory_space<vmem>>, vector<64x256xf32>
      %dot_general3A_90 = arith.constant dense<0.000000e+00> : vector<64x256xf32>
      %dot_general3A_91 = tpu.matmul %convert_element_type3A_11, %max3A_86, %dot_general3A_90 {dimension_numbers = #tpu.dot_dimension_numbers<[0], [0], [1], [1], [0, 1, 1, 1], [], []>, transpose_lhs_hint = false} : vector<2000x64xf32>, vector<2000x256xf32>, vector<64x256xf32> -> vector<64x256xf32>
      %add3A_92 = arith.addf %get3A_89, %dot_general3A_91 : vector<64x256xf32>
      %swap3A = arith.constant 0 : index
      %swap3A_93 = arith.constant 0 : index
      %swap3A_94 = vector.load %arg21[%swap3A, %swap3A_93] : memref<64x256xf32, #tpu.memory_space<vmem>>, vector<64x256xf32>
      tpu.vector_store %arg21[%swap3A, %swap3A_93], %add3A_92 {strides = array<i32>} : memref<64x256xf32, #tpu.memory_space<vmem>>, vector<64x256xf32>,
      %eq3A_95 = arith.constant 4 : i32
      %eq3A_96 = arith.cmpi eq, %arg1, %eq3A_95 : i32
      %convert_element_type3A_97 = arith.extui %eq3A_96 : i1 to i32
      %cond3A_98 = arith.constant 0 : i32
      %cond3A_99 = arith.cmpi ne, %convert_element_type3A_97, %cond3A_98 : i32
      scf.if %cond3A_99 {
        %get3A_100 = arith.constant 0 : index
        %get3A_101 = arith.constant 0 : index
        %get3A_102 = vector.load %arg21[%get3A_100, %get3A_101] : memref<64x256xf32, #tpu.memory_space<vmem>>, vector<64x256xf32>
        %div3A_103 = arith.divf %get3A_102, %max3A_26 : vector<64x256xf32>
        %get3A_104 = arith.constant 0 : index
        %get3A_105 = arith.constant 0 : index
        %get3A_106 = vector.load %arg12[%get3A_104, %get3A_105] : memref<256x256xf32, #tpu.memory_space<vmem>>, vector<256x256xf32>
        %dot_general3A_107 = arith.constant dense<0.000000e+00> : vector<64x256xf32>
        %dot_general3A_108 = tpu.matmul %div3A_103, %get3A_106, %dot_general3A_107 {dimension_numbers = #tpu.dot_dimension_numbers<[1], [0], [0], [1], [0, 0, 1, 1], [], []>, precision = #tpu.contract_precision<fp32>, transpose_lhs_hint = false} : vector<64x256xf32>, vector<256x256xf32>, vector<64x256xf32> -> vector<64x256xf32>
        %get3A_109 = arith.constant 0 : index
        %get3A_110 = arith.constant 0 : index
        %get3A_111 = vector.load %arg13[%get3A_109, %get3A_110] : memref<1x256xf32, #tpu.memory_space<vmem>>, vector<1x256xf32>
        %add3A_112 = vector.broadcast %get3A_111 : vector<1x256xf32> to vector<64x256xf32>
        %add3A_113 = arith.addf %dot_general3A_108, %add3A_112 : vector<64x256xf32>
        %max3A_114 = arith.constant 0.000000e+00 : f32
        %max3A_115 = vector.broadcast %max3A_114 : f32 to vector<64x256xf32>
        %max3A_116 = arith.maximumf %add3A_113, %max3A_115 : vector<64x256xf32>
        %get3A_117 = arith.constant 0 : index
        %get3A_118 = arith.constant 0 : index
        %get3A_119 = vector.load %arg14[%get3A_117, %get3A_118] : memref<256x40xf32, #tpu.memory_space<vmem>>, vector<256x40xf32>
        %dot_general3A_120 = arith.constant dense<0.000000e+00> : vector<64x40xf32>
        %dot_general3A_121 = tpu.matmul %max3A_116, %get3A_119, %dot_general3A_120 {dimension_numbers = #tpu.dot_dimension_numbers<[1], [0], [0], [1], [0, 0, 1, 1], [], []>, precision = #tpu.contract_precision<fp32>, transpose_lhs_hint = false} : vector<64x256xf32>, vector<256x40xf32>, vector<64x40xf32> -> vector<64x40xf32>
        %get3A_122 = arith.constant 0 : index
        %get3A_123 = arith.constant 0 : index
        %get3A_124 = vector.load %arg15[%get3A_122, %get3A_123] : memref<1x40xf32, #tpu.memory_space<vmem>>, vector<1x40xf32>
        %add3A_125 = vector.broadcast %get3A_124 : vector<1x40xf32> to vector<64x40xf32>
        %add3A_126 = arith.addf %dot_general3A_121, %add3A_125 : vector<64x40xf32>
        %swap3A_127 = arith.constant 0 : index
        %swap3A_128 = arith.constant 0 : index
        %swap3A_129 = vector.load %arg16[%swap3A_127, %swap3A_128] : memref<64x40xf32, #tpu.memory_space<vmem>>, vector<64x40xf32>
        tpu.vector_store %arg16[%swap3A_127, %swap3A_128], %add3A_126 {strides = array<i32>} : memref<64x40xf32, #tpu.memory_space<vmem>>, vector<64x40xf32>,
      } else {
      }
    } else {
    }
    return
  }
  func.func @transform_0(%arg0: i32, %arg1: i32) -> (i32, i32, i32) {
    %eq3A = arith.constant 0 : i32
    %eq3A_0 = arith.cmpi eq, %arg0, %eq3A : i32
    %jit3A = arith.constant 0 : i32
    %select_n3A = arith.select %eq3A_0, %arg1, %jit3A : i32
    %c0_i32 = arith.constant 0 : i32
    %c0_i32_1 = arith.constant 0 : i32
    %c0_i32_2 = arith.constant 0 : i32
    return %c0_i32, %select_n3A, %c0_i32_1 : i32, i32, i32
  }
  func.func @transform_1(%arg0: i32, %arg1: i32) -> (i32, i32, i32) {
    %eq3A = arith.constant 0 : i32
    %eq3A_0 = arith.cmpi eq, %arg0, %eq3A : i32
    %jit3A = arith.constant 0 : i32
    %select_n3A = arith.select %eq3A_0, %arg1, %jit3A : i32
    %c0_i32 = arith.constant 0 : i32
    %c0_i32_1 = arith.constant 0 : i32
    %c0_i32_2 = arith.constant 0 : i32
    return %c0_i32, %select_n3A, %c0_i32_1 : i32, i32, i32
  }
  func.func @transform_2(%arg0: i32, %arg1: i32) -> (i32, i32, i32) {
    %c0_i32 = arith.constant 0 : i32
    %c0_i32_0 = arith.constant 0 : i32
    %c0_i32_1 = arith.constant 0 : i32
    return %arg1, %c0_i32, %c0_i32_0 : i32, i32, i32
  }
  func.func @transform_3(%arg0: i32, %arg1: i32) -> (i32, i32) {
    %c0_i32 = arith.constant 0 : i32
    %c0_i32_0 = arith.constant 0 : i32
    %c0_i32_1 = arith.constant 0 : i32
    return %c0_i32, %c0_i32_0 : i32, i32
  }
  func.func @transform_4(%arg0: i32, %arg1: i32) -> (i32, i32) {
    %c0_i32 = arith.constant 0 : i32
    %c0_i32_0 = arith.constant 0 : i32
    %c0_i32_1 = arith.constant 0 : i32
    return %c0_i32, %c0_i32_0 : i32, i32
  }
  func.func @transform_5(%arg0: i32, %arg1: i32) -> (i32, i32) {
    %c0_i32 = arith.constant 0 : i32
    %c0_i32_0 = arith.constant 0 : i32
    %c0_i32_1 = arith.constant 0 : i32
    return %c0_i32, %c0_i32_0 : i32, i32
  }
  func.func @transform_6(%arg0: i32, %arg1: i32) -> (i32, i32) {
    %c0_i32 = arith.constant 0 : i32
    %c0_i32_0 = arith.constant 0 : i32
    %c0_i32_1 = arith.constant 0 : i32
    return %c0_i32, %c0_i32_0 : i32, i32
  }
  func.func @transform_7(%arg0: i32, %arg1: i32) -> (i32, i32) {
    %c0_i32 = arith.constant 0 : i32
    %c0_i32_0 = arith.constant 0 : i32
    %c0_i32_1 = arith.constant 0 : i32
    return %c0_i32, %c0_i32_0 : i32, i32
  }
  func.func @transform_8(%arg0: i32, %arg1: i32) -> (i32, i32) {
    %c0_i32 = arith.constant 0 : i32
    %c0_i32_0 = arith.constant 0 : i32
    %c0_i32_1 = arith.constant 0 : i32
    return %c0_i32, %c0_i32_0 : i32, i32
  }
  func.func @transform_9(%arg0: i32, %arg1: i32) -> (i32, i32) {
    %c0_i32 = arith.constant 0 : i32
    %c0_i32_0 = arith.constant 0 : i32
    %c0_i32_1 = arith.constant 0 : i32
    return %c0_i32, %c0_i32_0 : i32, i32
  }
  func.func @transform_10(%arg0: i32, %arg1: i32) -> (i32, i32) {
    %c0_i32 = arith.constant 0 : i32
    %c0_i32_0 = arith.constant 0 : i32
    %c0_i32_1 = arith.constant 0 : i32
    return %c0_i32, %c0_i32_0 : i32, i32
  }
  func.func @transform_11(%arg0: i32, %arg1: i32) -> (i32, i32) {
    %c0_i32 = arith.constant 0 : i32
    %c0_i32_0 = arith.constant 0 : i32
    %c0_i32_1 = arith.constant 0 : i32
    return %c0_i32, %c0_i32_0 : i32, i32
  }
  func.func @transform_12(%arg0: i32, %arg1: i32) -> (i32, i32) {
    %c0_i32 = arith.constant 0 : i32
    %c0_i32_0 = arith.constant 0 : i32
    %c0_i32_1 = arith.constant 0 : i32
    return %c0_i32, %c0_i32_0 : i32, i32
  }
  func.func @transform_13(%arg0: i32, %arg1: i32) -> (i32, i32) {
    %c0_i32 = arith.constant 0 : i32
    %c0_i32_0 = arith.constant 0 : i32
    %c0_i32_1 = arith.constant 0 : i32
    return %c0_i32, %c0_i32_0 : i32, i32
  }
  func.func @transform_14(%arg0: i32, %arg1: i32) -> (i32, i32) {
    %c0_i32 = arith.constant 0 : i32
    %c0_i32_0 = arith.constant 0 : i32
    %c0_i32_1 = arith.constant 0 : i32
    return %c0_i32, %c0_i32_0 : i32, i32
  }
}

</mosaic_0001>

<sc_bundles>
// kernel: kernel.11.cloned.1.call-start
scs
__scs_entry_jumppad:
0x0: {  	(pc) =	sbr.rel $0x88, $3  }
0x1: {  	(tag) =	ssettag $0x0;
	lr =	simm.s32 $0x1  }
0x2: {  	[smem:$0x3F85] =	sst lr;
	_ =	strace $0xD0000000  }
0x3: {  	_ = 	snop  }
0x4: {  	_ = 	snop  }
0x5: {  	_ = 	snop  }
0x6: {  	_ = 	snop  }
0x7: {  	_ = 	snop  }
__scs_overlays_trampoline_lowered:
0x8: {  	[smem:$0x3F94] =	sst s0  }
0x9: {  	[smem:$0x3F95] =	sst s1  }
0xa: {  	[smem:$0x3F96] =	sst s2  }
0xb: {  	[smem:$0x3F97] =	sst s3  }
0xc: {  	[smem:$0x3F98] =	sst s4  }
0xd: {  	[smem:$0x3F99] =	sst s5  }
0xe: {  	[smem:$0x3F9A] =	sst s6  }
0xf: {  	[smem:$0x3F9B] =	sst s7  }
0x10: {  	[smem:$0x3F9C] =	sst s8  }
0x11: {  	[smem:$0x3F9D] =	sst s9;
	s0 =	simm.s32 @!p0 $0x0  }
0x12: {  	s1 =	sld [smem:$0x3F83];
	s0 =	simm.s32 @p0 $0x1  }
0x13: {  	[smem:$0x3F9E] =	sst s0;
	s0 =	simm.s32 @!p1 $0x0  }
0x14: {  	s2 =	sld [smem:$0x3F82];
	s0 =	simm.s32 @p1 $0x1  }
0x15: {  	[smem:$0x3F9F] =	sst s0;
	s0 =	simm.s32 @!p2 $0x0  }
0x16: {  	s3 =	sld [smem:$0x3FDB];
	s0 =	simm.s32 @p2 $0x1  }
0x17: {  	s4 =	simm.s32 $0x1BF5;
	[smem:$0x3FA1] =	sst s0  }
0x18: {  	s0 =	sld [smem:$0x3F84];
	_ =	swait.ge [sflag:s4], $0x0  }
0x19: {  	s7 =	sld [smem:$0x3F85]  }
0x1a: {  	s8 =	sadd.s32 $0xFFFFE003, lr  }
0x1b: {  	s9 =	sadd.s32 $0xFFFFFEF7, lr;
	s5 =	simm.s32 $0xFFFFFFFF;
	p2 =	slt.u32 s8, $0xFFFFF086  }
0x1c: {  	p1 =	slt.u32 s9, $0xF7A;
	s5 =	simm.s32 @!p2 $0x0  }
0x1d: {  	s5 =	simm.s32 @p1 $0x1;
	p0 =	seq.s32 s7, s2  }
0x1e: {  	s7 =	smul.u32 @!p0 $0xF7A, s2;
	p2 =	seq.s32 @!p0 s5, $0x0  }
0x1f: {  	s9 =	smul.u32 $0xF7A, s1;
	s8 =	simm.s32 @!p0 $0x1BF5;
	p2 =	por !p2, p0  }
0x20: {  	[sflag:s8] =	ssyncset.s32 @!p0 $0xFFFFF086;
	s6 =	sadd.s32 @!p0 s3, s7;
	s7 =	simm.s32 @!p0 $0x108  }
0x21: {  	s3 =	sadd.s32 s3, s9;
	s6 =	sadd.s32 @!p0 $0x88, s6;
	s7 =	simm.s32 @p2 $0x1082  }
0x22: {  	[simem:s7], [sflag:s8] =	dma.local @!p0 [hbm:s6], $0xF7A  }
0x23: {  	s9 =	sor.u32 $0xD0000000, s2;
	s6 =	simm.s32 $0x108;
	_ =	swait.ge @!p0 [sflag:s8], $0x0  }
0x24: {  	s3 =	sadd.s32 $0x88, s3;
	s6 =	simm.s32 @!p1 $0x1082;
	[sflag:s4] =	ssyncset.s32 $0xFFFFF086  }
0x25: {  	[simem:s6], [sflag:s4] =	dma.local [hbm:s3], $0xF7A  }
0x26: {  	[smem:$0x3F85] =	sst s1;
	(tag) =	ssettag s2;
	_ =	strace s9  }
0x27: {  	s1 =	sld [smem:$0x3F95]  }
0x28: {  	s2 =	sld [smem:$0x3F96]  }
0x29: {  	s4 =	sld [smem:$0x3F98]  }
0x2a: {  	p0 =	seq.s32 s5, $0x0;
	s5 =	sld [smem:$0x3F99]  }
0x2b: {  	s6 =	sld [smem:$0x3F9A]  }
0x2c: {  	s7 =	sld [smem:$0x3F9B]  }
0x2d: {  	s3 =	simm.s32 $0x108;
	s8 =	sld [smem:$0x3F9C]  }
0x2e: {  	s3 =	simm.s32 @!p0 $0x1082;
	s9 =	sld [smem:$0x3F9D]  }
0x2f: {  	lr =	sadd.s32 s0, s3;
	s0 =	sld [smem:$0x3F94]  }
0x30: {  	s3 =	sld [smem:$0x3F97]  }
0x31: {  	[smem:$0x3FA0] =	sst s10  }
0x32: {  	s10 =	sld [smem:$0x3F9E];
	_ =	sdelay $0x3  }
0x33: {  	p0 =	seq.s32 s10, $0x1;
	s10 =	sld [smem:$0x3FA0];
	_ =	sdelay $0x3  }
0x34: {  	[smem:$0x3FA0] =	sst s10  }
0x35: {  	s10 =	sld [smem:$0x3F9F];
	_ =	sdelay $0x3  }
0x36: {  	p1 =	seq.s32 s10, $0x1;
	s10 =	sld [smem:$0x3FA0];
	_ =	sdelay $0x3  }
0x37: {  	[smem:$0x3FA0] =	sst s10  }
0x38: {  	s10 =	sld [smem:$0x3FA1]  }
0x39: {  	_ = 	snop;
	(pc) =	sbr.ind lr, $3  }
0x3a: {  	_ = 	snop  }
0x3b: {  	_ = 	snop  }
0x3c: {  	p2 =	seq.s32 s10, $0x1;
	s10 =	sld [smem:$0x3FA0]  }
0x3d: {  	_ =	shalt  }
0x3e: {  	_ =	shalt  }
0x3f: {  	_ =	shalt  }
0x40: {  	_ =	shalt  }
0x41: {  	_ =	shalt  }
0x42: {  	_ =	shalt  }
0x43: {  	_ =	shalt  }
0x44: {  	_ =	shalt  }
0x45: {  	_ =	shalt  }
0x46: {  	_ =	shalt  }
0x47: {  	_ =	shalt  }
0x48: {  	_ =	shalt  }
0x49: {  	_ =	shalt  }
0x4a: {  	_ =	shalt  }
0x4b: {  	_ =	shalt  }
0x4c: {  	_ =	shalt  }
0x4d: {  	_ =	shalt  }
0x4e: {  	_ =	shalt  }
0x4f: {  	_ =	shalt  }
0x50: {  	_ =	shalt  }
0x51: {  	_ =	shalt  }
0x52: {  	_ =	shalt  }
0x53: {  	_ =	shalt  }
0x54: {  	_ =	shalt  }
0x55: {  	_ =	shalt  }
0x56: {  	_ =	shalt  }
0x57: {  	_ =	shalt  }
0x58: {  	_ =	shalt  }
0x59: {  	_ =	shalt  }
0x5a: {  	_ =	shalt  }
0x5b: {  	_ =	shalt  }
0x5c: {  	_ =	shalt  }
0x5d: {  	_ =	shalt  }
0x5e: {  	_ =	shalt  }
0x5f: {  	_ =	shalt  }
0x60: {  	_ =	shalt  }
0x61: {  	_ =	shalt  }
0x62: {  	_ =	shalt  }
0x63: {  	_ =	shalt  }
0x64: {  	_ =	shalt  }
0x65: {  	_ =	shalt  }
0x66: {  	_ =	shalt  }
0x67: {  	_ =	shalt  }
0x68: {  	_ =	shalt  }
0x69: {  	_ =	shalt  }
0x6a: {  	_ =	shalt  }
0x6b: {  	_ =	shalt  }
0x6c: {  	_ =	shalt  }
0x6d: {  	_ =	shalt  }
0x6e: {  	_ =	shalt  }
0x6f: {  	_ =	shalt  }
0x70: {  	_ =	shalt  }
0x71: {  	_ =	shalt  }
0x72: {  	_ =	shalt  }
0x73: {  	_ =	shalt  }
0x74: {  	_ =	shalt  }
0x75: {  	_ =	shalt  }
0x76: {  	_ =	shalt  }
0x77: {  	_ =	shalt  }
0x78: {  	_ =	shalt  }
0x79: {  	_ =	shalt  }
0x7a: {  	_ =	shalt  }
0x7b: {  	_ =	shalt  }
0x7c: {  	_ =	shalt  }
0x7d: {  	_ =	shalt  }
0x7e: {  	_ =	shalt  }
0x7f: {  	_ =	shalt  }
0x80: {  	_ =	shalt  }
0x81: {  	_ =	shalt  }
0x82: {  	_ =	shalt  }
0x83: {  	_ =	shalt  }
0x84: {  	_ =	shalt  }
0x85: {  	_ =	shalt  }
0x86: {  	_ =	shalt  }
0x87: {  	_ =	shalt  }
.Lfunc_end0:
.L_simem_size_0:
called_computation.1_lowered:
.L_overlay_start_0:
0x88: {  	s2 =	sld [smem:$0x3FD9]  }
0x89: {  	s3 =	sld [smem:$0x3FFE];
	_ =	sdelay $0x1  }
0x8a: {  	s1 =	srdreg.scid  }
0x8b: {  	s0 =	sand.u32 $0x1, s1  }
0x8c: {  	s16 =	sshll.u32 s0, $0xA;
	s2 =	sadd.s32 s3, s2  }
0x8d: {  	s2 =	sadd.s32 s2, s16  }
0x8e: {  	[smem:$0x3FAC] =	sst s2  }
0x8f: {  	_ = 	snop  }
0x90: {  	(tm) =	ssettm $0x1  }
0x91: {  	s17 =	sld [smem:$0x3FFB];
	_ =	sdelay $0x3  }
0x92: {  	_ =	strace s17  }
0x93: {  	s2 =	sld [smem:$0x3FFC];
	_ =	sdelay $0x3  }
0x94: {  	_ =	strace s2  }
0x95: {  	s2 =	sld [smem:$0x3FFD];
	_ =	sdelay $0x3  }
0x96: {  	_ =	strace s2  }
0x97: {  	_ =	strace $0x8FFFFFFF  }
0x98: {  	s18 =	sld [smem:$0x3FDB];
	_ =	sdelay $0x1  }
0x99: {  	s19 =	simm.s32 $_scs_section_size  }
0x9a: {  	s4 =	simm.s32 $_size__tile_overlayer_lowered;
	s5 =	simm.s32 $_tile_overlayer_lowered  }
0x9b: {  	s22 =	simm.s32 $0x1BFF;
	s21 =	sshll.u32 s5, $0x1;
	s2 =	sadd.s32 s19, s18  }
0x9c: {  	s6 =	simm.s32 $0x0;
	s20 =	sshll.u32 s4, $0x1;
	s4 =	sadd.s32 s21, s2  }
0x9d: {  	[timem:s6], [sflag:s22] =	dma.local [hbm:s4], s20  }
0x9e: {  	_ =	swait.ge [sflag:s22], s20  }
0x9f: {  	s3 =	ssub.s32 $0x0, s20;
	[sflag:s22] =	ssyncset.done $0x0  }
0xa0: {  	[sflag:s22] =	ssyncadd.s32 s3;
	_ =	sdelay $0x1  }
0xa1: {  	s23 =	simm.s32 $0x1B8B  }
0xa2: {  	_ =	swait.ge [sflag:s23], $0x1  }
0xa3: {  	[sflag:s23] =	ssyncset.done $0x0  }
0xa4: {  	s25 =	simm.s32 $0x1B8E;
	s24 =	sld [smem:$0x3FFE];
	[sflag:s23] =	ssyncadd.s32 $0xFFFFFFFF  }
0xa5: {  	s26 =	simm.s32 $execute0_lowered;
	[smem:$0x3FD2] =	sst s25  }
0xa6: {  	s4 =	sshll.u32 s26, $0x1;
	_ =	strace $0x80000049;
	[dreg:$0x1] =	wrdreg $0xFFFFFFFF  }
0xa7: {  	s28 =	simm.s32 $_size_execute0_lowered;
	s2 =	sadd.s32 s2, s4;
	[dreg:$0x0] =	wrdreg $0x0  }
0xa8: {  	s4 =	sshll.u32 s28, $0x1;
	[dreg:$0x2] =	wrdreg s2  }
0xa9: {  	[dreg:$0x3] =	wrdreg s4  }
0xaa: {  	[dreg:$0x4] =	wrdreg $0xC0  }
0xab: {  	_ =	task [dreg:s6], $0x5FFFF  }
0xac: {  	[dreg:$0x1] =	wrdreg $0xFFFFFFFF  }
0xad: {  	[dreg:$0x0] =	wrdreg $0x60  }
0xae: {  	[dreg:$0x2] =	wrdreg s24  }
0xaf: {  	[dreg:$0x3] =	wrdreg $0xA8000  }
0xb0: {  	[dreg:$0x4] =	wrdreg $0x9  }
0xb1: {  	_ =	task.clear_ibuf [dreg:s6], $0x5FFFF;
	_ =	strace $0x90000049  }
0xb2: {  	s29 =	simm.s32 $0x9;
	_ =	strace $0x8000004B  }
0xb3: {  	_ =	swait.ge [sflag:s29], $0x1  }
0xb4: {  	[sflag:s29] =	ssyncadd.s32 $0xFFFFFFFF  }
0xb5: {  	_ =	strace $0x9000004B  }
0xb6: {  	_ =	sfence  }
0xb7: {  	s30 =	sld [smem:$0x0];
	_ =	sdelay $0x2  }
0xb8: {  	s31 =	sshll.u32 s1, $0xD;
	s1 =	sshrl.u32 s1, $0x2  }
0xb9: {  	s3 =	sand.u32 $0x4000, s31;
	s1 =	sadd.s32 s1, s30  }
0xba: {  	s0 =	sor.u32 s3, s0;
	s1 =	sshll.u32 s1, $0x11  }
0xbb: {  	s0 =	sor.u32 s1, s0  }
0xbc: {  	s0 =	sadd.s32 $0x8F2B, s0  }
0xbd: {  	[sflag:s0] =	ssyncadd.remote.s32 $0x1  }
0xbe: {  	_ =	sfence.sel $0xFFFF  }
0xbf: {  	[dreg:$0x0] =	wrdreg $0xFFFFFFFF;
	(pc) =	sbr.abs _section_cstart, $3  }
0xc0: {  	[dreg:$0x1] =	wrdreg $0xFFFFFFFF  }
0xc1: {  	_ =	task.clear_ibuf [dreg:s6], $0x2FFFF;
	_ =	strace $0x9FFFFFFF  }
0xc2: {  	(tm) =	ssettm $0x7FFFFFFF  }
0xc3: {  	_ =	shalt  }
tec
execute0_lowered:
.L_overlay_start_1:
0x0: {  	(tag) =	ssettag $0x1  }
0x1: {  	s0 =	rddreg [dreg:$0x0]  }
0x2: {  	s2 =	rddreg [dreg:$0x1]  }
0x3: {  	s4 =	stileid.u32;
	s1 =	srdreg.scid;
	s3 =	simm.s32 $0x0  }
0x4: {  	s28 =	simm.s32 $0x600;
	s30 =	simm.s32 $0x680;
	s9 =	smul.u32 $0x2700, s4  }
0x5: {  	s31 =	simm.s32 $0x380;
	s1 =	sand.u32 $0x1, s1;
	s15 =	smul.u32 $0x4E20, s4  }
0x6: {  	[smem:$0x7FF] =	sst s3;
	s5 =	sadd.s32 $0x40E00, s0;
	s22 =	smul.u32 $0x4E000, s4  }
0x7: {  	s6 =	sadd.s32 $0x8F000, s0;
	s7 =	sadd.s32 $0xFE00, s0;
	s8 =	smul.u32 $0x4E200, s1  }
0x8: {  	s12 =	sadd.s32 $0xA2A00, s0;
	p0 =	sne.s32 s4, $0xF;
	s25 =	smul.u32 $0x27100, s1  }
0x9: {  	_ =	strace $0x8000004A;
	s11 =	ssub.s32 $0x2, s1;
	s1 =	smul.u32 $0x138800, s1  }
0xa: {  	s10 =	sadd.s32 s9, s0;
	s13 =	sshrl.u32 s11, $0x1;
	s0 =	sadd.s32 $0x40C00, s0  }
0xb: {  	s20 =	sshrl.u32 s15, $0x3;
	s10 =	sadd.s32 $0x19C00, s10;
	[dreg:$0x12] =	wrdreg s0  }
0xc: {  	s8 =	sadd.s32 s15, s8;
	s17 =	sadd.s32 s7, s20;
	[dreg:$0x10] =	wrdreg s10  }
0xd: {  	s11 =	ssub.s32 s11, s13;
	s23 =	sadd.s32 $0xA, s17;
	[dreg:$0x5] =	wrdreg s17  }
0xe: {  	s9 =	sadd.s32 s9, s25;
	s18 =	sadd.s32 $0x14, s17;
	[dreg:$0x7] =	wrdreg s23  }
0xf: {  	s13 =	sshrl.u32 s22, $0x2;
	s29 =	sadd.s32 $0x1E, s17;
	[dreg:$0x9] =	wrdreg s18  }
0x10: {  	s1 =	sshrl.u32 s1, $0x3;
	s20 =	sadd.s32 $0x28, s17;
	[dreg:$0xb] =	wrdreg s29  }
0x11: {  	s14 =	sshrl.u32 s8, $0x3;
	s9 =	sadd.s32 s12, s9;
	[dreg:$0xd] =	wrdreg s20  }
0x12: {  	s1 =	sadd.s32 s12, s1;
	s22 =	sadd.s32 s13, s2;
	[dreg:$0xe] =	wrdreg s9  }
0x13: {  	s13 =	simm.s32 $0x280;
	[dreg:$0xf] =	wrdreg s22;
	s23 =	sadd.s32 $0x27000, s1  }
0x14: {  	s10 =	simm.s32 $0x1;
	s16 =	sadd.s32 s6, s14;
	[dreg:$0x13] =	wrdreg s23  }
0x15: {  	s29 =	sadd.s32 $0x138000, s2;
	s14 =	simm.s32 $0x500;
	[dreg:$0x4] =	wrdreg s16  }
0x16: {  	s1 =	simm.s32 $0x17;
	s21 =	sadd.s32 $0xA, s16;
	[dreg:$0x17] =	wrdreg s29  }
0x17: {  	s20 =	simm.s32 $0x50;
	s24 =	sadd.s32 $0x14, s16;
	[dreg:$0x6] =	wrdreg s21  }
0x18: {  	s18 =	simm.s32 $0x5800;
	s26 =	sadd.s32 $0x1E, s16;
	[dreg:$0x8] =	wrdreg s24  }
0x19: {  	s2 =	simm.s32 $0x0;
	s19 =	sadd.s32 $0x28, s16;
	[dreg:$0xa] =	wrdreg s26  }
0x1a: {  	s25 =	sadd.s32 $0x32, s16;
	s23 =	simm.s32 $0x580;
	[dreg:$0xc] =	wrdreg s19  }
0x1b: {  	s21 =	sshll.u32 s4, $0x6;
	s24 =	smax.u32 s11, $0x1;
	[dreg:$0x15] =	wrdreg s25  }
0x1c: {  	s26 =	sadd.s32 $0x32, s17;
	s17 =	simm.s32 $0x180;
	[dreg:$0x14] =	wrdreg s24  }
0x1d: {  	s19 =	simm.s32 $0x200;
	s9 =	sor.u32 $0x1C17, s21;
	[dreg:$0x16] =	wrdreg s26  }
0x1e: {  	s25 =	simm.s32 $0x2;
	s21 =	simm.s32 $0x6;
	[dreg:$0x11] =	wrdreg s9  }
.LBB2_1:
0x1f: {  	[dreg:$0x18] =	wrdreg s2  }
0x20: {  	s0 =	rddreg [dreg:$0x4]  }
0x21: {  	s24 =	rddreg [dreg:$0x5]  }
0x22: {  	s26 =	rddreg [dreg:$0x6]  }
0x23: {  	s2 =	rddreg [dreg:$0x7]  }
0x24: {  	[tilespmem:s3], [sflag:$0x1] =	stream.linear.gather [hbm4b:s0+s3], $0x50, $0x38;
	[tilespmem:$0x1E080] =	vst v63  }
0x25: {  	s12 =	simm.s32 $0x400;
	s16 =	rddreg [dreg:$0x8]  }
0x26: {  	[tilespmem:s12], [sflag:$0x9] =	stream.linear.gather [hbm4b:s24+s3], $0x50, $0x38;
	[tilespmem:$0x1E080] =	vst v63  }
0x27: {  	s29 =	simm.s32 $0x80;
	s22 =	rddreg [dreg:$0x9]  }
0x28: {  	[tilespmem:s29], [sflag:$0x2] =	stream.linear.gather [hbm4b:s26+s3], $0x50, $0x38;
	[tilespmem:$0x1E080] =	vst v63  }
0x29: {  	s11 =	simm.s32 $0x480;
	s24 =	rddreg [dreg:$0xa]  }
0x2a: {  	[tilespmem:s11], [sflag:$0xA] =	stream.linear.gather [hbm4b:s2+s3], $0x50, $0x38;
	[tilespmem:$0x1E080] =	vst v63  }
0x2b: {  	s26 =	rddreg [dreg:$0xb];
	s11 =	simm.s32 $0x100  }
0x2c: {  	[tilespmem:s11], [sflag:$0x3] =	stream.linear.gather [hbm4b:s16+s3], $0x50, $0x38;
	[tilespmem:$0x1E080] =	vst v63  }
0x2d: {  	s29 =	rddreg [dreg:$0xc]  }
0x2e: {  	[tilespmem:s14], [sflag:$0xB] =	stream.linear.gather [hbm4b:s22+s3], $0x50, $0x38;
	[tilespmem:$0x1E080] =	vst v63  }
0x2f: {  	s2 =	rddreg [dreg:$0xd]  }
0x30: {  	[tilespmem:s17], [sflag:$0x4] =	stream.linear.gather [hbm4b:s24+s3], $0x50, $0x38;
	[tilespmem:$0x1E080] =	vst v63  }
0x31: {  	s16 =	rddreg [dreg:$0x15]  }
0x32: {  	[tilespmem:s23], [sflag:$0xC] =	stream.linear.gather [hbm4b:s26+s3], $0x50, $0x38;
	[tilespmem:$0x1E080] =	vst v63  }
0x33: {  	s24 =	rddreg [dreg:$0xf]  }
0x34: {  	[tilespmem:s19], [sflag:$0x5] =	stream.linear.gather [hbm4b:s29+s3], $0x50, $0x38;
	[tilespmem:$0x1E080] =	vst v63  }
0x35: {  	s22 =	rddreg [dreg:$0x16];
	s26 =	sshrl.u32 s24, $0x3  }
0x36: {  	[tilespmem:s28], [sflag:$0xD] =	stream.linear.gather [hbm4b:s2+s3], $0x50, $0x38;
	[tilespmem:$0x1E080] =	vst v63  }
0x37: {  	[dreg:$0x19] =	wrdreg s26  }
0x38: {  	[tilespmem:s13], [sflag:$0x6] =	stream.linear.gather [hbm4b:s16+s3], $0x50, $0x38;
	[tilespmem:$0x1E080] =	vst v63  }
0x39: {  	s29 =	rddreg [dreg:$0x10]  }
0x3a: {  	[tilespmem:s30], [sflag:$0xE] =	stream.linear.gather [hbm4b:s22+s3], $0x50, $0x38;
	[tilespmem:$0x1E080] =	vst v63  }
0x3b: {  	[spmem:s26], [sflag:s9] =	dma.local [hbm:s29], $0x2700  }
0x3c: {  	_ =	swait.ge [sflag:s1], $0x2700  }
0x3d: {  	s0 =	rddreg [dreg:$0x17]  }
0x3e: {  	[sflag:s1] =	ssyncset.done $0x0;
	s2 =	sshrl.u32 @!p0 s0, $0x3;
	s0 =	rddreg [dreg:$0x12]  }
0x3f: {  	[sflag:s1] =	ssyncadd.s32 $0xFFFFD900;
	[dreg:$0x1a] =	wrdreg s2  }
0x40: {  	[spmem:s2], [sflag:s9] =	dma.local @!p0 [hbm:s0], $0x100  }
0x41: {  	s0 =	simm.s32 @!p0 $0x17  }
0x42: {  	_ =	swait.ge @!p0 [sflag:s0], $0x100  }
0x43: {  	[sflag:s0] =	ssyncset.done @!p0 $0x0  }
0x44: {  	[sflag:s0] =	ssyncadd.s32 @!p0 $0xFFFFFF00  }
0x45: {  	_ =	swait.ge [sflag:s10], $0x50  }
0x46: {  	[sflag:s10] =	ssyncset.done $0x0  }
0x47: {  	s26 =	simm.s32 $0x800;
	[sflag:s10] =	ssyncadd.s32 $0xFFFFFFB0  }
0x48: {  	[tilespmem:s26], [sflag:$0x11] =	stream.indirect.gather [hbm4b:s5+s20], $0x80, s3, s20, $0xb8;
	[tilespmem:$0x1E080] =	vst v63  }
0x49: {  	_ =	swait.ge [sflag:s25], $0x50  }
0x4a: {  	s4 =	simm.s32 $0x80;
	[sflag:s25] =	ssyncset.done $0x0  }
0x4b: {  	s2 =	simm.s32 $0x3000;
	s9 =	simm.s32 $0x3;
	[sflag:s25] =	ssyncadd.s32 $0xFFFFFFB0  }
0x4c: {  	[tilespmem:s2], [sflag:$0x12] =	stream.indirect.gather [hbm4b:s5+s20], $0x80, s4, s20, $0xb8;
	[tilespmem:$0x1E080] =	vst v63  }
0x4d: {  	_ =	swait.ge [sflag:s9], $0x50  }
0x4e: {  	[sflag:s9] =	ssyncset.done $0x0  }
0x4f: {  	[sflag:s9] =	ssyncadd.s32 $0xFFFFFFB0  }
0x50: {  	[tilespmem:s18], [sflag:$0x13] =	stream.indirect.gather [hbm4b:s5+s20], $0x80, s11, s20, $0xb8;
	[tilespmem:$0x1E080] =	vst v63  }
0x51: {  	s29 =	simm.s32 $0x11;
	[bflag:$0x0] =	sbarrier.arrive $0xFFFF  }
0x52: {  	p1 =	por $0x1, $0x1;
	_ =	swait.ge [sflag:s29], $0x2800  }
0x53: {  	s0 =	simm.s32 @!p1 $0x1E0;
	[sflag:s29] =	ssyncset.done $0x0  }
0x54: {  	s0 =	simm.s32 @p1 $0x1E0;
	s9 =	simm.s32 @!p1 $0x16;
	[sflag:s29] =	ssyncadd.s32 $0xFFFFD800  }
0x55: {  	s24 =	simm.s32 $0x300;
	s16 =	sadd.s32 s8, s0;
	_ =	swait.ge @!p1 [sflag:s9], $0x2800  }
0x56: {  	s0 =	sadd.s32 s15, s0;
	s11 =	sshrl.u32 s16, $0x3;
	[sflag:s9] =	ssyncset.done @!p1 $0x0  }
0x57: {  	s0 =	sshrl.u32 s0, $0x3;
	s22 =	sadd.s32 s6, s11;
	[sflag:s9] =	ssyncadd.s32 @!p1 $0xFFFFD800  }
0x58: {  	[tilespmem:s24], [sflag:$0x7] =	stream.linear.gather [hbm4b:s22+s3], $0x50, $0x38;
	[tilespmem:$0x1E080] =	vst v63  }
0x59: {  	s0 =	sadd.s32 s7, s0;
	s2 =	simm.s32 $0x700  }
0x5a: {  	[tilespmem:s2], [sflag:$0xF] =	stream.linear.gather [hbm4b:s0+s3], $0x50, $0x38;
	[tilespmem:$0x1E080] =	vst v63  }
0x5b: {  	s3 =	simm.s32 $0x4  }
0x5c: {  	_ =	swait.ge [sflag:s3], $0x50  }
0x5d: {  	[sflag:s3] =	ssyncset.done $0x0  }
0x5e: {  	s4 =	simm.s32 $0x8000;
	s9 =	simm.s32 $0x9;
	[sflag:s3] =	ssyncadd.s32 $0xFFFFFFB0  }
0x5f: {  	[tilespmem:s4], [sflag:$0x14] =	stream.indirect.gather [hbm4b:s5+s20], $0x80, s17, s20, $0xb8;
	[tilespmem:$0x1E080] =	vst v63  }
0x60: {  	_ =	swait.ge [sflag:s9], $0x50  }
0x61: {  	[sflag:s9] =	ssyncset.done $0x0  }
0x62: {  	[sflag:s9] =	ssyncadd.s32 $0xFFFFFFB0  }
0x63: {  	s2 =	simm.s32 $0x12;
	s24 =	rddreg [dreg:$0x1]  }
0x64: {  	[spmem:s24] =	stream.indirect.scatter.add.f32 [tilespmem:s26], [sflag:$0x15], $0x80, s12, s20, $0xb8;
	[tilespmem:$0x1E080] =	vst v63  }
0x65: {  	s9 =	simm.s32 $0x0;
	_ =	swait.ge [sflag:s2], $0x2800  }
0x66: {  	s9 =	simm.s32 @p1 $0x0;
	[sflag:s2] =	ssyncset.done $0x0  }
0x67: {  	s4 =	simm.s32 $0x15;
	s11 =	sadd.s32 $0x230, s9;
	[sflag:s2] =	ssyncadd.s32 $0xFFFFD800  }
0x68: {  	s22 =	simm.s32 $0x0;
	s16 =	sadd.s32 s8, s11;
	_ =	swait.ge [sflag:s4], $0x2800  }
0x69: {  	s0 =	sadd.s32 s15, s11;
	s11 =	sshrl.u32 s16, $0x3;
	[sflag:s4] =	ssyncset.done $0x0  }
0x6a: {  	s0 =	sshrl.u32 s0, $0x3;
	s11 =	sadd.s32 s6, s11;
	[sflag:s4] =	ssyncadd.s32 $0xFFFFD800  }
0x6b: {  	[tilespmem:s31], [sflag:$0x8] =	stream.linear.gather [hbm4b:s11+s22], $0x50, $0x38;
	[tilespmem:$0x1E080] =	vst v63  }
0x6c: {  	s1 =	simm.s32 $0x780;
	s3 =	simm.s32 $0x5;
	s0 =	sadd.s32 s7, s0  }
0x6d: {  	[tilespmem:s1], [sflag:$0x10] =	stream.linear.gather [hbm4b:s0+s22], $0x50, $0x38;
	[tilespmem:$0x1E080] =	vst v63  }
0x6e: {  	_ =	swait.ge [sflag:s3], $0x50  }
0x6f: {  	[sflag:s3] =	ssyncset.done $0x0  }
0x70: {  	s11 =	simm.s32 $0xA;
	[sflag:s3] =	ssyncadd.s32 $0xFFFFFFB0  }
0x71: {  	[tilespmem:s26], [sflag:$0x11] =	stream.indirect.gather [hbm4b:s5+s20], $0x80, s19, s20, $0xb8;
	[tilespmem:$0x1E080] =	vst v63  }
0x72: {  	_ =	swait.ge [sflag:s11], $0x50  }
0x73: {  	s16 =	simm.s32 $0x13;
	[sflag:s11] =	ssyncset.done $0x0  }
0x74: {  	s1 =	simm.s32 $0x3000;
	s3 =	simm.s32 $0x480;
	[sflag:s11] =	ssyncadd.s32 $0xFFFFFFB0  }
0x75: {  	[spmem:s24] =	stream.indirect.scatter.add.f32 [tilespmem:s1], [sflag:$0x16], $0x80, s3, s20, $0xb8;
	[tilespmem:$0x1E080] =	vst v63  }
0x76: {  	_ =	swait.ge [sflag:s16], $0x2800  }
0x77: {  	[sflag:s16] =	ssyncset.done $0x0  }
0x78: {  	s0 =	sadd.s32 $0x280, s9;
	s19 =	simm.s32 $0x16;
	[sflag:s16] =	ssyncadd.s32 $0xFFFFD800  }
0x79: {  	s11 =	sadd.s32 s8, s0;
	_ =	swait.ge [sflag:s19], $0x2800  }
0x7a: {  	s0 =	sadd.s32 s15, s0;
	s11 =	sshrl.u32 s11, $0x3;
	[sflag:s19] =	ssyncset.done $0x0  }
0x7b: {  	s0 =	sshrl.u32 s0, $0x3;
	s11 =	sadd.s32 s6, s11;
	[sflag:s19] =	ssyncadd.s32 $0xFFFFD800  }
0x7c: {  	[tilespmem:s22], [sflag:$0x1] =	stream.linear.gather [hbm4b:s11+s22], $0x50, $0x38;
	[tilespmem:$0x1E080] =	vst v63  }
0x7d: {  	s0 =	sadd.s32 s7, s0  }
0x7e: {  	[tilespmem:s12], [sflag:$0x9] =	stream.linear.gather [hbm4b:s0+s22], $0x50, $0x38;
	[tilespmem:$0x1E080] =	vst v63  }
0x7f: {  	_ =	swait.ge [sflag:s21], $0x50  }
0x80: {  	[sflag:s21] =	ssyncset.done $0x0  }
0x81: {  	s12 =	simm.s32 $0xB;
	[sflag:s21] =	ssyncadd.s32 $0xFFFFFFB0  }
0x82: {  	[tilespmem:s1], [sflag:$0x12] =	stream.indirect.gather [hbm4b:s5+s20], $0x80, s13, s20, $0xb8;
	[tilespmem:$0x1E080] =	vst v63  }
0x83: {  	_ =	swait.ge [sflag:s12], $0x50  }
0x84: {  	[sflag:s12] =	ssyncset.done $0x0  }
0x85: {  	s21 =	simm.s32 $0x14;
	[sflag:s12] =	ssyncadd.s32 $0xFFFFFFB0  }
0x86: {  	[spmem:s24] =	stream.indirect.scatter.add.f32 [tilespmem:s18], [sflag:$0x15], $0x80, s14, s20, $0xb8;
	[tilespmem:$0x1E080] =	vst v63  }
0x87: {  	_ =	swait.ge [sflag:s21], $0x2800  }
0x88: {  	[sflag:s21] =	ssyncset.done $0x0  }
0x89: {  	s13 =	sadd.s32 $0x2D0, s9;
	[sflag:s21] =	ssyncadd.s32 $0xFFFFD800  }
0x8a: {  	s1 =	simm.s32 $0x80;
	s14 =	sadd.s32 s8, s13;
	_ =	swait.ge [sflag:s4], $0x2800  }
0x8b: {  	s0 =	sadd.s32 s15, s13;
	s11 =	sshrl.u32 s14, $0x3;
	[sflag:s4] =	ssyncset.done $0x0  }
0x8c: {  	s0 =	sshrl.u32 s0, $0x3;
	s11 =	sadd.s32 s6, s11;
	[sflag:s4] =	ssyncadd.s32 $0xFFFFD800  }
0x8d: {  	[tilespmem:s1], [sflag:$0x2] =	stream.linear.gather [hbm4b:s11+s22], $0x50, $0x38;
	[tilespmem:$0x1E080] =	vst v63  }
0x8e: {  	s0 =	sadd.s32 s7, s0;
	s13 =	simm.s32 $0x7  }
0x8f: {  	[tilespmem:s3], [sflag:$0xA] =	stream.linear.gather [hbm4b:s0+s22], $0x50, $0x38;
	[tilespmem:$0x1E080] =	vst v63  }
0x90: {  	_ =	swait.ge [sflag:s13], $0x50  }
0x91: {  	[sflag:s13] =	ssyncset.done $0x0  }
0x92: {  	s14 =	simm.s32 $0x300;
	s1 =	simm.s32 $0xC;
	[sflag:s13] =	ssyncadd.s32 $0xFFFFFFB0  }
0x93: {  	[tilespmem:s18], [sflag:$0x13] =	stream.indirect.gather [hbm4b:s5+s20], $0x80, s14, s20, $0xb8;
	[tilespmem:$0x1E080] =	vst v63  }
0x94: {  	_ =	swait.ge [sflag:s1], $0x50  }
0x95: {  	[sflag:s1] =	ssyncset.done $0x0  }
0x96: {  	s3 =	simm.s32 $0x8000;
	[sflag:s1] =	ssyncadd.s32 $0xFFFFFFB0  }
0x97: {  	[spmem:s24] =	stream.indirect.scatter.add.f32 [tilespmem:s3], [sflag:$0x16], $0x80, s23, s20, $0xb8;
	[tilespmem:$0x1E080] =	vst v63  }
0x98: {  	p1 =	por $0x0, $0x0;
	_ =	swait.ge [sflag:s29], $0x2800  }
0x99: {  	s0 =	sadd.s32 @!p1 $0x320, s9;
	[sflag:s29] =	ssyncset.done $0x0  }
0x9a: {  	s11 =	sadd.s32 @!p1 s8, s0;
	[sflag:s29] =	ssyncadd.s32 $0xFFFFD800  }
0x9b: {  	s0 =	sadd.s32 @!p1 s15, s0;
	s11 =	sshrl.u32 @!p1 s11, $0x3;
	_ =	swait.ge [sflag:s19], $0x2800  }
0x9c: {  	s12 =	sshrl.u32 @!p1 s0, $0x3;
	s0 =	simm.s32 @!p1 $0x100;
	[sflag:s19] =	ssyncset.done $0x0  }
0x9d: {  	s13 =	sadd.s32 @!p1 s6, s11;
	s11 =	simm.s32 @!p1 $0x0;
	[sflag:s19] =	ssyncadd.s32 $0xFFFFD800  }
0x9e: {  	[tilespmem:s0], [sflag:$0x3] =	stream.linear.gather @!p1 [hbm4b:s13+s11], $0x50, $0x38;
	[tilespmem:$0x1E080] =	vst v63  }
0x9f: {  	s12 =	sadd.s32 @!p1 s7, s12;
	s14 =	simm.s32 $0x8;
	s13 =	simm.s32 @!p1 $0x500  }
0xa0: {  	[tilespmem:s13], [sflag:$0xB] =	stream.linear.gather @!p1 [hbm4b:s12+s11], $0x50, $0x38;
	[tilespmem:$0x1E080] =	vst v63  }
0xa1: {  	_ =	swait.ge [sflag:s14], $0x50  }
0xa2: {  	[sflag:s14] =	ssyncset.done $0x0  }
0xa3: {  	s23 =	simm.s32 $0xD;
	[sflag:s14] =	ssyncadd.s32 $0xFFFFFFB0  }
0xa4: {  	[tilespmem:s3], [sflag:$0x14] =	stream.indirect.gather [hbm4b:s5+s20], $0x80, s31, s20, $0xb8;
	[tilespmem:$0x1E080] =	vst v63  }
0xa5: {  	_ =	swait.ge [sflag:s23], $0x50  }
0xa6: {  	[sflag:s23] =	ssyncset.done $0x0  }
0xa7: {  	[sflag:s23] =	ssyncadd.s32 $0xFFFFFFB0  }
0xa8: {  	[spmem:s24] =	stream.indirect.scatter.add.f32 [tilespmem:s26], [sflag:$0x15], $0x80, s28, s20, $0xb8;
	[tilespmem:$0x1E080] =	vst v63  }
0xa9: {  	_ =	swait.ge [sflag:s2], $0x2800  }
0xaa: {  	[sflag:s2] =	ssyncset.done $0x0  }
0xab: {  	s12 =	sadd.s32 @!p1 $0x370, s9;
	[sflag:s2] =	ssyncadd.s32 $0xFFFFD800  }
0xac: {  	s13 =	sadd.s32 @!p1 s8, s12;
	s12 =	sadd.s32 @!p1 s15, s12;
	_ =	swait.ge [sflag:s4], $0x2800  }
0xad: {  	s13 =	sshrl.u32 @!p1 s13, $0x3;
	s12 =	sshrl.u32 @!p1 s12, $0x3;
	[sflag:s4] =	ssyncset.done $0x0  }
0xae: {  	s13 =	sadd.s32 @!p1 s6, s13;
	s14 =	simm.s32 @!p1 $0x180;
	[sflag:s4] =	ssyncadd.s32 $0xFFFFD800  }
0xaf: {  	[tilespmem:s14], [sflag:$0x4] =	stream.linear.gather @!p1 [hbm4b:s13+s11], $0x50, $0x38;
	[tilespmem:$0x1E080] =	vst v63  }
0xb0: {  	s12 =	sadd.s32 @!p1 s7, s12;
	s13 =	simm.s32 @!p1 $0x580  }
0xb1: {  	[tilespmem:s13], [sflag:$0xC] =	stream.linear.gather @!p1 [hbm4b:s12+s11], $0x50, $0x38;
	[tilespmem:$0x1E080] =	vst v63  }
0xb2: {  	_ =	swait.ge [sflag:s10], $0x50  }
0xb3: {  	[sflag:s10] =	ssyncset.done $0x0  }
0xb4: {  	[sflag:s10] =	ssyncadd.s32 $0xFFFFFFB0  }
0xb5: {  	[tilespmem:s26], [sflag:$0x11] =	stream.indirect.gather [hbm4b:s5+s20], $0x80, s22, s20, $0xb8;
	[tilespmem:$0x1E080] =	vst v63  }
0xb6: {  	s26 =	simm.s32 $0xE  }
0xb7: {  	_ =	swait.ge [sflag:s26], $0x50  }
0xb8: {  	[sflag:s26] =	ssyncset.done $0x0  }
0xb9: {  	s28 =	simm.s32 $0x3000;
	[sflag:s26] =	ssyncadd.s32 $0xFFFFFFB0  }
0xba: {  	[spmem:s24] =	stream.indirect.scatter.add.f32 [tilespmem:s28], [sflag:$0x16], $0x80, s30, s20, $0xb8;
	[tilespmem:$0x1E080] =	vst v63  }
0xbb: {  	_ =	swait.ge [sflag:s16], $0x2800  }
0xbc: {  	[sflag:s16] =	ssyncset.done $0x0  }
0xbd: {  	s12 =	sadd.s32 @!p1 $0x3C0, s9;
	[sflag:s16] =	ssyncadd.s32 $0xFFFFD800  }
0xbe: {  	s14 =	simm.s32 @!p1 $0x200;
	s13 =	sadd.s32 @!p1 s8, s12;
	_ =	swait.ge [sflag:s19], $0x2800  }
0xbf: {  	s12 =	sadd.s32 @!p1 s15, s12;
	s13 =	sshrl.u32 @!p1 s13, $0x3;
	[sflag:s19] =	ssyncset.done $0x0  }
0xc0: {  	s12 =	sshrl.u32 @!p1 s12, $0x3;
	s13 =	sadd.s32 @!p1 s6, s13;
	[sflag:s19] =	ssyncadd.s32 $0xFFFFD800  }
0xc1: {  	[tilespmem:s14], [sflag:$0x5] =	stream.linear.gather @!p1 [hbm4b:s13+s11], $0x50, $0x38;
	[tilespmem:$0x1E080] =	vst v63  }
0xc2: {  	s12 =	sadd.s32 @!p1 s7, s12;
	s13 =	simm.s32 @!p1 $0x600  }
0xc3: {  	[tilespmem:s13], [sflag:$0xD] =	stream.linear.gather @!p1 [hbm4b:s12+s11], $0x50, $0x38;
	[tilespmem:$0x1E080] =	vst v63  }
0xc4: {  	_ =	swait.ge [sflag:s25], $0x50  }
0xc5: {  	[sflag:s25] =	ssyncset.done $0x0  }
0xc6: {  	s29 =	simm.s32 $0x80;
	s30 =	simm.s32 $0xF;
	[sflag:s25] =	ssyncadd.s32 $0xFFFFFFB0  }
0xc7: {  	[tilespmem:s28], [sflag:$0x12] =	stream.indirect.gather [hbm4b:s5+s20], $0x80, s29, s20, $0xb8;
	[tilespmem:$0x1E080] =	vst v63  }
0xc8: {  	_ =	swait.ge [sflag:s30], $0x50  }
0xc9: {  	[sflag:s30] =	ssyncset.done $0x0  }
0xca: {  	s14 =	simm.s32 $0x700;
	[sflag:s30] =	ssyncadd.s32 $0xFFFFFFB0  }
0xcb: {  	[spmem:s24] =	stream.indirect.scatter.add.f32 [tilespmem:s18], [sflag:$0x15], $0x80, s14, s20, $0xb8;
	[tilespmem:$0x1E080] =	vst v63  }
0xcc: {  	_ =	swait.ge [sflag:s21], $0x2800  }
0xcd: {  	[sflag:s21] =	ssyncset.done $0x0  }
0xce: {  	s9 =	sadd.s32 @!p1 $0x410, s9;
	[sflag:s21] =	ssyncadd.s32 $0xFFFFD800  }
0xcf: {  	s12 =	sadd.s32 @!p1 s8, s9;
	s13 =	simm.s32 @!p1 $0x280;
	_ =	swait.ge [sflag:s4], $0x2800  }
0xd0: {  	s9 =	sadd.s32 @!p1 s15, s9;
	s12 =	sshrl.u32 @!p1 s12, $0x3;
	[sflag:s4] =	ssyncset.done $0x0  }
0xd1: {  	s9 =	sshrl.u32 @!p1 s9, $0x3;
	s12 =	sadd.s32 @!p1 s6, s12;
	[sflag:s4] =	ssyncadd.s32 $0xFFFFD800  }
0xd2: {  	[tilespmem:s13], [sflag:$0x6] =	stream.linear.gather @!p1 [hbm4b:s12+s11], $0x50, $0x38;
	[tilespmem:$0x1E080] =	vst v63  }
0xd3: {  	s9 =	sadd.s32 @!p1 s7, s9;
	s12 =	simm.s32 @!p1 $0x680  }
0xd4: {  	[tilespmem:s12], [sflag:$0xE] =	stream.linear.gather @!p1 [hbm4b:s9+s11], $0x50, $0x38;
	[tilespmem:$0x1E080] =	vst v63  }
0xd5: {  	s9 =	simm.s32 @!p1 $0x3  }
0xd6: {  	_ =	swait.ge @!p1 [sflag:s9], $0x50  }
0xd7: {  	s31 =	simm.s32 $0x10;
	[sflag:s9] =	ssyncset.done @!p1 $0x0  }
0xd8: {  	s11 =	simm.s32 @!p1 $0x5800;
	[sflag:s9] =	ssyncadd.s32 @!p1 $0xFFFFFFB0;
	s9 =	simm.s32 @!p1 $0x50  }
0xd9: {  	[tilespmem:s11], [sflag:$0x13] =	stream.indirect.gather @!p1 [hbm4b:s5+s9], $0x80, s0, s9, $0xb8;
	[tilespmem:$0x1E080] =	vst v63  }
0xda: {  	_ =	swait.ge [sflag:s31], $0x50  }
0xdb: {  	[sflag:s31] =	ssyncset.done $0x0  }
0xdc: {  	s25 =	simm.s32 $0x280;
	[sflag:s31] =	ssyncadd.s32 $0xFFFFFFB0  }
.LBB2_2:
0xdd: {  	s0 =	simm.s32 $0x8000  }
0xde: {  	s3 =	rddreg [dreg:$0x1];
	s18 =	simm.s32 $0x780;
	s26 =	simm.s32 $0x11  }
0xdf: {  	[spmem:s3] =	stream.indirect.scatter.add.f32 [tilespmem:s0], [sflag:$0x16], $0x80, s18, s20, $0xb8;
	[tilespmem:$0x1E080] =	vst v63  }
0xe0: {  	p2 =	seq.s32 s25, $0x0;
	s9 =	smov.u32 s25;
	_ =	swait.ge [sflag:s26], $0x2800  }
0xe1: {  	s31 =	simm.s32 $0x300;
	s0 =	sadd.s32 @!p2 $0x1E0, s25;
	[sflag:s26] =	ssyncset.done $0x0  }
0xe2: {  	s11 =	simm.s32 @!p2 $0x16;
	s0 =	simm.s32 @p2 $0x1E0;
	[sflag:s26] =	ssyncadd.s32 $0xFFFFD800  }
0xe3: {  	s22 =	simm.s32 $0x0;
	s12 =	sadd.s32 s8, s0;
	_ =	swait.ge @!p2 [sflag:s11], $0x2800  }
0xe4: {  	s0 =	sadd.s32 s15, s0;
	s12 =	sshrl.u32 s12, $0x3;
	[sflag:s11] =	ssyncset.done @!p2 $0x0  }
0xe5: {  	s0 =	sshrl.u32 s0, $0x3;
	s16 =	sadd.s32 s6, s12;
	[sflag:s11] =	ssyncadd.s32 @!p2 $0xFFFFD800  }
0xe6: {  	[tilespmem:s31], [sflag:$0x7] =	stream.linear.gather [hbm4b:s16+s22], $0x50, $0x38;
	[tilespmem:$0x1E080] =	vst v63  }
0xe7: {  	s1 =	simm.s32 $0x4;
	s9 =	simm.s32 @p2 $0x0;
	s0 =	sadd.s32 s7, s0  }
0xe8: {  	[tilespmem:s14], [sflag:$0xF] =	stream.linear.gather [hbm4b:s0+s22], $0x50, $0x38;
	[tilespmem:$0x1E080] =	vst v63  }
0xe9: {  	s2 =	simm.s32 $0x8000;
	s19 =	sadd.s32 $0x230, s9;
	_ =	swait.ge [sflag:s1], $0x50  }
0xea: {  	s24 =	sadd.s32 $0x280, s9;
	s29 =	sadd.s32 $0x2D0, s9;
	[sflag:s1] =	ssyncset.done $0x0  }
0xeb: {  	s21 =	sadd.s32 s8, s19;
	s10 =	sadd.s32 s15, s29;
	[sflag:s1] =	ssyncadd.s32 $0xFFFFFFB0  }
0xec: {  	[tilespmem:s2], [sflag:$0x14] =	stream.indirect.gather [hbm4b:s5+s20], $0x80, s17, s20, $0xb8;
	[tilespmem:$0x1E080] =	vst v63  }
0xed: {  	s4 =	sadd.s32 s8, s29;
	s29 =	sshrl.u32 s10, $0x3;
	s2 =	simm.s32 $0x9  }
0xee: {  	s10 =	simm.s32 $0x800;
	s1 =	sadd.s32 s8, s24;
	_ =	swait.ge [sflag:s2], $0x50  }
0xef: {  	s12 =	sadd.s32 s15, s19;
	s19 =	sshrl.u32 s1, $0x3;
	[sflag:s2] =	ssyncset.done $0x0  }
0xf0: {  	s1 =	simm.s32 $0x400;
	[sflag:s2] =	ssyncadd.s32 $0xFFFFFFB0;
	s2 =	simm.s32 $0x12  }
0xf1: {  	[spmem:s3] =	stream.indirect.scatter.add.f32 [tilespmem:s10], [sflag:$0x15], $0x80, s1, s20, $0xb8;
	[tilespmem:$0x1E080] =	vst v63  }
0xf2: {  	p1 =	seq.s32 s25, $0x4B00;
	s13 =	sshrl.u32 s21, $0x3;
	_ =	swait.ge [sflag:s2], $0x2800  }
0xf3: {  	s21 =	simm.s32 $0x5;
	s13 =	sadd.s32 s6, s13;
	[sflag:s2] =	ssyncset.done $0x0  }
0xf4: {  	s11 =	sshrl.u32 s4, $0x3;
	s4 =	simm.s32 $0x15;
	[sflag:s2] =	ssyncadd.s32 $0xFFFFD800  }
0xf5: {  	s23 =	sshrl.u32 s12, $0x3;
	s0 =	sadd.s32 s15, s24;
	_ =	swait.ge [sflag:s4], $0x2800  }
0xf6: {  	s12 =	sshrl.u32 s0, $0x3;
	s0 =	sadd.s32 @!p1 $0x320, s9;
	[sflag:s4] =	ssyncset.done $0x0  }
0xf7: {  	s16 =	simm.s32 $0x380;
	s24 =	sadd.s32 @!p1 s8, s0;
	[sflag:s4] =	ssyncadd.s32 $0xFFFFD800  }
0xf8: {  	[tilespmem:s16], [sflag:$0x8] =	stream.linear.gather [hbm4b:s13+s22], $0x50, $0x38;
	[tilespmem:$0x1E080] =	vst v63  }
0xf9: {  	s17 =	sadd.s32 @!p1 $0x370, s9;
	s24 =	sshrl.u32 @!p1 s24, $0x3;
	s16 =	sadd.s32 s7, s23  }
0xfa: {  	[tilespmem:s18], [sflag:$0x10] =	stream.linear.gather [hbm4b:s16+s22], $0x50, $0x38;
	[tilespmem:$0x1E080] =	vst v63  }
0xfb: {  	s28 =	sadd.s32 @!p1 s6, s24;
	s24 =	sadd.s32 @!p1 s8, s17;
	_ =	swait.ge [sflag:s21], $0x50  }
0xfc: {  	s30 =	sadd.s32 @!p1 s15, s17;
	s17 =	sshrl.u32 @!p1 s24, $0x3;
	[sflag:s21] =	ssyncset.done $0x0  }
0xfd: {  	s24 =	simm.s32 $0xA;
	s23 =	simm.s32 $0x200;
	[sflag:s21] =	ssyncadd.s32 $0xFFFFFFB0  }
0xfe: {  	[tilespmem:s10], [sflag:$0x11] =	stream.indirect.gather [hbm4b:s5+s20], $0x80, s23, s20, $0xb8;
	[tilespmem:$0x1E080] =	vst v63  }
0xff: {  	s13 =	sadd.s32 @!p1 $0x3C0, s9;
	s9 =	sadd.s32 @!p1 $0x410, s9;
	_ =	swait.ge [sflag:s24], $0x50  }
0x100: {  	s18 =	simm.s32 $0x3000;
	s16 =	simm.s32 $0x13;
	[sflag:s24] =	ssyncset.done $0x0  }
0x101: {  	s23 =	simm.s32 $0x480;
	[sflag:s24] =	ssyncadd.s32 $0xFFFFFFB0;
	s24 =	sadd.s32 @!p1 s8, s9  }
0x102: {  	[spmem:s3] =	stream.indirect.scatter.add.f32 [tilespmem:s18], [sflag:$0x16], $0x80, s23, s20, $0xb8;
	[tilespmem:$0x1E080] =	vst v63  }
0x103: {  	s24 =	sshrl.u32 @!p1 s24, $0x3;
	_ =	swait.ge [sflag:s16], $0x2800  }
0x104: {  	s21 =	sadd.s32 @!p1 s6, s24;
	[sflag:s16] =	ssyncset.done $0x0  }
0x105: {  	[dreg:$0x3] =	wrdreg s21;
	s21 =	simm.s32 $0x16;
	[sflag:s16] =	ssyncadd.s32 $0xFFFFD800  }
0x106: {  	_ =	swait.ge [sflag:s21], $0x2800  }
0x107: {  	[sflag:s21] =	ssyncset.done $0x0  }
0x108: {  	s19 =	sadd.s32 s6, s19;
	[sflag:s21] =	ssyncadd.s32 $0xFFFFD800  }
0x109: {  	[tilespmem:s22], [sflag:$0x1] =	stream.linear.gather [hbm4b:s19+s22], $0x50, $0x38;
	[tilespmem:$0x1E080] =	vst v63  }
0x10a: {  	s12 =	sadd.s32 s7, s12  }
0x10b: {  	[tilespmem:s1], [sflag:$0x9] =	stream.linear.gather [hbm4b:s12+s22], $0x50, $0x38;
	[tilespmem:$0x1E080] =	vst v63  }
0x10c: {  	s12 =	simm.s32 $0x6  }
0x10d: {  	_ =	swait.ge [sflag:s12], $0x50  }
0x10e: {  	[sflag:s12] =	ssyncset.done $0x0  }
0x10f: {  	s19 =	simm.s32 $0x280;
	s1 =	simm.s32 $0xB;
	[sflag:s12] =	ssyncadd.s32 $0xFFFFFFB0  }
0x110: {  	[tilespmem:s18], [sflag:$0x12] =	stream.indirect.gather [hbm4b:s5+s20], $0x80, s19, s20, $0xb8;
	[tilespmem:$0x1E080] =	vst v63  }
0x111: {  	_ =	swait.ge [sflag:s1], $0x50  }
0x112: {  	[sflag:s1] =	ssyncset.done $0x0  }
0x113: {  	s19 =	simm.s32 $0x500;
	[sflag:s1] =	ssyncadd.s32 $0xFFFFFFB0;
	s1 =	simm.s32 $0x5800  }
0x114: {  	[spmem:s3] =	stream.indirect.scatter.add.f32 [tilespmem:s1], [sflag:$0x15], $0x80, s19, s20, $0xb8;
	[tilespmem:$0x1E080] =	vst v63  }
0x115: {  	s19 =	simm.s32 $0x14  }
0x116: {  	_ =	swait.ge [sflag:s19], $0x2800  }
0x117: {  	[sflag:s19] =	ssyncset.done $0x0  }
0x118: {  	[sflag:s19] =	ssyncadd.s32 $0xFFFFD800  }
0x119: {  	_ =	swait.ge [sflag:s4], $0x2800  }
0x11a: {  	[sflag:s4] =	ssyncset.done $0x0  }
0x11b: {  	s11 =	sadd.s32 s6, s11;
	s24 =	simm.s32 $0x80;
	[sflag:s4] =	ssyncadd.s32 $0xFFFFD800  }
0x11c: {  	[tilespmem:s24], [sflag:$0x2] =	stream.linear.gather [hbm4b:s11+s22], $0x50, $0x38;
	[tilespmem:$0x1E080] =	vst v63  }
0x11d: {  	s29 =	sadd.s32 s7, s29;
	s12 =	simm.s32 $0x7  }
0x11e: {  	[tilespmem:s23], [sflag:$0xA] =	stream.linear.gather [hbm4b:s29+s22], $0x50, $0x38;
	[tilespmem:$0x1E080] =	vst v63  }
0x11f: {  	_ =	swait.ge [sflag:s12], $0x50  }
0x120: {  	[sflag:s12] =	ssyncset.done $0x0  }
0x121: {  	s24 =	simm.s32 $0xC;
	[sflag:s12] =	ssyncadd.s32 $0xFFFFFFB0  }
0x122: {  	[tilespmem:s1], [sflag:$0x13] =	stream.indirect.gather [hbm4b:s5+s20], $0x80, s31, s20, $0xb8;
	[tilespmem:$0x1E080] =	vst v63  }
0x123: {  	_ =	swait.ge [sflag:s24], $0x50  }
0x124: {  	[sflag:s24] =	ssyncset.done $0x0  }
0x125: {  	s23 =	simm.s32 $0x580;
	[sflag:s24] =	ssyncadd.s32 $0xFFFFFFB0;
	s24 =	simm.s32 $0x8000  }
0x126: {  	[spmem:s3] =	stream.indirect.scatter.add.f32 [tilespmem:s24], [sflag:$0x16], $0x80, s23, s20, $0xb8;
	[tilespmem:$0x1E080] =	vst v63  }
0x127: {  	_ =	swait.ge [sflag:s26], $0x2800  }
0x128: {  	[sflag:s26] =	ssyncset.done $0x0  }
0x129: {  	[sflag:s26] =	ssyncadd.s32 $0xFFFFD800  }
0x12a: {  	s0 =	sadd.s32 @!p1 s15, s0;
	_ =	swait.ge [sflag:s21], $0x2800  }
0x12b: {  	s0 =	sshrl.u32 @!p1 s0, $0x3;
	[sflag:s21] =	ssyncset.done $0x0  }
0x12c: {  	s11 =	simm.s32 @!p1 $0x0;
	s29 =	simm.s32 @!p1 $0x100;
	[sflag:s21] =	ssyncadd.s32 $0xFFFFD800  }
0x12d: {  	[tilespmem:s29], [sflag:$0x3] =	stream.linear.gather @!p1 [hbm4b:s28+s11], $0x50, $0x38;
	[tilespmem:$0x1E080] =	vst v63  }
0x12e: {  	s0 =	sadd.s32 @!p1 s7, s0;
	s12 =	simm.s32 @!p1 $0x500;
	s26 =	simm.s32 $0x8  }
0x12f: {  	[tilespmem:s12], [sflag:$0xB] =	stream.linear.gather @!p1 [hbm4b:s0+s11], $0x50, $0x38;
	[tilespmem:$0x1E080] =	vst v63  }
0x130: {  	_ =	swait.ge [sflag:s26], $0x50  }
0x131: {  	[sflag:s26] =	ssyncset.done $0x0  }
0x132: {  	s12 =	simm.s32 $0x380;
	[sflag:s26] =	ssyncadd.s32 $0xFFFFFFB0;
	s26 =	simm.s32 $0xD  }
0x133: {  	[tilespmem:s24], [sflag:$0x14] =	stream.indirect.gather [hbm4b:s5+s20], $0x80, s12, s20, $0xb8;
	[tilespmem:$0x1E080] =	vst v63  }
0x134: {  	_ =	swait.ge [sflag:s26], $0x50  }
0x135: {  	[sflag:s26] =	ssyncset.done $0x0  }
0x136: {  	s28 =	simm.s32 $0x600;
	[sflag:s26] =	ssyncadd.s32 $0xFFFFFFB0  }
0x137: {  	[spmem:s3] =	stream.indirect.scatter.add.f32 [tilespmem:s10], [sflag:$0x15], $0x80, s28, s20, $0xb8;
	[tilespmem:$0x1E080] =	vst v63  }
0x138: {  	_ =	swait.ge [sflag:s2], $0x2800  }
0x139: {  	[sflag:s2] =	ssyncset.done $0x0  }
0x13a: {  	[sflag:s2] =	ssyncadd.s32 $0xFFFFD800  }
0x13b: {  	_ =	swait.ge [sflag:s4], $0x2800  }
0x13c: {  	s14 =	sshrl.u32 @!p1 s30, $0x3;
	[sflag:s4] =	ssyncset.done $0x0  }
0x13d: {  	s17 =	sadd.s32 @!p1 s6, s17;
	s0 =	simm.s32 @!p1 $0x180;
	[sflag:s4] =	ssyncadd.s32 $0xFFFFD800  }
0x13e: {  	[tilespmem:s0], [sflag:$0x4] =	stream.linear.gather @!p1 [hbm4b:s17+s11], $0x50, $0x38;
	[tilespmem:$0x1E080] =	vst v63  }
0x13f: {  	s30 =	sadd.s32 @!p1 s7, s14;
	s2 =	simm.s32 $0x1;
	s0 =	simm.s32 @!p1 $0x580  }
0x140: {  	[tilespmem:s0], [sflag:$0xC] =	stream.linear.gather @!p1 [hbm4b:s30+s11], $0x50, $0x38;
	[tilespmem:$0x1E080] =	vst v63  }
0x141: {  	_ =	swait.ge [sflag:s2], $0x50  }
0x142: {  	[sflag:s2] =	ssyncset.done $0x0  }
0x143: {  	s12 =	simm.s32 $0xE;
	[sflag:s2] =	ssyncadd.s32 $0xFFFFFFB0  }
0x144: {  	[tilespmem:s10], [sflag:$0x11] =	stream.indirect.gather [hbm4b:s5+s20], $0x80, s22, s20, $0xb8;
	[tilespmem:$0x1E080] =	vst v63  }
0x145: {  	_ =	swait.ge [sflag:s12], $0x50  }
0x146: {  	[sflag:s12] =	ssyncset.done $0x0  }
0x147: {  	s30 =	simm.s32 $0x680;
	[sflag:s12] =	ssyncadd.s32 $0xFFFFFFB0  }
0x148: {  	[spmem:s3] =	stream.indirect.scatter.add.f32 [tilespmem:s18], [sflag:$0x16], $0x80, s30, s20, $0xb8;
	[tilespmem:$0x1E080] =	vst v63  }
0x149: {  	_ =	swait.ge [sflag:s16], $0x2800  }
0x14a: {  	[sflag:s16] =	ssyncset.done $0x0  }
0x14b: {  	[sflag:s16] =	ssyncadd.s32 $0xFFFFD800  }
0x14c: {  	s14 =	sadd.s32 @!p1 s8, s13;
	s13 =	sadd.s32 @!p1 s15, s13;
	_ =	swait.ge [sflag:s21], $0x2800  }
0x14d: {  	s14 =	sshrl.u32 @!p1 s14, $0x3;
	s13 =	sshrl.u32 @!p1 s13, $0x3;
	[sflag:s21] =	ssyncset.done $0x0  }
0x14e: {  	s14 =	sadd.s32 @!p1 s6, s14;
	s0 =	simm.s32 @!p1 $0x200;
	[sflag:s21] =	ssyncadd.s32 $0xFFFFD800  }
0x14f: {  	[tilespmem:s0], [sflag:$0x5] =	stream.linear.gather @!p1 [hbm4b:s14+s11], $0x50, $0x38;
	[tilespmem:$0x1E080] =	vst v63  }
0x150: {  	s13 =	sadd.s32 @!p1 s7, s13;
	s21 =	simm.s32 $0x2;
	s0 =	simm.s32 @!p1 $0x600  }
0x151: {  	[tilespmem:s0], [sflag:$0xD] =	stream.linear.gather @!p1 [hbm4b:s13+s11], $0x50, $0x38;
	[tilespmem:$0x1E080] =	vst v63  }
0x152: {  	_ =	swait.ge [sflag:s21], $0x50  }
0x153: {  	[sflag:s21] =	ssyncset.done $0x0  }
0x154: {  	s24 =	simm.s32 $0xF;
	s22 =	simm.s32 $0x80;
	[sflag:s21] =	ssyncadd.s32 $0xFFFFFFB0  }
0x155: {  	[tilespmem:s18], [sflag:$0x12] =	stream.indirect.gather [hbm4b:s5+s20], $0x80, s22, s20, $0xb8;
	[tilespmem:$0x1E080] =	vst v63  }
0x156: {  	_ =	swait.ge [sflag:s24], $0x50  }
0x157: {  	[sflag:s24] =	ssyncset.done $0x0  }
0x158: {  	s14 =	simm.s32 $0x700;
	[sflag:s24] =	ssyncadd.s32 $0xFFFFFFB0  }
0x159: {  	[spmem:s3] =	stream.indirect.scatter.add.f32 [tilespmem:s1], [sflag:$0x15], $0x80, s14, s20, $0xb8;
	[tilespmem:$0x1E080] =	vst v63  }
0x15a: {  	_ =	swait.ge [sflag:s19], $0x2800  }
0x15b: {  	[sflag:s19] =	ssyncset.done $0x0  }
0x15c: {  	[sflag:s19] =	ssyncadd.s32 $0xFFFFD800  }
0x15d: {  	s9 =	sadd.s32 @!p1 s15, s9;
	_ =	swait.ge [sflag:s4], $0x2800  }
0x15e: {  	s9 =	sshrl.u32 @!p1 s9, $0x3;
	[sflag:s4] =	ssyncset.done $0x0  }
0x15f: {  	s0 =	simm.s32 @!p1 $0x280;
	s1 =	rddreg [dreg:$0x3];
	[sflag:s4] =	ssyncadd.s32 $0xFFFFD800  }
0x160: {  	[tilespmem:s0], [sflag:$0x6] =	stream.linear.gather @!p1 [hbm4b:s1+s11], $0x50, $0x38;
	[tilespmem:$0x1E080] =	vst v63  }
0x161: {  	s9 =	sadd.s32 @!p1 s7, s9;
	s12 =	simm.s32 @!p1 $0x3;
	s0 =	simm.s32 @!p1 $0x680  }
0x162: {  	[tilespmem:s0], [sflag:$0xE] =	stream.linear.gather @!p1 [hbm4b:s9+s11], $0x50, $0x38;
	[tilespmem:$0x1E080] =	vst v63  }
0x163: {  	s25 =	sadd.s32 $0x280, s25;
	_ =	swait.ge @!p1 [sflag:s12], $0x50  }
0x164: {  	p2 =	sne.s32 s25, $0x4D80;
	[sflag:s12] =	ssyncset.done @!p1 $0x0  }
0x165: {  	s0 =	simm.s32 @!p1 $0x5800;
	s9 =	simm.s32 @!p1 $0x50;
	[sflag:s12] =	ssyncadd.s32 @!p1 $0xFFFFFFB0  }
0x166: {  	[tilespmem:s0], [sflag:$0x13] =	stream.indirect.gather @!p1 [hbm4b:s5+s9], $0x80, s29, s9, $0xb8;
	[tilespmem:$0x1E080] =	vst v63  }
.Ltmp0:
0x167: {  	_ = 	snop;
	(pc) =	sbr.rel @p2 .LBB2_2-.Ltmp0, $4  }
0x168: {  	s29 =	simm.s32 $0x10  }
0x169: {  	_ =	swait.ge [sflag:s29], $0x50  }
0x16a: {  	s31 =	simm.s32 $0x8000;
	s26 =	simm.s32 $0x800;
	[sflag:s29] =	ssyncset.done $0x0  }
0x16b: {  	s17 =	simm.s32 $0x180;
	s10 =	simm.s32 $0x3000;
	[sflag:s29] =	ssyncadd.s32 $0xFFFFFFB0  }
0x16c: {  	s2 =	rddreg [dreg:$0x1];
	s0 =	simm.s32 $0x780;
	s14 =	simm.s32 $0x11  }
0x16d: {  	[spmem:s2] =	stream.indirect.scatter.add.f32 [tilespmem:s31], [sflag:$0x16], $0x80, s0, s20, $0xb8;
	[tilespmem:$0x1E080] =	vst v63  }
0x16e: {  	_ =	swait.ge [sflag:s14], $0x2800  }
0x16f: {  	[sflag:s14] =	ssyncset.done $0x0  }
0x170: {  	s3 =	simm.s32 $0x16;
	[sflag:s14] =	ssyncadd.s32 $0xFFFFD800  }
0x171: {  	_ =	swait.ge [sflag:s3], $0x2800  }
0x172: {  	[sflag:s3] =	ssyncset.done $0x0  }
0x173: {  	s16 =	simm.s32 $0x9;
	[sflag:s3] =	ssyncadd.s32 $0xFFFFD800  }
0x174: {  	_ =	swait.ge [sflag:s16], $0x50  }
0x175: {  	[sflag:s16] =	ssyncset.done $0x0  }
0x176: {  	s18 =	simm.s32 $0x400;
	s19 =	simm.s32 $0x12;
	[sflag:s16] =	ssyncadd.s32 $0xFFFFFFB0  }
0x177: {  	[spmem:s2] =	stream.indirect.scatter.add.f32 [tilespmem:s26], [sflag:$0x15], $0x80, s18, s20, $0xb8;
	[tilespmem:$0x1E080] =	vst v63  }
0x178: {  	_ =	swait.ge [sflag:s19], $0x2800  }
0x179: {  	[sflag:s19] =	ssyncset.done $0x0  }
0x17a: {  	s21 =	simm.s32 $0x15;
	[sflag:s19] =	ssyncadd.s32 $0xFFFFD800  }
0x17b: {  	_ =	swait.ge [sflag:s21], $0x2800  }
0x17c: {  	[sflag:s21] =	ssyncset.done $0x0  }
0x17d: {  	s22 =	simm.s32 $0xA;
	[sflag:s21] =	ssyncadd.s32 $0xFFFFD800  }
0x17e: {  	_ =	swait.ge [sflag:s22], $0x50  }
0x17f: {  	[sflag:s22] =	ssyncset.done $0x0  }
0x180: {  	s24 =	simm.s32 $0x480;
	[sflag:s22] =	ssyncadd.s32 $0xFFFFFFB0  }
0x181: {  	[spmem:s2] =	stream.indirect.scatter.add.f32 [tilespmem:s10], [sflag:$0x16], $0x80, s24, s20, $0xb8;
	[tilespmem:$0x1E080] =	vst v63  }
0x182: {  	_ =	swait.ge [sflag:s3], $0x2800  }
0x183: {  	[sflag:s3] =	ssyncset.done $0x0  }
0x184: {  	[sflag:s3] =	ssyncadd.s32 $0xFFFFD800  }
0x185: {  	[bflag:$0x0] =	sbarrier.arrive $0xFFFF  }
0x186: {  	s25 =	rddreg [dreg:$0xe]  }
0x187: {  	s9 =	rddreg [dreg:$0x11]  }
0x188: {  	s1 =	simm.s32 $0x17;
	s26 =	rddreg [dreg:$0x19]  }
0x189: {  	[hbm:s25], [sflag:s9] =	dma.local [spmem:s26], $0x2700  }
0x18a: {  	_ =	swait.ge [sflag:s1], $0x2700  }
0x18b: {  	[sflag:s1] =	ssyncset.done $0x0;
	s0 =	rddreg [dreg:$0x13]  }
0x18c: {  	s2 =	rddreg [dreg:$0x1a];
	[sflag:s1] =	ssyncadd.s32 $0xFFFFD900  }
0x18d: {  	[hbm:s0], [sflag:s9] =	dma.local @!p0 [spmem:s2], $0x100  }
0x18e: {  	s0 =	simm.s32 @!p0 $0x17  }
0x18f: {  	_ =	swait.ge @!p0 [sflag:s0], $0x100  }
0x190: {  	s29 =	rddreg [dreg:$0x18]  }
0x191: {  	s11 =	rddreg [dreg:$0x14];
	s2 =	sadd.s32 $0x1, s29  }
0x192: {  	p1 =	sne.s32 s2, s11  }
.Ltmp1:
0x193: {  	_ = 	snop;
	(pc) =	sbr.rel @p1 .LBB2_1-.Ltmp1, $4  }
0x194: {  	s13 =	simm.s32 $0x280;
	s31 =	simm.s32 $0x380  }
0x195: {  	s14 =	simm.s32 $0x500;
	s18 =	simm.s32 $0x5800;
	s19 =	simm.s32 $0x200  }
0x196: {  	s21 =	simm.s32 $0x6;
	s10 =	simm.s32 $0x1;
	[sflag:s0] =	ssyncset.done @!p0 $0x0  }
0x197: {  	s3 =	simm.s32 $0x0;
	s25 =	simm.s32 $0x2;
	[sflag:s0] =	ssyncadd.s32 @!p0 $0xFFFFFF00  }
0x198: {  	_ =	sfence.sel $0x180000  }
0x199: {  	[bflag:$0x0] =	sbarrier.arrive $0xFFFF  }
0x19a: {  	_ =	strace $0x9000004A  }
0x19b: {  	s0 =	stileid.u32;
	[bflag:$0x2] =	sbarrier.arrive $0xFFFF  }
0x19c: {  	p0 =	sne.s32 s0, $0x0;
	s0 =	rddreg [dreg:$0x2]  }
0x19d: {  	s0 =	sadd.s32 @!p0 $0x100000, s0  }
0x19e: {  	[sflag:s0] =	ssyncadd.tile.s32 @!p0 $0x1;
	_ =	shalt  }
.Lfunc_end2:
_tile_overlayer_lowered:
.L_overlay_start_2:
0x19f: {  	(tag) =	ssettag $0x2  }
0x1a0: {  	s0 =	rddreg [dreg:$0x0];
	s2 =	stileid.u32  }
0x1a1: {  	s1 =	rddreg [dreg:$0x1];
	p0 =	sne.s32 s2, $0x0  }
0x1a2: {  	s3 =	rddreg [dreg:$0x2];
	[bflag:$0x3] =	sbarrier.arrive $0xFFFF;
	s2 =	simm.s32 @!p0 $0x1C17  }
0x1a3: {  	[timem:s3], [sflag:s2] =	dma.local @!p0 [hbm:s0], s1  }
0x1a4: {  	s0 =	simm.s32 @!p0 $0x17  }
0x1a5: {  	_ =	swait.ge @!p0 [sflag:s0], s1  }
0x1a6: {  	s1 =	ssub.s32 @!p0 $0x0, s1;
	[sflag:s0] =	ssyncset.done @!p0 $0x0  }
0x1a7: {  	[sflag:s0] =	ssyncadd.s32 @!p0 s1  }
0x1a8: {  	[bflag:$0x3] =	sbarrier.arrive $0xFFFF  }
0x1a9: {  	_ =	shalt  }

// kernel: kernel.14.cloned.1.call-start
scs
__scs_entry_jumppad:
0x0: {  	(pc) =	sbr.rel $0x88, $3  }
0x1: {  	(tag) =	ssettag $0x0;
	lr =	simm.s32 $0x1  }
0x2: {  	[smem:$0x3F85] =	sst lr;
	_ =	strace $0xD0000000  }
0x3: {  	_ = 	snop  }
0x4: {  	_ = 	snop  }
0x5: {  	_ = 	snop  }
0x6: {  	_ = 	snop  }
0x7: {  	_ = 	snop  }
__scs_overlays_trampoline_lowered:
0x8: {  	[smem:$0x3F94] =	sst s0  }
0x9: {  	[smem:$0x3F95] =	sst s1  }
0xa: {  	[smem:$0x3F96] =	sst s2  }
0xb: {  	[smem:$0x3F97] =	sst s3  }
0xc: {  	[smem:$0x3F98] =	sst s4  }
0xd: {  	[smem:$0x3F99] =	sst s5  }
0xe: {  	[smem:$0x3F9A] =	sst s6  }
0xf: {  	[smem:$0x3F9B] =	sst s7  }
0x10: {  	[smem:$0x3F9C] =	sst s8  }
0x11: {  	[smem:$0x3F9D] =	sst s9;
	s0 =	simm.s32 @!p0 $0x0  }
0x12: {  	s1 =	sld [smem:$0x3F83];
	s0 =	simm.s32 @p0 $0x1  }
0x13: {  	[smem:$0x3F9E] =	sst s0;
	s0 =	simm.s32 @!p1 $0x0  }
0x14: {  	s2 =	sld [smem:$0x3F82];
	s0 =	simm.s32 @p1 $0x1  }
0x15: {  	[smem:$0x3F9F] =	sst s0;
	s0 =	simm.s32 @!p2 $0x0  }
0x16: {  	s3 =	sld [smem:$0x3FDB];
	s0 =	simm.s32 @p2 $0x1  }
0x17: {  	s4 =	simm.s32 $0x1BF5;
	[smem:$0x3FA1] =	sst s0  }
0x18: {  	s0 =	sld [smem:$0x3F84];
	_ =	swait.ge [sflag:s4], $0x0  }
0x19: {  	s7 =	sld [smem:$0x3F85]  }
0x1a: {  	s8 =	sadd.s32 $0xFFFFE003, lr  }
0x1b: {  	s9 =	sadd.s32 $0xFFFFFEF7, lr;
	s5 =	simm.s32 $0xFFFFFFFF;
	p2 =	slt.u32 s8, $0xFFFFF086  }
0x1c: {  	p1 =	slt.u32 s9, $0xF7A;
	s5 =	simm.s32 @!p2 $0x0  }
0x1d: {  	s5 =	simm.s32 @p1 $0x1;
	p0 =	seq.s32 s7, s2  }
0x1e: {  	s7 =	smul.u32 @!p0 $0xF7A, s2;
	p2 =	seq.s32 @!p0 s5, $0x0  }
0x1f: {  	s9 =	smul.u32 $0xF7A, s1;
	s8 =	simm.s32 @!p0 $0x1BF5;
	p2 =	por !p2, p0  }
0x20: {  	[sflag:s8] =	ssyncset.s32 @!p0 $0xFFFFF086;
	s6 =	sadd.s32 @!p0 s3, s7;
	s7 =	simm.s32 @!p0 $0x108  }
0x21: {  	s3 =	sadd.s32 s3, s9;
	s6 =	sadd.s32 @!p0 $0x88, s6;
	s7 =	simm.s32 @p2 $0x1082  }
0x22: {  	[simem:s7], [sflag:s8] =	dma.local @!p0 [hbm:s6], $0xF7A  }
0x23: {  	s9 =	sor.u32 $0xD0000000, s2;
	s6 =	simm.s32 $0x108;
	_ =	swait.ge @!p0 [sflag:s8], $0x0  }
0x24: {  	s3 =	sadd.s32 $0x88, s3;
	s6 =	simm.s32 @!p1 $0x1082;
	[sflag:s4] =	ssyncset.s32 $0xFFFFF086  }
0x25: {  	[simem:s6], [sflag:s4] =	dma.local [hbm:s3], $0xF7A  }
0x26: {  	[smem:$0x3F85] =	sst s1;
	(tag) =	ssettag s2;
	_ =	strace s9  }
0x27: {  	s1 =	sld [smem:$0x3F95]  }
0x28: {  	s2 =	sld [smem:$0x3F96]  }
0x29: {  	s4 =	sld [smem:$0x3F98]  }
0x2a: {  	p0 =	seq.s32 s5, $0x0;
	s5 =	sld [smem:$0x3F99]  }
0x2b: {  	s6 =	sld [smem:$0x3F9A]  }
0x2c: {  	s7 =	sld [smem:$0x3F9B]  }
0x2d: {  	s3 =	simm.s32 $0x108;
	s8 =	sld [smem:$0x3F9C]  }
0x2e: {  	s3 =	simm.s32 @!p0 $0x1082;
	s9 =	sld [smem:$0x3F9D]  }
0x2f: {  	lr =	sadd.s32 s0, s3;
	s0 =	sld [smem:$0x3F94]  }
0x30: {  	s3 =	sld [smem:$0x3F97]  }
0x31: {  	[smem:$0x3FA0] =	sst s10  }
0x32: {  	s10 =	sld [smem:$0x3F9E];
	_ =	sdelay $0x3  }
0x33: {  	p0 =	seq.s32 s10, $0x1;
	s10 =	sld [smem:$0x3FA0];
	_ =	sdelay $0x3  }
0x34: {  	[smem:$0x3FA0] =	sst s10  }
0x35: {  	s10 =	sld [smem:$0x3F9F];
	_ =	sdelay $0x3  }
0x36: {  	p1 =	seq.s32 s10, $0x1;
	s10 =	sld [smem:$0x3FA0];
	_ =	sdelay $0x3  }
0x37: {  	[smem:$0x3FA0] =	sst s10  }
0x38: {  	s10 =	sld [smem:$0x3FA1]  }
0x39: {  	_ = 	snop;
	(pc) =	sbr.ind lr, $3  }
0x3a: {  	_ = 	snop  }
0x3b: {  	_ = 	snop  }
0x3c: {  	p2 =	seq.s32 s10, $0x1;
	s10 =	sld [smem:$0x3FA0]  }
0x3d: {  	_ =	shalt  }
0x3e: {  	_ =	shalt  }
0x3f: {  	_ =	shalt  }
0x40: {  	_ =	shalt  }
0x41: {  	_ =	shalt  }
0x42: {  	_ =	shalt  }
0x43: {  	_ =	shalt  }
0x44: {  	_ =	shalt  }
0x45: {  	_ =	shalt  }
0x46: {  	_ =	shalt  }
0x47: {  	_ =	shalt  }
0x48: {  	_ =	shalt  }
0x49: {  	_ =	shalt  }
0x4a: {  	_ =	shalt  }
0x4b: {  	_ =	shalt  }
0x4c: {  	_ =	shalt  }
0x4d: {  	_ =	shalt  }
0x4e: {  	_ =	shalt  }
0x4f: {  	_ =	shalt  }
0x50: {  	_ =	shalt  }
0x51: {  	_ =	shalt  }
0x52: {  	_ =	shalt  }
0x53: {  	_ =	shalt  }
0x54: {  	_ =	shalt  }
0x55: {  	_ =	shalt  }
0x56: {  	_ =	shalt  }
0x57: {  	_ =	shalt  }
0x58: {  	_ =	shalt  }
0x59: {  	_ =	shalt  }
0x5a: {  	_ =	shalt  }
0x5b: {  	_ =	shalt  }
0x5c: {  	_ =	shalt  }
0x5d: {  	_ =	shalt  }
0x5e: {  	_ =	shalt  }
0x5f: {  	_ =	shalt  }
0x60: {  	_ =	shalt  }
0x61: {  	_ =	shalt  }
0x62: {  	_ =	shalt  }
0x63: {  	_ =	shalt  }
0x64: {  	_ =	shalt  }
0x65: {  	_ =	shalt  }
0x66: {  	_ =	shalt  }
0x67: {  	_ =	shalt  }
0x68: {  	_ =	shalt  }
0x69: {  	_ =	shalt  }
0x6a: {  	_ =	shalt  }
0x6b: {  	_ =	shalt  }
0x6c: {  	_ =	shalt  }
0x6d: {  	_ =	shalt  }
0x6e: {  	_ =	shalt  }
0x6f: {  	_ =	shalt  }
0x70: {  	_ =	shalt  }
0x71: {  	_ =	shalt  }
0x72: {  	_ =	shalt  }
0x73: {  	_ =	shalt  }
0x74: {  	_ =	shalt  }
0x75: {  	_ =	shalt  }
0x76: {  	_ =	shalt  }
0x77: {  	_ =	shalt  }
0x78: {  	_ =	shalt  }
0x79: {  	_ =	shalt  }
0x7a: {  	_ =	shalt  }
0x7b: {  	_ =	shalt  }
0x7c: {  	_ =	shalt  }
0x7d: {  	_ =	shalt  }
0x7e: {  	_ =	shalt  }
0x7f: {  	_ =	shalt  }
0x80: {  	_ =	shalt  }
0x81: {  	_ =	shalt  }
0x82: {  	_ =	shalt  }
0x83: {  	_ =	shalt  }
0x84: {  	_ =	shalt  }
0x85: {  	_ =	shalt  }
0x86: {  	_ =	shalt  }
0x87: {  	_ =	shalt  }
.Lfunc_end0:
.L_simem_size_0:
called_computation.2_lowered:
.L_overlay_start_0:
0x88: {  	s2 =	sld [smem:$0x3FD9]  }
0x89: {  	s3 =	sld [smem:$0x3FFE];
	_ =	sdelay $0x1  }
0x8a: {  	s1 =	srdreg.scid  }
0x8b: {  	s0 =	sand.u32 $0x1, s1  }
0x8c: {  	s16 =	sshll.u32 s0, $0xA;
	s2 =	sadd.s32 s3, s2  }
0x8d: {  	s2 =	sadd.s32 s2, s16  }
0x8e: {  	[smem:$0x3FAC] =	sst s2  }
0x8f: {  	_ = 	snop  }
0x90: {  	(tm) =	ssettm $0x1  }
0x91: {  	s17 =	sld [smem:$0x3FFB];
	_ =	sdelay $0x3  }
0x92: {  	_ =	strace s17  }
0x93: {  	s2 =	sld [smem:$0x3FFC];
	_ =	sdelay $0x3  }
0x94: {  	_ =	strace s2  }
0x95: {  	s2 =	sld [smem:$0x3FFD];
	_ =	sdelay $0x3  }
0x96: {  	_ =	strace s2  }
0x97: {  	_ =	strace $0x8FFFFFFF  }
0x98: {  	s18 =	sld [smem:$0x3FDB];
	_ =	sdelay $0x1  }
0x99: {  	s19 =	simm.s32 $_scs_section_size  }
0x9a: {  	s4 =	simm.s32 $_size__tile_overlayer_lowered;
	s5 =	simm.s32 $_tile_overlayer_lowered  }
0x9b: {  	s22 =	simm.s32 $0x1BFF;
	s21 =	sshll.u32 s5, $0x1;
	s2 =	sadd.s32 s19, s18  }
0x9c: {  	s6 =	simm.s32 $0x0;
	s20 =	sshll.u32 s4, $0x1;
	s4 =	sadd.s32 s21, s2  }
0x9d: {  	[timem:s6], [sflag:s22] =	dma.local [hbm:s4], s20  }
0x9e: {  	_ =	swait.ge [sflag:s22], s20  }
0x9f: {  	s3 =	ssub.s32 $0x0, s20;
	[sflag:s22] =	ssyncset.done $0x0  }
0xa0: {  	[sflag:s22] =	ssyncadd.s32 s3;
	_ =	sdelay $0x1  }
0xa1: {  	s23 =	simm.s32 $0x1B8B  }
0xa2: {  	_ =	swait.ge [sflag:s23], $0x1  }
0xa3: {  	[sflag:s23] =	ssyncset.done $0x0  }
0xa4: {  	s25 =	simm.s32 $0x1B8E;
	s24 =	sld [smem:$0x3FFE];
	[sflag:s23] =	ssyncadd.s32 $0xFFFFFFFF  }
0xa5: {  	s26 =	simm.s32 $execute0_lowered;
	[smem:$0x3FD2] =	sst s25  }
0xa6: {  	s4 =	sshll.u32 s26, $0x1;
	_ =	strace $0x8000004C;
	[dreg:$0x1] =	wrdreg $0xFFFFFFFF  }
0xa7: {  	s28 =	simm.s32 $_size_execute0_lowered;
	s2 =	sadd.s32 s2, s4;
	[dreg:$0x0] =	wrdreg $0x0  }
0xa8: {  	s4 =	sshll.u32 s28, $0x1;
	[dreg:$0x2] =	wrdreg s2  }
0xa9: {  	[dreg:$0x3] =	wrdreg s4  }
0xaa: {  	[dreg:$0x4] =	wrdreg $0xC0  }
0xab: {  	_ =	task [dreg:s6], $0x5FFFF  }
0xac: {  	[dreg:$0x1] =	wrdreg $0xFFFFFFFF  }
0xad: {  	[dreg:$0x0] =	wrdreg $0x60  }
0xae: {  	[dreg:$0x2] =	wrdreg s24  }
0xaf: {  	[dreg:$0x3] =	wrdreg $0xA8000  }
0xb0: {  	[dreg:$0x4] =	wrdreg $0x9  }
0xb1: {  	_ =	task.clear_ibuf [dreg:s6], $0x5FFFF;
	_ =	strace $0x9000004C  }
0xb2: {  	s29 =	simm.s32 $0x9;
	_ =	strace $0x8000004E  }
0xb3: {  	_ =	swait.ge [sflag:s29], $0x1  }
0xb4: {  	[sflag:s29] =	ssyncadd.s32 $0xFFFFFFFF  }
0xb5: {  	_ =	strace $0x9000004E  }
0xb6: {  	_ =	sfence  }
0xb7: {  	s30 =	sld [smem:$0x0];
	_ =	sdelay $0x2  }
0xb8: {  	s31 =	sshll.u32 s1, $0xD;
	s1 =	sshrl.u32 s1, $0x2  }
0xb9: {  	s3 =	sand.u32 $0x4000, s31;
	s1 =	sadd.s32 s1, s30  }
0xba: {  	s0 =	sor.u32 s3, s0;
	s1 =	sshll.u32 s1, $0x11  }
0xbb: {  	s0 =	sor.u32 s1, s0  }
0xbc: {  	s0 =	sadd.s32 $0x8F2B, s0  }
0xbd: {  	[sflag:s0] =	ssyncadd.remote.s32 $0x1  }
0xbe: {  	_ =	sfence.sel $0xFFFF  }
0xbf: {  	[dreg:$0x0] =	wrdreg $0xFFFFFFFF;
	(pc) =	sbr.abs _section_cstart, $3  }
0xc0: {  	[dreg:$0x1] =	wrdreg $0xFFFFFFFF  }
0xc1: {  	_ =	task.clear_ibuf [dreg:s6], $0x2FFFF;
	_ =	strace $0x9FFFFFFF  }
0xc2: {  	(tm) =	ssettm $0x7FFFFFFF  }
0xc3: {  	_ =	shalt  }
tec
execute0_lowered:
.L_overlay_start_1:
0x0: {  	(tag) =	ssettag $0x1  }
0x1: {  	s0 =	rddreg [dreg:$0x0]  }
0x2: {  	s2 =	rddreg [dreg:$0x1]  }
0x3: {  	s4 =	stileid.u32;
	s1 =	srdreg.scid;
	s3 =	simm.s32 $0x0  }
0x4: {  	s28 =	simm.s32 $0x600;
	s30 =	simm.s32 $0x680;
	s9 =	smul.u32 $0x2700, s4  }
0x5: {  	s31 =	simm.s32 $0x380;
	s1 =	sand.u32 $0x1, s1;
	s15 =	smul.u32 $0x4E20, s4  }
0x6: {  	[smem:$0x7FF] =	sst s3;
	s5 =	sadd.s32 $0x40E00, s0;
	s22 =	smul.u32 $0x4E000, s4  }
0x7: {  	s6 =	sadd.s32 $0x8F000, s0;
	s7 =	sadd.s32 $0xFE00, s0;
	s8 =	smul.u32 $0x4E200, s1  }
0x8: {  	s12 =	sadd.s32 $0xA2A00, s0;
	p0 =	sne.s32 s4, $0xF;
	s25 =	smul.u32 $0x27100, s1  }
0x9: {  	_ =	strace $0x8000004D;
	s11 =	ssub.s32 $0x2, s1;
	s1 =	smul.u32 $0x138800, s1  }
0xa: {  	s10 =	sadd.s32 s9, s0;
	s13 =	sshrl.u32 s11, $0x1;
	s0 =	sadd.s32 $0x40C00, s0  }
0xb: {  	s20 =	sshrl.u32 s15, $0x3;
	s10 =	sadd.s32 $0x19C00, s10;
	[dreg:$0x12] =	wrdreg s0  }
0xc: {  	s8 =	sadd.s32 s15, s8;
	s17 =	sadd.s32 s7, s20;
	[dreg:$0x10] =	wrdreg s10  }
0xd: {  	s11 =	ssub.s32 s11, s13;
	s23 =	sadd.s32 $0xA, s17;
	[dreg:$0x5] =	wrdreg s17  }
0xe: {  	s9 =	sadd.s32 s9, s25;
	s18 =	sadd.s32 $0x14, s17;
	[dreg:$0x7] =	wrdreg s23  }
0xf: {  	s13 =	sshrl.u32 s22, $0x2;
	s29 =	sadd.s32 $0x1E, s17;
	[dreg:$0x9] =	wrdreg s18  }
0x10: {  	s1 =	sshrl.u32 s1, $0x3;
	s20 =	sadd.s32 $0x28, s17;
	[dreg:$0xb] =	wrdreg s29  }
0x11: {  	s14 =	sshrl.u32 s8, $0x3;
	s9 =	sadd.s32 s12, s9;
	[dreg:$0xd] =	wrdreg s20  }
0x12: {  	s1 =	sadd.s32 s12, s1;
	s22 =	sadd.s32 s13, s2;
	[dreg:$0xe] =	wrdreg s9  }
0x13: {  	s13 =	simm.s32 $0x280;
	[dreg:$0xf] =	wrdreg s22;
	s23 =	sadd.s32 $0x27000, s1  }
0x14: {  	s10 =	simm.s32 $0x1;
	s16 =	sadd.s32 s6, s14;
	[dreg:$0x13] =	wrdreg s23  }
0x15: {  	s29 =	sadd.s32 $0x138000, s2;
	s14 =	simm.s32 $0x500;
	[dreg:$0x4] =	wrdreg s16  }
0x16: {  	s1 =	simm.s32 $0x17;
	s21 =	sadd.s32 $0xA, s16;
	[dreg:$0x17] =	wrdreg s29  }
0x17: {  	s20 =	simm.s32 $0x50;
	s24 =	sadd.s32 $0x14, s16;
	[dreg:$0x6] =	wrdreg s21  }
0x18: {  	s18 =	simm.s32 $0x5800;
	s26 =	sadd.s32 $0x1E, s16;
	[dreg:$0x8] =	wrdreg s24  }
0x19: {  	s2 =	simm.s32 $0x0;
	s19 =	sadd.s32 $0x28, s16;
	[dreg:$0xa] =	wrdreg s26  }
0x1a: {  	s25 =	sadd.s32 $0x32, s16;
	s23 =	simm.s32 $0x580;
	[dreg:$0xc] =	wrdreg s19  }
0x1b: {  	s21 =	sshll.u32 s4, $0x6;
	s24 =	smax.u32 s11, $0x1;
	[dreg:$0x15] =	wrdreg s25  }
0x1c: {  	s26 =	sadd.s32 $0x32, s17;
	s17 =	simm.s32 $0x180;
	[dreg:$0x14] =	wrdreg s24  }
0x1d: {  	s19 =	simm.s32 $0x200;
	s9 =	sor.u32 $0x1C17, s21;
	[dreg:$0x16] =	wrdreg s26  }
0x1e: {  	s25 =	simm.s32 $0x2;
	s21 =	simm.s32 $0x6;
	[dreg:$0x11] =	wrdreg s9  }
.LBB2_1:
0x1f: {  	[dreg:$0x18] =	wrdreg s2  }
0x20: {  	s0 =	rddreg [dreg:$0x4]  }
0x21: {  	s24 =	rddreg [dreg:$0x5]  }
0x22: {  	s26 =	rddreg [dreg:$0x6]  }
0x23: {  	s2 =	rddreg [dreg:$0x7]  }
0x24: {  	[tilespmem:s3], [sflag:$0x1] =	stream.linear.gather [hbm4b:s0+s3], $0x50, $0x38;
	[tilespmem:$0x1E080] =	vst v63  }
0x25: {  	s12 =	simm.s32 $0x400;
	s16 =	rddreg [dreg:$0x8]  }
0x26: {  	[tilespmem:s12], [sflag:$0x9] =	stream.linear.gather [hbm4b:s24+s3], $0x50, $0x38;
	[tilespmem:$0x1E080] =	vst v63  }
0x27: {  	s29 =	simm.s32 $0x80;
	s22 =	rddreg [dreg:$0x9]  }
0x28: {  	[tilespmem:s29], [sflag:$0x2] =	stream.linear.gather [hbm4b:s26+s3], $0x50, $0x38;
	[tilespmem:$0x1E080] =	vst v63  }
0x29: {  	s11 =	simm.s32 $0x480;
	s24 =	rddreg [dreg:$0xa]  }
0x2a: {  	[tilespmem:s11], [sflag:$0xA] =	stream.linear.gather [hbm4b:s2+s3], $0x50, $0x38;
	[tilespmem:$0x1E080] =	vst v63  }
0x2b: {  	s26 =	rddreg [dreg:$0xb];
	s11 =	simm.s32 $0x100  }
0x2c: {  	[tilespmem:s11], [sflag:$0x3] =	stream.linear.gather [hbm4b:s16+s3], $0x50, $0x38;
	[tilespmem:$0x1E080] =	vst v63  }
0x2d: {  	s29 =	rddreg [dreg:$0xc]  }
0x2e: {  	[tilespmem:s14], [sflag:$0xB] =	stream.linear.gather [hbm4b:s22+s3], $0x50, $0x38;
	[tilespmem:$0x1E080] =	vst v63  }
0x2f: {  	s2 =	rddreg [dreg:$0xd]  }
0x30: {  	[tilespmem:s17], [sflag:$0x4] =	stream.linear.gather [hbm4b:s24+s3], $0x50, $0x38;
	[tilespmem:$0x1E080] =	vst v63  }
0x31: {  	s16 =	rddreg [dreg:$0x15]  }
0x32: {  	[tilespmem:s23], [sflag:$0xC] =	stream.linear.gather [hbm4b:s26+s3], $0x50, $0x38;
	[tilespmem:$0x1E080] =	vst v63  }
0x33: {  	s24 =	rddreg [dreg:$0xf]  }
0x34: {  	[tilespmem:s19], [sflag:$0x5] =	stream.linear.gather [hbm4b:s29+s3], $0x50, $0x38;
	[tilespmem:$0x1E080] =	vst v63  }
0x35: {  	s22 =	rddreg [dreg:$0x16];
	s26 =	sshrl.u32 s24, $0x3  }
0x36: {  	[tilespmem:s28], [sflag:$0xD] =	stream.linear.gather [hbm4b:s2+s3], $0x50, $0x38;
	[tilespmem:$0x1E080] =	vst v63  }
0x37: {  	[dreg:$0x19] =	wrdreg s26  }
0x38: {  	[tilespmem:s13], [sflag:$0x6] =	stream.linear.gather [hbm4b:s16+s3], $0x50, $0x38;
	[tilespmem:$0x1E080] =	vst v63  }
0x39: {  	s29 =	rddreg [dreg:$0x10]  }
0x3a: {  	[tilespmem:s30], [sflag:$0xE] =	stream.linear.gather [hbm4b:s22+s3], $0x50, $0x38;
	[tilespmem:$0x1E080] =	vst v63  }
0x3b: {  	[spmem:s26], [sflag:s9] =	dma.local [hbm:s29], $0x2700  }
0x3c: {  	_ =	swait.ge [sflag:s1], $0x2700  }
0x3d: {  	s0 =	rddreg [dreg:$0x17]  }
0x3e: {  	[sflag:s1] =	ssyncset.done $0x0;
	s2 =	sshrl.u32 @!p0 s0, $0x3;
	s0 =	rddreg [dreg:$0x12]  }
0x3f: {  	[sflag:s1] =	ssyncadd.s32 $0xFFFFD900;
	[dreg:$0x1a] =	wrdreg s2  }
0x40: {  	[spmem:s2], [sflag:s9] =	dma.local @!p0 [hbm:s0], $0x100  }
0x41: {  	s0 =	simm.s32 @!p0 $0x17  }
0x42: {  	_ =	swait.ge @!p0 [sflag:s0], $0x100  }
0x43: {  	[sflag:s0] =	ssyncset.done @!p0 $0x0  }
0x44: {  	[sflag:s0] =	ssyncadd.s32 @!p0 $0xFFFFFF00  }
0x45: {  	_ =	swait.ge [sflag:s10], $0x50  }
0x46: {  	[sflag:s10] =	ssyncset.done $0x0  }
0x47: {  	s26 =	simm.s32 $0x800;
	[sflag:s10] =	ssyncadd.s32 $0xFFFFFFB0  }
0x48: {  	[tilespmem:s26], [sflag:$0x11] =	stream.indirect.gather [hbm4b:s5+s20], $0x80, s3, s20, $0xb8;
	[tilespmem:$0x1E080] =	vst v63  }
0x49: {  	_ =	swait.ge [sflag:s25], $0x50  }
0x4a: {  	s4 =	simm.s32 $0x80;
	[sflag:s25] =	ssyncset.done $0x0  }
0x4b: {  	s2 =	simm.s32 $0x3000;
	s9 =	simm.s32 $0x3;
	[sflag:s25] =	ssyncadd.s32 $0xFFFFFFB0  }
0x4c: {  	[tilespmem:s2], [sflag:$0x12] =	stream.indirect.gather [hbm4b:s5+s20], $0x80, s4, s20, $0xb8;
	[tilespmem:$0x1E080] =	vst v63  }
0x4d: {  	_ =	swait.ge [sflag:s9], $0x50  }
0x4e: {  	[sflag:s9] =	ssyncset.done $0x0  }
0x4f: {  	[sflag:s9] =	ssyncadd.s32 $0xFFFFFFB0  }
0x50: {  	[tilespmem:s18], [sflag:$0x13] =	stream.indirect.gather [hbm4b:s5+s20], $0x80, s11, s20, $0xb8;
	[tilespmem:$0x1E080] =	vst v63  }
0x51: {  	s29 =	simm.s32 $0x11;
	[bflag:$0x0] =	sbarrier.arrive $0xFFFF  }
0x52: {  	p1 =	por $0x1, $0x1;
	_ =	swait.ge [sflag:s29], $0x2800  }
0x53: {  	s0 =	simm.s32 @!p1 $0x1E0;
	[sflag:s29] =	ssyncset.done $0x0  }
0x54: {  	s0 =	simm.s32 @p1 $0x1E0;
	s9 =	simm.s32 @!p1 $0x16;
	[sflag:s29] =	ssyncadd.s32 $0xFFFFD800  }
0x55: {  	s24 =	simm.s32 $0x300;
	s16 =	sadd.s32 s8, s0;
	_ =	swait.ge @!p1 [sflag:s9], $0x2800  }
0x56: {  	s0 =	sadd.s32 s15, s0;
	s11 =	sshrl.u32 s16, $0x3;
	[sflag:s9] =	ssyncset.done @!p1 $0x0  }
0x57: {  	s0 =	sshrl.u32 s0, $0x3;
	s22 =	sadd.s32 s6, s11;
	[sflag:s9] =	ssyncadd.s32 @!p1 $0xFFFFD800  }
0x58: {  	[tilespmem:s24], [sflag:$0x7] =	stream.linear.gather [hbm4b:s22+s3], $0x50, $0x38;
	[tilespmem:$0x1E080] =	vst v63  }
0x59: {  	s0 =	sadd.s32 s7, s0;
	s2 =	simm.s32 $0x700  }
0x5a: {  	[tilespmem:s2], [sflag:$0xF] =	stream.linear.gather [hbm4b:s0+s3], $0x50, $0x38;
	[tilespmem:$0x1E080] =	vst v63  }
0x5b: {  	s3 =	simm.s32 $0x4  }
0x5c: {  	_ =	swait.ge [sflag:s3], $0x50  }
0x5d: {  	[sflag:s3] =	ssyncset.done $0x0  }
0x5e: {  	s4 =	simm.s32 $0x8000;
	s9 =	simm.s32 $0x9;
	[sflag:s3] =	ssyncadd.s32 $0xFFFFFFB0  }
0x5f: {  	[tilespmem:s4], [sflag:$0x14] =	stream.indirect.gather [hbm4b:s5+s20], $0x80, s17, s20, $0xb8;
	[tilespmem:$0x1E080] =	vst v63  }
0x60: {  	_ =	swait.ge [sflag:s9], $0x50  }
0x61: {  	[sflag:s9] =	ssyncset.done $0x0  }
0x62: {  	[sflag:s9] =	ssyncadd.s32 $0xFFFFFFB0  }
0x63: {  	s2 =	simm.s32 $0x12;
	s24 =	rddreg [dreg:$0x1]  }
0x64: {  	[spmem:s24] =	stream.indirect.scatter.add.f32 [tilespmem:s26], [sflag:$0x15], $0x80, s12, s20, $0xb8;
	[tilespmem:$0x1E080] =	vst v63  }
0x65: {  	s9 =	simm.s32 $0x0;
	_ =	swait.ge [sflag:s2], $0x2800  }
0x66: {  	s9 =	simm.s32 @p1 $0x0;
	[sflag:s2] =	ssyncset.done $0x0  }
0x67: {  	s4 =	simm.s32 $0x15;
	s11 =	sadd.s32 $0x230, s9;
	[sflag:s2] =	ssyncadd.s32 $0xFFFFD800  }
0x68: {  	s22 =	simm.s32 $0x0;
	s16 =	sadd.s32 s8, s11;
	_ =	swait.ge [sflag:s4], $0x2800  }
0x69: {  	s0 =	sadd.s32 s15, s11;
	s11 =	sshrl.u32 s16, $0x3;
	[sflag:s4] =	ssyncset.done $0x0  }
0x6a: {  	s0 =	sshrl.u32 s0, $0x3;
	s11 =	sadd.s32 s6, s11;
	[sflag:s4] =	ssyncadd.s32 $0xFFFFD800  }
0x6b: {  	[tilespmem:s31], [sflag:$0x8] =	stream.linear.gather [hbm4b:s11+s22], $0x50, $0x38;
	[tilespmem:$0x1E080] =	vst v63  }
0x6c: {  	s1 =	simm.s32 $0x780;
	s3 =	simm.s32 $0x5;
	s0 =	sadd.s32 s7, s0  }
0x6d: {  	[tilespmem:s1], [sflag:$0x10] =	stream.linear.gather [hbm4b:s0+s22], $0x50, $0x38;
	[tilespmem:$0x1E080] =	vst v63  }
0x6e: {  	_ =	swait.ge [sflag:s3], $0x50  }
0x6f: {  	[sflag:s3] =	ssyncset.done $0x0  }
0x70: {  	s11 =	simm.s32 $0xA;
	[sflag:s3] =	ssyncadd.s32 $0xFFFFFFB0  }
0x71: {  	[tilespmem:s26], [sflag:$0x11] =	stream.indirect.gather [hbm4b:s5+s20], $0x80, s19, s20, $0xb8;
	[tilespmem:$0x1E080] =	vst v63  }
0x72: {  	_ =	swait.ge [sflag:s11], $0x50  }
0x73: {  	s16 =	simm.s32 $0x13;
	[sflag:s11] =	ssyncset.done $0x0  }
0x74: {  	s1 =	simm.s32 $0x3000;
	s3 =	simm.s32 $0x480;
	[sflag:s11] =	ssyncadd.s32 $0xFFFFFFB0  }
0x75: {  	[spmem:s24] =	stream.indirect.scatter.add.f32 [tilespmem:s1], [sflag:$0x16], $0x80, s3, s20, $0xb8;
	[tilespmem:$0x1E080] =	vst v63  }
0x76: {  	_ =	swait.ge [sflag:s16], $0x2800  }
0x77: {  	[sflag:s16] =	ssyncset.done $0x0  }
0x78: {  	s0 =	sadd.s32 $0x280, s9;
	s19 =	simm.s32 $0x16;
	[sflag:s16] =	ssyncadd.s32 $0xFFFFD800  }
0x79: {  	s11 =	sadd.s32 s8, s0;
	_ =	swait.ge [sflag:s19], $0x2800  }
0x7a: {  	s0 =	sadd.s32 s15, s0;
	s11 =	sshrl.u32 s11, $0x3;
	[sflag:s19] =	ssyncset.done $0x0  }
0x7b: {  	s0 =	sshrl.u32 s0, $0x3;
	s11 =	sadd.s32 s6, s11;
	[sflag:s19] =	ssyncadd.s32 $0xFFFFD800  }
0x7c: {  	[tilespmem:s22], [sflag:$0x1] =	stream.linear.gather [hbm4b:s11+s22], $0x50, $0x38;
	[tilespmem:$0x1E080] =	vst v63  }
0x7d: {  	s0 =	sadd.s32 s7, s0  }
0x7e: {  	[tilespmem:s12], [sflag:$0x9] =	stream.linear.gather [hbm4b:s0+s22], $0x50, $0x38;
	[tilespmem:$0x1E080] =	vst v63  }
0x7f: {  	_ =	swait.ge [sflag:s21], $0x50  }
0x80: {  	[sflag:s21] =	ssyncset.done $0x0  }
0x81: {  	s12 =	simm.s32 $0xB;
	[sflag:s21] =	ssyncadd.s32 $0xFFFFFFB0  }
0x82: {  	[tilespmem:s1], [sflag:$0x12] =	stream.indirect.gather [hbm4b:s5+s20], $0x80, s13, s20, $0xb8;
	[tilespmem:$0x1E080] =	vst v63  }
0x83: {  	_ =	swait.ge [sflag:s12], $0x50  }
0x84: {  	[sflag:s12] =	ssyncset.done $0x0  }
0x85: {  	s21 =	simm.s32 $0x14;
	[sflag:s12] =	ssyncadd.s32 $0xFFFFFFB0  }
0x86: {  	[spmem:s24] =	stream.indirect.scatter.add.f32 [tilespmem:s18], [sflag:$0x15], $0x80, s14, s20, $0xb8;
	[tilespmem:$0x1E080] =	vst v63  }
0x87: {  	_ =	swait.ge [sflag:s21], $0x2800  }
0x88: {  	[sflag:s21] =	ssyncset.done $0x0  }
0x89: {  	s13 =	sadd.s32 $0x2D0, s9;
	[sflag:s21] =	ssyncadd.s32 $0xFFFFD800  }
0x8a: {  	s1 =	simm.s32 $0x80;
	s14 =	sadd.s32 s8, s13;
	_ =	swait.ge [sflag:s4], $0x2800  }
0x8b: {  	s0 =	sadd.s32 s15, s13;
	s11 =	sshrl.u32 s14, $0x3;
	[sflag:s4] =	ssyncset.done $0x0  }
0x8c: {  	s0 =	sshrl.u32 s0, $0x3;
	s11 =	sadd.s32 s6, s11;
	[sflag:s4] =	ssyncadd.s32 $0xFFFFD800  }
0x8d: {  	[tilespmem:s1], [sflag:$0x2] =	stream.linear.gather [hbm4b:s11+s22], $0x50, $0x38;
	[tilespmem:$0x1E080] =	vst v63  }
0x8e: {  	s0 =	sadd.s32 s7, s0;
	s13 =	simm.s32 $0x7  }
0x8f: {  	[tilespmem:s3], [sflag:$0xA] =	stream.linear.gather [hbm4b:s0+s22], $0x50, $0x38;
	[tilespmem:$0x1E080] =	vst v63  }
0x90: {  	_ =	swait.ge [sflag:s13], $0x50  }
0x91: {  	[sflag:s13] =	ssyncset.done $0x0  }
0x92: {  	s14 =	simm.s32 $0x300;
	s1 =	simm.s32 $0xC;
	[sflag:s13] =	ssyncadd.s32 $0xFFFFFFB0  }
0x93: {  	[tilespmem:s18], [sflag:$0x13] =	stream.indirect.gather [hbm4b:s5+s20], $0x80, s14, s20, $0xb8;
	[tilespmem:$0x1E080] =	vst v63  }
0x94: {  	_ =	swait.ge [sflag:s1], $0x50  }
0x95: {  	[sflag:s1] =	ssyncset.done $0x0  }
0x96: {  	s3 =	simm.s32 $0x8000;
	[sflag:s1] =	ssyncadd.s32 $0xFFFFFFB0  }
0x97: {  	[spmem:s24] =	stream.indirect.scatter.add.f32 [tilespmem:s3], [sflag:$0x16], $0x80, s23, s20, $0xb8;
	[tilespmem:$0x1E080] =	vst v63  }
0x98: {  	p1 =	por $0x0, $0x0;
	_ =	swait.ge [sflag:s29], $0x2800  }
0x99: {  	s0 =	sadd.s32 @!p1 $0x320, s9;
	[sflag:s29] =	ssyncset.done $0x0  }
0x9a: {  	s11 =	sadd.s32 @!p1 s8, s0;
	[sflag:s29] =	ssyncadd.s32 $0xFFFFD800  }
0x9b: {  	s0 =	sadd.s32 @!p1 s15, s0;
	s11 =	sshrl.u32 @!p1 s11, $0x3;
	_ =	swait.ge [sflag:s19], $0x2800  }
0x9c: {  	s12 =	sshrl.u32 @!p1 s0, $0x3;
	s0 =	simm.s32 @!p1 $0x100;
	[sflag:s19] =	ssyncset.done $0x0  }
0x9d: {  	s13 =	sadd.s32 @!p1 s6, s11;
	s11 =	simm.s32 @!p1 $0x0;
	[sflag:s19] =	ssyncadd.s32 $0xFFFFD800  }
0x9e: {  	[tilespmem:s0], [sflag:$0x3] =	stream.linear.gather @!p1 [hbm4b:s13+s11], $0x50, $0x38;
	[tilespmem:$0x1E080] =	vst v63  }
0x9f: {  	s12 =	sadd.s32 @!p1 s7, s12;
	s14 =	simm.s32 $0x8;
	s13 =	simm.s32 @!p1 $0x500  }
0xa0: {  	[tilespmem:s13], [sflag:$0xB] =	stream.linear.gather @!p1 [hbm4b:s12+s11], $0x50, $0x38;
	[tilespmem:$0x1E080] =	vst v63  }
0xa1: {  	_ =	swait.ge [sflag:s14], $0x50  }
0xa2: {  	[sflag:s14] =	ssyncset.done $0x0  }
0xa3: {  	s23 =	simm.s32 $0xD;
	[sflag:s14] =	ssyncadd.s32 $0xFFFFFFB0  }
0xa4: {  	[tilespmem:s3], [sflag:$0x14] =	stream.indirect.gather [hbm4b:s5+s20], $0x80, s31, s20, $0xb8;
	[tilespmem:$0x1E080] =	vst v63  }
0xa5: {  	_ =	swait.ge [sflag:s23], $0x50  }
0xa6: {  	[sflag:s23] =	ssyncset.done $0x0  }
0xa7: {  	[sflag:s23] =	ssyncadd.s32 $0xFFFFFFB0  }
0xa8: {  	[spmem:s24] =	stream.indirect.scatter.add.f32 [tilespmem:s26], [sflag:$0x15], $0x80, s28, s20, $0xb8;
	[tilespmem:$0x1E080] =	vst v63  }
0xa9: {  	_ =	swait.ge [sflag:s2], $0x2800  }
0xaa: {  	[sflag:s2] =	ssyncset.done $0x0  }
0xab: {  	s12 =	sadd.s32 @!p1 $0x370, s9;
	[sflag:s2] =	ssyncadd.s32 $0xFFFFD800  }
0xac: {  	s13 =	sadd.s32 @!p1 s8, s12;
	s12 =	sadd.s32 @!p1 s15, s12;
	_ =	swait.ge [sflag:s4], $0x2800  }
0xad: {  	s13 =	sshrl.u32 @!p1 s13, $0x3;
	s12 =	sshrl.u32 @!p1 s12, $0x3;
	[sflag:s4] =	ssyncset.done $0x0  }
0xae: {  	s13 =	sadd.s32 @!p1 s6, s13;
	s14 =	simm.s32 @!p1 $0x180;
	[sflag:s4] =	ssyncadd.s32 $0xFFFFD800  }
0xaf: {  	[tilespmem:s14], [sflag:$0x4] =	stream.linear.gather @!p1 [hbm4b:s13+s11], $0x50, $0x38;
	[tilespmem:$0x1E080] =	vst v63  }
0xb0: {  	s12 =	sadd.s32 @!p1 s7, s12;
	s13 =	simm.s32 @!p1 $0x580  }
0xb1: {  	[tilespmem:s13], [sflag:$0xC] =	stream.linear.gather @!p1 [hbm4b:s12+s11], $0x50, $0x38;
	[tilespmem:$0x1E080] =	vst v63  }
0xb2: {  	_ =	swait.ge [sflag:s10], $0x50  }
0xb3: {  	[sflag:s10] =	ssyncset.done $0x0  }
0xb4: {  	[sflag:s10] =	ssyncadd.s32 $0xFFFFFFB0  }
0xb5: {  	[tilespmem:s26], [sflag:$0x11] =	stream.indirect.gather [hbm4b:s5+s20], $0x80, s22, s20, $0xb8;
	[tilespmem:$0x1E080] =	vst v63  }
0xb6: {  	s26 =	simm.s32 $0xE  }
0xb7: {  	_ =	swait.ge [sflag:s26], $0x50  }
0xb8: {  	[sflag:s26] =	ssyncset.done $0x0  }
0xb9: {  	s28 =	simm.s32 $0x3000;
	[sflag:s26] =	ssyncadd.s32 $0xFFFFFFB0  }
0xba: {  	[spmem:s24] =	stream.indirect.scatter.add.f32 [tilespmem:s28], [sflag:$0x16], $0x80, s30, s20, $0xb8;
	[tilespmem:$0x1E080] =	vst v63  }
0xbb: {  	_ =	swait.ge [sflag:s16], $0x2800  }
0xbc: {  	[sflag:s16] =	ssyncset.done $0x0  }
0xbd: {  	s12 =	sadd.s32 @!p1 $0x3C0, s9;
	[sflag:s16] =	ssyncadd.s32 $0xFFFFD800  }
0xbe: {  	s14 =	simm.s32 @!p1 $0x200;
	s13 =	sadd.s32 @!p1 s8, s12;
	_ =	swait.ge [sflag:s19], $0x2800  }
0xbf: {  	s12 =	sadd.s32 @!p1 s15, s12;
	s13 =	sshrl.u32 @!p1 s13, $0x3;
	[sflag:s19] =	ssyncset.done $0x0  }
0xc0: {  	s12 =	sshrl.u32 @!p1 s12, $0x3;
	s13 =	sadd.s32 @!p1 s6, s13;
	[sflag:s19] =	ssyncadd.s32 $0xFFFFD800  }
0xc1: {  	[tilespmem:s14], [sflag:$0x5] =	stream.linear.gather @!p1 [hbm4b:s13+s11], $0x50, $0x38;
	[tilespmem:$0x1E080] =	vst v63  }
0xc2: {  	s12 =	sadd.s32 @!p1 s7, s12;
	s13 =	simm.s32 @!p1 $0x600  }
0xc3: {  	[tilespmem:s13], [sflag:$0xD] =	stream.linear.gather @!p1 [hbm4b:s12+s11], $0x50, $0x38;
	[tilespmem:$0x1E080] =	vst v63  }
0xc4: {  	_ =	swait.ge [sflag:s25], $0x50  }
0xc5: {  	[sflag:s25] =	ssyncset.done $0x0  }
0xc6: {  	s29 =	simm.s32 $0x80;
	s30 =	simm.s32 $0xF;
	[sflag:s25] =	ssyncadd.s32 $0xFFFFFFB0  }
0xc7: {  	[tilespmem:s28], [sflag:$0x12] =	stream.indirect.gather [hbm4b:s5+s20], $0x80, s29, s20, $0xb8;
	[tilespmem:$0x1E080] =	vst v63  }
0xc8: {  	_ =	swait.ge [sflag:s30], $0x50  }
0xc9: {  	[sflag:s30] =	ssyncset.done $0x0  }
0xca: {  	s14 =	simm.s32 $0x700;
	[sflag:s30] =	ssyncadd.s32 $0xFFFFFFB0  }
0xcb: {  	[spmem:s24] =	stream.indirect.scatter.add.f32 [tilespmem:s18], [sflag:$0x15], $0x80, s14, s20, $0xb8;
	[tilespmem:$0x1E080] =	vst v63  }
0xcc: {  	_ =	swait.ge [sflag:s21], $0x2800  }
0xcd: {  	[sflag:s21] =	ssyncset.done $0x0  }
0xce: {  	s9 =	sadd.s32 @!p1 $0x410, s9;
	[sflag:s21] =	ssyncadd.s32 $0xFFFFD800  }
0xcf: {  	s12 =	sadd.s32 @!p1 s8, s9;
	s13 =	simm.s32 @!p1 $0x280;
	_ =	swait.ge [sflag:s4], $0x2800  }
0xd0: {  	s9 =	sadd.s32 @!p1 s15, s9;
	s12 =	sshrl.u32 @!p1 s12, $0x3;
	[sflag:s4] =	ssyncset.done $0x0  }
0xd1: {  	s9 =	sshrl.u32 @!p1 s9, $0x3;
	s12 =	sadd.s32 @!p1 s6, s12;
	[sflag:s4] =	ssyncadd.s32 $0xFFFFD800  }
0xd2: {  	[tilespmem:s13], [sflag:$0x6] =	stream.linear.gather @!p1 [hbm4b:s12+s11], $0x50, $0x38;
	[tilespmem:$0x1E080] =	vst v63  }
0xd3: {  	s9 =	sadd.s32 @!p1 s7, s9;
	s12 =	simm.s32 @!p1 $0x680  }
0xd4: {  	[tilespmem:s12], [sflag:$0xE] =	stream.linear.gather @!p1 [hbm4b:s9+s11], $0x50, $0x38;
	[tilespmem:$0x1E080] =	vst v63  }
0xd5: {  	s9 =	simm.s32 @!p1 $0x3  }
0xd6: {  	_ =	swait.ge @!p1 [sflag:s9], $0x50  }
0xd7: {  	s31 =	simm.s32 $0x10;
	[sflag:s9] =	ssyncset.done @!p1 $0x0  }
0xd8: {  	s11 =	simm.s32 @!p1 $0x5800;
	[sflag:s9] =	ssyncadd.s32 @!p1 $0xFFFFFFB0;
	s9 =	simm.s32 @!p1 $0x50  }
0xd9: {  	[tilespmem:s11], [sflag:$0x13] =	stream.indirect.gather @!p1 [hbm4b:s5+s9], $0x80, s0, s9, $0xb8;
	[tilespmem:$0x1E080] =	vst v63  }
0xda: {  	_ =	swait.ge [sflag:s31], $0x50  }
0xdb: {  	[sflag:s31] =	ssyncset.done $0x0  }
0xdc: {  	s25 =	simm.s32 $0x280;
	[sflag:s31] =	ssyncadd.s32 $0xFFFFFFB0  }
.LBB2_2:
0xdd: {  	s0 =	simm.s32 $0x8000  }
0xde: {  	s3 =	rddreg [dreg:$0x1];
	s18 =	simm.s32 $0x780;
	s26 =	simm.s32 $0x11  }
0xdf: {  	[spmem:s3] =	stream.indirect.scatter.add.f32 [tilespmem:s0], [sflag:$0x16], $0x80, s18, s20, $0xb8;
	[tilespmem:$0x1E080] =	vst v63  }
0xe0: {  	p2 =	seq.s32 s25, $0x0;
	s9 =	smov.u32 s25;
	_ =	swait.ge [sflag:s26], $0x2800  }
0xe1: {  	s31 =	simm.s32 $0x300;
	s0 =	sadd.s32 @!p2 $0x1E0, s25;
	[sflag:s26] =	ssyncset.done $0x0  }
0xe2: {  	s11 =	simm.s32 @!p2 $0x16;
	s0 =	simm.s32 @p2 $0x1E0;
	[sflag:s26] =	ssyncadd.s32 $0xFFFFD800  }
0xe3: {  	s22 =	simm.s32 $0x0;
	s12 =	sadd.s32 s8, s0;
	_ =	swait.ge @!p2 [sflag:s11], $0x2800  }
0xe4: {  	s0 =	sadd.s32 s15, s0;
	s12 =	sshrl.u32 s12, $0x3;
	[sflag:s11] =	ssyncset.done @!p2 $0x0  }
0xe5: {  	s0 =	sshrl.u32 s0, $0x3;
	s16 =	sadd.s32 s6, s12;
	[sflag:s11] =	ssyncadd.s32 @!p2 $0xFFFFD800  }
0xe6: {  	[tilespmem:s31], [sflag:$0x7] =	stream.linear.gather [hbm4b:s16+s22], $0x50, $0x38;
	[tilespmem:$0x1E080] =	vst v63  }
0xe7: {  	s1 =	simm.s32 $0x4;
	s9 =	simm.s32 @p2 $0x0;
	s0 =	sadd.s32 s7, s0  }
0xe8: {  	[tilespmem:s14], [sflag:$0xF] =	stream.linear.gather [hbm4b:s0+s22], $0x50, $0x38;
	[tilespmem:$0x1E080] =	vst v63  }
0xe9: {  	s2 =	simm.s32 $0x8000;
	s19 =	sadd.s32 $0x230, s9;
	_ =	swait.ge [sflag:s1], $0x50  }
0xea: {  	s24 =	sadd.s32 $0x280, s9;
	s29 =	sadd.s32 $0x2D0, s9;
	[sflag:s1] =	ssyncset.done $0x0  }
0xeb: {  	s21 =	sadd.s32 s8, s19;
	s10 =	sadd.s32 s15, s29;
	[sflag:s1] =	ssyncadd.s32 $0xFFFFFFB0  }
0xec: {  	[tilespmem:s2], [sflag:$0x14] =	stream.indirect.gather [hbm4b:s5+s20], $0x80, s17, s20, $0xb8;
	[tilespmem:$0x1E080] =	vst v63  }
0xed: {  	s4 =	sadd.s32 s8, s29;
	s29 =	sshrl.u32 s10, $0x3;
	s2 =	simm.s32 $0x9  }
0xee: {  	s10 =	simm.s32 $0x800;
	s1 =	sadd.s32 s8, s24;
	_ =	swait.ge [sflag:s2], $0x50  }
0xef: {  	s12 =	sadd.s32 s15, s19;
	s19 =	sshrl.u32 s1, $0x3;
	[sflag:s2] =	ssyncset.done $0x0  }
0xf0: {  	s1 =	simm.s32 $0x400;
	[sflag:s2] =	ssyncadd.s32 $0xFFFFFFB0;
	s2 =	simm.s32 $0x12  }
0xf1: {  	[spmem:s3] =	stream.indirect.scatter.add.f32 [tilespmem:s10], [sflag:$0x15], $0x80, s1, s20, $0xb8;
	[tilespmem:$0x1E080] =	vst v63  }
0xf2: {  	p1 =	seq.s32 s25, $0x4B00;
	s13 =	sshrl.u32 s21, $0x3;
	_ =	swait.ge [sflag:s2], $0x2800  }
0xf3: {  	s21 =	simm.s32 $0x5;
	s13 =	sadd.s32 s6, s13;
	[sflag:s2] =	ssyncset.done $0x0  }
0xf4: {  	s11 =	sshrl.u32 s4, $0x3;
	s4 =	simm.s32 $0x15;
	[sflag:s2] =	ssyncadd.s32 $0xFFFFD800  }
0xf5: {  	s23 =	sshrl.u32 s12, $0x3;
	s0 =	sadd.s32 s15, s24;
	_ =	swait.ge [sflag:s4], $0x2800  }
0xf6: {  	s12 =	sshrl.u32 s0, $0x3;
	s0 =	sadd.s32 @!p1 $0x320, s9;
	[sflag:s4] =	ssyncset.done $0x0  }
0xf7: {  	s16 =	simm.s32 $0x380;
	s24 =	sadd.s32 @!p1 s8, s0;
	[sflag:s4] =	ssyncadd.s32 $0xFFFFD800  }
0xf8: {  	[tilespmem:s16], [sflag:$0x8] =	stream.linear.gather [hbm4b:s13+s22], $0x50, $0x38;
	[tilespmem:$0x1E080] =	vst v63  }
0xf9: {  	s17 =	sadd.s32 @!p1 $0x370, s9;
	s24 =	sshrl.u32 @!p1 s24, $0x3;
	s16 =	sadd.s32 s7, s23  }
0xfa: {  	[tilespmem:s18], [sflag:$0x10] =	stream.linear.gather [hbm4b:s16+s22], $0x50, $0x38;
	[tilespmem:$0x1E080] =	vst v63  }
0xfb: {  	s28 =	sadd.s32 @!p1 s6, s24;
	s24 =	sadd.s32 @!p1 s8, s17;
	_ =	swait.ge [sflag:s21], $0x50  }
0xfc: {  	s30 =	sadd.s32 @!p1 s15, s17;
	s17 =	sshrl.u32 @!p1 s24, $0x3;
	[sflag:s21] =	ssyncset.done $0x0  }
0xfd: {  	s24 =	simm.s32 $0xA;
	s23 =	simm.s32 $0x200;
	[sflag:s21] =	ssyncadd.s32 $0xFFFFFFB0  }
0xfe: {  	[tilespmem:s10], [sflag:$0x11] =	stream.indirect.gather [hbm4b:s5+s20], $0x80, s23, s20, $0xb8;
	[tilespmem:$0x1E080] =	vst v63  }
0xff: {  	s13 =	sadd.s32 @!p1 $0x3C0, s9;
	s9 =	sadd.s32 @!p1 $0x410, s9;
	_ =	swait.ge [sflag:s24], $0x50  }
0x100: {  	s18 =	simm.s32 $0x3000;
	s16 =	simm.s32 $0x13;
	[sflag:s24] =	ssyncset.done $0x0  }
0x101: {  	s23 =	simm.s32 $0x480;
	[sflag:s24] =	ssyncadd.s32 $0xFFFFFFB0;
	s24 =	sadd.s32 @!p1 s8, s9  }
0x102: {  	[spmem:s3] =	stream.indirect.scatter.add.f32 [tilespmem:s18], [sflag:$0x16], $0x80, s23, s20, $0xb8;
	[tilespmem:$0x1E080] =	vst v63  }
0x103: {  	s24 =	sshrl.u32 @!p1 s24, $0x3;
	_ =	swait.ge [sflag:s16], $0x2800  }
0x104: {  	s21 =	sadd.s32 @!p1 s6, s24;
	[sflag:s16] =	ssyncset.done $0x0  }
0x105: {  	[dreg:$0x3] =	wrdreg s21;
	s21 =	simm.s32 $0x16;
	[sflag:s16] =	ssyncadd.s32 $0xFFFFD800  }
0x106: {  	_ =	swait.ge [sflag:s21], $0x2800  }
0x107: {  	[sflag:s21] =	ssyncset.done $0x0  }
0x108: {  	s19 =	sadd.s32 s6, s19;
	[sflag:s21] =	ssyncadd.s32 $0xFFFFD800  }
0x109: {  	[tilespmem:s22], [sflag:$0x1] =	stream.linear.gather [hbm4b:s19+s22], $0x50, $0x38;
	[tilespmem:$0x1E080] =	vst v63  }
0x10a: {  	s12 =	sadd.s32 s7, s12  }
0x10b: {  	[tilespmem:s1], [sflag:$0x9] =	stream.linear.gather [hbm4b:s12+s22], $0x50, $0x38;
	[tilespmem:$0x1E080] =	vst v63  }
0x10c: {  	s12 =	simm.s32 $0x6  }
0x10d: {  	_ =	swait.ge [sflag:s12], $0x50  }
0x10e: {  	[sflag:s12] =	ssyncset.done $0x0  }
0x10f: {  	s19 =	simm.s32 $0x280;
	s1 =	simm.s32 $0xB;
	[sflag:s12] =	ssyncadd.s32 $0xFFFFFFB0  }
0x110: {  	[tilespmem:s18], [sflag:$0x12] =	stream.indirect.gather [hbm4b:s5+s20], $0x80, s19, s20, $0xb8;
	[tilespmem:$0x1E080] =	vst v63  }
0x111: {  	_ =	swait.ge [sflag:s1], $0x50  }
0x112: {  	[sflag:s1] =	ssyncset.done $0x0  }
0x113: {  	s19 =	simm.s32 $0x500;
	[sflag:s1] =	ssyncadd.s32 $0xFFFFFFB0;
	s1 =	simm.s32 $0x5800  }
0x114: {  	[spmem:s3] =	stream.indirect.scatter.add.f32 [tilespmem:s1], [sflag:$0x15], $0x80, s19, s20, $0xb8;
	[tilespmem:$0x1E080] =	vst v63  }
0x115: {  	s19 =	simm.s32 $0x14  }
0x116: {  	_ =	swait.ge [sflag:s19], $0x2800  }
0x117: {  	[sflag:s19] =	ssyncset.done $0x0  }
0x118: {  	[sflag:s19] =	ssyncadd.s32 $0xFFFFD800  }
0x119: {  	_ =	swait.ge [sflag:s4], $0x2800  }
0x11a: {  	[sflag:s4] =	ssyncset.done $0x0  }
0x11b: {  	s11 =	sadd.s32 s6, s11;
	s24 =	simm.s32 $0x80;
	[sflag:s4] =	ssyncadd.s32 $0xFFFFD800  }
0x11c: {  	[tilespmem:s24], [sflag:$0x2] =	stream.linear.gather [hbm4b:s11+s22], $0x50, $0x38;
	[tilespmem:$0x1E080] =	vst v63  }
0x11d: {  	s29 =	sadd.s32 s7, s29;
	s12 =	simm.s32 $0x7  }
0x11e: {  	[tilespmem:s23], [sflag:$0xA] =	stream.linear.gather [hbm4b:s29+s22], $0x50, $0x38;
	[tilespmem:$0x1E080] =	vst v63  }
0x11f: {  	_ =	swait.ge [sflag:s12], $0x50  }
0x120: {  	[sflag:s12] =	ssyncset.done $0x0  }
0x121: {  	s24 =	simm.s32 $0xC;
	[sflag:s12] =	ssyncadd.s32 $0xFFFFFFB0  }
0x122: {  	[tilespmem:s1], [sflag:$0x13] =	stream.indirect.gather [hbm4b:s5+s20], $0x80, s31, s20, $0xb8;
	[tilespmem:$0x1E080] =	vst v63  }
0x123: {  	_ =	swait.ge [sflag:s24], $0x50  }
0x124: {  	[sflag:s24] =	ssyncset.done $0x0  }
0x125: {  	s23 =	simm.s32 $0x580;
	[sflag:s24] =	ssyncadd.s32 $0xFFFFFFB0;
	s24 =	simm.s32 $0x8000  }
0x126: {  	[spmem:s3] =	stream.indirect.scatter.add.f32 [tilespmem:s24], [sflag:$0x16], $0x80, s23, s20, $0xb8;
	[tilespmem:$0x1E080] =	vst v63  }
0x127: {  	_ =	swait.ge [sflag:s26], $0x2800  }
0x128: {  	[sflag:s26] =	ssyncset.done $0x0  }
0x129: {  	[sflag:s26] =	ssyncadd.s32 $0xFFFFD800  }
0x12a: {  	s0 =	sadd.s32 @!p1 s15, s0;
	_ =	swait.ge [sflag:s21], $0x2800  }
0x12b: {  	s0 =	sshrl.u32 @!p1 s0, $0x3;
	[sflag:s21] =	ssyncset.done $0x0  }
0x12c: {  	s11 =	simm.s32 @!p1 $0x0;
	s29 =	simm.s32 @!p1 $0x100;
	[sflag:s21] =	ssyncadd.s32 $0xFFFFD800  }
0x12d: {  	[tilespmem:s29], [sflag:$0x3] =	stream.linear.gather @!p1 [hbm4b:s28+s11], $0x50, $0x38;
	[tilespmem:$0x1E080] =	vst v63  }
0x12e: {  	s0 =	sadd.s32 @!p1 s7, s0;
	s12 =	simm.s32 @!p1 $0x500;
	s26 =	simm.s32 $0x8  }
0x12f: {  	[tilespmem:s12], [sflag:$0xB] =	stream.linear.gather @!p1 [hbm4b:s0+s11], $0x50, $0x38;
	[tilespmem:$0x1E080] =	vst v63  }
0x130: {  	_ =	swait.ge [sflag:s26], $0x50  }
0x131: {  	[sflag:s26] =	ssyncset.done $0x0  }
0x132: {  	s12 =	simm.s32 $0x380;
	[sflag:s26] =	ssyncadd.s32 $0xFFFFFFB0;
	s26 =	simm.s32 $0xD  }
0x133: {  	[tilespmem:s24], [sflag:$0x14] =	stream.indirect.gather [hbm4b:s5+s20], $0x80, s12, s20, $0xb8;
	[tilespmem:$0x1E080] =	vst v63  }
0x134: {  	_ =	swait.ge [sflag:s26], $0x50  }
0x135: {  	[sflag:s26] =	ssyncset.done $0x0  }
0x136: {  	s28 =	simm.s32 $0x600;
	[sflag:s26] =	ssyncadd.s32 $0xFFFFFFB0  }
0x137: {  	[spmem:s3] =	stream.indirect.scatter.add.f32 [tilespmem:s10], [sflag:$0x15], $0x80, s28, s20, $0xb8;
	[tilespmem:$0x1E080] =	vst v63  }
0x138: {  	_ =	swait.ge [sflag:s2], $0x2800  }
0x139: {  	[sflag:s2] =	ssyncset.done $0x0  }
0x13a: {  	[sflag:s2] =	ssyncadd.s32 $0xFFFFD800  }
0x13b: {  	_ =	swait.ge [sflag:s4], $0x2800  }
0x13c: {  	s14 =	sshrl.u32 @!p1 s30, $0x3;
	[sflag:s4] =	ssyncset.done $0x0  }
0x13d: {  	s17 =	sadd.s32 @!p1 s6, s17;
	s0 =	simm.s32 @!p1 $0x180;
	[sflag:s4] =	ssyncadd.s32 $0xFFFFD800  }
0x13e: {  	[tilespmem:s0], [sflag:$0x4] =	stream.linear.gather @!p1 [hbm4b:s17+s11], $0x50, $0x38;
	[tilespmem:$0x1E080] =	vst v63  }
0x13f: {  	s30 =	sadd.s32 @!p1 s7, s14;
	s2 =	simm.s32 $0x1;
	s0 =	simm.s32 @!p1 $0x580  }
0x140: {  	[tilespmem:s0], [sflag:$0xC] =	stream.linear.gather @!p1 [hbm4b:s30+s11], $0x50, $0x38;
	[tilespmem:$0x1E080] =	vst v63  }
0x141: {  	_ =	swait.ge [sflag:s2], $0x50  }
0x142: {  	[sflag:s2] =	ssyncset.done $0x0  }
0x143: {  	s12 =	simm.s32 $0xE;
	[sflag:s2] =	ssyncadd.s32 $0xFFFFFFB0  }
0x144: {  	[tilespmem:s10], [sflag:$0x11] =	stream.indirect.gather [hbm4b:s5+s20], $0x80, s22, s20, $0xb8;
	[tilespmem:$0x1E080] =	vst v63  }
0x145: {  	_ =	swait.ge [sflag:s12], $0x50  }
0x146: {  	[sflag:s12] =	ssyncset.done $0x0  }
0x147: {  	s30 =	simm.s32 $0x680;
	[sflag:s12] =	ssyncadd.s32 $0xFFFFFFB0  }
0x148: {  	[spmem:s3] =	stream.indirect.scatter.add.f32 [tilespmem:s18], [sflag:$0x16], $0x80, s30, s20, $0xb8;
	[tilespmem:$0x1E080] =	vst v63  }
0x149: {  	_ =	swait.ge [sflag:s16], $0x2800  }
0x14a: {  	[sflag:s16] =	ssyncset.done $0x0  }
0x14b: {  	[sflag:s16] =	ssyncadd.s32 $0xFFFFD800  }
0x14c: {  	s14 =	sadd.s32 @!p1 s8, s13;
	s13 =	sadd.s32 @!p1 s15, s13;
	_ =	swait.ge [sflag:s21], $0x2800  }
0x14d: {  	s14 =	sshrl.u32 @!p1 s14, $0x3;
	s13 =	sshrl.u32 @!p1 s13, $0x3;
	[sflag:s21] =	ssyncset.done $0x0  }
0x14e: {  	s14 =	sadd.s32 @!p1 s6, s14;
	s0 =	simm.s32 @!p1 $0x200;
	[sflag:s21] =	ssyncadd.s32 $0xFFFFD800  }
0x14f: {  	[tilespmem:s0], [sflag:$0x5] =	stream.linear.gather @!p1 [hbm4b:s14+s11], $0x50, $0x38;
	[tilespmem:$0x1E080] =	vst v63  }
0x150: {  	s13 =	sadd.s32 @!p1 s7, s13;
	s21 =	simm.s32 $0x2;
	s0 =	simm.s32 @!p1 $0x600  }
0x151: {  	[tilespmem:s0], [sflag:$0xD] =	stream.linear.gather @!p1 [hbm4b:s13+s11], $0x50, $0x38;
	[tilespmem:$0x1E080] =	vst v63  }
0x152: {  	_ =	swait.ge [sflag:s21], $0x50  }
0x153: {  	[sflag:s21] =	ssyncset.done $0x0  }
0x154: {  	s24 =	simm.s32 $0xF;
	s22 =	simm.s32 $0x80;
	[sflag:s21] =	ssyncadd.s32 $0xFFFFFFB0  }
0x155: {  	[tilespmem:s18], [sflag:$0x12] =	stream.indirect.gather [hbm4b:s5+s20], $0x80, s22, s20, $0xb8;
	[tilespmem:$0x1E080] =	vst v63  }
0x156: {  	_ =	swait.ge [sflag:s24], $0x50  }
0x157: {  	[sflag:s24] =	ssyncset.done $0x0  }
0x158: {  	s14 =	simm.s32 $0x700;
	[sflag:s24] =	ssyncadd.s32 $0xFFFFFFB0  }
0x159: {  	[spmem:s3] =	stream.indirect.scatter.add.f32 [tilespmem:s1], [sflag:$0x15], $0x80, s14, s20, $0xb8;
	[tilespmem:$0x1E080] =	vst v63  }
0x15a: {  	_ =	swait.ge [sflag:s19], $0x2800  }
0x15b: {  	[sflag:s19] =	ssyncset.done $0x0  }
0x15c: {  	[sflag:s19] =	ssyncadd.s32 $0xFFFFD800  }
0x15d: {  	s9 =	sadd.s32 @!p1 s15, s9;
	_ =	swait.ge [sflag:s4], $0x2800  }
0x15e: {  	s9 =	sshrl.u32 @!p1 s9, $0x3;
	[sflag:s4] =	ssyncset.done $0x0  }
0x15f: {  	s0 =	simm.s32 @!p1 $0x280;
	s1 =	rddreg [dreg:$0x3];
	[sflag:s4] =	ssyncadd.s32 $0xFFFFD800  }
0x160: {  	[tilespmem:s0], [sflag:$0x6] =	stream.linear.gather @!p1 [hbm4b:s1+s11], $0x50, $0x38;
	[tilespmem:$0x1E080] =	vst v63  }
0x161: {  	s9 =	sadd.s32 @!p1 s7, s9;
	s12 =	simm.s32 @!p1 $0x3;
	s0 =	simm.s32 @!p1 $0x680  }
0x162: {  	[tilespmem:s0], [sflag:$0xE] =	stream.linear.gather @!p1 [hbm4b:s9+s11], $0x50, $0x38;
	[tilespmem:$0x1E080] =	vst v63  }
0x163: {  	s25 =	sadd.s32 $0x280, s25;
	_ =	swait.ge @!p1 [sflag:s12], $0x50  }
0x164: {  	p2 =	sne.s32 s25, $0x4D80;
	[sflag:s12] =	ssyncset.done @!p1 $0x0  }
0x165: {  	s0 =	simm.s32 @!p1 $0x5800;
	s9 =	simm.s32 @!p1 $0x50;
	[sflag:s12] =	ssyncadd.s32 @!p1 $0xFFFFFFB0  }
0x166: {  	[tilespmem:s0], [sflag:$0x13] =	stream.indirect.gather @!p1 [hbm4b:s5+s9], $0x80, s29, s9, $0xb8;
	[tilespmem:$0x1E080] =	vst v63  }
.Ltmp0:
0x167: {  	_ = 	snop;
	(pc) =	sbr.rel @p2 .LBB2_2-.Ltmp0, $4  }
0x168: {  	s29 =	simm.s32 $0x10  }
0x169: {  	_ =	swait.ge [sflag:s29], $0x50  }
0x16a: {  	s31 =	simm.s32 $0x8000;
	s26 =	simm.s32 $0x800;
	[sflag:s29] =	ssyncset.done $0x0  }
0x16b: {  	s17 =	simm.s32 $0x180;
	s10 =	simm.s32 $0x3000;
	[sflag:s29] =	ssyncadd.s32 $0xFFFFFFB0  }
0x16c: {  	s2 =	rddreg [dreg:$0x1];
	s0 =	simm.s32 $0x780;
	s14 =	simm.s32 $0x11  }
0x16d: {  	[spmem:s2] =	stream.indirect.scatter.add.f32 [tilespmem:s31], [sflag:$0x16], $0x80, s0, s20, $0xb8;
	[tilespmem:$0x1E080] =	vst v63  }
0x16e: {  	_ =	swait.ge [sflag:s14], $0x2800  }
0x16f: {  	[sflag:s14] =	ssyncset.done $0x0  }
0x170: {  	s3 =	simm.s32 $0x16;
	[sflag:s14] =	ssyncadd.s32 $0xFFFFD800  }
0x171: {  	_ =	swait.ge [sflag:s3], $0x2800  }
0x172: {  	[sflag:s3] =	ssyncset.done $0x0  }
0x173: {  	s16 =	simm.s32 $0x9;
	[sflag:s3] =	ssyncadd.s32 $0xFFFFD800  }
0x174: {  	_ =	swait.ge [sflag:s16], $0x50  }
0x175: {  	[sflag:s16] =	ssyncset.done $0x0  }
0x176: {  	s18 =	simm.s32 $0x400;
	s19 =	simm.s32 $0x12;
	[sflag:s16] =	ssyncadd.s32 $0xFFFFFFB0  }
0x177: {  	[spmem:s2] =	stream.indirect.scatter.add.f32 [tilespmem:s26], [sflag:$0x15], $0x80, s18, s20, $0xb8;
	[tilespmem:$0x1E080] =	vst v63  }
0x178: {  	_ =	swait.ge [sflag:s19], $0x2800  }
0x179: {  	[sflag:s19] =	ssyncset.done $0x0  }
0x17a: {  	s21 =	simm.s32 $0x15;
	[sflag:s19] =	ssyncadd.s32 $0xFFFFD800  }
0x17b: {  	_ =	swait.ge [sflag:s21], $0x2800  }
0x17c: {  	[sflag:s21] =	ssyncset.done $0x0  }
0x17d: {  	s22 =	simm.s32 $0xA;
	[sflag:s21] =	ssyncadd.s32 $0xFFFFD800  }
0x17e: {  	_ =	swait.ge [sflag:s22], $0x50  }
0x17f: {  	[sflag:s22] =	ssyncset.done $0x0  }
0x180: {  	s24 =	simm.s32 $0x480;
	[sflag:s22] =	ssyncadd.s32 $0xFFFFFFB0  }
0x181: {  	[spmem:s2] =	stream.indirect.scatter.add.f32 [tilespmem:s10], [sflag:$0x16], $0x80, s24, s20, $0xb8;
	[tilespmem:$0x1E080] =	vst v63  }
0x182: {  	_ =	swait.ge [sflag:s3], $0x2800  }
0x183: {  	[sflag:s3] =	ssyncset.done $0x0  }
0x184: {  	[sflag:s3] =	ssyncadd.s32 $0xFFFFD800  }
0x185: {  	[bflag:$0x0] =	sbarrier.arrive $0xFFFF  }
0x186: {  	s25 =	rddreg [dreg:$0xe]  }
0x187: {  	s9 =	rddreg [dreg:$0x11]  }
0x188: {  	s1 =	simm.s32 $0x17;
	s26 =	rddreg [dreg:$0x19]  }
0x189: {  	[hbm:s25], [sflag:s9] =	dma.local [spmem:s26], $0x2700  }
0x18a: {  	_ =	swait.ge [sflag:s1], $0x2700  }
0x18b: {  	[sflag:s1] =	ssyncset.done $0x0;
	s0 =	rddreg [dreg:$0x13]  }
0x18c: {  	s2 =	rddreg [dreg:$0x1a];
	[sflag:s1] =	ssyncadd.s32 $0xFFFFD900  }
0x18d: {  	[hbm:s0], [sflag:s9] =	dma.local @!p0 [spmem:s2], $0x100  }
0x18e: {  	s0 =	simm.s32 @!p0 $0x17  }
0x18f: {  	_ =	swait.ge @!p0 [sflag:s0], $0x100  }
0x190: {  	s29 =	rddreg [dreg:$0x18]  }
0x191: {  	s11 =	rddreg [dreg:$0x14];
	s2 =	sadd.s32 $0x1, s29  }
0x192: {  	p1 =	sne.s32 s2, s11  }
.Ltmp1:
0x193: {  	_ = 	snop;
	(pc) =	sbr.rel @p1 .LBB2_1-.Ltmp1, $4  }
0x194: {  	s13 =	simm.s32 $0x280;
	s31 =	simm.s32 $0x380  }
0x195: {  	s14 =	simm.s32 $0x500;
	s18 =	simm.s32 $0x5800;
	s19 =	simm.s32 $0x200  }
0x196: {  	s21 =	simm.s32 $0x6;
	s10 =	simm.s32 $0x1;
	[sflag:s0] =	ssyncset.done @!p0 $0x0  }
0x197: {  	s3 =	simm.s32 $0x0;
	s25 =	simm.s32 $0x2;
	[sflag:s0] =	ssyncadd.s32 @!p0 $0xFFFFFF00  }
0x198: {  	_ =	sfence.sel $0x180000  }
0x199: {  	[bflag:$0x0] =	sbarrier.arrive $0xFFFF  }
0x19a: {  	_ =	strace $0x9000004D  }
0x19b: {  	s0 =	stileid.u32;
	[bflag:$0x2] =	sbarrier.arrive $0xFFFF  }
0x19c: {  	p0 =	sne.s32 s0, $0x0;
	s0 =	rddreg [dreg:$0x2]  }
0x19d: {  	s0 =	sadd.s32 @!p0 $0x100000, s0  }
0x19e: {  	[sflag:s0] =	ssyncadd.tile.s32 @!p0 $0x1;
	_ =	shalt  }
.Lfunc_end2:
_tile_overlayer_lowered:
.L_overlay_start_2:
0x19f: {  	(tag) =	ssettag $0x2  }
0x1a0: {  	s0 =	rddreg [dreg:$0x0];
	s2 =	stileid.u32  }
0x1a1: {  	s1 =	rddreg [dreg:$0x1];
	p0 =	sne.s32 s2, $0x0  }
0x1a2: {  	s3 =	rddreg [dreg:$0x2];
	[bflag:$0x3] =	sbarrier.arrive $0xFFFF;
	s2 =	simm.s32 @!p0 $0x1C17  }
0x1a3: {  	[timem:s3], [sflag:s2] =	dma.local @!p0 [hbm:s0], s1  }
0x1a4: {  	s0 =	simm.s32 @!p0 $0x17  }
0x1a5: {  	_ =	swait.ge @!p0 [sflag:s0], s1  }
0x1a6: {  	s1 =	ssub.s32 @!p0 $0x0, s1;
	[sflag:s0] =	ssyncset.done @!p0 $0x0  }
0x1a7: {  	[sflag:s0] =	ssyncadd.s32 @!p0 s1  }
0x1a8: {  	[bflag:$0x3] =	sbarrier.arrive $0xFFFF  }
0x1a9: {  	_ =	shalt  }

// kernel: kernel.8.cloned.1.call-start
scs
__scs_entry_jumppad:
0x0: {  	(pc) =	sbr.rel $0x88, $3  }
0x1: {  	(tag) =	ssettag $0x0;
	lr =	simm.s32 $0x1  }
0x2: {  	[smem:$0x3F85] =	sst lr;
	_ =	strace $0xD0000000  }
0x3: {  	_ = 	snop  }
0x4: {  	_ = 	snop  }
0x5: {  	_ = 	snop  }
0x6: {  	_ = 	snop  }
0x7: {  	_ = 	snop  }
__scs_overlays_trampoline_lowered:
0x8: {  	[smem:$0x3F94] =	sst s0  }
0x9: {  	[smem:$0x3F95] =	sst s1  }
0xa: {  	[smem:$0x3F96] =	sst s2  }
0xb: {  	[smem:$0x3F97] =	sst s3  }
0xc: {  	[smem:$0x3F98] =	sst s4  }
0xd: {  	[smem:$0x3F99] =	sst s5  }
0xe: {  	[smem:$0x3F9A] =	sst s6  }
0xf: {  	[smem:$0x3F9B] =	sst s7  }
0x10: {  	[smem:$0x3F9C] =	sst s8  }
0x11: {  	[smem:$0x3F9D] =	sst s9;
	s0 =	simm.s32 @!p0 $0x0  }
0x12: {  	s1 =	sld [smem:$0x3F83];
	s0 =	simm.s32 @p0 $0x1  }
0x13: {  	[smem:$0x3F9E] =	sst s0;
	s0 =	simm.s32 @!p1 $0x0  }
0x14: {  	s2 =	sld [smem:$0x3F82];
	s0 =	simm.s32 @p1 $0x1  }
0x15: {  	[smem:$0x3F9F] =	sst s0;
	s0 =	simm.s32 @!p2 $0x0  }
0x16: {  	s3 =	sld [smem:$0x3FDB];
	s0 =	simm.s32 @p2 $0x1  }
0x17: {  	s4 =	simm.s32 $0x1BF5;
	[smem:$0x3FA1] =	sst s0  }
0x18: {  	s0 =	sld [smem:$0x3F84];
	_ =	swait.ge [sflag:s4], $0x0  }
0x19: {  	s7 =	sld [smem:$0x3F85]  }
0x1a: {  	s8 =	sadd.s32 $0xFFFFE003, lr  }
0x1b: {  	s9 =	sadd.s32 $0xFFFFFEF7, lr;
	s5 =	simm.s32 $0xFFFFFFFF;
	p2 =	slt.u32 s8, $0xFFFFF086  }
0x1c: {  	p1 =	slt.u32 s9, $0xF7A;
	s5 =	simm.s32 @!p2 $0x0  }
0x1d: {  	s5 =	simm.s32 @p1 $0x1;
	p0 =	seq.s32 s7, s2  }
0x1e: {  	s7 =	smul.u32 @!p0 $0xF7A, s2;
	p2 =	seq.s32 @!p0 s5, $0x0  }
0x1f: {  	s9 =	smul.u32 $0xF7A, s1;
	s8 =	simm.s32 @!p0 $0x1BF5;
	p2 =	por !p2, p0  }
0x20: {  	[sflag:s8] =	ssyncset.s32 @!p0 $0xFFFFF086;
	s6 =	sadd.s32 @!p0 s3, s7;
	s7 =	simm.s32 @!p0 $0x108  }
0x21: {  	s3 =	sadd.s32 s3, s9;
	s6 =	sadd.s32 @!p0 $0x88, s6;
	s7 =	simm.s32 @p2 $0x1082  }
0x22: {  	[simem:s7], [sflag:s8] =	dma.local @!p0 [hbm:s6], $0xF7A  }
0x23: {  	s9 =	sor.u32 $0xD0000000, s2;
	s6 =	simm.s32 $0x108;
	_ =	swait.ge @!p0 [sflag:s8], $0x0  }
0x24: {  	s3 =	sadd.s32 $0x88, s3;
	s6 =	simm.s32 @!p1 $0x1082;
	[sflag:s4] =	ssyncset.s32 $0xFFFFF086  }
0x25: {  	[simem:s6], [sflag:s4] =	dma.local [hbm:s3], $0xF7A  }
0x26: {  	[smem:$0x3F85] =	sst s1;
	(tag) =	ssettag s2;
	_ =	strace s9  }
0x27: {  	s1 =	sld [smem:$0x3F95]  }
0x28: {  	s2 =	sld [smem:$0x3F96]  }
0x29: {  	s4 =	sld [smem:$0x3F98]  }
0x2a: {  	p0 =	seq.s32 s5, $0x0;
	s5 =	sld [smem:$0x3F99]  }
0x2b: {  	s6 =	sld [smem:$0x3F9A]  }
0x2c: {  	s7 =	sld [smem:$0x3F9B]  }
0x2d: {  	s3 =	simm.s32 $0x108;
	s8 =	sld [smem:$0x3F9C]  }
0x2e: {  	s3 =	simm.s32 @!p0 $0x1082;
	s9 =	sld [smem:$0x3F9D]  }
0x2f: {  	lr =	sadd.s32 s0, s3;
	s0 =	sld [smem:$0x3F94]  }
0x30: {  	s3 =	sld [smem:$0x3F97]  }
0x31: {  	[smem:$0x3FA0] =	sst s10  }
0x32: {  	s10 =	sld [smem:$0x3F9E];
	_ =	sdelay $0x3  }
0x33: {  	p0 =	seq.s32 s10, $0x1;
	s10 =	sld [smem:$0x3FA0];
	_ =	sdelay $0x3  }
0x34: {  	[smem:$0x3FA0] =	sst s10  }
0x35: {  	s10 =	sld [smem:$0x3F9F];
	_ =	sdelay $0x3  }
0x36: {  	p1 =	seq.s32 s10, $0x1;
	s10 =	sld [smem:$0x3FA0];
	_ =	sdelay $0x3  }
0x37: {  	[smem:$0x3FA0] =	sst s10  }
0x38: {  	s10 =	sld [smem:$0x3FA1]  }
0x39: {  	_ = 	snop;
	(pc) =	sbr.ind lr, $3  }
0x3a: {  	_ = 	snop  }
0x3b: {  	_ = 	snop  }
0x3c: {  	p2 =	seq.s32 s10, $0x1;
	s10 =	sld [smem:$0x3FA0]  }
0x3d: {  	_ =	shalt  }
0x3e: {  	_ =	shalt  }
0x3f: {  	_ =	shalt  }
0x40: {  	_ =	shalt  }
0x41: {  	_ =	shalt  }
0x42: {  	_ =	shalt  }
0x43: {  	_ =	shalt  }
0x44: {  	_ =	shalt  }
0x45: {  	_ =	shalt  }
0x46: {  	_ =	shalt  }
0x47: {  	_ =	shalt  }
0x48: {  	_ =	shalt  }
0x49: {  	_ =	shalt  }
0x4a: {  	_ =	shalt  }
0x4b: {  	_ =	shalt  }
0x4c: {  	_ =	shalt  }
0x4d: {  	_ =	shalt  }
0x4e: {  	_ =	shalt  }
0x4f: {  	_ =	shalt  }
0x50: {  	_ =	shalt  }
0x51: {  	_ =	shalt  }
0x52: {  	_ =	shalt  }
0x53: {  	_ =	shalt  }
0x54: {  	_ =	shalt  }
0x55: {  	_ =	shalt  }
0x56: {  	_ =	shalt  }
0x57: {  	_ =	shalt  }
0x58: {  	_ =	shalt  }
0x59: {  	_ =	shalt  }
0x5a: {  	_ =	shalt  }
0x5b: {  	_ =	shalt  }
0x5c: {  	_ =	shalt  }
0x5d: {  	_ =	shalt  }
0x5e: {  	_ =	shalt  }
0x5f: {  	_ =	shalt  }
0x60: {  	_ =	shalt  }
0x61: {  	_ =	shalt  }
0x62: {  	_ =	shalt  }
0x63: {  	_ =	shalt  }
0x64: {  	_ =	shalt  }
0x65: {  	_ =	shalt  }
0x66: {  	_ =	shalt  }
0x67: {  	_ =	shalt  }
0x68: {  	_ =	shalt  }
0x69: {  	_ =	shalt  }
0x6a: {  	_ =	shalt  }
0x6b: {  	_ =	shalt  }
0x6c: {  	_ =	shalt  }
0x6d: {  	_ =	shalt  }
0x6e: {  	_ =	shalt  }
0x6f: {  	_ =	shalt  }
0x70: {  	_ =	shalt  }
0x71: {  	_ =	shalt  }
0x72: {  	_ =	shalt  }
0x73: {  	_ =	shalt  }
0x74: {  	_ =	shalt  }
0x75: {  	_ =	shalt  }
0x76: {  	_ =	shalt  }
0x77: {  	_ =	shalt  }
0x78: {  	_ =	shalt  }
0x79: {  	_ =	shalt  }
0x7a: {  	_ =	shalt  }
0x7b: {  	_ =	shalt  }
0x7c: {  	_ =	shalt  }
0x7d: {  	_ =	shalt  }
0x7e: {  	_ =	shalt  }
0x7f: {  	_ =	shalt  }
0x80: {  	_ =	shalt  }
0x81: {  	_ =	shalt  }
0x82: {  	_ =	shalt  }
0x83: {  	_ =	shalt  }
0x84: {  	_ =	shalt  }
0x85: {  	_ =	shalt  }
0x86: {  	_ =	shalt  }
0x87: {  	_ =	shalt  }
.Lfunc_end0:
.L_simem_size_0:
called_computation_lowered:
.L_overlay_start_0:
0x88: {  	s2 =	sld [smem:$0x3FD9]  }
0x89: {  	s3 =	sld [smem:$0x3FFE];
	_ =	sdelay $0x1  }
0x8a: {  	s1 =	srdreg.scid  }
0x8b: {  	s0 =	sand.u32 $0x1, s1  }
0x8c: {  	s17 =	sshll.u32 s0, $0xA;
	s2 =	sadd.s32 s3, s2  }
0x8d: {  	s2 =	sadd.s32 s2, s17  }
0x8e: {  	[smem:$0x3FAC] =	sst s2  }
0x8f: {  	_ = 	snop  }
0x90: {  	s2 =	sld [smem:$0x3FC9];
	(tm) =	ssettm $0x1  }
0x91: {  	s18 =	sld [smem:$0x3FFB];
	_ =	sdelay $0x3  }
0x92: {  	_ =	strace s18  }
0x93: {  	s3 =	sld [smem:$0x3FFC];
	_ =	sdelay $0x3  }
0x94: {  	_ =	strace s3  }
0x95: {  	s3 =	sld [smem:$0x3FFD];
	_ =	sdelay $0x3  }
0x96: {  	_ =	strace s3  }
0x97: {  	_ =	strace $0x8FFFFFFF  }
0x98: {  	s19 =	sld [smem:$0x3FDB];
	_ =	sdelay $0x1  }
0x99: {  	s4 =	simm.s32 $_scs_section_size  }
0x9a: {  	s5 =	simm.s32 $_size__tile_overlayer_lowered;
	s6 =	simm.s32 $_tile_overlayer_lowered  }
0x9b: {  	s22 =	simm.s32 $0x1BFF;
	s21 =	sshll.u32 s6, $0x1;
	s3 =	sadd.s32 s4, s19  }
0x9c: {  	s7 =	simm.s32 $0x0;
	s20 =	sshll.u32 s5, $0x1;
	s5 =	sadd.s32 s21, s3  }
0x9d: {  	[timem:s7], [sflag:s22] =	dma.local [hbm:s5], s20  }
0x9e: {  	_ =	swait.ge [sflag:s22], s20  }
0x9f: {  	s4 =	ssub.s32 $0x0, s20;
	[sflag:s22] =	ssyncset.done $0x0  }
0xa0: {  	[sflag:s22] =	ssyncadd.s32 s4;
	_ =	sdelay $0x1  }
0xa1: {  	s23 =	simm.s32 $0x1B8B  }
0xa2: {  	_ =	swait.ge [sflag:s23], $0x1  }
0xa3: {  	[sflag:s23] =	ssyncset.done $0x0  }
0xa4: {  	s25 =	simm.s32 $0x1B8E;
	s24 =	sld [smem:$0x3FFE];
	[sflag:s23] =	ssyncadd.s32 $0xFFFFFFFF  }
0xa5: {  	s26 =	simm.s32 $execute0_lowered;
	[smem:$0x3FD2] =	sst s25  }
0xa6: {  	s5 =	sshll.u32 s26, $0x1;
	_ =	strace $0x80000046;
	[dreg:$0x1] =	wrdreg $0xFFFFFFFF  }
0xa7: {  	s28 =	simm.s32 $_size_execute0_lowered;
	s3 =	sadd.s32 s3, s5;
	[dreg:$0x0] =	wrdreg $0x0  }
0xa8: {  	s5 =	sshll.u32 s28, $0x1;
	[dreg:$0x2] =	wrdreg s3  }
0xa9: {  	[dreg:$0x3] =	wrdreg s5  }
0xaa: {  	[dreg:$0x4] =	wrdreg $0xC0  }
0xab: {  	_ =	task [dreg:s7], $0x5FFFF  }
0xac: {  	[dreg:$0x1] =	wrdreg $0xFFFFFFFF  }
0xad: {  	[dreg:$0x0] =	wrdreg $0x60  }
0xae: {  	[dreg:$0x2] =	wrdreg s2  }
0xaf: {  	[dreg:$0x3] =	wrdreg s24  }
0xb0: {  	[dreg:$0x4] =	wrdreg $0xA8000  }
0xb1: {  	[dreg:$0x5] =	wrdreg $0x9  }
0xb2: {  	_ =	task.clear_ibuf [dreg:s7], $0x6FFFF;
	_ =	strace $0x90000046  }
0xb3: {  	s29 =	simm.s32 $0x9;
	_ =	strace $0x80000048  }
0xb4: {  	_ =	swait.ge [sflag:s29], $0x1  }
0xb5: {  	[sflag:s29] =	ssyncadd.s32 $0xFFFFFFFF  }
0xb6: {  	_ =	strace $0x90000048  }
0xb7: {  	_ =	sfence  }
0xb8: {  	s30 =	sld [smem:$0x0];
	_ =	sdelay $0x2  }
0xb9: {  	s31 =	sshll.u32 s1, $0xD;
	s1 =	sshrl.u32 s1, $0x2  }
0xba: {  	s3 =	sand.u32 $0x4000, s31;
	s1 =	sadd.s32 s1, s30  }
0xbb: {  	s0 =	sor.u32 s3, s0;
	s1 =	sshll.u32 s1, $0x11  }
0xbc: {  	s0 =	sor.u32 s1, s0  }
0xbd: {  	s0 =	sadd.s32 $0x8F2B, s0  }
0xbe: {  	[sflag:s0] =	ssyncadd.remote.s32 $0x1  }
0xbf: {  	_ =	sfence.sel $0xFFFF  }
0xc0: {  	[dreg:$0x0] =	wrdreg $0xFFFFFFFF;
	(pc) =	sbr.abs _section_cstart, $3  }
0xc1: {  	[dreg:$0x1] =	wrdreg $0xFFFFFFFF  }
0xc2: {  	_ =	task.clear_ibuf [dreg:s7], $0x2FFFF;
	_ =	strace $0x9FFFFFFF  }
0xc3: {  	(tm) =	ssettm $0x7FFFFFFF  }
tec
execute0_lowered:
.L_overlay_start_1:
0x0: {  	(tag) =	ssettag $0x1  }
0x1: {  	s0 =	rddreg [dreg:$0x1]  }
0x2: {  	s1 =	rddreg [dreg:$0x2];
	s3 =	srdreg.scid  }
0x3: {  	s4 =	simm.s32 $0x0;
	s15 =	stileid.u32;
	s30 =	simm.s32 $0x680  }
0x4: {  	s28 =	simm.s32 $0x3;
	s3 =	sand.u32 $0x1, s3;
	s6 =	smul.u32 $0x2700, s15  }
0x5: {  	[smem:$0x7FF] =	sst s4;
	s10 =	sadd.s32 $0x40E00, s0;
	s5 =	sshll.u32 s3, $0x4  }
0x6: {  	_ =	strace $0x80000047;
	s7 =	sor.u32 s15, s5;
	s8 =	sadd.s32 s6, s0  }
0x7: {  	s5 =	sadd.s32 $0x6000, s0;
	s29 =	smul.u32 $0x2710, s7;
	s8 =	sadd.s32 $0x19C00, s8  }
0x8: {  	s7 =	sadd.s32 $0xFE00, s0;
	s0 =	sadd.s32 $0x40C00, s0;
	[dreg:$0x19] =	wrdreg s8  }
0x9: {  	p0 =	sne.s32 s15, $0xF;
	[dreg:$0x1b] =	wrdreg s0;
	s22 =	sadd.s32 $0x230, s29  }
0xa: {  	s9 =	ssub.s32 $0x2, s3;
	s23 =	sadd.s32 $0x280, s29;
	[dreg:$0x4] =	wrdreg s22  }
0xb: {  	s11 =	sshrl.u32 s9, $0x1;
	s25 =	sadd.s32 $0x2D0, s29;
	[dreg:$0x5] =	wrdreg s23  }
0xc: {  	s9 =	ssub.s32 s9, s11;
	s26 =	sadd.s32 $0x320, s29;
	[dreg:$0x6] =	wrdreg s25  }
0xd: {  	s8 =	simm.s32 $0x80;
	s31 =	sadd.s32 $0x370, s29;
	[dreg:$0x7] =	wrdreg s26  }
0xe: {  	s12 =	sshrl.u32 s29, $0x3;
	s16 =	sadd.s32 $0x410, s29;
	[dreg:$0x8] =	wrdreg s31  }
0xf: {  	s17 =	sadd.s32 s5, s12;
	s18 =	sadd.s32 $0xA, s12;
	[dreg:$0xa] =	wrdreg s16  }
0x10: {  	s13 =	sadd.s32 s7, s12;
	s20 =	sadd.s32 $0x14, s12;
	[dreg:$0xb] =	wrdreg s17  }
0x11: {  	s24 =	sadd.s32 $0x1E, s12;
	s26 =	smax.u32 s9, $0x1;
	[dreg:$0xc] =	wrdreg s13  }
0x12: {  	s2 =	sadd.s32 $0x28, s12;
	s31 =	sadd.s32 $0x138000, s1;
	[dreg:$0x1d] =	wrdreg s26  }
0x13: {  	s12 =	sadd.s32 $0x32, s12;
	s19 =	sadd.s32 s5, s18;
	[dreg:$0x1e] =	wrdreg s31  }
0x14: {  	s16 =	simm.s32 $0x50;
	s11 =	sadd.s32 s7, s18;
	[dreg:$0xd] =	wrdreg s19  }
0x15: {  	s21 =	sadd.s32 s5, s20;
	s13 =	sadd.s32 s7, s20;
	[dreg:$0xe] =	wrdreg s11  }
0x16: {  	s14 =	sadd.s32 s5, s24;
	s17 =	smul.u32 $0x27100, s3;
	[dreg:$0xf] =	wrdreg s21  }
0x17: {  	s18 =	sadd.s32 s5, s2;
	s3 =	smul.u32 $0x138800, s3;
	[dreg:$0x10] =	wrdreg s13  }
0x18: {  	s20 =	smul.u32 $0x4E000, s15;
	s23 =	sadd.s32 s7, s12;
	[dreg:$0x11] =	wrdreg s14  }
0x19: {  	s26 =	simm.s32 $0x17;
	s13 =	sadd.s32 s7, s24;
	[dreg:$0x13] =	wrdreg s18  }
0x1a: {  	s14 =	sadd.s32 $0x3C0, s29;
	s19 =	sadd.s32 s7, s2;
	[dreg:$0x17] =	wrdreg s23  }
0x1b: {  	s21 =	sadd.s32 s5, s12;
	s24 =	sshll.u32 s15, $0x6;
	[dreg:$0x12] =	wrdreg s13  }
0x1c: {  	s11 =	simm.s32 $0x100;
	s12 =	simm.s32 $0x15;
	[dreg:$0x9] =	wrdreg s14  }
0x1d: {  	[dreg:$0x14] =	wrdreg s19;
	s6 =	sadd.s32 s6, s17;
	s3 =	sshrl.u32 s3, $0x3  }
0x1e: {  	[dreg:$0x16] =	wrdreg s21;
	s22 =	sshrl.u32 s20, $0x2;
	s18 =	sor.u32 $0x1C17, s24  }
0x1f: {  	s17 =	simm.s32 $0x280;
	s6 =	sadd.s32 s10, s6;
	[dreg:$0x1a] =	wrdreg s18  }
0x20: {  	s3 =	sadd.s32 s10, s3;
	[dreg:$0x15] =	wrdreg s6;
	s6 =	sadd.s32 s22, s1  }
0x21: {  	s20 =	simm.s32 $0x1;
	s25 =	sadd.s32 $0x27000, s3;
	[dreg:$0x18] =	wrdreg s6  }
0x22: {  	s19 =	simm.s32 $0x2;
	s1 =	simm.s32 $0x0;
	[dreg:$0x1c] =	wrdreg s25  }
.LBB2_1:
0x23: {  	[dreg:$0x1f] =	wrdreg s1  }
0x24: {  	s14 =	rddreg [dreg:$0xb]  }
0x25: {  	s0 =	rddreg [dreg:$0xc]  }
0x26: {  	s1 =	rddreg [dreg:$0xd]  }
0x27: {  	s2 =	rddreg [dreg:$0xe]  }
0x28: {  	[tilespmem:s4], [sflag:$0x1] =	stream.linear.gather [hbm4b:s14+s4], $0x50, $0x38;
	[tilespmem:$0x1E080] =	vst v63  }
0x29: {  	s10 =	simm.s32 $0x400;
	s3 =	rddreg [dreg:$0xf]  }
0x2a: {  	[tilespmem:s10], [sflag:$0x9] =	stream.linear.gather [hbm4b:s0+s4], $0x50, $0x38;
	[tilespmem:$0x1E080] =	vst v63  }
0x2b: {  	s6 =	rddreg [dreg:$0x10]  }
0x2c: {  	[tilespmem:s8], [sflag:$0x2] =	stream.linear.gather [hbm4b:s1+s4], $0x50, $0x38;
	[tilespmem:$0x1E080] =	vst v63  }
0x2d: {  	s25 =	simm.s32 $0x480;
	s9 =	rddreg [dreg:$0x11]  }
0x2e: {  	[tilespmem:s25], [sflag:$0xA] =	stream.linear.gather [hbm4b:s2+s4], $0x50, $0x38;
	[tilespmem:$0x1E080] =	vst v63  }
0x2f: {  	s15 =	rddreg [dreg:$0x12]  }
0x30: {  	[tilespmem:s11], [sflag:$0x3] =	stream.linear.gather [hbm4b:s3+s4], $0x50, $0x38;
	[tilespmem:$0x1E080] =	vst v63  }
0x31: {  	s22 =	rddreg [dreg:$0x13];
	s0 =	simm.s32 $0x500  }
0x32: {  	[tilespmem:s0], [sflag:$0xB] =	stream.linear.gather [hbm4b:s6+s4], $0x50, $0x38;
	[tilespmem:$0x1E080] =	vst v63  }
0x33: {  	s13 =	simm.s32 $0x180;
	s24 =	rddreg [dreg:$0x14]  }
0x34: {  	[tilespmem:s13], [sflag:$0x4] =	stream.linear.gather [hbm4b:s9+s4], $0x50, $0x38;
	[tilespmem:$0x1E080] =	vst v63  }
0x35: {  	s21 =	simm.s32 $0x580;
	s2 =	rddreg [dreg:$0x18]  }
0x36: {  	[tilespmem:s21], [sflag:$0xC] =	stream.linear.gather [hbm4b:s15+s4], $0x50, $0x38;
	[tilespmem:$0x1E080] =	vst v63  }
0x37: {  	s23 =	simm.s32 $0x200;
	s1 =	rddreg [dreg:$0x17];
	s3 =	sshrl.u32 s2, $0x3  }
0x38: {  	[tilespmem:s23], [sflag:$0x5] =	stream.linear.gather [hbm4b:s22+s4], $0x50, $0x38;
	[tilespmem:$0x1E080] =	vst v63  }
0x39: {  	s31 =	simm.s32 $0x600;
	[smem:$0x7FC] =	sst s3  }
0x3a: {  	[tilespmem:s31], [sflag:$0xD] =	stream.linear.gather [hbm4b:s24+s4], $0x50, $0x38;
	[tilespmem:$0x1E080] =	vst v63  }
0x3b: {  	s0 =	rddreg [dreg:$0x16]  }
0x3c: {  	[tilespmem:s17], [sflag:$0x6] =	stream.linear.gather [hbm4b:s0+s4], $0x50, $0x38;
	[tilespmem:$0x1E080] =	vst v63  }
0x3d: {  	s13 =	rddreg [dreg:$0x19]  }
0x3e: {  	[tilespmem:s30], [sflag:$0xE] =	stream.linear.gather [hbm4b:s1+s4], $0x50, $0x38;
	[tilespmem:$0x1E080] =	vst v63  }
0x3f: {  	[spmem:s3], [sflag:s18] =	dma.local [hbm:s13], $0x2700  }
0x40: {  	_ =	swait.ge [sflag:s26], $0x2700  }
0x41: {  	s14 =	rddreg [dreg:$0x1e]  }
0x42: {  	[sflag:s26] =	ssyncset.done $0x0;
	s1 =	sshrl.u32 @!p0 s14, $0x3;
	s14 =	rddreg [dreg:$0x1b]  }
0x43: {  	[sflag:s26] =	ssyncadd.s32 $0xFFFFD900;
	[smem:$0x7FD] =	sst s1  }
0x44: {  	[spmem:s1], [sflag:s18] =	dma.local @!p0 [hbm:s14], $0x100  }
0x45: {  	s18 =	simm.s32 @!p0 $0x17  }
0x46: {  	_ =	swait.ge @!p0 [sflag:s18], $0x100  }
0x47: {  	[sflag:s18] =	ssyncset.done @!p0 $0x0  }
0x48: {  	[sflag:s18] =	ssyncadd.s32 @!p0 $0xFFFFFF00  }
0x49: {  	_ =	swait.ge [sflag:s20], $0x50  }
0x4a: {  	[sflag:s20] =	ssyncset.done $0x0  }
0x4b: {  	[sflag:s20] =	ssyncadd.s32 $0xFFFFFFB0  }
0x4c: {  	s14 =	simm.s32 $0x800;
	s2 =	rddreg [dreg:$0x0]  }
0x4d: {  	[tilespmem:s14], [sflag:$0x11] =	stream.indirect.gather [hbm4b:s2+s16], $0x80, s4, s16, $0xb8;
	[tilespmem:$0x1E080] =	vst v63  }
0x4e: {  	_ =	swait.ge [sflag:s19], $0x50  }
0x4f: {  	[sflag:s19] =	ssyncset.done $0x0  }
0x50: {  	s21 =	simm.s32 $0x3000;
	[sflag:s19] =	ssyncadd.s32 $0xFFFFFFB0  }
0x51: {  	[tilespmem:s21], [sflag:$0x12] =	stream.indirect.gather [hbm4b:s2+s16], $0x80, s8, s16, $0xb8;
	[tilespmem:$0x1E080] =	vst v63  }
0x52: {  	_ =	swait.ge [sflag:s28], $0x50  }
0x53: {  	[sflag:s28] =	ssyncset.done $0x0  }
0x54: {  	s24 =	simm.s32 $0x5800;
	[sflag:s28] =	ssyncadd.s32 $0xFFFFFFB0  }
0x55: {  	[tilespmem:s24], [sflag:$0x13] =	stream.indirect.gather [hbm4b:s2+s16], $0x80, s11, s16, $0xb8;
	[tilespmem:$0x1E080] =	vst v63  }
0x56: {  	s3 =	simm.s32 $0x11;
	[bflag:$0x0] =	sbarrier.arrive $0xFFFF  }
0x57: {  	p1 =	por $0x1, $0x1;
	_ =	swait.ge [sflag:s3], $0x2800  }
0x58: {  	s18 =	simm.s32 @!p1 $0x1E0;
	[sflag:s3] =	ssyncset.done $0x0  }
0x59: {  	s18 =	simm.s32 @p1 $0x1E0;
	s20 =	simm.s32 @!p1 $0x16;
	[sflag:s3] =	ssyncadd.s32 $0xFFFFD800  }
0x5a: {  	s18 =	sadd.s32 s29, s18;
	_ =	swait.ge @!p1 [sflag:s20], $0x2800  }
0x5b: {  	s18 =	sshrl.u32 s18, $0x3;
	[sflag:s20] =	ssyncset.done @!p1 $0x0  }
0x5c: {  	s23 =	simm.s32 $0x300;
	s22 =	sadd.s32 s5, s18;
	[sflag:s20] =	ssyncadd.s32 @!p1 $0xFFFFD800  }
0x5d: {  	[tilespmem:s23], [sflag:$0x7] =	stream.linear.gather [hbm4b:s22+s4], $0x50, $0x38;
	[tilespmem:$0x1E080] =	vst v63  }
0x5e: {  	s15 =	simm.s32 $0x700;
	s31 =	simm.s32 $0x4;
	s18 =	sadd.s32 s7, s18  }
0x5f: {  	[tilespmem:s15], [sflag:$0xF] =	stream.linear.gather [hbm4b:s18+s4], $0x50, $0x38;
	[tilespmem:$0x1E080] =	vst v63  }
0x60: {  	_ =	swait.ge [sflag:s31], $0x50  }
0x61: {  	s6 =	simm.s32 $0x180;
	[sflag:s31] =	ssyncset.done $0x0  }
0x62: {  	s0 =	simm.s32 $0x9;
	s15 =	simm.s32 $0x8000;
	[sflag:s31] =	ssyncadd.s32 $0xFFFFFFB0  }
0x63: {  	[tilespmem:s15], [sflag:$0x14] =	stream.indirect.gather [hbm4b:s2+s16], $0x80, s6, s16, $0xb8;
	[tilespmem:$0x1E080] =	vst v63  }
0x64: {  	_ =	swait.ge [sflag:s0], $0x50  }
0x65: {  	[sflag:s0] =	ssyncset.done $0x0  }
0x66: {  	[sflag:s0] =	ssyncadd.s32 $0xFFFFFFB0  }
0x67: {  	s31 =	simm.s32 $0x12;
	s6 =	rddreg [dreg:$0x2]  }
0x68: {  	[spmem:s6] =	stream.indirect.scatter.add.f32 [tilespmem:s14], [sflag:$0x15], $0x80, s10, s16, $0xb8;
	[tilespmem:$0x1E080] =	vst v63  }
0x69: {  	_ =	swait.ge [sflag:s31], $0x2800  }
0x6a: {  	[sflag:s31] =	ssyncset.done $0x0  }
0x6b: {  	[sflag:s31] =	ssyncadd.s32 $0xFFFFD800  }
0x6c: {  	s18 =	simm.s32 $0x0;
	_ =	swait.ge [sflag:s12], $0x2800  }
0x6d: {  	s18 =	simm.s32 @p1 $0x0;
	s1 =	rddreg [dreg:$0x4]  }
0x6e: {  	s20 =	sadd.s32 s18, s1  }
0x6f: {  	[sflag:s12] =	ssyncset.done $0x0;
	s20 =	sshrl.u32 s20, $0x3  }
0x70: {  	s22 =	simm.s32 $0x380;
	[sflag:s12] =	ssyncadd.s32 $0xFFFFD800;
	s13 =	sadd.s32 s5, s20  }
0x71: {  	[tilespmem:s22], [sflag:$0x8] =	stream.linear.gather [hbm4b:s13+s4], $0x50, $0x38;
	[tilespmem:$0x1E080] =	vst v63  }
0x72: {  	s0 =	simm.s32 $0x780;
	s1 =	simm.s32 $0x5;
	s20 =	sadd.s32 s7, s20  }
0x73: {  	[tilespmem:s0], [sflag:$0x10] =	stream.linear.gather [hbm4b:s20+s4], $0x50, $0x38;
	[tilespmem:$0x1E080] =	vst v63  }
0x74: {  	_ =	swait.ge [sflag:s1], $0x50  }
0x75: {  	[sflag:s1] =	ssyncset.done $0x0  }
0x76: {  	s9 =	simm.s32 $0x200;
	s13 =	simm.s32 $0xA;
	[sflag:s1] =	ssyncadd.s32 $0xFFFFFFB0  }
0x77: {  	[tilespmem:s14], [sflag:$0x11] =	stream.indirect.gather [hbm4b:s2+s16], $0x80, s9, s16, $0xb8;
	[tilespmem:$0x1E080] =	vst v63  }
0x78: {  	_ =	swait.ge [sflag:s13], $0x50  }
0x79: {  	[sflag:s13] =	ssyncset.done $0x0  }
0x7a: {  	s9 =	simm.s32 $0x13;
	[sflag:s13] =	ssyncadd.s32 $0xFFFFFFB0  }
0x7b: {  	[spmem:s6] =	stream.indirect.scatter.add.f32 [tilespmem:s21], [sflag:$0x16], $0x80, s25, s16, $0xb8;
	[tilespmem:$0x1E080] =	vst v63  }
0x7c: {  	_ =	swait.ge [sflag:s9], $0x2800  }
0x7d: {  	[sflag:s9] =	ssyncset.done $0x0  }
0x7e: {  	s0 =	simm.s32 $0x16;
	[sflag:s9] =	ssyncadd.s32 $0xFFFFD800  }
0x7f: {  	_ =	swait.ge [sflag:s0], $0x2800  }
0x80: {  	s26 =	rddreg [dreg:$0x5]  }
0x81: {  	s20 =	sadd.s32 s18, s26  }
0x82: {  	[sflag:s0] =	ssyncset.done $0x0;
	s20 =	sshrl.u32 s20, $0x3  }
0x83: {  	[sflag:s0] =	ssyncadd.s32 $0xFFFFD800;
	s1 =	sadd.s32 s5, s20  }
0x84: {  	[tilespmem:s4], [sflag:$0x1] =	stream.linear.gather [hbm4b:s1+s4], $0x50, $0x38;
	[tilespmem:$0x1E080] =	vst v63  }
0x85: {  	s13 =	simm.s32 $0x6;
	s20 =	sadd.s32 s7, s20  }
0x86: {  	[tilespmem:s10], [sflag:$0x9] =	stream.linear.gather [hbm4b:s20+s4], $0x50, $0x38;
	[tilespmem:$0x1E080] =	vst v63  }
0x87: {  	_ =	swait.ge [sflag:s13], $0x50  }
0x88: {  	[sflag:s13] =	ssyncset.done $0x0  }
0x89: {  	s20 =	simm.s32 $0xB;
	[sflag:s13] =	ssyncadd.s32 $0xFFFFFFB0  }
0x8a: {  	[tilespmem:s21], [sflag:$0x12] =	stream.indirect.gather [hbm4b:s2+s16], $0x80, s17, s16, $0xb8;
	[tilespmem:$0x1E080] =	vst v63  }
0x8b: {  	_ =	swait.ge [sflag:s20], $0x50  }
0x8c: {  	[sflag:s20] =	ssyncset.done $0x0  }
0x8d: {  	s1 =	simm.s32 $0x14;
	s13 =	simm.s32 $0x500;
	[sflag:s20] =	ssyncadd.s32 $0xFFFFFFB0  }
0x8e: {  	[spmem:s6] =	stream.indirect.scatter.add.f32 [tilespmem:s24], [sflag:$0x15], $0x80, s13, s16, $0xb8;
	[tilespmem:$0x1E080] =	vst v63  }
0x8f: {  	_ =	swait.ge [sflag:s1], $0x2800  }
0x90: {  	[sflag:s1] =	ssyncset.done $0x0  }
0x91: {  	[sflag:s1] =	ssyncadd.s32 $0xFFFFD800  }
0x92: {  	_ =	swait.ge [sflag:s12], $0x2800  }
0x93: {  	s26 =	rddreg [dreg:$0x6]  }
0x94: {  	s20 =	sadd.s32 s18, s26  }
0x95: {  	[sflag:s12] =	ssyncset.done $0x0;
	s20 =	sshrl.u32 s20, $0x3  }
0x96: {  	[sflag:s12] =	ssyncadd.s32 $0xFFFFD800;
	s10 =	sadd.s32 s5, s20  }
0x97: {  	[tilespmem:s8], [sflag:$0x2] =	stream.linear.gather [hbm4b:s10+s4], $0x50, $0x38;
	[tilespmem:$0x1E080] =	vst v63  }
0x98: {  	s20 =	sadd.s32 s7, s20  }
0x99: {  	[tilespmem:s25], [sflag:$0xA] =	stream.linear.gather [hbm4b:s20+s4], $0x50, $0x38;
	[tilespmem:$0x1E080] =	vst v63  }
0x9a: {  	s25 =	simm.s32 $0x7  }
0x9b: {  	_ =	swait.ge [sflag:s25], $0x50  }
0x9c: {  	[sflag:s25] =	ssyncset.done $0x0  }
0x9d: {  	s26 =	simm.s32 $0xC;
	[sflag:s25] =	ssyncadd.s32 $0xFFFFFFB0  }
0x9e: {  	[tilespmem:s24], [sflag:$0x13] =	stream.indirect.gather [hbm4b:s2+s16], $0x80, s23, s16, $0xb8;
	[tilespmem:$0x1E080] =	vst v63  }
0x9f: {  	_ =	swait.ge [sflag:s26], $0x50  }
0xa0: {  	[sflag:s26] =	ssyncset.done $0x0  }
0xa1: {  	s23 =	simm.s32 $0x580;
	[sflag:s26] =	ssyncadd.s32 $0xFFFFFFB0  }
0xa2: {  	[spmem:s6] =	stream.indirect.scatter.add.f32 [tilespmem:s15], [sflag:$0x16], $0x80, s23, s16, $0xb8;
	[tilespmem:$0x1E080] =	vst v63  }
0xa3: {  	_ =	swait.ge [sflag:s3], $0x2800  }
0xa4: {  	[sflag:s3] =	ssyncset.done $0x0  }
0xa5: {  	[sflag:s3] =	ssyncadd.s32 $0xFFFFD800  }
0xa6: {  	_ =	swait.ge [sflag:s0], $0x2800  }
0xa7: {  	s3 =	rddreg [dreg:$0x7]  }
0xa8: {  	s20 =	sadd.s32 s18, s3  }
0xa9: {  	[sflag:s0] =	ssyncset.done $0x0;
	s20 =	sshrl.u32 s20, $0x3  }
0xaa: {  	[sflag:s0] =	ssyncadd.s32 $0xFFFFD800;
	s10 =	sadd.s32 s5, s20  }
0xab: {  	[tilespmem:s11], [sflag:$0x3] =	stream.linear.gather [hbm4b:s10+s4], $0x50, $0x38;
	[tilespmem:$0x1E080] =	vst v63  }
0xac: {  	s25 =	simm.s32 $0x8;
	s20 =	sadd.s32 s7, s20  }
0xad: {  	[tilespmem:s13], [sflag:$0xB] =	stream.linear.gather [hbm4b:s20+s4], $0x50, $0x38;
	[tilespmem:$0x1E080] =	vst v63  }
0xae: {  	_ =	swait.ge [sflag:s25], $0x50  }
0xaf: {  	[sflag:s25] =	ssyncset.done $0x0  }
0xb0: {  	s26 =	simm.s32 $0xD;
	[sflag:s25] =	ssyncadd.s32 $0xFFFFFFB0  }
0xb1: {  	[tilespmem:s15], [sflag:$0x14] =	stream.indirect.gather [hbm4b:s2+s16], $0x80, s22, s16, $0xb8;
	[tilespmem:$0x1E080] =	vst v63  }
0xb2: {  	_ =	swait.ge [sflag:s26], $0x50  }
0xb3: {  	[sflag:s26] =	ssyncset.done $0x0  }
0xb4: {  	s10 =	simm.s32 $0x600;
	[sflag:s26] =	ssyncadd.s32 $0xFFFFFFB0  }
0xb5: {  	[spmem:s6] =	stream.indirect.scatter.add.f32 [tilespmem:s14], [sflag:$0x15], $0x80, s10, s16, $0xb8;
	[tilespmem:$0x1E080] =	vst v63  }
0xb6: {  	_ =	swait.ge [sflag:s31], $0x2800  }
0xb7: {  	[sflag:s31] =	ssyncset.done $0x0  }
0xb8: {  	[sflag:s31] =	ssyncadd.s32 $0xFFFFD800  }
0xb9: {  	_ =	swait.ge [sflag:s12], $0x2800  }
0xba: {  	s31 =	rddreg [dreg:$0x8]  }
0xbb: {  	s20 =	sadd.s32 s18, s31  }
0xbc: {  	[sflag:s12] =	ssyncset.done $0x0;
	s20 =	sshrl.u32 s20, $0x3  }
0xbd: {  	s13 =	simm.s32 $0x180;
	[sflag:s12] =	ssyncadd.s32 $0xFFFFD800;
	s3 =	sadd.s32 s5, s20  }
0xbe: {  	[tilespmem:s13], [sflag:$0x4] =	stream.linear.gather [hbm4b:s3+s4], $0x50, $0x38;
	[tilespmem:$0x1E080] =	vst v63  }
0xbf: {  	s15 =	simm.s32 $0x1;
	s20 =	sadd.s32 s7, s20  }
0xc0: {  	[tilespmem:s23], [sflag:$0xC] =	stream.linear.gather [hbm4b:s20+s4], $0x50, $0x38;
	[tilespmem:$0x1E080] =	vst v63  }
0xc1: {  	_ =	swait.ge [sflag:s15], $0x50  }
0xc2: {  	[sflag:s15] =	ssyncset.done $0x0  }
0xc3: {  	s20 =	simm.s32 $0xE;
	[sflag:s15] =	ssyncadd.s32 $0xFFFFFFB0  }
0xc4: {  	[tilespmem:s14], [sflag:$0x11] =	stream.indirect.gather [hbm4b:s2+s16], $0x80, s4, s16, $0xb8;
	[tilespmem:$0x1E080] =	vst v63  }
0xc5: {  	_ =	swait.ge [sflag:s20], $0x50  }
0xc6: {  	[sflag:s20] =	ssyncset.done $0x0  }
0xc7: {  	[sflag:s20] =	ssyncadd.s32 $0xFFFFFFB0  }
0xc8: {  	[spmem:s6] =	stream.indirect.scatter.add.f32 [tilespmem:s21], [sflag:$0x16], $0x80, s30, s16, $0xb8;
	[tilespmem:$0x1E080] =	vst v63  }
0xc9: {  	_ =	swait.ge [sflag:s9], $0x2800  }
0xca: {  	[sflag:s9] =	ssyncset.done $0x0  }
0xcb: {  	[sflag:s9] =	ssyncadd.s32 $0xFFFFD800  }
0xcc: {  	_ =	swait.ge [sflag:s0], $0x2800  }
0xcd: {  	s22 =	rddreg [dreg:$0x9]  }
0xce: {  	s20 =	sadd.s32 s18, s22  }
0xcf: {  	[sflag:s0] =	ssyncset.done $0x0;
	s20 =	sshrl.u32 s20, $0x3  }
0xd0: {  	s25 =	simm.s32 $0x200;
	[sflag:s0] =	ssyncadd.s32 $0xFFFFD800;
	s23 =	sadd.s32 s5, s20  }
0xd1: {  	[tilespmem:s25], [sflag:$0x5] =	stream.linear.gather [hbm4b:s23+s4], $0x50, $0x38;
	[tilespmem:$0x1E080] =	vst v63  }
0xd2: {  	s20 =	sadd.s32 s7, s20  }
0xd3: {  	[tilespmem:s10], [sflag:$0xD] =	stream.linear.gather [hbm4b:s20+s4], $0x50, $0x38;
	[tilespmem:$0x1E080] =	vst v63  }
0xd4: {  	_ =	swait.ge [sflag:s19], $0x50  }
0xd5: {  	[sflag:s19] =	ssyncset.done $0x0  }
0xd6: {  	s30 =	simm.s32 $0xF;
	[sflag:s19] =	ssyncadd.s32 $0xFFFFFFB0  }
0xd7: {  	[tilespmem:s21], [sflag:$0x12] =	stream.indirect.gather [hbm4b:s2+s16], $0x80, s8, s16, $0xb8;
	[tilespmem:$0x1E080] =	vst v63  }
0xd8: {  	_ =	swait.ge [sflag:s30], $0x50  }
0xd9: {  	[sflag:s30] =	ssyncset.done $0x0  }
0xda: {  	s21 =	simm.s32 $0x700;
	[sflag:s30] =	ssyncadd.s32 $0xFFFFFFB0  }
0xdb: {  	[spmem:s6] =	stream.indirect.scatter.add.f32 [tilespmem:s24], [sflag:$0x15], $0x80, s21, s16, $0xb8;
	[tilespmem:$0x1E080] =	vst v63  }
0xdc: {  	_ =	swait.ge [sflag:s1], $0x2800  }
0xdd: {  	[sflag:s1] =	ssyncset.done $0x0  }
0xde: {  	[sflag:s1] =	ssyncadd.s32 $0xFFFFD800  }
0xdf: {  	_ =	swait.ge [sflag:s12], $0x2800  }
0xe0: {  	p1 =	por $0x0, $0x0;
	s20 =	rddreg [dreg:$0xa]  }
0xe1: {  	s18 =	sadd.s32 @!p1 s18, s20  }
0xe2: {  	s0 =	simm.s32 @!p1 $0x280;
	[sflag:s12] =	ssyncset.done $0x0;
	s18 =	sshrl.u32 @!p1 s18, $0x3  }
0xe3: {  	[sflag:s12] =	ssyncadd.s32 $0xFFFFD800;
	s20 =	simm.s32 @!p1 $0x0;
	s26 =	sadd.s32 @!p1 s5, s18  }
0xe4: {  	[tilespmem:s0], [sflag:$0x6] =	stream.linear.gather @!p1 [hbm4b:s26+s20], $0x50, $0x38;
	[tilespmem:$0x1E080] =	vst v63  }
0xe5: {  	s18 =	sadd.s32 @!p1 s7, s18;
	s26 =	simm.s32 @!p1 $0x680  }
0xe6: {  	[tilespmem:s26], [sflag:$0xE] =	stream.linear.gather @!p1 [hbm4b:s18+s20], $0x50, $0x38;
	[tilespmem:$0x1E080] =	vst v63  }
0xe7: {  	_ =	swait.ge [sflag:s28], $0x50  }
0xe8: {  	[sflag:s28] =	ssyncset.done $0x0  }
0xe9: {  	s31 =	simm.s32 $0x10;
	[sflag:s28] =	ssyncadd.s32 $0xFFFFFFB0  }
0xea: {  	[tilespmem:s24], [sflag:$0x13] =	stream.indirect.gather [hbm4b:s2+s16], $0x80, s11, s16, $0xb8;
	[tilespmem:$0x1E080] =	vst v63  }
0xeb: {  	_ =	swait.ge [sflag:s31], $0x50  }
0xec: {  	[sflag:s31] =	ssyncset.done $0x0  }
0xed: {  	s18 =	simm.s32 $0x280;
	[sflag:s31] =	ssyncadd.s32 $0xFFFFFFB0  }
.LBB2_2:
0xee: {  	s28 =	simm.s32 $0x8000;
	s6 =	simm.s32 $0x780  }
0xef: {  	s10 =	rddreg [dreg:$0x2];
	s26 =	smov.u32 s18;
	s24 =	simm.s32 $0x11  }
0xf0: {  	[spmem:s10] =	stream.indirect.scatter.add.f32 [tilespmem:s28], [sflag:$0x16], $0x80, s6, s16, $0xb8;
	[tilespmem:$0x1E080] =	vst v63  }
0xf1: {  	p2 =	seq.s32 s26, $0x0;
	_ =	swait.ge [sflag:s24], $0x2800  }
0xf2: {  	s20 =	sadd.s32 @!p2 $0x1E0, s26;
	[sflag:s24] =	ssyncset.done $0x0  }
0xf3: {  	s14 =	simm.s32 @!p2 $0x16;
	s20 =	simm.s32 @p2 $0x1E0;
	[sflag:s24] =	ssyncadd.s32 $0xFFFFD800  }
0xf4: {  	s20 =	sadd.s32 s29, s20;
	_ =	swait.ge @!p2 [sflag:s14], $0x2800  }
0xf5: {  	s20 =	sshrl.u32 s20, $0x3;
	[sflag:s14] =	ssyncset.done @!p2 $0x0  }
0xf6: {  	s23 =	simm.s32 $0x300;
	s11 =	sadd.s32 s5, s20;
	[sflag:s14] =	ssyncadd.s32 @!p2 $0xFFFFD800  }
0xf7: {  	[tilespmem:s23], [sflag:$0x7] =	stream.linear.gather [hbm4b:s11+s4], $0x50, $0x38;
	[tilespmem:$0x1E080] =	vst v63  }
0xf8: {  	s3 =	simm.s32 $0x4;
	s13 =	sadd.s32 s7, s20  }
0xf9: {  	[tilespmem:s21], [sflag:$0xF] =	stream.linear.gather [hbm4b:s13+s4], $0x50, $0x38;
	[tilespmem:$0x1E080] =	vst v63  }
0xfa: {  	_ =	swait.ge [sflag:s3], $0x50  }
0xfb: {  	[sflag:s3] =	ssyncset.done $0x0  }
0xfc: {  	[sflag:s3] =	ssyncadd.s32 $0xFFFFFFB0  }
0xfd: {  	s14 =	simm.s32 $0x9;
	s13 =	simm.s32 $0x180;
	s2 =	rddreg [dreg:$0x0]  }
0xfe: {  	[tilespmem:s28], [sflag:$0x14] =	stream.indirect.gather [hbm4b:s2+s16], $0x80, s13, s16, $0xb8;
	[tilespmem:$0x1E080] =	vst v63  }
0xff: {  	_ =	swait.ge [sflag:s14], $0x50  }
0x100: {  	s8 =	simm.s32 $0x400;
	[sflag:s14] =	ssyncset.done $0x0  }
0x101: {  	s19 =	simm.s32 $0x800;
	s31 =	simm.s32 $0x12;
	[sflag:s14] =	ssyncadd.s32 $0xFFFFFFB0  }
0x102: {  	[spmem:s10] =	stream.indirect.scatter.add.f32 [tilespmem:s19], [sflag:$0x15], $0x80, s8, s16, $0xb8;
	[tilespmem:$0x1E080] =	vst v63  }
0x103: {  	_ =	swait.ge [sflag:s31], $0x2800  }
0x104: {  	[sflag:s31] =	ssyncset.done $0x0  }
0x105: {  	[sflag:s31] =	ssyncadd.s32 $0xFFFFD800  }
0x106: {  	s20 =	smov.u32 s26;
	_ =	swait.ge [sflag:s12], $0x2800  }
0x107: {  	s20 =	simm.s32 @p2 $0x0;
	s15 =	rddreg [dreg:$0x4]  }
0x108: {  	s14 =	sadd.s32 s20, s15  }
0x109: {  	s30 =	smov.u32 s29;
	[sflag:s12] =	ssyncset.done $0x0;
	s14 =	sshrl.u32 s14, $0x3  }
0x10a: {  	s0 =	simm.s32 $0x380;
	[sflag:s12] =	ssyncadd.s32 $0xFFFFD800;
	s29 =	sadd.s32 s5, s14  }
0x10b: {  	[tilespmem:s0], [sflag:$0x8] =	stream.linear.gather [hbm4b:s29+s4], $0x50, $0x38;
	[tilespmem:$0x1E080] =	vst v63  }
0x10c: {  	s21 =	simm.s32 $0x5;
	s14 =	sadd.s32 s7, s14  }
0x10d: {  	[tilespmem:s6], [sflag:$0x10] =	stream.linear.gather [hbm4b:s14+s4], $0x50, $0x38;
	[tilespmem:$0x1E080] =	vst v63  }
0x10e: {  	_ =	swait.ge [sflag:s21], $0x50  }
0x10f: {  	[sflag:s21] =	ssyncset.done $0x0  }
0x110: {  	s22 =	simm.s32 $0xA;
	s15 =	simm.s32 $0x200;
	[sflag:s21] =	ssyncadd.s32 $0xFFFFFFB0  }
0x111: {  	[tilespmem:s19], [sflag:$0x11] =	stream.indirect.gather [hbm4b:s2+s16], $0x80, s15, s16, $0xb8;
	[tilespmem:$0x1E080] =	vst v63  }
0x112: {  	_ =	swait.ge [sflag:s22], $0x50  }
0x113: {  	s9 =	simm.s32 $0x13;
	[sflag:s22] =	ssyncset.done $0x0  }
0x114: {  	s11 =	simm.s32 $0x480;
	s21 =	simm.s32 $0x3000;
	[sflag:s22] =	ssyncadd.s32 $0xFFFFFFB0  }
0x115: {  	[spmem:s10] =	stream.indirect.scatter.add.f32 [tilespmem:s21], [sflag:$0x16], $0x80, s11, s16, $0xb8;
	[tilespmem:$0x1E080] =	vst v63  }
0x116: {  	_ =	swait.ge [sflag:s9], $0x2800  }
0x117: {  	[sflag:s9] =	ssyncset.done $0x0  }
0x118: {  	s3 =	simm.s32 $0x16;
	[sflag:s9] =	ssyncadd.s32 $0xFFFFD800  }
0x119: {  	_ =	swait.ge [sflag:s3], $0x2800  }
0x11a: {  	s25 =	rddreg [dreg:$0x5]  }
0x11b: {  	s14 =	sadd.s32 s20, s25  }
0x11c: {  	[sflag:s3] =	ssyncset.done $0x0;
	s14 =	sshrl.u32 s14, $0x3  }
0x11d: {  	[sflag:s3] =	ssyncadd.s32 $0xFFFFD800;
	s29 =	sadd.s32 s5, s14  }
0x11e: {  	[tilespmem:s4], [sflag:$0x1] =	stream.linear.gather [hbm4b:s29+s4], $0x50, $0x38;
	[tilespmem:$0x1E080] =	vst v63  }
0x11f: {  	s1 =	simm.s32 $0x6;
	s14 =	sadd.s32 s7, s14  }
0x120: {  	[tilespmem:s8], [sflag:$0x9] =	stream.linear.gather [hbm4b:s14+s4], $0x50, $0x38;
	[tilespmem:$0x1E080] =	vst v63  }
0x121: {  	_ =	swait.ge [sflag:s1], $0x50  }
0x122: {  	[sflag:s1] =	ssyncset.done $0x0  }
0x123: {  	[sflag:s1] =	ssyncadd.s32 $0xFFFFFFB0;
	s1 =	simm.s32 $0xB  }
0x124: {  	[tilespmem:s21], [sflag:$0x12] =	stream.indirect.gather [hbm4b:s2+s16], $0x80, s17, s16, $0xb8;
	[tilespmem:$0x1E080] =	vst v63  }
0x125: {  	_ =	swait.ge [sflag:s1], $0x50  }
0x126: {  	s22 =	simm.s32 $0x5800;
	[sflag:s1] =	ssyncset.done $0x0  }
0x127: {  	s25 =	simm.s32 $0x500;
	[sflag:s1] =	ssyncadd.s32 $0xFFFFFFB0;
	s1 =	simm.s32 $0x14  }
0x128: {  	[spmem:s10] =	stream.indirect.scatter.add.f32 [tilespmem:s22], [sflag:$0x15], $0x80, s25, s16, $0xb8;
	[tilespmem:$0x1E080] =	vst v63  }
0x129: {  	_ =	swait.ge [sflag:s1], $0x2800  }
0x12a: {  	[sflag:s1] =	ssyncset.done $0x0  }
0x12b: {  	[sflag:s1] =	ssyncadd.s32 $0xFFFFD800  }
0x12c: {  	_ =	swait.ge [sflag:s12], $0x2800  }
0x12d: {  	s6 =	rddreg [dreg:$0x6]  }
0x12e: {  	s14 =	sadd.s32 s20, s6  }
0x12f: {  	[sflag:s12] =	ssyncset.done $0x0;
	s14 =	sshrl.u32 s14, $0x3  }
0x130: {  	s8 =	simm.s32 $0x80;
	[sflag:s12] =	ssyncadd.s32 $0xFFFFD800;
	s29 =	sadd.s32 s5, s14  }
0x131: {  	[tilespmem:s8], [sflag:$0x2] =	stream.linear.gather [hbm4b:s29+s4], $0x50, $0x38;
	[tilespmem:$0x1E080] =	vst v63  }
0x132: {  	s17 =	simm.s32 $0x7;
	s14 =	sadd.s32 s7, s14  }
0x133: {  	[tilespmem:s11], [sflag:$0xA] =	stream.linear.gather [hbm4b:s14+s4], $0x50, $0x38;
	[tilespmem:$0x1E080] =	vst v63  }
0x134: {  	_ =	swait.ge [sflag:s17], $0x50  }
0x135: {  	[sflag:s17] =	ssyncset.done $0x0  }
0x136: {  	s14 =	simm.s32 $0xC;
	[sflag:s17] =	ssyncadd.s32 $0xFFFFFFB0  }
0x137: {  	[tilespmem:s22], [sflag:$0x13] =	stream.indirect.gather [hbm4b:s2+s16], $0x80, s23, s16, $0xb8;
	[tilespmem:$0x1E080] =	vst v63  }
0x138: {  	_ =	swait.ge [sflag:s14], $0x50  }
0x139: {  	[sflag:s14] =	ssyncset.done $0x0  }
0x13a: {  	s6 =	simm.s32 $0x580;
	[sflag:s14] =	ssyncadd.s32 $0xFFFFFFB0  }
0x13b: {  	[spmem:s10] =	stream.indirect.scatter.add.f32 [tilespmem:s28], [sflag:$0x16], $0x80, s6, s16, $0xb8;
	[tilespmem:$0x1E080] =	vst v63  }
0x13c: {  	_ =	swait.ge [sflag:s24], $0x2800  }
0x13d: {  	[sflag:s24] =	ssyncset.done $0x0  }
0x13e: {  	[sflag:s24] =	ssyncadd.s32 $0xFFFFD800  }
0x13f: {  	_ =	swait.ge [sflag:s3], $0x2800  }
0x140: {  	s17 =	rddreg [dreg:$0x7]  }
0x141: {  	s14 =	sadd.s32 s20, s17  }
0x142: {  	[sflag:s3] =	ssyncset.done $0x0;
	s14 =	sshrl.u32 s14, $0x3  }
0x143: {  	s11 =	simm.s32 $0x100;
	[sflag:s3] =	ssyncadd.s32 $0xFFFFD800;
	s29 =	sadd.s32 s5, s14  }
0x144: {  	[tilespmem:s11], [sflag:$0x3] =	stream.linear.gather [hbm4b:s29+s4], $0x50, $0x38;
	[tilespmem:$0x1E080] =	vst v63  }
0x145: {  	s23 =	simm.s32 $0x8;
	s14 =	sadd.s32 s7, s14  }
0x146: {  	[tilespmem:s25], [sflag:$0xB] =	stream.linear.gather [hbm4b:s14+s4], $0x50, $0x38;
	[tilespmem:$0x1E080] =	vst v63  }
0x147: {  	_ =	swait.ge [sflag:s23], $0x50  }
0x148: {  	[sflag:s23] =	ssyncset.done $0x0  }
0x149: {  	s25 =	simm.s32 $0xD;
	[sflag:s23] =	ssyncadd.s32 $0xFFFFFFB0  }
0x14a: {  	[tilespmem:s28], [sflag:$0x14] =	stream.indirect.gather [hbm4b:s2+s16], $0x80, s0, s16, $0xb8;
	[tilespmem:$0x1E080] =	vst v63  }
0x14b: {  	_ =	swait.ge [sflag:s25], $0x50  }
0x14c: {  	[sflag:s25] =	ssyncset.done $0x0  }
0x14d: {  	s17 =	simm.s32 $0x600;
	[sflag:s25] =	ssyncadd.s32 $0xFFFFFFB0  }
0x14e: {  	[spmem:s10] =	stream.indirect.scatter.add.f32 [tilespmem:s19], [sflag:$0x15], $0x80, s17, s16, $0xb8;
	[tilespmem:$0x1E080] =	vst v63  }
0x14f: {  	_ =	swait.ge [sflag:s31], $0x2800  }
0x150: {  	[sflag:s31] =	ssyncset.done $0x0  }
0x151: {  	[sflag:s31] =	ssyncadd.s32 $0xFFFFD800  }
0x152: {  	_ =	swait.ge [sflag:s12], $0x2800  }
0x153: {  	s0 =	rddreg [dreg:$0x8]  }
0x154: {  	s14 =	sadd.s32 s20, s0  }
0x155: {  	[sflag:s12] =	ssyncset.done $0x0;
	s14 =	sshrl.u32 s14, $0x3  }
0x156: {  	[sflag:s12] =	ssyncadd.s32 $0xFFFFD800;
	s29 =	sadd.s32 s5, s14  }
0x157: {  	[tilespmem:s13], [sflag:$0x4] =	stream.linear.gather [hbm4b:s29+s4], $0x50, $0x38;
	[tilespmem:$0x1E080] =	vst v63  }
0x158: {  	s23 =	simm.s32 $0x1;
	s14 =	sadd.s32 s7, s14  }
0x159: {  	[tilespmem:s6], [sflag:$0xC] =	stream.linear.gather [hbm4b:s14+s4], $0x50, $0x38;
	[tilespmem:$0x1E080] =	vst v63  }
0x15a: {  	_ =	swait.ge [sflag:s23], $0x50  }
0x15b: {  	[sflag:s23] =	ssyncset.done $0x0  }
0x15c: {  	s31 =	simm.s32 $0xE;
	[sflag:s23] =	ssyncadd.s32 $0xFFFFFFB0  }
0x15d: {  	[tilespmem:s19], [sflag:$0x11] =	stream.indirect.gather [hbm4b:s2+s16], $0x80, s4, s16, $0xb8;
	[tilespmem:$0x1E080] =	vst v63  }
0x15e: {  	_ =	swait.ge [sflag:s31], $0x50  }
0x15f: {  	[sflag:s31] =	ssyncset.done $0x0  }
0x160: {  	s6 =	simm.s32 $0x680;
	[sflag:s31] =	ssyncadd.s32 $0xFFFFFFB0  }
0x161: {  	[spmem:s10] =	stream.indirect.scatter.add.f32 [tilespmem:s21], [sflag:$0x16], $0x80, s6, s16, $0xb8;
	[tilespmem:$0x1E080] =	vst v63  }
0x162: {  	_ =	swait.ge [sflag:s9], $0x2800  }
0x163: {  	[sflag:s9] =	ssyncset.done $0x0  }
0x164: {  	[sflag:s9] =	ssyncadd.s32 $0xFFFFD800  }
0x165: {  	_ =	swait.ge [sflag:s3], $0x2800  }
0x166: {  	s9 =	rddreg [dreg:$0x9]  }
0x167: {  	s14 =	sadd.s32 s20, s9  }
0x168: {  	[sflag:s3] =	ssyncset.done $0x0;
	s14 =	sshrl.u32 s14, $0x3  }
0x169: {  	[sflag:s3] =	ssyncadd.s32 $0xFFFFD800;
	s29 =	sadd.s32 s5, s14  }
0x16a: {  	[tilespmem:s15], [sflag:$0x5] =	stream.linear.gather [hbm4b:s29+s4], $0x50, $0x38;
	[tilespmem:$0x1E080] =	vst v63  }
0x16b: {  	s19 =	simm.s32 $0x2;
	s14 =	sadd.s32 s7, s14  }
0x16c: {  	[tilespmem:s17], [sflag:$0xD] =	stream.linear.gather [hbm4b:s14+s4], $0x50, $0x38;
	[tilespmem:$0x1E080] =	vst v63  }
0x16d: {  	_ =	swait.ge [sflag:s19], $0x50  }
0x16e: {  	[sflag:s19] =	ssyncset.done $0x0  }
0x16f: {  	s23 =	simm.s32 $0xF;
	[sflag:s19] =	ssyncadd.s32 $0xFFFFFFB0  }
0x170: {  	[tilespmem:s21], [sflag:$0x12] =	stream.indirect.gather [hbm4b:s2+s16], $0x80, s8, s16, $0xb8;
	[tilespmem:$0x1E080] =	vst v63  }
0x171: {  	_ =	swait.ge [sflag:s23], $0x50  }
0x172: {  	[sflag:s23] =	ssyncset.done $0x0  }
0x173: {  	s21 =	simm.s32 $0x700;
	[sflag:s23] =	ssyncadd.s32 $0xFFFFFFB0  }
0x174: {  	[spmem:s10] =	stream.indirect.scatter.add.f32 [tilespmem:s22], [sflag:$0x15], $0x80, s21, s16, $0xb8;
	[tilespmem:$0x1E080] =	vst v63  }
0x175: {  	_ =	swait.ge [sflag:s1], $0x2800  }
0x176: {  	[sflag:s1] =	ssyncset.done $0x0  }
0x177: {  	[sflag:s1] =	ssyncadd.s32 $0xFFFFD800  }
0x178: {  	_ =	swait.ge [sflag:s12], $0x2800  }
0x179: {  	p2 =	seq.s32 s26, $0x2300;
	s14 =	rddreg [dreg:$0xa]  }
0x17a: {  	s14 =	sadd.s32 @!p2 s20, s14  }
0x17b: {  	s29 =	simm.s32 @!p2 $0x0;
	[sflag:s12] =	ssyncset.done $0x0;
	s14 =	sshrl.u32 @!p2 s14, $0x3  }
0x17c: {  	s20 =	simm.s32 @!p2 $0x280;
	[sflag:s12] =	ssyncadd.s32 $0xFFFFD800;
	s26 =	sadd.s32 @!p2 s5, s14  }
0x17d: {  	[tilespmem:s20], [sflag:$0x6] =	stream.linear.gather @!p2 [hbm4b:s26+s29], $0x50, $0x38;
	[tilespmem:$0x1E080] =	vst v63  }
0x17e: {  	s14 =	sadd.s32 @!p2 s7, s14;
	s20 =	simm.s32 @!p2 $0x680  }
0x17f: {  	[tilespmem:s20], [sflag:$0xE] =	stream.linear.gather @!p2 [hbm4b:s14+s29], $0x50, $0x38;
	[tilespmem:$0x1E080] =	vst v63  }
0x180: {  	s18 =	sadd.s32 $0x280, s18;
	s29 =	smov.u32 s30;
	s30 =	simm.s32 $0x3  }
0x181: {  	p1 =	sne.s32 s18, $0x2580;
	_ =	swait.ge [sflag:s30], $0x50  }
0x182: {  	s24 =	simm.s32 $0x500;
	s28 =	simm.s32 $0x3000;
	[sflag:s30] =	ssyncset.done $0x0  }
.Ltmp0:
0x183: {  	s31 =	simm.s32 $0x10;
	[sflag:s30] =	ssyncadd.s32 $0xFFFFFFB0;
	(pc) =	sbr.rel @p1 .LBB2_2-.Ltmp0, $4  }
0x184: {  	[tilespmem:s22], [sflag:$0x13] =	stream.indirect.gather [hbm4b:s2+s16], $0x80, s11, s16, $0xb8;
	[tilespmem:$0x1E080] =	vst v63  }
0x185: {  	s25 =	simm.s32 $0x180;
	s13 =	simm.s32 $0x580;
	_ =	swait.ge [sflag:s31], $0x50  }
0x186: {  	s6 =	simm.s32 $0x200;
	s15 =	simm.s32 $0x600;
	[sflag:s31] =	ssyncset.done $0x0  }
0x187: {  	s17 =	simm.s32 $0x280;
	s20 =	simm.s32 $0x5800;
	[sflag:s31] =	ssyncadd.s32 $0xFFFFFFB0  }
0x188: {  	s21 =	simm.s32 $0x8000  }
0x189: {  	s9 =	rddreg [dreg:$0x2];
	s1 =	simm.s32 $0x780;
	s18 =	simm.s32 $0x11  }
0x18a: {  	[spmem:s9] =	stream.indirect.scatter.add.f32 [tilespmem:s21], [sflag:$0x16], $0x80, s1, s16, $0xb8;
	[tilespmem:$0x1E080] =	vst v63  }
0x18b: {  	_ =	swait.ge [sflag:s18], $0x2800  }
0x18c: {  	[sflag:s18] =	ssyncset.done $0x0  }
0x18d: {  	s10 =	simm.s32 $0x16;
	[sflag:s18] =	ssyncadd.s32 $0xFFFFD800  }
0x18e: {  	_ =	swait.ge [sflag:s10], $0x2800  }
0x18f: {  	[sflag:s10] =	ssyncset.done $0x0  }
0x190: {  	s14 =	simm.s32 $0x4;
	[sflag:s10] =	ssyncadd.s32 $0xFFFFD800  }
0x191: {  	_ =	swait.ge [sflag:s14], $0x50  }
0x192: {  	[sflag:s14] =	ssyncset.done $0x0  }
0x193: {  	[sflag:s14] =	ssyncadd.s32 $0xFFFFFFB0  }
0x194: {  	s23 =	simm.s32 $0x9;
	s22 =	rddreg [dreg:$0x0]  }
0x195: {  	[tilespmem:s21], [sflag:$0x14] =	stream.indirect.gather [hbm4b:s22+s16], $0x80, s25, s16, $0xb8;
	[tilespmem:$0x1E080] =	vst v63  }
0x196: {  	_ =	swait.ge [sflag:s23], $0x50  }
0x197: {  	s2 =	simm.s32 $0x400;
	[sflag:s23] =	ssyncset.done $0x0  }
0x198: {  	s26 =	simm.s32 $0x12;
	s25 =	simm.s32 $0x800;
	[sflag:s23] =	ssyncadd.s32 $0xFFFFFFB0  }
0x199: {  	[spmem:s9] =	stream.indirect.scatter.add.f32 [tilespmem:s25], [sflag:$0x15], $0x80, s2, s16, $0xb8;
	[tilespmem:$0x1E080] =	vst v63  }
0x19a: {  	_ =	swait.ge [sflag:s26], $0x2800  }
0x19b: {  	[sflag:s26] =	ssyncset.done $0x0  }
0x19c: {  	[sflag:s26] =	ssyncadd.s32 $0xFFFFD800  }
0x19d: {  	_ =	swait.ge [sflag:s12], $0x2800  }
0x19e: {  	[sflag:s12] =	ssyncset.done $0x0  }
0x19f: {  	s31 =	simm.s32 $0x5;
	[sflag:s12] =	ssyncadd.s32 $0xFFFFD800  }
0x1a0: {  	_ =	swait.ge [sflag:s31], $0x50  }
0x1a1: {  	[sflag:s31] =	ssyncset.done $0x0  }
0x1a2: {  	s0 =	simm.s32 $0xA;
	[sflag:s31] =	ssyncadd.s32 $0xFFFFFFB0  }
0x1a3: {  	[tilespmem:s25], [sflag:$0x11] =	stream.indirect.gather [hbm4b:s22+s16], $0x80, s6, s16, $0xb8;
	[tilespmem:$0x1E080] =	vst v63  }
0x1a4: {  	_ =	swait.ge [sflag:s0], $0x50  }
0x1a5: {  	[sflag:s0] =	ssyncset.done $0x0  }
0x1a6: {  	s3 =	simm.s32 $0x13;
	[sflag:s0] =	ssyncadd.s32 $0xFFFFFFB0;
	s0 =	simm.s32 $0x480  }
0x1a7: {  	[spmem:s9] =	stream.indirect.scatter.add.f32 [tilespmem:s28], [sflag:$0x16], $0x80, s0, s16, $0xb8;
	[tilespmem:$0x1E080] =	vst v63  }
0x1a8: {  	_ =	swait.ge [sflag:s3], $0x2800  }
0x1a9: {  	[sflag:s3] =	ssyncset.done $0x0  }
0x1aa: {  	[sflag:s3] =	ssyncadd.s32 $0xFFFFD800  }
0x1ab: {  	_ =	swait.ge [sflag:s10], $0x2800  }
0x1ac: {  	[sflag:s10] =	ssyncset.done $0x0  }
0x1ad: {  	s2 =	simm.s32 $0xB;
	[sflag:s10] =	ssyncadd.s32 $0xFFFFD800  }
0x1ae: {  	_ =	swait.ge [sflag:s2], $0x50  }
0x1af: {  	[sflag:s2] =	ssyncset.done $0x0  }
0x1b0: {  	s6 =	simm.s32 $0x14;
	[sflag:s2] =	ssyncadd.s32 $0xFFFFFFB0  }
0x1b1: {  	[spmem:s9] =	stream.indirect.scatter.add.f32 [tilespmem:s20], [sflag:$0x15], $0x80, s24, s16, $0xb8;
	[tilespmem:$0x1E080] =	vst v63  }
0x1b2: {  	_ =	swait.ge [sflag:s6], $0x2800  }
0x1b3: {  	[sflag:s6] =	ssyncset.done $0x0  }
0x1b4: {  	[sflag:s6] =	ssyncadd.s32 $0xFFFFD800  }
0x1b5: {  	_ =	swait.ge [sflag:s12], $0x2800  }
0x1b6: {  	[sflag:s12] =	ssyncset.done $0x0  }
0x1b7: {  	s20 =	simm.s32 $0xC;
	[sflag:s12] =	ssyncadd.s32 $0xFFFFD800  }
0x1b8: {  	_ =	swait.ge [sflag:s20], $0x50  }
0x1b9: {  	[sflag:s20] =	ssyncset.done $0x0  }
0x1ba: {  	[sflag:s20] =	ssyncadd.s32 $0xFFFFFFB0  }
0x1bb: {  	[spmem:s9] =	stream.indirect.scatter.add.f32 [tilespmem:s21], [sflag:$0x16], $0x80, s13, s16, $0xb8;
	[tilespmem:$0x1E080] =	vst v63  }
0x1bc: {  	_ =	swait.ge [sflag:s18], $0x2800  }
0x1bd: {  	[sflag:s18] =	ssyncset.done $0x0  }
0x1be: {  	[sflag:s18] =	ssyncadd.s32 $0xFFFFD800  }
0x1bf: {  	_ =	swait.ge [sflag:s10], $0x2800  }
0x1c0: {  	[sflag:s10] =	ssyncset.done $0x0  }
0x1c1: {  	s22 =	simm.s32 $0xD;
	[sflag:s10] =	ssyncadd.s32 $0xFFFFD800  }
0x1c2: {  	_ =	swait.ge [sflag:s22], $0x50  }
0x1c3: {  	[sflag:s22] =	ssyncset.done $0x0  }
0x1c4: {  	[sflag:s22] =	ssyncadd.s32 $0xFFFFFFB0  }
0x1c5: {  	[spmem:s9] =	stream.indirect.scatter.add.f32 [tilespmem:s25], [sflag:$0x15], $0x80, s15, s16, $0xb8;
	[tilespmem:$0x1E080] =	vst v63  }
0x1c6: {  	_ =	swait.ge [sflag:s12], $0x2800  }
0x1c7: {  	[sflag:s12] =	ssyncset.done $0x0  }
0x1c8: {  	[sflag:s12] =	ssyncadd.s32 $0xFFFFD800  }
0x1c9: {  	[bflag:$0x0] =	sbarrier.arrive $0xFFFF  }
0x1ca: {  	s24 =	sld [smem:$0x7FC]  }
0x1cb: {  	s23 =	rddreg [dreg:$0x15]  }
0x1cc: {  	s26 =	simm.s32 $0x17;
	s18 =	rddreg [dreg:$0x1a]  }
0x1cd: {  	[hbm:s23], [sflag:s18] =	dma.local [spmem:s24], $0x2700  }
0x1ce: {  	_ =	swait.ge [sflag:s26], $0x2700  }
0x1cf: {  	s1 =	sld [smem:$0x7FD]  }
0x1d0: {  	[sflag:s26] =	ssyncset.done $0x0  }
0x1d1: {  	s14 =	rddreg [dreg:$0x1c];
	[sflag:s26] =	ssyncadd.s32 $0xFFFFD900  }
0x1d2: {  	[hbm:s14], [sflag:s18] =	dma.local @!p0 [spmem:s1], $0x100  }
0x1d3: {  	s14 =	simm.s32 @!p0 $0x17  }
0x1d4: {  	_ =	swait.ge @!p0 [sflag:s14], $0x100  }
0x1d5: {  	s25 =	rddreg [dreg:$0x1f]  }
0x1d6: {  	s31 =	rddreg [dreg:$0x1d];
	s1 =	sadd.s32 $0x1, s25  }
0x1d7: {  	p1 =	sne.s32 s1, s31  }
.Ltmp1:
0x1d8: {  	_ = 	snop;
	(pc) =	sbr.rel @p1 .LBB2_1-.Ltmp1, $3  }
0x1d9: {  	_ =	sdelay $0x1  }
0x1da: {  	s30 =	simm.s32 $0x680;
	[sflag:s14] =	ssyncset.done @!p0 $0x0  }
0x1db: {  	s28 =	simm.s32 $0x3;
	s20 =	simm.s32 $0x1;
	[sflag:s14] =	ssyncadd.s32 @!p0 $0xFFFFFF00  }
0x1dc: {  	_ =	sfence.sel $0x180000  }
0x1dd: {  	[bflag:$0x0] =	sbarrier.arrive $0xFFFF  }
0x1de: {  	_ =	strace $0x90000047  }
0x1df: {  	s0 =	stileid.u32;
	[bflag:$0x2] =	sbarrier.arrive $0xFFFF  }
0x1e0: {  	p0 =	sne.s32 s0, $0x0;
	s0 =	rddreg [dreg:$0x3]  }
0x1e1: {  	s0 =	sadd.s32 @!p0 $0x100000, s0  }
0x1e2: {  	[sflag:s0] =	ssyncadd.tile.s32 @!p0 $0x1;
	_ =	shalt  }
.Lfunc_end2:
_tile_overlayer_lowered:
.L_overlay_start_2:
0x1e3: {  	(tag) =	ssettag $0x2  }
0x1e4: {  	s0 =	rddreg [dreg:$0x0];
	s2 =	stileid.u32  }
0x1e5: {  	s1 =	rddreg [dreg:$0x1];
	p0 =	sne.s32 s2, $0x0  }
0x1e6: {  	s3 =	rddreg [dreg:$0x2];
	[bflag:$0x3] =	sbarrier.arrive $0xFFFF;
	s2 =	simm.s32 @!p0 $0x1C17  }
0x1e7: {  	[timem:s3], [sflag:s2] =	dma.local @!p0 [hbm:s0], s1  }
0x1e8: {  	s0 =	simm.s32 @!p0 $0x17  }
0x1e9: {  	_ =	swait.ge @!p0 [sflag:s0], s1  }
0x1ea: {  	s1 =	ssub.s32 @!p0 $0x0, s1;
	[sflag:s0] =	ssyncset.done @!p0 $0x0  }
0x1eb: {  	[sflag:s0] =	ssyncadd.s32 @!p0 s1  }
0x1ec: {  	[bflag:$0x3] =	sbarrier.arrive $0xFFFF  }
0x1ed: {  	_ =	shalt  }

</sc_bundles>
